<compile_context>
chip_gen: v7x
topology: tpu7x:2x2x1
jax: 0.10.2.dev20260603
libtpu: 0.0.44.dev20260713+nightly
codegen_flags: <defaults>
</compile_context>

<pallas_src>
import functools

import jax
import jax.numpy as jnp
from jax import lax
from jax.experimental import pallas as pl
from jax.experimental.pallas import tpu as pltpu
from jax.experimental.pallas import tpu_sc as plsc

N = 10000
E = 320000
F = 128
NC = 2
NS = 16
NW = NC * NS
CH = 128
NCHUNK = E // CH
CPT = 80
LAST = NCHUNK - (NW - 1) * CPT
SPLIT = 40
STRIPE = 624
TAIL = N - NS * STRIPE
HIST_PT = 624

_sc_mesh = plsc.VectorSubcoreMesh(
    core_axis_name="c", subcore_axis_name="s", num_cores=NC, num_subcores=NS
)


def _load_idx(src2_hbm, dst2_hbm, sidx_all, didx_all, w):

    @pl.when(w < NW - 1)
    def _():
        pltpu.sync_copy(src2_hbm.at[pl.ds(w * CPT, CPT)], sidx_all)
        pltpu.sync_copy(dst2_hbm.at[pl.ds(w * CPT, CPT)], didx_all)

    @pl.when(w == NW - 1)
    def _():
        pltpu.sync_copy(src2_hbm.at[pl.ds((NW - 1) * CPT, LAST)],
                        sidx_all.at[pl.ds(0, LAST)])
        pltpu.sync_copy(dst2_hbm.at[pl.ds((NW - 1) * CPT, LAST)],
                        didx_all.at[pl.ds(0, LAST)])


@functools.partial(
    pl.kernel,
    out_type=jax.ShapeDtypeStruct((NC * 2 * N,), jnp.float32),
    mesh=_sc_mesh,
    scratch_types=[
        pltpu.VMEM((CPT, CH), jnp.int32),
        pltpu.VMEM((CPT, CH), jnp.int32),
        pltpu.VMEM((CH,), jnp.float32),
        pltpu.VMEM((HIST_PT,), jnp.float32),
        pltpu.VMEM_SHARED((N,), jnp.float32),
        pltpu.VMEM_SHARED((N,), jnp.float32),
        pltpu.SemaphoreType.DMA,
        pltpu.SemaphoreType.DMA,
    ],
)
def _deg_kernel(src2_hbm, dst2_hbm, out_hbm, sidx_all, didx_all, ones_v, zb,
                hsrc, hdst, sem0, sem1):
    c = lax.axis_index("c")
    s = lax.axis_index("s")
    w = c * NS + s
    nch = jnp.where(w == NW - 1, LAST, CPT)
    sems = (sem0, sem1)

    for j in range(CH // 16):
        ones_v[pl.ds(16 * j, 16)] = jnp.ones((16,), jnp.float32)

    @pl.loop(0, HIST_PT // 16)
    def _(j):
        zb[pl.ds(16 * j, 16)] = jnp.zeros((16,), jnp.float32)

    _load_idx(src2_hbm, dst2_hbm, sidx_all, didx_all, w)

    pltpu.sync_copy(zb, hsrc.at[pl.ds(s * HIST_PT, HIST_PT)])
    pltpu.sync_copy(zb, hdst.at[pl.ds(s * HIST_PT, HIST_PT)])

    @pl.when(s == 0)
    def _():
        pltpu.sync_copy(zb.at[pl.ds(0, TAIL)], hsrc.at[pl.ds(NS * HIST_PT, TAIL)])
        pltpu.sync_copy(zb.at[pl.ds(0, TAIL)], hdst.at[pl.ds(NS * HIST_PT, TAIL)])

    plsc.subcore_barrier()

    def pair(j, b):
        return (pltpu.make_async_copy(ones_v, hsrc.at[sidx_all.at[j]], sems[b]),
                pltpu.make_async_copy(ones_v, hdst.at[didx_all.at[j]], sems[b]))

    for d in pair(0, 0):
        d.start(add=True)
    for d in pair(1, 1):
        d.start(add=True)

    @pl.loop(2, nch, step=2)
    def _(j):
        for b in range(2):
            jj = j + b
            for d in pair(jj - 2, b):
                d.wait()
            for d in pair(jj, b):
                d.start(add=True)

    for b in range(2):
        for d in pair(nch - 2 + b, b):
            d.wait()

    plsc.subcore_barrier()

    pltpu.sync_copy(hsrc.at[pl.ds(s * HIST_PT, HIST_PT)], zb)
    pltpu.sync_copy(zb, out_hbm.at[pl.ds(c * 2 * N + s * HIST_PT, HIST_PT)])
    pltpu.sync_copy(hdst.at[pl.ds(s * HIST_PT, HIST_PT)], zb)
    pltpu.sync_copy(zb, out_hbm.at[pl.ds(c * 2 * N + N + s * HIST_PT, HIST_PT)])

    @pl.when(s == 0)
    def _():
        pltpu.sync_copy(hsrc.at[pl.ds(NS * HIST_PT, TAIL)], zb.at[pl.ds(0, TAIL)])
        pltpu.sync_copy(zb.at[pl.ds(0, TAIL)],
                        out_hbm.at[pl.ds(c * 2 * N + NS * HIST_PT, TAIL)])
        pltpu.sync_copy(hdst.at[pl.ds(NS * HIST_PT, TAIL)], zb.at[pl.ds(0, TAIL)])
        pltpu.sync_copy(zb.at[pl.ds(0, TAIL)],
                        out_hbm.at[pl.ds(c * 2 * N + N + NS * HIST_PT, TAIL)])


@functools.partial(
    pl.kernel,
    out_type=jax.ShapeDtypeStruct((NC, N, F), jnp.float32),
    mesh=_sc_mesh,
    scratch_types=[
        pltpu.VMEM((SPLIT, CH), jnp.int32),
        pltpu.VMEM((CPT, CH), jnp.int32),
        pltpu.VMEM((CH, F), jnp.float32),
        pltpu.VMEM((CH, F), jnp.float32),
        pltpu.VMEM_SHARED((N, F), jnp.float32),
        pltpu.SemaphoreType.DMA,
        pltpu.SemaphoreType.DMA,
        pltpu.SemaphoreType.DMA,
        pltpu.SemaphoreType.DMA,
    ],
)
def _agg_kernel(y_hbm, src2_hbm, dst2_hbm, out_hbm, sidx_st, didx_all, rows0,
                rows1, acc, semg0, semg1, sems0, sems1):
    c = lax.axis_index("c")
    s = lax.axis_index("s")
    w = c * NS + s
    rows = (rows0, rows1)
    semg = (semg0, semg1)
    sems = (sems0, sems1)

    @pl.loop(0, CH)
    def _(i):
        for j in range(F // 16):
            rows0[i, pl.ds(16 * j, 16)] = jnp.zeros((16,), jnp.float32)

    _rem = STRIPE - (STRIPE // CH) * CH
    _zsegs = [(r * CH, CH) for r in range(STRIPE // CH)] + [(STRIPE - _rem, _rem)]
    for o, n in _zsegs:
        pltpu.make_async_copy(rows0.at[pl.ds(0, n)],
                              acc.at[pl.ds(s * STRIPE + o, n)], semg0).start()

    @pl.when(s == 0)
    def _():
        pltpu.make_async_copy(rows0.at[pl.ds(0, TAIL)],
                              acc.at[pl.ds(NS * STRIPE, TAIL)], semg1).start()
        pltpu.make_async_copy(rows0.at[pl.ds(0, TAIL)],
                              acc.at[pl.ds(NS * STRIPE, TAIL)], semg1).wait()

    @pl.when(w < NW - 1)
    def _():
        pltpu.sync_copy(dst2_hbm.at[pl.ds(w * CPT, CPT)], didx_all)
        pltpu.sync_copy(src2_hbm.at[pl.ds(w * CPT, SPLIT)], sidx_st)

    @pl.when(w == NW - 1)
    def _():
        pltpu.sync_copy(dst2_hbm.at[pl.ds((NW - 1) * CPT, LAST)],
                        didx_all.at[pl.ds(0, LAST)])
        pltpu.sync_copy(src2_hbm.at[pl.ds((NW - 1) * CPT, LAST)],
                        sidx_st.at[pl.ds(0, LAST)])

    for o, n in _zsegs:
        pltpu.make_async_copy(rows0.at[pl.ds(0, n)],
                              acc.at[pl.ds(s * STRIPE + o, n)], semg0).wait()

    def _pipe_start(lo, soff):
        def gath(j, b):
            return pltpu.make_async_copy(
                y_hbm.at[sidx_st.at[j - soff]], rows[b], semg[b])

        gath(lo, 0).start()
        gath(lo + 1, 1).start()

    @pl.when(w < NW - 1)
    def _():
        _pipe_start(0, 0)

    @pl.when(w == NW - 1)
    def _():
        _pipe_start(0, 0)

    plsc.subcore_barrier()

    def _pipe(lo, hi, soff):
        def gath(j, b):
            return pltpu.make_async_copy(
                y_hbm.at[sidx_st.at[j - soff]], rows[b], semg[b])

        def scat(j, b):
            return pltpu.make_async_copy(
                rows[b], acc.at[didx_all.at[j]], sems[b])

        gath(lo, 0).wait()
        scat(lo, 0).start(add=True)

        @pl.loop(lo + 2, hi, step=2)
        def _(j):
            for b in range(2):
                jj = j + b
                scat(jj - 2, b).wait()
                gath(jj, b).start()
                gath(jj - 1, 1 - b).wait()
                scat(jj - 1, 1 - b).start(add=True)

        gath(hi - 1, 1).wait()
        scat(hi - 1, 1).start(add=True)
        scat(hi - 2, 0).wait()
        scat(hi - 1, 1).wait()

    @pl.when(w < NW - 1)
    def _():
        _pipe(0, SPLIT, 0)
        pltpu.sync_copy(src2_hbm.at[pl.ds(w * CPT + SPLIT, SPLIT)], sidx_st)
        _pipe_start(SPLIT, SPLIT)
        _pipe(SPLIT, CPT, SPLIT)

    @pl.when(w == NW - 1)
    def _():
        _pipe(0, LAST, 0)

    plsc.subcore_barrier()

    def cin(i, b):
        o, n = _zsegs[i]
        return pltpu.make_async_copy(acc.at[pl.ds(s * STRIPE + o, n)],
                                     rows[b].at[pl.ds(0, n)], semg[b])

    def cout(i, b):
        o, n = _zsegs[i]
        return pltpu.make_async_copy(rows[b].at[pl.ds(0, n)],
                                     out_hbm.at[c, pl.ds(s * STRIPE + o, n)],
                                     sems[b])

    nseg = len(_zsegs)
    cin(0, 0).start()
    cin(1, 1).start()
    for i in range(nseg):
        b = i % 2
        cin(i, b).wait()
        cout(i, b).start()
        if i + 2 < nseg:
            cout(i, b).wait()
            cin(i + 2, b).start()
    cout(nseg - 2, (nseg - 2) % 2).wait()
    cout(nseg - 1, (nseg - 1) % 2).wait()

    @pl.when(s == 0)
    def _():
        pltpu.sync_copy(acc.at[pl.ds(NS * STRIPE, TAIL)], rows0.at[pl.ds(0, TAIL)])
        pltpu.sync_copy(rows0.at[pl.ds(0, TAIL)],
                        out_hbm.at[c, pl.ds(NS * STRIPE, TAIL)])


def _head_body(degp_ref, x_ref, w1_ref, y0_ref, a_ref, b_ref):
    dsrc = degp_ref[0, 0] + degp_ref[1, 0]
    ddst = degp_ref[0, 1] + degp_ref[1, 1]
    a = lax.rsqrt(jnp.maximum(dsrc, 1.0))
    b = lax.rsqrt(jnp.maximum(ddst, 1.0))
    a_ref[...] = a
    b_ref[...] = b
    p1 = jnp.dot(x_ref[...], w1_ref[...], preferred_element_type=jnp.float32)
    y0_ref[...] = p1 * a[:, None]


_head = pl.pallas_call(
    _head_body,
    out_shape=[
        jax.ShapeDtypeStruct((N, F), jnp.float32),
        jax.ShapeDtypeStruct((N,), jnp.float32),
        jax.ShapeDtypeStruct((N,), jnp.float32),
    ],
)


def _mid_body(g_ref, w2_ref, b1_ref, a_ref, b_ref, y1_ref):
    g = g_ref[0] + g_ref[1]
    h = g * b_ref[...][:, None] + b1_ref[...][None, :]
    h = jnp.maximum(h, 0.0)
    p2 = jnp.dot(h, w2_ref[...], preferred_element_type=jnp.float32)
    y1_ref[...] = p2 * a_ref[...][:, None]


_mid = pl.pallas_call(
    _mid_body, out_shape=jax.ShapeDtypeStruct((N, F), jnp.float32))


def _fin_body(g_ref, b2_ref, b_ref, o_ref):
    g = g_ref[0] + g_ref[1]
    o_ref[...] = g * b_ref[...][:, None] + b2_ref[...][None, :]


_fin = pl.pallas_call(
    _fin_body, out_shape=jax.ShapeDtypeStruct((N, F), jnp.float32))


def kernel(x, edge_index, W1, b1, W2, b2):
    ei = edge_index.astype(jnp.int32)
    src2 = ei[0].reshape(NCHUNK, CH)
    dst2 = ei[1].reshape(NCHUNK, CH)
    degp = _deg_kernel(src2, dst2).reshape(NC, 2, N)
    y0, a, b = _head(degp, x, W1)
    g1 = _agg_kernel(y0, src2, dst2)
    y1 = _mid(g1, W2, b1, a, b)
    g2 = _agg_kernel(y1, src2, dst2)
    return _fin(g2, b2, b)

# --- scband reference (transcript-rebuilt; emitter-appended) ---
"""Pipeline reference for scband-gnnmodel-26809185861845 (READ-ONLY COPY).

The authoritative reference and input builder live on the scoring server;
editing this copy changes nothing except your own understanding.
"""

import jax, jax.numpy as jnp
import numpy as np

N_NODES = 10000
N_EDGES = 320000
IN_FEATS = 128
HIDDEN_FEATS = 128


def graph_conv(x, src, dst, W, b, num_nodes):
    # DGL GraphConv with norm='both': h = D_in^{-1/2} A D_out^{-1/2} X W + b
    ones = jnp.ones_like(src, dtype=x.dtype)
    out_deg = jax.ops.segment_sum(ones, src, num_segments=num_nodes)
    in_deg = jax.ops.segment_sum(ones, dst, num_segments=num_nodes)
    norm_src = jax.lax.rsqrt(jnp.maximum(out_deg, 1.0))
    norm_dst = jax.lax.rsqrt(jnp.maximum(in_deg, 1.0))
    feat = x * norm_src[:, None]
    feat = feat @ W
    msgs = jnp.take(feat, src, axis=0)
    rst = jax.ops.segment_sum(msgs, dst, num_segments=num_nodes)
    rst = rst * norm_dst[:, None]
    return rst + b


def setup_inputs(seed: int = 0) -> dict:
    key = jax.random.key(seed)
    k1, k2, k3, k4, k5, k6 = jax.random.split(key, 6)
    x = jax.random.normal(k1, (N_NODES, IN_FEATS), dtype=jnp.float32)
    edge_index = jax.random.randint(k2, (2, N_EDGES), 0, N_NODES, dtype=jnp.int64)
    # Glorot-style init for GraphConv weights, zeros for bias (DGL default)
    s1 = float(np.sqrt(6.0 / (IN_FEATS + HIDDEN_FEATS)))
    W1 = jax.random.uniform(k3, (IN_FEATS, HIDDEN_FEATS), dtype=jnp.float32, minval=-s1, maxval=s1)
    b1 = jnp.zeros((HIDDEN_FEATS,), dtype=jnp.float32)
    s2 = float(np.sqrt(6.0 / (HIDDEN_FEATS + HIDDEN_FEATS)))
    W2 = jax.random.uniform(k4, (HIDDEN_FEATS, HIDDEN_FEATS), dtype=jnp.float32, minval=-s2, maxval=s2)
    b2 = jnp.zeros((HIDDEN_FEATS,), dtype=jnp.float32)
    return {"x": x, "edge_index": edge_index, "W1": W1, "b1": b1, "W2": W2, "b2": b2}


def reference(x, edge_index, W1, b1, W2, b2):
    src = edge_index[0]
    dst = edge_index[1]
    h = graph_conv(x, src, dst, W1, b1, N_NODES)
    h = jax.nn.relu(h)
    h = graph_conv(h, src, dst, W2, b2, N_NODES)
    return h

if __name__ == "__main__":
    import jax
    _d = setup_inputs()
    print(jax.jit(kernel)(*tuple(_d.values())))

</pallas_src>

<mosaic_0001>
#map = affine_map<(d0, d1) -> (0, 0)>
#map1 = affine_map<(d0, d1) -> (0, 0, 0)>
module attributes {stable_mosaic.version = 14 : i64} {
  func.func @_agg_kernel(%arg0: i32, %arg1: i32, %arg2: memref<10000x128xf32, #tpu.memory_space<hbm>>, %arg3: memref<2500x128xi32, #tpu.memory_space<hbm>>, %arg4: memref<2500x128xi32, #tpu.memory_space<hbm>>, %arg5: memref<2x10000x128xf32, #tpu.memory_space<hbm>>, %arg6: memref<40x128xi32, #tpu.memory_space<vmem>>, %arg7: memref<80x128xi32, #tpu.memory_space<vmem>>, %arg8: memref<128x128xf32, #tpu.memory_space<vmem>>, %arg9: memref<128x128xf32, #tpu.memory_space<vmem>>, %arg10: memref<10000x128xf32, #tpu.memory_space<vmem_shared>>, %arg11: memref<!tpu.dma_semaphore, #tpu.memory_space<semaphore_mem>>, %arg12: memref<!tpu.dma_semaphore, #tpu.memory_space<semaphore_mem>>, %arg13: memref<!tpu.dma_semaphore, #tpu.memory_space<semaphore_mem>>, %arg14: memref<!tpu.dma_semaphore, #tpu.memory_space<semaphore_mem>>) attributes {dimension_semantics = [#tpu.dimension_semantics<core_parallel>, #tpu.dimension_semantics<subcore_parallel>], iteration_bounds = array<i64: 2, 16>, scalar_prefetch = 0 : i64, scratch_operands = 9 : i64, tpu.core_type = #tpu.core_type<sc_vector_subcore>, window_params = [{transform_indices = #map}, {transform_indices = #map}, {transform_indices = #map}, {transform_indices = #map1}]} {
    %mul3A = arith.constant 16 : i32
    %mul3A_0 = arith.muli %arg0, %mul3A : i32
    %add3A = arith.addi %mul3A_0, %arg1 : i32
    %scan3A = arith.constant 0 : i32
    %scan3A_1 = arith.constant 128 : i32
    %scan3A_2 = arith.addi %scan3A, %scan3A_1 : i32
    %scan3A_3 = arith.constant 1 : i32
    scf.for %scan3A_480 = %scan3A to %scan3A_2 step %scan3A_3  : i32 {
      %mul3A_481 = arith.constant 1 : i32
      %mul3A_482 = arith.muli %scan3A_480, %mul3A_481 : i32
      %add3A_483 = arith.constant 0 : i32
      %add3A_484 = arith.addi %add3A_483, %mul3A_482 : i32
      %broadcast_in_dim3A = arith.constant 0.000000e+00 : f32
      %broadcast_in_dim3A_485 = vector.broadcast %broadcast_in_dim3A : f32 to vector<16xf32>
      %swap3A = arith.index_cast %add3A_484 : i32 to index
      %swap3A_486 = arith.constant 0 : index
      %swap3A_487 = tpu.vector_load %arg8[%swap3A, %swap3A_486] {strides = array<i32>} : memref<128x128xf32, #tpu.memory_space<vmem>>, vector<1x16xf32>,
      %swap3A_488 = vector.shape_cast %swap3A_487 : vector<1x16xf32> to vector<16xf32>
      %swap3A_489 = vector.shape_cast %broadcast_in_dim3A_485 : vector<16xf32> to vector<1x16xf32>
      tpu.vector_store %arg8[%swap3A, %swap3A_486], %swap3A_489 {strides = array<i32>} : memref<128x128xf32, #tpu.memory_space<vmem>>, vector<1x16xf32>,
      %broadcast_in_dim3A_490 = arith.constant 0.000000e+00 : f32
      %broadcast_in_dim3A_491 = vector.broadcast %broadcast_in_dim3A_490 : f32 to vector<16xf32>
      %swap3A_492 = arith.index_cast %add3A_484 : i32 to index
      %swap3A_493 = arith.constant 16 : index
      %swap3A_494 = tpu.vector_load %arg8[%swap3A_492, %swap3A_493] {strides = array<i32>} : memref<128x128xf32, #tpu.memory_space<vmem>>, vector<1x16xf32>,
      %swap3A_495 = vector.shape_cast %swap3A_494 : vector<1x16xf32> to vector<16xf32>
      %swap3A_496 = vector.shape_cast %broadcast_in_dim3A_491 : vector<16xf32> to vector<1x16xf32>
      tpu.vector_store %arg8[%swap3A_492, %swap3A_493], %swap3A_496 {strides = array<i32>} : memref<128x128xf32, #tpu.memory_space<vmem>>, vector<1x16xf32>,
      %broadcast_in_dim3A_497 = arith.constant 0.000000e+00 : f32
      %broadcast_in_dim3A_498 = vector.broadcast %broadcast_in_dim3A_497 : f32 to vector<16xf32>
      %swap3A_499 = arith.index_cast %add3A_484 : i32 to index
      %swap3A_500 = arith.constant 32 : index
      %swap3A_501 = tpu.vector_load %arg8[%swap3A_499, %swap3A_500] {strides = array<i32>} : memref<128x128xf32, #tpu.memory_space<vmem>>, vector<1x16xf32>,
      %swap3A_502 = vector.shape_cast %swap3A_501 : vector<1x16xf32> to vector<16xf32>
      %swap3A_503 = vector.shape_cast %broadcast_in_dim3A_498 : vector<16xf32> to vector<1x16xf32>
      tpu.vector_store %arg8[%swap3A_499, %swap3A_500], %swap3A_503 {strides = array<i32>} : memref<128x128xf32, #tpu.memory_space<vmem>>, vector<1x16xf32>,
      %broadcast_in_dim3A_504 = arith.constant 0.000000e+00 : f32
      %broadcast_in_dim3A_505 = vector.broadcast %broadcast_in_dim3A_504 : f32 to vector<16xf32>
      %swap3A_506 = arith.index_cast %add3A_484 : i32 to index
      %swap3A_507 = arith.constant 48 : index
      %swap3A_508 = tpu.vector_load %arg8[%swap3A_506, %swap3A_507] {strides = array<i32>} : memref<128x128xf32, #tpu.memory_space<vmem>>, vector<1x16xf32>,
      %swap3A_509 = vector.shape_cast %swap3A_508 : vector<1x16xf32> to vector<16xf32>
      %swap3A_510 = vector.shape_cast %broadcast_in_dim3A_505 : vector<16xf32> to vector<1x16xf32>
      tpu.vector_store %arg8[%swap3A_506, %swap3A_507], %swap3A_510 {strides = array<i32>} : memref<128x128xf32, #tpu.memory_space<vmem>>, vector<1x16xf32>,
      %broadcast_in_dim3A_511 = arith.constant 0.000000e+00 : f32
      %broadcast_in_dim3A_512 = vector.broadcast %broadcast_in_dim3A_511 : f32 to vector<16xf32>
      %swap3A_513 = arith.index_cast %add3A_484 : i32 to index
      %swap3A_514 = arith.constant 64 : index
      %swap3A_515 = tpu.vector_load %arg8[%swap3A_513, %swap3A_514] {strides = array<i32>} : memref<128x128xf32, #tpu.memory_space<vmem>>, vector<1x16xf32>,
      %swap3A_516 = vector.shape_cast %swap3A_515 : vector<1x16xf32> to vector<16xf32>
      %swap3A_517 = vector.shape_cast %broadcast_in_dim3A_512 : vector<16xf32> to vector<1x16xf32>
      tpu.vector_store %arg8[%swap3A_513, %swap3A_514], %swap3A_517 {strides = array<i32>} : memref<128x128xf32, #tpu.memory_space<vmem>>, vector<1x16xf32>,
      %broadcast_in_dim3A_518 = arith.constant 0.000000e+00 : f32
      %broadcast_in_dim3A_519 = vector.broadcast %broadcast_in_dim3A_518 : f32 to vector<16xf32>
      %swap3A_520 = arith.index_cast %add3A_484 : i32 to index
      %swap3A_521 = arith.constant 80 : index
      %swap3A_522 = tpu.vector_load %arg8[%swap3A_520, %swap3A_521] {strides = array<i32>} : memref<128x128xf32, #tpu.memory_space<vmem>>, vector<1x16xf32>,
      %swap3A_523 = vector.shape_cast %swap3A_522 : vector<1x16xf32> to vector<16xf32>
      %swap3A_524 = vector.shape_cast %broadcast_in_dim3A_519 : vector<16xf32> to vector<1x16xf32>
      tpu.vector_store %arg8[%swap3A_520, %swap3A_521], %swap3A_524 {strides = array<i32>} : memref<128x128xf32, #tpu.memory_space<vmem>>, vector<1x16xf32>,
      %broadcast_in_dim3A_525 = arith.constant 0.000000e+00 : f32
      %broadcast_in_dim3A_526 = vector.broadcast %broadcast_in_dim3A_525 : f32 to vector<16xf32>
      %swap3A_527 = arith.index_cast %add3A_484 : i32 to index
      %swap3A_528 = arith.constant 96 : index
      %swap3A_529 = tpu.vector_load %arg8[%swap3A_527, %swap3A_528] {strides = array<i32>} : memref<128x128xf32, #tpu.memory_space<vmem>>, vector<1x16xf32>,
      %swap3A_530 = vector.shape_cast %swap3A_529 : vector<1x16xf32> to vector<16xf32>
      %swap3A_531 = vector.shape_cast %broadcast_in_dim3A_526 : vector<16xf32> to vector<1x16xf32>
      tpu.vector_store %arg8[%swap3A_527, %swap3A_528], %swap3A_531 {strides = array<i32>} : memref<128x128xf32, #tpu.memory_space<vmem>>, vector<1x16xf32>,
      %broadcast_in_dim3A_532 = arith.constant 0.000000e+00 : f32
      %broadcast_in_dim3A_533 = vector.broadcast %broadcast_in_dim3A_532 : f32 to vector<16xf32>
      %swap3A_534 = arith.index_cast %add3A_484 : i32 to index
      %swap3A_535 = arith.constant 112 : index
      %swap3A_536 = tpu.vector_load %arg8[%swap3A_534, %swap3A_535] {strides = array<i32>} : memref<128x128xf32, #tpu.memory_space<vmem>>, vector<1x16xf32>,
      %swap3A_537 = vector.shape_cast %swap3A_536 : vector<1x16xf32> to vector<16xf32>
      %swap3A_538 = vector.shape_cast %broadcast_in_dim3A_533 : vector<16xf32> to vector<1x16xf32>
      tpu.vector_store %arg8[%swap3A_534, %swap3A_535], %swap3A_538 {strides = array<i32>} : memref<128x128xf32, #tpu.memory_space<vmem>>, vector<1x16xf32>,
    }
    %scan3A_4 = arith.constant 128 : i32
    %mul3A_5 = arith.constant 624 : i32
    %mul3A_6 = arith.muli %arg1, %mul3A_5 : i32
    %add3A_7 = arith.constant 0 : i32
    %add3A_8 = arith.addi %mul3A_6, %add3A_7 : i32
    %dma_start3A = arith.constant 0 : i32
    %dma_start3A_9 = arith.constant 0 : i32
    %dma_start3A_10 = tpu.memref_slice %arg8[%dma_start3A, %dma_start3A_9] : memref<128x128xf32, #tpu.memory_space<vmem>> -> memref<128x128xf32, #tpu.memory_space<vmem>>
    %dma_start3A_11 = arith.constant 0 : i32
    %dma_start3A_12 = tpu.memref_slice %arg10[%add3A_8, %dma_start3A_11] : memref<10000x128xf32, #tpu.memory_space<vmem_shared>> -> memref<128x128xf32, #tpu.memory_space<vmem_shared>>
    %dma_start3A_13 = arith.constant 0 : i32
    %dma_start3A_14 = tpu.memref_slice %arg10[%add3A_8, %dma_start3A_13] : memref<10000x128xf32, #tpu.memory_space<vmem_shared>> -> memref<128x128xf32, #tpu.memory_space<vmem_shared>>
    %dma_start3A_15 = arith.constant 0 : i32
    %dma_start3A_16 = arith.constant 0 : i32
    %dma_start3A_17 = tpu.memref_slice %arg8[%dma_start3A_15, %dma_start3A_16] : memref<128x128xf32, #tpu.memory_space<vmem>> -> memref<128x128xf32, #tpu.memory_space<vmem>>
    tpu.enqueue_dma source(%dma_start3A_17 : memref<128x128xf32, #tpu.memory_space<vmem>>) target(%dma_start3A_14 : memref<128x128xf32, #tpu.memory_space<vmem_shared>>) target_semaphore(%arg11 : memref<!tpu.dma_semaphore, #tpu.memory_space<semaphore_mem>>)
    %mul3A_18 = arith.constant 624 : i32
    %mul3A_19 = arith.muli %arg1, %mul3A_18 : i32
    %add3A_20 = arith.constant 128 : i32
    %add3A_21 = arith.addi %mul3A_19, %add3A_20 : i32
    %dma_start3A_22 = arith.constant 0 : i32
    %dma_start3A_23 = arith.constant 0 : i32
    %dma_start3A_24 = tpu.memref_slice %arg8[%dma_start3A_22, %dma_start3A_23] : memref<128x128xf32, #tpu.memory_space<vmem>> -> memref<128x128xf32, #tpu.memory_space<vmem>>
    %dma_start3A_25 = arith.constant 0 : i32
    %dma_start3A_26 = tpu.memref_slice %arg10[%add3A_21, %dma_start3A_25] : memref<10000x128xf32, #tpu.memory_space<vmem_shared>> -> memref<128x128xf32, #tpu.memory_space<vmem_shared>>
    %dma_start3A_27 = arith.constant 0 : i32
    %dma_start3A_28 = tpu.memref_slice %arg10[%add3A_21, %dma_start3A_27] : memref<10000x128xf32, #tpu.memory_space<vmem_shared>> -> memref<128x128xf32, #tpu.memory_space<vmem_shared>>
    %dma_start3A_29 = arith.constant 0 : i32
    %dma_start3A_30 = arith.constant 0 : i32
    %dma_start3A_31 = tpu.memref_slice %arg8[%dma_start3A_29, %dma_start3A_30] : memref<128x128xf32, #tpu.memory_space<vmem>> -> memref<128x128xf32, #tpu.memory_space<vmem>>
    tpu.enqueue_dma source(%dma_start3A_31 : memref<128x128xf32, #tpu.memory_space<vmem>>) target(%dma_start3A_28 : memref<128x128xf32, #tpu.memory_space<vmem_shared>>) target_semaphore(%arg11 : memref<!tpu.dma_semaphore, #tpu.memory_space<semaphore_mem>>)
    %mul3A_32 = arith.constant 624 : i32
    %mul3A_33 = arith.muli %arg1, %mul3A_32 : i32
    %add3A_34 = arith.constant 256 : i32
    %add3A_35 = arith.addi %mul3A_33, %add3A_34 : i32
    %dma_start3A_36 = arith.constant 0 : i32
    %dma_start3A_37 = arith.constant 0 : i32
    %dma_start3A_38 = tpu.memref_slice %arg8[%dma_start3A_36, %dma_start3A_37] : memref<128x128xf32, #tpu.memory_space<vmem>> -> memref<128x128xf32, #tpu.memory_space<vmem>>
    %dma_start3A_39 = arith.constant 0 : i32
    %dma_start3A_40 = tpu.memref_slice %arg10[%add3A_35, %dma_start3A_39] : memref<10000x128xf32, #tpu.memory_space<vmem_shared>> -> memref<128x128xf32, #tpu.memory_space<vmem_shared>>
    %dma_start3A_41 = arith.constant 0 : i32
    %dma_start3A_42 = tpu.memref_slice %arg10[%add3A_35, %dma_start3A_41] : memref<10000x128xf32, #tpu.memory_space<vmem_shared>> -> memref<128x128xf32, #tpu.memory_space<vmem_shared>>
    %dma_start3A_43 = arith.constant 0 : i32
    %dma_start3A_44 = arith.constant 0 : i32
    %dma_start3A_45 = tpu.memref_slice %arg8[%dma_start3A_43, %dma_start3A_44] : memref<128x128xf32, #tpu.memory_space<vmem>> -> memref<128x128xf32, #tpu.memory_space<vmem>>
    tpu.enqueue_dma source(%dma_start3A_45 : memref<128x128xf32, #tpu.memory_space<vmem>>) target(%dma_start3A_42 : memref<128x128xf32, #tpu.memory_space<vmem_shared>>) target_semaphore(%arg11 : memref<!tpu.dma_semaphore, #tpu.memory_space<semaphore_mem>>)
    %mul3A_46 = arith.constant 624 : i32
    %mul3A_47 = arith.muli %arg1, %mul3A_46 : i32
    %add3A_48 = arith.constant 384 : i32
    %add3A_49 = arith.addi %mul3A_47, %add3A_48 : i32
    %dma_start3A_50 = arith.constant 0 : i32
    %dma_start3A_51 = arith.constant 0 : i32
    %dma_start3A_52 = tpu.memref_slice %arg8[%dma_start3A_50, %dma_start3A_51] : memref<128x128xf32, #tpu.memory_space<vmem>> -> memref<128x128xf32, #tpu.memory_space<vmem>>
    %dma_start3A_53 = arith.constant 0 : i32
    %dma_start3A_54 = tpu.memref_slice %arg10[%add3A_49, %dma_start3A_53] : memref<10000x128xf32, #tpu.memory_space<vmem_shared>> -> memref<128x128xf32, #tpu.memory_space<vmem_shared>>
    %dma_start3A_55 = arith.constant 0 : i32
    %dma_start3A_56 = tpu.memref_slice %arg10[%add3A_49, %dma_start3A_55] : memref<10000x128xf32, #tpu.memory_space<vmem_shared>> -> memref<128x128xf32, #tpu.memory_space<vmem_shared>>
    %dma_start3A_57 = arith.constant 0 : i32
    %dma_start3A_58 = arith.constant 0 : i32
    %dma_start3A_59 = tpu.memref_slice %arg8[%dma_start3A_57, %dma_start3A_58] : memref<128x128xf32, #tpu.memory_space<vmem>> -> memref<128x128xf32, #tpu.memory_space<vmem>>
    tpu.enqueue_dma source(%dma_start3A_59 : memref<128x128xf32, #tpu.memory_space<vmem>>) target(%dma_start3A_56 : memref<128x128xf32, #tpu.memory_space<vmem_shared>>) target_semaphore(%arg11 : memref<!tpu.dma_semaphore, #tpu.memory_space<semaphore_mem>>)
    %mul3A_60 = arith.constant 624 : i32
    %mul3A_61 = arith.muli %arg1, %mul3A_60 : i32
    %add3A_62 = arith.constant 512 : i32
    %add3A_63 = arith.addi %mul3A_61, %add3A_62 : i32
    %dma_start3A_64 = arith.constant 0 : i32
    %dma_start3A_65 = arith.constant 0 : i32
    %dma_start3A_66 = tpu.memref_slice %arg8[%dma_start3A_64, %dma_start3A_65] : memref<128x128xf32, #tpu.memory_space<vmem>> -> memref<112x128xf32, #tpu.memory_space<vmem>>
    %dma_start3A_67 = arith.constant 0 : i32
    %dma_start3A_68 = tpu.memref_slice %arg10[%add3A_63, %dma_start3A_67] : memref<10000x128xf32, #tpu.memory_space<vmem_shared>> -> memref<112x128xf32, #tpu.memory_space<vmem_shared>>
    %dma_start3A_69 = arith.constant 0 : i32
    %dma_start3A_70 = tpu.memref_slice %arg10[%add3A_63, %dma_start3A_69] : memref<10000x128xf32, #tpu.memory_space<vmem_shared>> -> memref<112x128xf32, #tpu.memory_space<vmem_shared>>
    %dma_start3A_71 = arith.constant 0 : i32
    %dma_start3A_72 = arith.constant 0 : i32
    %dma_start3A_73 = tpu.memref_slice %arg8[%dma_start3A_71, %dma_start3A_72] : memref<128x128xf32, #tpu.memory_space<vmem>> -> memref<112x128xf32, #tpu.memory_space<vmem>>
    tpu.enqueue_dma source(%dma_start3A_73 : memref<112x128xf32, #tpu.memory_space<vmem>>) target(%dma_start3A_70 : memref<112x128xf32, #tpu.memory_space<vmem_shared>>) target_semaphore(%arg11 : memref<!tpu.dma_semaphore, #tpu.memory_space<semaphore_mem>>)
    %eq3A = arith.constant 0 : i32
    %eq3A_74 = arith.cmpi eq, %arg1, %eq3A : i32
    %convert_element_type3A = arith.extui %eq3A_74 : i1 to i32
    %cond3A = arith.constant 0 : i32
    %cond3A_75 = arith.cmpi ne, %convert_element_type3A, %cond3A : i32
    scf.if %cond3A_75 {
      %dma_start3A_480 = arith.constant 0 : i32
      %dma_start3A_481 = arith.constant 0 : i32
      %dma_start3A_482 = tpu.memref_slice %arg8[%dma_start3A_480, %dma_start3A_481] : memref<128x128xf32, #tpu.memory_space<vmem>> -> memref<16x128xf32, #tpu.memory_space<vmem>>
      %dma_start3A_483 = arith.constant 9984 : i32
      %dma_start3A_484 = arith.constant 0 : i32
      %dma_start3A_485 = tpu.memref_slice %arg10[%dma_start3A_483, %dma_start3A_484] : memref<10000x128xf32, #tpu.memory_space<vmem_shared>> -> memref<16x128xf32, #tpu.memory_space<vmem_shared>>
      %dma_start3A_486 = arith.constant 9984 : i32
      %dma_start3A_487 = arith.constant 0 : i32
      %dma_start3A_488 = tpu.memref_slice %arg10[%dma_start3A_486, %dma_start3A_487] : memref<10000x128xf32, #tpu.memory_space<vmem_shared>> -> memref<16x128xf32, #tpu.memory_space<vmem_shared>>
      %dma_start3A_489 = arith.constant 0 : i32
      %dma_start3A_490 = arith.constant 0 : i32
      %dma_start3A_491 = tpu.memref_slice %arg8[%dma_start3A_489, %dma_start3A_490] : memref<128x128xf32, #tpu.memory_space<vmem>> -> memref<16x128xf32, #tpu.memory_space<vmem>>
      tpu.enqueue_dma source(%dma_start3A_491 : memref<16x128xf32, #tpu.memory_space<vmem>>) target(%dma_start3A_488 : memref<16x128xf32, #tpu.memory_space<vmem_shared>>) target_semaphore(%arg12 : memref<!tpu.dma_semaphore, #tpu.memory_space<semaphore_mem>>)
      %dma_wait3A_492 = arith.constant 0 : i32
      %dma_wait3A_493 = arith.constant 0 : i32
      %dma_wait3A_494 = tpu.memref_slice %arg8[%dma_wait3A_492, %dma_wait3A_493] : memref<128x128xf32, #tpu.memory_space<vmem>> -> memref<16x128xf32, #tpu.memory_space<vmem>>
      %dma_wait3A_495 = arith.constant 9984 : i32
      %dma_wait3A_496 = arith.constant 0 : i32
      %dma_wait3A_497 = tpu.memref_slice %arg10[%dma_wait3A_495, %dma_wait3A_496] : memref<10000x128xf32, #tpu.memory_space<vmem_shared>> -> memref<16x128xf32, #tpu.memory_space<vmem_shared>>
      %dma_wait3A_498 = arith.constant 9984 : i32
      %dma_wait3A_499 = arith.constant 0 : i32
      %dma_wait3A_500 = tpu.memref_slice %arg10[%dma_wait3A_498, %dma_wait3A_499] : memref<10000x128xf32, #tpu.memory_space<vmem_shared>> -> memref<16x128xf32, #tpu.memory_space<vmem_shared>>
      %dma_wait3A_501 = arith.constant 0 : i32
      %dma_wait3A_502 = arith.constant 0 : i32
      %dma_wait3A_503 = tpu.memref_slice %arg8[%dma_wait3A_501, %dma_wait3A_502] : memref<128x128xf32, #tpu.memory_space<vmem>> -> memref<16x128xf32, #tpu.memory_space<vmem>>
      tpu.wait_dma2 semaphore(%arg12 : memref<!tpu.dma_semaphore, #tpu.memory_space<semaphore_mem>>) src(%dma_wait3A_503 : memref<16x128xf32, #tpu.memory_space<vmem>>) dst(%dma_wait3A_500 : memref<16x128xf32, #tpu.memory_space<vmem_shared>>)
    } else {
    }
    %lt3A = arith.constant 31 : i32
    %lt3A_76 = arith.cmpi slt, %add3A, %lt3A : i32
    %convert_element_type3A_77 = arith.extui %lt3A_76 : i1 to i32
    %cond3A_78 = arith.constant 0 : i32
    %cond3A_79 = arith.cmpi ne, %convert_element_type3A_77, %cond3A_78 : i32
    scf.if %cond3A_79 {
      %mul3A_480 = arith.constant 80 : i32
      %mul3A_481 = arith.muli %add3A, %mul3A_480 : i32
      "tpu.region"() ({
        %run_scoped3A = tpu.sem_alloc : memref<!tpu.dma_semaphore, #tpu.memory_space<semaphore_mem>>
        %dma_start3A_484 = arith.constant 0 : i32
        %dma_start3A_485 = tpu.memref_slice %arg4[%mul3A_481, %dma_start3A_484] : memref<2500x128xi32, #tpu.memory_space<hbm>> -> memref<80x128xi32, #tpu.memory_space<hbm>>
        %dma_start3A_486 = arith.constant 0 : i32
        %dma_start3A_487 = tpu.memref_slice %arg4[%mul3A_481, %dma_start3A_486] : memref<2500x128xi32, #tpu.memory_space<hbm>> -> memref<80x128xi32, #tpu.memory_space<hbm>>
        tpu.enqueue_dma source(%dma_start3A_487 : memref<80x128xi32, #tpu.memory_space<hbm>>) target(%arg7 : memref<80x128xi32, #tpu.memory_space<vmem>>) target_semaphore(%run_scoped3A : memref<!tpu.dma_semaphore, #tpu.memory_space<semaphore_mem>>)
        %dma_wait3A_488 = arith.constant 0 : i32
        %dma_wait3A_489 = tpu.memref_slice %arg4[%mul3A_481, %dma_wait3A_488] : memref<2500x128xi32, #tpu.memory_space<hbm>> -> memref<80x128xi32, #tpu.memory_space<hbm>>
        %dma_wait3A_490 = arith.constant 0 : i32
        %dma_wait3A_491 = tpu.memref_slice %arg4[%mul3A_481, %dma_wait3A_490] : memref<2500x128xi32, #tpu.memory_space<hbm>> -> memref<80x128xi32, #tpu.memory_space<hbm>>
        tpu.wait_dma2 semaphore(%run_scoped3A : memref<!tpu.dma_semaphore, #tpu.memory_space<semaphore_mem>>) src(%dma_wait3A_491 : memref<80x128xi32, #tpu.memory_space<hbm>>) dst(%arg7 : memref<80x128xi32, #tpu.memory_space<vmem>>)
        tpu.yield
      }) : () -> ()
      %mul3A_482 = arith.constant 80 : i32
      %mul3A_483 = arith.muli %add3A, %mul3A_482 : i32
      "tpu.region"() ({
        %run_scoped3A = tpu.sem_alloc : memref<!tpu.dma_semaphore, #tpu.memory_space<semaphore_mem>>
        %dma_start3A_484 = arith.constant 0 : i32
        %dma_start3A_485 = tpu.memref_slice %arg3[%mul3A_483, %dma_start3A_484] : memref<2500x128xi32, #tpu.memory_space<hbm>> -> memref<40x128xi32, #tpu.memory_space<hbm>>
        %dma_start3A_486 = arith.constant 0 : i32
        %dma_start3A_487 = tpu.memref_slice %arg3[%mul3A_483, %dma_start3A_486] : memref<2500x128xi32, #tpu.memory_space<hbm>> -> memref<40x128xi32, #tpu.memory_space<hbm>>
        tpu.enqueue_dma source(%dma_start3A_487 : memref<40x128xi32, #tpu.memory_space<hbm>>) target(%arg6 : memref<40x128xi32, #tpu.memory_space<vmem>>) target_semaphore(%run_scoped3A : memref<!tpu.dma_semaphore, #tpu.memory_space<semaphore_mem>>)
        %dma_wait3A_488 = arith.constant 0 : i32
        %dma_wait3A_489 = tpu.memref_slice %arg3[%mul3A_483, %dma_wait3A_488] : memref<2500x128xi32, #tpu.memory_space<hbm>> -> memref<40x128xi32, #tpu.memory_space<hbm>>
        %dma_wait3A_490 = arith.constant 0 : i32
        %dma_wait3A_491 = tpu.memref_slice %arg3[%mul3A_483, %dma_wait3A_490] : memref<2500x128xi32, #tpu.memory_space<hbm>> -> memref<40x128xi32, #tpu.memory_space<hbm>>
        tpu.wait_dma2 semaphore(%run_scoped3A : memref<!tpu.dma_semaphore, #tpu.memory_space<semaphore_mem>>) src(%dma_wait3A_491 : memref<40x128xi32, #tpu.memory_space<hbm>>) dst(%arg6 : memref<40x128xi32, #tpu.memory_space<vmem>>)
        tpu.yield
      }) : () -> ()
    } else {
    }
    %eq3A_80 = arith.constant 31 : i32
    %eq3A_81 = arith.cmpi eq, %add3A, %eq3A_80 : i32
    %convert_element_type3A_82 = arith.extui %eq3A_81 : i1 to i32
    %cond3A_83 = arith.constant 0 : i32
    %cond3A_84 = arith.cmpi ne, %convert_element_type3A_82, %cond3A_83 : i32
    scf.if %cond3A_84 {
      "tpu.region"() ({
        %run_scoped3A = tpu.sem_alloc : memref<!tpu.dma_semaphore, #tpu.memory_space<semaphore_mem>>
        %dma_start3A_480 = arith.constant 0 : i32
        %dma_start3A_481 = arith.constant 0 : i32
        %dma_start3A_482 = tpu.memref_slice %arg7[%dma_start3A_480, %dma_start3A_481] : memref<80x128xi32, #tpu.memory_space<vmem>> -> memref<20x128xi32, #tpu.memory_space<vmem>>
        %dma_start3A_483 = arith.constant 2480 : i32
        %dma_start3A_484 = arith.constant 0 : i32
        %dma_start3A_485 = tpu.memref_slice %arg4[%dma_start3A_483, %dma_start3A_484] : memref<2500x128xi32, #tpu.memory_space<hbm>> -> memref<20x128xi32, #tpu.memory_space<hbm>>
        %dma_start3A_486 = arith.constant 0 : i32
        %dma_start3A_487 = arith.constant 0 : i32
        %dma_start3A_488 = tpu.memref_slice %arg7[%dma_start3A_486, %dma_start3A_487] : memref<80x128xi32, #tpu.memory_space<vmem>> -> memref<20x128xi32, #tpu.memory_space<vmem>>
        %dma_start3A_489 = arith.constant 2480 : i32
        %dma_start3A_490 = arith.constant 0 : i32
        %dma_start3A_491 = tpu.memref_slice %arg4[%dma_start3A_489, %dma_start3A_490] : memref<2500x128xi32, #tpu.memory_space<hbm>> -> memref<20x128xi32, #tpu.memory_space<hbm>>
        tpu.enqueue_dma source(%dma_start3A_491 : memref<20x128xi32, #tpu.memory_space<hbm>>) target(%dma_start3A_488 : memref<20x128xi32, #tpu.memory_space<vmem>>) target_semaphore(%run_scoped3A : memref<!tpu.dma_semaphore, #tpu.memory_space<semaphore_mem>>)
        %dma_wait3A_492 = arith.constant 0 : i32
        %dma_wait3A_493 = arith.constant 0 : i32
        %dma_wait3A_494 = tpu.memref_slice %arg7[%dma_wait3A_492, %dma_wait3A_493] : memref<80x128xi32, #tpu.memory_space<vmem>> -> memref<20x128xi32, #tpu.memory_space<vmem>>
        %dma_wait3A_495 = arith.constant 2480 : i32
        %dma_wait3A_496 = arith.constant 0 : i32
        %dma_wait3A_497 = tpu.memref_slice %arg4[%dma_wait3A_495, %dma_wait3A_496] : memref<2500x128xi32, #tpu.memory_space<hbm>> -> memref<20x128xi32, #tpu.memory_space<hbm>>
        %dma_wait3A_498 = arith.constant 0 : i32
        %dma_wait3A_499 = arith.constant 0 : i32
        %dma_wait3A_500 = tpu.memref_slice %arg7[%dma_wait3A_498, %dma_wait3A_499] : memref<80x128xi32, #tpu.memory_space<vmem>> -> memref<20x128xi32, #tpu.memory_space<vmem>>
        %dma_wait3A_501 = arith.constant 2480 : i32
        %dma_wait3A_502 = arith.constant 0 : i32
        %dma_wait3A_503 = tpu.memref_slice %arg4[%dma_wait3A_501, %dma_wait3A_502] : memref<2500x128xi32, #tpu.memory_space<hbm>> -> memref<20x128xi32, #tpu.memory_space<hbm>>
        tpu.wait_dma2 semaphore(%run_scoped3A : memref<!tpu.dma_semaphore, #tpu.memory_space<semaphore_mem>>) src(%dma_wait3A_503 : memref<20x128xi32, #tpu.memory_space<hbm>>) dst(%dma_wait3A_500 : memref<20x128xi32, #tpu.memory_space<vmem>>)
        tpu.yield
      }) : () -> ()
      "tpu.region"() ({
        %run_scoped3A = tpu.sem_alloc : memref<!tpu.dma_semaphore, #tpu.memory_space<semaphore_mem>>
        %dma_start3A_480 = arith.constant 0 : i32
        %dma_start3A_481 = arith.constant 0 : i32
        %dma_start3A_482 = tpu.memref_slice %arg6[%dma_start3A_480, %dma_start3A_481] : memref<40x128xi32, #tpu.memory_space<vmem>> -> memref<20x128xi32, #tpu.memory_space<vmem>>
        %dma_start3A_483 = arith.constant 2480 : i32
        %dma_start3A_484 = arith.constant 0 : i32
        %dma_start3A_485 = tpu.memref_slice %arg3[%dma_start3A_483, %dma_start3A_484] : memref<2500x128xi32, #tpu.memory_space<hbm>> -> memref<20x128xi32, #tpu.memory_space<hbm>>
        %dma_start3A_486 = arith.constant 0 : i32
        %dma_start3A_487 = arith.constant 0 : i32
        %dma_start3A_488 = tpu.memref_slice %arg6[%dma_start3A_486, %dma_start3A_487] : memref<40x128xi32, #tpu.memory_space<vmem>> -> memref<20x128xi32, #tpu.memory_space<vmem>>
        %dma_start3A_489 = arith.constant 2480 : i32
        %dma_start3A_490 = arith.constant 0 : i32
        %dma_start3A_491 = tpu.memref_slice %arg3[%dma_start3A_489, %dma_start3A_490] : memref<2500x128xi32, #tpu.memory_space<hbm>> -> memref<20x128xi32, #tpu.memory_space<hbm>>
        tpu.enqueue_dma source(%dma_start3A_491 : memref<20x128xi32, #tpu.memory_space<hbm>>) target(%dma_start3A_488 : memref<20x128xi32, #tpu.memory_space<vmem>>) target_semaphore(%run_scoped3A : memref<!tpu.dma_semaphore, #tpu.memory_space<semaphore_mem>>)
        %dma_wait3A_492 = arith.constant 0 : i32
        %dma_wait3A_493 = arith.constant 0 : i32
        %dma_wait3A_494 = tpu.memref_slice %arg6[%dma_wait3A_492, %dma_wait3A_493] : memref<40x128xi32, #tpu.memory_space<vmem>> -> memref<20x128xi32, #tpu.memory_space<vmem>>
        %dma_wait3A_495 = arith.constant 2480 : i32
        %dma_wait3A_496 = arith.constant 0 : i32
        %dma_wait3A_497 = tpu.memref_slice %arg3[%dma_wait3A_495, %dma_wait3A_496] : memref<2500x128xi32, #tpu.memory_space<hbm>> -> memref<20x128xi32, #tpu.memory_space<hbm>>
        %dma_wait3A_498 = arith.constant 0 : i32
        %dma_wait3A_499 = arith.constant 0 : i32
        %dma_wait3A_500 = tpu.memref_slice %arg6[%dma_wait3A_498, %dma_wait3A_499] : memref<40x128xi32, #tpu.memory_space<vmem>> -> memref<20x128xi32, #tpu.memory_space<vmem>>
        %dma_wait3A_501 = arith.constant 2480 : i32
        %dma_wait3A_502 = arith.constant 0 : i32
        %dma_wait3A_503 = tpu.memref_slice %arg3[%dma_wait3A_501, %dma_wait3A_502] : memref<2500x128xi32, #tpu.memory_space<hbm>> -> memref<20x128xi32, #tpu.memory_space<hbm>>
        tpu.wait_dma2 semaphore(%run_scoped3A : memref<!tpu.dma_semaphore, #tpu.memory_space<semaphore_mem>>) src(%dma_wait3A_503 : memref<20x128xi32, #tpu.memory_space<hbm>>) dst(%dma_wait3A_500 : memref<20x128xi32, #tpu.memory_space<vmem>>)
        tpu.yield
      }) : () -> ()
    } else {
    }
    %mul3A_85 = arith.constant 624 : i32
    %mul3A_86 = arith.muli %arg1, %mul3A_85 : i32
    %add3A_87 = arith.constant 0 : i32
    %add3A_88 = arith.addi %mul3A_86, %add3A_87 : i32
    %dma_wait3A = arith.constant 0 : i32
    %dma_wait3A_89 = arith.constant 0 : i32
    %dma_wait3A_90 = tpu.memref_slice %arg8[%dma_wait3A, %dma_wait3A_89] : memref<128x128xf32, #tpu.memory_space<vmem>> -> memref<128x128xf32, #tpu.memory_space<vmem>>
    %dma_wait3A_91 = arith.constant 0 : i32
    %dma_wait3A_92 = tpu.memref_slice %arg10[%add3A_88, %dma_wait3A_91] : memref<10000x128xf32, #tpu.memory_space<vmem_shared>> -> memref<128x128xf32, #tpu.memory_space<vmem_shared>>
    %dma_wait3A_93 = arith.constant 0 : i32
    %dma_wait3A_94 = tpu.memref_slice %arg10[%add3A_88, %dma_wait3A_93] : memref<10000x128xf32, #tpu.memory_space<vmem_shared>> -> memref<128x128xf32, #tpu.memory_space<vmem_shared>>
    %dma_wait3A_95 = arith.constant 0 : i32
    %dma_wait3A_96 = arith.constant 0 : i32
    %dma_wait3A_97 = tpu.memref_slice %arg8[%dma_wait3A_95, %dma_wait3A_96] : memref<128x128xf32, #tpu.memory_space<vmem>> -> memref<128x128xf32, #tpu.memory_space<vmem>>
    tpu.wait_dma2 semaphore(%arg11 : memref<!tpu.dma_semaphore, #tpu.memory_space<semaphore_mem>>) src(%dma_wait3A_97 : memref<128x128xf32, #tpu.memory_space<vmem>>) dst(%dma_wait3A_94 : memref<128x128xf32, #tpu.memory_space<vmem_shared>>)
    %mul3A_98 = arith.constant 624 : i32
    %mul3A_99 = arith.muli %arg1, %mul3A_98 : i32
    %add3A_100 = arith.constant 128 : i32
    %add3A_101 = arith.addi %mul3A_99, %add3A_100 : i32
    %dma_wait3A_102 = arith.constant 0 : i32
    %dma_wait3A_103 = arith.constant 0 : i32
    %dma_wait3A_104 = tpu.memref_slice %arg8[%dma_wait3A_102, %dma_wait3A_103] : memref<128x128xf32, #tpu.memory_space<vmem>> -> memref<128x128xf32, #tpu.memory_space<vmem>>
    %dma_wait3A_105 = arith.constant 0 : i32
    %dma_wait3A_106 = tpu.memref_slice %arg10[%add3A_101, %dma_wait3A_105] : memref<10000x128xf32, #tpu.memory_space<vmem_shared>> -> memref<128x128xf32, #tpu.memory_space<vmem_shared>>
    %dma_wait3A_107 = arith.constant 0 : i32
    %dma_wait3A_108 = tpu.memref_slice %arg10[%add3A_101, %dma_wait3A_107] : memref<10000x128xf32, #tpu.memory_space<vmem_shared>> -> memref<128x128xf32, #tpu.memory_space<vmem_shared>>
    %dma_wait3A_109 = arith.constant 0 : i32
    %dma_wait3A_110 = arith.constant 0 : i32
    %dma_wait3A_111 = tpu.memref_slice %arg8[%dma_wait3A_109, %dma_wait3A_110] : memref<128x128xf32, #tpu.memory_space<vmem>> -> memref<128x128xf32, #tpu.memory_space<vmem>>
    tpu.wait_dma2 semaphore(%arg11 : memref<!tpu.dma_semaphore, #tpu.memory_space<semaphore_mem>>) src(%dma_wait3A_111 : memref<128x128xf32, #tpu.memory_space<vmem>>) dst(%dma_wait3A_108 : memref<128x128xf32, #tpu.memory_space<vmem_shared>>)
    %mul3A_112 = arith.constant 624 : i32
    %mul3A_113 = arith.muli %arg1, %mul3A_112 : i32
    %add3A_114 = arith.constant 256 : i32
    %add3A_115 = arith.addi %mul3A_113, %add3A_114 : i32
    %dma_wait3A_116 = arith.constant 0 : i32
    %dma_wait3A_117 = arith.constant 0 : i32
    %dma_wait3A_118 = tpu.memref_slice %arg8[%dma_wait3A_116, %dma_wait3A_117] : memref<128x128xf32, #tpu.memory_space<vmem>> -> memref<128x128xf32, #tpu.memory_space<vmem>>
    %dma_wait3A_119 = arith.constant 0 : i32
    %dma_wait3A_120 = tpu.memref_slice %arg10[%add3A_115, %dma_wait3A_119] : memref<10000x128xf32, #tpu.memory_space<vmem_shared>> -> memref<128x128xf32, #tpu.memory_space<vmem_shared>>
    %dma_wait3A_121 = arith.constant 0 : i32
    %dma_wait3A_122 = tpu.memref_slice %arg10[%add3A_115, %dma_wait3A_121] : memref<10000x128xf32, #tpu.memory_space<vmem_shared>> -> memref<128x128xf32, #tpu.memory_space<vmem_shared>>
    %dma_wait3A_123 = arith.constant 0 : i32
    %dma_wait3A_124 = arith.constant 0 : i32
    %dma_wait3A_125 = tpu.memref_slice %arg8[%dma_wait3A_123, %dma_wait3A_124] : memref<128x128xf32, #tpu.memory_space<vmem>> -> memref<128x128xf32, #tpu.memory_space<vmem>>
    tpu.wait_dma2 semaphore(%arg11 : memref<!tpu.dma_semaphore, #tpu.memory_space<semaphore_mem>>) src(%dma_wait3A_125 : memref<128x128xf32, #tpu.memory_space<vmem>>) dst(%dma_wait3A_122 : memref<128x128xf32, #tpu.memory_space<vmem_shared>>)
    %mul3A_126 = arith.constant 624 : i32
    %mul3A_127 = arith.muli %arg1, %mul3A_126 : i32
    %add3A_128 = arith.constant 384 : i32
    %add3A_129 = arith.addi %mul3A_127, %add3A_128 : i32
    %dma_wait3A_130 = arith.constant 0 : i32
    %dma_wait3A_131 = arith.constant 0 : i32
    %dma_wait3A_132 = tpu.memref_slice %arg8[%dma_wait3A_130, %dma_wait3A_131] : memref<128x128xf32, #tpu.memory_space<vmem>> -> memref<128x128xf32, #tpu.memory_space<vmem>>
    %dma_wait3A_133 = arith.constant 0 : i32
    %dma_wait3A_134 = tpu.memref_slice %arg10[%add3A_129, %dma_wait3A_133] : memref<10000x128xf32, #tpu.memory_space<vmem_shared>> -> memref<128x128xf32, #tpu.memory_space<vmem_shared>>
    %dma_wait3A_135 = arith.constant 0 : i32
    %dma_wait3A_136 = tpu.memref_slice %arg10[%add3A_129, %dma_wait3A_135] : memref<10000x128xf32, #tpu.memory_space<vmem_shared>> -> memref<128x128xf32, #tpu.memory_space<vmem_shared>>
    %dma_wait3A_137 = arith.constant 0 : i32
    %dma_wait3A_138 = arith.constant 0 : i32
    %dma_wait3A_139 = tpu.memref_slice %arg8[%dma_wait3A_137, %dma_wait3A_138] : memref<128x128xf32, #tpu.memory_space<vmem>> -> memref<128x128xf32, #tpu.memory_space<vmem>>
    tpu.wait_dma2 semaphore(%arg11 : memref<!tpu.dma_semaphore, #tpu.memory_space<semaphore_mem>>) src(%dma_wait3A_139 : memref<128x128xf32, #tpu.memory_space<vmem>>) dst(%dma_wait3A_136 : memref<128x128xf32, #tpu.memory_space<vmem_shared>>)
    %mul3A_140 = arith.constant 624 : i32
    %mul3A_141 = arith.muli %arg1, %mul3A_140 : i32
    %add3A_142 = arith.constant 512 : i32
    %add3A_143 = arith.addi %mul3A_141, %add3A_142 : i32
    %dma_wait3A_144 = arith.constant 0 : i32
    %dma_wait3A_145 = arith.constant 0 : i32
    %dma_wait3A_146 = tpu.memref_slice %arg8[%dma_wait3A_144, %dma_wait3A_145] : memref<128x128xf32, #tpu.memory_space<vmem>> -> memref<112x128xf32, #tpu.memory_space<vmem>>
    %dma_wait3A_147 = arith.constant 0 : i32
    %dma_wait3A_148 = tpu.memref_slice %arg10[%add3A_143, %dma_wait3A_147] : memref<10000x128xf32, #tpu.memory_space<vmem_shared>> -> memref<112x128xf32, #tpu.memory_space<vmem_shared>>
    %dma_wait3A_149 = arith.constant 0 : i32
    %dma_wait3A_150 = tpu.memref_slice %arg10[%add3A_143, %dma_wait3A_149] : memref<10000x128xf32, #tpu.memory_space<vmem_shared>> -> memref<112x128xf32, #tpu.memory_space<vmem_shared>>
    %dma_wait3A_151 = arith.constant 0 : i32
    %dma_wait3A_152 = arith.constant 0 : i32
    %dma_wait3A_153 = tpu.memref_slice %arg8[%dma_wait3A_151, %dma_wait3A_152] : memref<128x128xf32, #tpu.memory_space<vmem>> -> memref<112x128xf32, #tpu.memory_space<vmem>>
    tpu.wait_dma2 semaphore(%arg11 : memref<!tpu.dma_semaphore, #tpu.memory_space<semaphore_mem>>) src(%dma_wait3A_153 : memref<112x128xf32, #tpu.memory_space<vmem>>) dst(%dma_wait3A_150 : memref<112x128xf32, #tpu.memory_space<vmem_shared>>)
    %lt3A_154 = arith.constant 31 : i32
    %lt3A_155 = arith.cmpi slt, %add3A, %lt3A_154 : i32
    %convert_element_type3A_156 = arith.extui %lt3A_155 : i1 to i32
    %cond3A_157 = arith.constant 0 : i32
    %cond3A_158 = arith.cmpi ne, %convert_element_type3A_156, %cond3A_157 : i32
    scf.if %cond3A_158 {
      %dma_start3A_480 = arith.constant 0 : i32
      %dma_start3A_481 = arith.constant 0 : i32
      %dma_start3A_482 = tpu.memref_slice %arg6[%dma_start3A_480, %dma_start3A_481] : memref<40x128xi32, #tpu.memory_space<vmem>> -> memref<1x128xi32, #tpu.memory_space<vmem>>
      %dma_start3A_483 = tpu.memref_squeeze %dma_start3A_482 : memref<1x128xi32, #tpu.memory_space<vmem>> -> memref<128xi32, #tpu.memory_space<vmem>>
      %dma_start3A_484 = arith.constant 0 : i32
      %dma_start3A_485 = arith.constant 0 : i32
      %dma_start3A_486 = tpu.memref_slice %arg2[%dma_start3A_484, %dma_start3A_485] : memref<10000x128xf32, #tpu.memory_space<hbm>> -> memref<10000x128xf32, #tpu.memory_space<hbm>>
      tpu.enqueue_indirect_dma source(%dma_start3A_486 : memref<10000x128xf32, #tpu.memory_space<hbm>>) target(%arg8 : memref<128x128xf32, #tpu.memory_space<vmem>>) offsets(%dma_start3A_483 : memref<128xi32, #tpu.memory_space<vmem>>) semaphore(%arg11 : memref<!tpu.dma_semaphore, #tpu.memory_space<semaphore_mem>>)
      %dma_start3A_487 = arith.constant 1 : i32
      %dma_start3A_488 = arith.constant 0 : i32
      %dma_start3A_489 = tpu.memref_slice %arg6[%dma_start3A_487, %dma_start3A_488] : memref<40x128xi32, #tpu.memory_space<vmem>> -> memref<1x128xi32, #tpu.memory_space<vmem>>
      %dma_start3A_490 = tpu.memref_squeeze %dma_start3A_489 : memref<1x128xi32, #tpu.memory_space<vmem>> -> memref<128xi32, #tpu.memory_space<vmem>>
      %dma_start3A_491 = arith.constant 0 : i32
      %dma_start3A_492 = arith.constant 0 : i32
      %dma_start3A_493 = tpu.memref_slice %arg2[%dma_start3A_491, %dma_start3A_492] : memref<10000x128xf32, #tpu.memory_space<hbm>> -> memref<10000x128xf32, #tpu.memory_space<hbm>>
      tpu.enqueue_indirect_dma source(%dma_start3A_493 : memref<10000x128xf32, #tpu.memory_space<hbm>>) target(%arg9 : memref<128x128xf32, #tpu.memory_space<vmem>>) offsets(%dma_start3A_490 : memref<128xi32, #tpu.memory_space<vmem>>) semaphore(%arg12 : memref<!tpu.dma_semaphore, #tpu.memory_space<semaphore_mem>>)
    } else {
    }
    %eq3A_159 = arith.constant 31 : i32
    %eq3A_160 = arith.cmpi eq, %add3A, %eq3A_159 : i32
    %convert_element_type3A_161 = arith.extui %eq3A_160 : i1 to i32
    %cond3A_162 = arith.constant 0 : i32
    %cond3A_163 = arith.cmpi ne, %convert_element_type3A_161, %cond3A_162 : i32
    scf.if %cond3A_163 {
      %dma_start3A_480 = arith.constant 0 : i32
      %dma_start3A_481 = arith.constant 0 : i32
      %dma_start3A_482 = tpu.memref_slice %arg6[%dma_start3A_480, %dma_start3A_481] : memref<40x128xi32, #tpu.memory_space<vmem>> -> memref<1x128xi32, #tpu.memory_space<vmem>>
      %dma_start3A_483 = tpu.memref_squeeze %dma_start3A_482 : memref<1x128xi32, #tpu.memory_space<vmem>> -> memref<128xi32, #tpu.memory_space<vmem>>
      %dma_start3A_484 = arith.constant 0 : i32
      %dma_start3A_485 = arith.constant 0 : i32
      %dma_start3A_486 = tpu.memref_slice %arg2[%dma_start3A_484, %dma_start3A_485] : memref<10000x128xf32, #tpu.memory_space<hbm>> -> memref<10000x128xf32, #tpu.memory_space<hbm>>
      tpu.enqueue_indirect_dma source(%dma_start3A_486 : memref<10000x128xf32, #tpu.memory_space<hbm>>) target(%arg8 : memref<128x128xf32, #tpu.memory_space<vmem>>) offsets(%dma_start3A_483 : memref<128xi32, #tpu.memory_space<vmem>>) semaphore(%arg11 : memref<!tpu.dma_semaphore, #tpu.memory_space<semaphore_mem>>)
      %dma_start3A_487 = arith.constant 1 : i32
      %dma_start3A_488 = arith.constant 0 : i32
      %dma_start3A_489 = tpu.memref_slice %arg6[%dma_start3A_487, %dma_start3A_488] : memref<40x128xi32, #tpu.memory_space<vmem>> -> memref<1x128xi32, #tpu.memory_space<vmem>>
      %dma_start3A_490 = tpu.memref_squeeze %dma_start3A_489 : memref<1x128xi32, #tpu.memory_space<vmem>> -> memref<128xi32, #tpu.memory_space<vmem>>
      %dma_start3A_491 = arith.constant 0 : i32
      %dma_start3A_492 = arith.constant 0 : i32
      %dma_start3A_493 = tpu.memref_slice %arg2[%dma_start3A_491, %dma_start3A_492] : memref<10000x128xf32, #tpu.memory_space<hbm>> -> memref<10000x128xf32, #tpu.memory_space<hbm>>
      tpu.enqueue_indirect_dma source(%dma_start3A_493 : memref<10000x128xf32, #tpu.memory_space<hbm>>) target(%arg9 : memref<128x128xf32, #tpu.memory_space<vmem>>) offsets(%dma_start3A_490 : memref<128xi32, #tpu.memory_space<vmem>>) semaphore(%arg12 : memref<!tpu.dma_semaphore, #tpu.memory_space<semaphore_mem>>)
    } else {
    }
    %barrier3A = arith.constant 0 : index
    tpu.barrier barrier_id(%barrier3A)
    %lt3A_164 = arith.constant 31 : i32
    %lt3A_165 = arith.cmpi slt, %add3A, %lt3A_164 : i32
    %convert_element_type3A_166 = arith.extui %lt3A_165 : i1 to i32
    %cond3A_167 = arith.constant 0 : i32
    %cond3A_168 = arith.cmpi ne, %convert_element_type3A_166, %cond3A_167 : i32
    scf.if %cond3A_168 {
      %dma_wait3A_480 = arith.constant 0 : i32
      %dma_wait3A_481 = arith.constant 0 : i32
      %dma_wait3A_482 = tpu.memref_slice %arg6[%dma_wait3A_480, %dma_wait3A_481] : memref<40x128xi32, #tpu.memory_space<vmem>> -> memref<1x128xi32, #tpu.memory_space<vmem>>
      %dma_wait3A_483 = tpu.memref_squeeze %dma_wait3A_482 : memref<1x128xi32, #tpu.memory_space<vmem>> -> memref<128xi32, #tpu.memory_space<vmem>>
      %dma_wait3A_484 = arith.constant 0 : i32
      %dma_wait3A_485 = arith.constant 0 : i32
      %dma_wait3A_486 = tpu.memref_slice %arg2[%dma_wait3A_484, %dma_wait3A_485] : memref<10000x128xf32, #tpu.memory_space<hbm>> -> memref<10000x128xf32, #tpu.memory_space<hbm>>
      tpu.wait_indirect_dma semaphore(%arg11 : memref<!tpu.dma_semaphore, #tpu.memory_space<semaphore_mem>>) src(%dma_wait3A_486 : memref<10000x128xf32, #tpu.memory_space<hbm>>) dst(%arg8 : memref<128x128xf32, #tpu.memory_space<vmem>>)
      %dma_start3A_487 = arith.constant 0 : i32
      %dma_start3A_488 = arith.constant 0 : i32
      %dma_start3A_489 = tpu.memref_slice %arg7[%dma_start3A_487, %dma_start3A_488] : memref<80x128xi32, #tpu.memory_space<vmem>> -> memref<1x128xi32, #tpu.memory_space<vmem>>
      %dma_start3A_490 = tpu.memref_squeeze %dma_start3A_489 : memref<1x128xi32, #tpu.memory_space<vmem>> -> memref<128xi32, #tpu.memory_space<vmem>>
      %dma_start3A_491 = arith.constant 0 : i32
      %dma_start3A_492 = arith.constant 0 : i32
      %dma_start3A_493 = tpu.memref_slice %arg10[%dma_start3A_491, %dma_start3A_492] : memref<10000x128xf32, #tpu.memory_space<vmem_shared>> -> memref<10000x128xf32, #tpu.memory_space<vmem_shared>>
      tpu.enqueue_indirect_dma source(%arg8 : memref<128x128xf32, #tpu.memory_space<vmem>>) target(%dma_start3A_493 : memref<10000x128xf32, #tpu.memory_space<vmem_shared>>) offsets(%dma_start3A_490 : memref<128xi32, #tpu.memory_space<vmem>>) semaphore(%arg13 : memref<!tpu.dma_semaphore, #tpu.memory_space<semaphore_mem>>) {add = true}
      %scan3A_494 = arith.constant 0 : i32
      %scan3A_495 = arith.constant 19 : i32
      %scan3A_496 = arith.addi %scan3A_494, %scan3A_495 : i32
      %scan3A_497 = arith.constant 1 : i32
      scf.for %scan3A_592 = %scan3A_494 to %scan3A_496 step %scan3A_497  : i32 {
        %mul3A_593 = arith.constant 2 : i32
        %mul3A_594 = arith.muli %scan3A_592, %mul3A_593 : i32
        %add3A_595 = arith.constant 2 : i32
        %add3A_596 = arith.addi %add3A_595, %mul3A_594 : i32
        %add3A_597 = arith.constant 0 : i32
        %add3A_598 = arith.addi %add3A_596, %add3A_597 : i32
        %sub3A = arith.constant 2 : i32
        %sub3A_599 = arith.subi %add3A_598, %sub3A : i32
        %dma_wait3A_600 = arith.constant 0 : i32
        %dma_wait3A_601 = tpu.memref_slice %arg7[%sub3A_599, %dma_wait3A_600] : memref<80x128xi32, #tpu.memory_space<vmem>> -> memref<1x128xi32, #tpu.memory_space<vmem>>
        %dma_wait3A_602 = tpu.memref_squeeze %dma_wait3A_601 : memref<1x128xi32, #tpu.memory_space<vmem>> -> memref<128xi32, #tpu.memory_space<vmem>>
        %dma_wait3A_603 = arith.constant 0 : i32
        %dma_wait3A_604 = arith.constant 0 : i32
        %dma_wait3A_605 = tpu.memref_slice %arg10[%dma_wait3A_603, %dma_wait3A_604] : memref<10000x128xf32, #tpu.memory_space<vmem_shared>> -> memref<10000x128xf32, #tpu.memory_space<vmem_shared>>
        tpu.wait_indirect_dma semaphore(%arg13 : memref<!tpu.dma_semaphore, #tpu.memory_space<semaphore_mem>>) src(%arg8 : memref<128x128xf32, #tpu.memory_space<vmem>>) dst(%dma_wait3A_605 : memref<10000x128xf32, #tpu.memory_space<vmem_shared>>)
        %sub3A_606 = arith.constant 0 : i32
        %sub3A_607 = arith.subi %add3A_598, %sub3A_606 : i32
        %dma_start3A_608 = arith.constant 0 : i32
        %dma_start3A_609 = tpu.memref_slice %arg6[%sub3A_607, %dma_start3A_608] : memref<40x128xi32, #tpu.memory_space<vmem>> -> memref<1x128xi32, #tpu.memory_space<vmem>>
        %dma_start3A_610 = tpu.memref_squeeze %dma_start3A_609 : memref<1x128xi32, #tpu.memory_space<vmem>> -> memref<128xi32, #tpu.memory_space<vmem>>
        %dma_start3A_611 = arith.constant 0 : i32
        %dma_start3A_612 = arith.constant 0 : i32
        %dma_start3A_613 = tpu.memref_slice %arg2[%dma_start3A_611, %dma_start3A_612] : memref<10000x128xf32, #tpu.memory_space<hbm>> -> memref<10000x128xf32, #tpu.memory_space<hbm>>
        tpu.enqueue_indirect_dma source(%dma_start3A_613 : memref<10000x128xf32, #tpu.memory_space<hbm>>) target(%arg8 : memref<128x128xf32, #tpu.memory_space<vmem>>) offsets(%dma_start3A_610 : memref<128xi32, #tpu.memory_space<vmem>>) semaphore(%arg11 : memref<!tpu.dma_semaphore, #tpu.memory_space<semaphore_mem>>)
        %sub3A_614 = arith.constant 1 : i32
        %sub3A_615 = arith.subi %add3A_598, %sub3A_614 : i32
        %sub3A_616 = arith.constant 0 : i32
        %sub3A_617 = arith.subi %sub3A_615, %sub3A_616 : i32
        %dma_wait3A_618 = arith.constant 0 : i32
        %dma_wait3A_619 = tpu.memref_slice %arg6[%sub3A_617, %dma_wait3A_618] : memref<40x128xi32, #tpu.memory_space<vmem>> -> memref<1x128xi32, #tpu.memory_space<vmem>>
        %dma_wait3A_620 = tpu.memref_squeeze %dma_wait3A_619 : memref<1x128xi32, #tpu.memory_space<vmem>> -> memref<128xi32, #tpu.memory_space<vmem>>
        %dma_wait3A_621 = arith.constant 0 : i32
        %dma_wait3A_622 = arith.constant 0 : i32
        %dma_wait3A_623 = tpu.memref_slice %arg2[%dma_wait3A_621, %dma_wait3A_622] : memref<10000x128xf32, #tpu.memory_space<hbm>> -> memref<10000x128xf32, #tpu.memory_space<hbm>>
        tpu.wait_indirect_dma semaphore(%arg12 : memref<!tpu.dma_semaphore, #tpu.memory_space<semaphore_mem>>) src(%dma_wait3A_623 : memref<10000x128xf32, #tpu.memory_space<hbm>>) dst(%arg9 : memref<128x128xf32, #tpu.memory_space<vmem>>)
        %sub3A_624 = arith.constant 1 : i32
        %sub3A_625 = arith.subi %add3A_598, %sub3A_624 : i32
        %dma_start3A_626 = arith.constant 0 : i32
        %dma_start3A_627 = tpu.memref_slice %arg7[%sub3A_625, %dma_start3A_626] : memref<80x128xi32, #tpu.memory_space<vmem>> -> memref<1x128xi32, #tpu.memory_space<vmem>>
        %dma_start3A_628 = tpu.memref_squeeze %dma_start3A_627 : memref<1x128xi32, #tpu.memory_space<vmem>> -> memref<128xi32, #tpu.memory_space<vmem>>
        %dma_start3A_629 = arith.constant 0 : i32
        %dma_start3A_630 = arith.constant 0 : i32
        %dma_start3A_631 = tpu.memref_slice %arg10[%dma_start3A_629, %dma_start3A_630] : memref<10000x128xf32, #tpu.memory_space<vmem_shared>> -> memref<10000x128xf32, #tpu.memory_space<vmem_shared>>
        tpu.enqueue_indirect_dma source(%arg9 : memref<128x128xf32, #tpu.memory_space<vmem>>) target(%dma_start3A_631 : memref<10000x128xf32, #tpu.memory_space<vmem_shared>>) offsets(%dma_start3A_628 : memref<128xi32, #tpu.memory_space<vmem>>) semaphore(%arg14 : memref<!tpu.dma_semaphore, #tpu.memory_space<semaphore_mem>>) {add = true}
        %add3A_632 = arith.constant 1 : i32
        %add3A_633 = arith.addi %add3A_596, %add3A_632 : i32
        %sub3A_634 = arith.constant 2 : i32
        %sub3A_635 = arith.subi %add3A_633, %sub3A_634 : i32
        %dma_wait3A_636 = arith.constant 0 : i32
        %dma_wait3A_637 = tpu.memref_slice %arg7[%sub3A_635, %dma_wait3A_636] : memref<80x128xi32, #tpu.memory_space<vmem>> -> memref<1x128xi32, #tpu.memory_space<vmem>>
        %dma_wait3A_638 = tpu.memref_squeeze %dma_wait3A_637 : memref<1x128xi32, #tpu.memory_space<vmem>> -> memref<128xi32, #tpu.memory_space<vmem>>
        %dma_wait3A_639 = arith.constant 0 : i32
        %dma_wait3A_640 = arith.constant 0 : i32
        %dma_wait3A_641 = tpu.memref_slice %arg10[%dma_wait3A_639, %dma_wait3A_640] : memref<10000x128xf32, #tpu.memory_space<vmem_shared>> -> memref<10000x128xf32, #tpu.memory_space<vmem_shared>>
        tpu.wait_indirect_dma semaphore(%arg14 : memref<!tpu.dma_semaphore, #tpu.memory_space<semaphore_mem>>) src(%arg9 : memref<128x128xf32, #tpu.memory_space<vmem>>) dst(%dma_wait3A_641 : memref<10000x128xf32, #tpu.memory_space<vmem_shared>>)
        %sub3A_642 = arith.constant 0 : i32
        %sub3A_643 = arith.subi %add3A_633, %sub3A_642 : i32
        %dma_start3A_644 = arith.constant 0 : i32
        %dma_start3A_645 = tpu.memref_slice %arg6[%sub3A_643, %dma_start3A_644] : memref<40x128xi32, #tpu.memory_space<vmem>> -> memref<1x128xi32, #tpu.memory_space<vmem>>
        %dma_start3A_646 = tpu.memref_squeeze %dma_start3A_645 : memref<1x128xi32, #tpu.memory_space<vmem>> -> memref<128xi32, #tpu.memory_space<vmem>>
        %dma_start3A_647 = arith.constant 0 : i32
        %dma_start3A_648 = arith.constant 0 : i32
        %dma_start3A_649 = tpu.memref_slice %arg2[%dma_start3A_647, %dma_start3A_648] : memref<10000x128xf32, #tpu.memory_space<hbm>> -> memref<10000x128xf32, #tpu.memory_space<hbm>>
        tpu.enqueue_indirect_dma source(%dma_start3A_649 : memref<10000x128xf32, #tpu.memory_space<hbm>>) target(%arg9 : memref<128x128xf32, #tpu.memory_space<vmem>>) offsets(%dma_start3A_646 : memref<128xi32, #tpu.memory_space<vmem>>) semaphore(%arg12 : memref<!tpu.dma_semaphore, #tpu.memory_space<semaphore_mem>>)
        %sub3A_650 = arith.constant 1 : i32
        %sub3A_651 = arith.subi %add3A_633, %sub3A_650 : i32
        %sub3A_652 = arith.constant 0 : i32
        %sub3A_653 = arith.subi %sub3A_651, %sub3A_652 : i32
        %dma_wait3A_654 = arith.constant 0 : i32
        %dma_wait3A_655 = tpu.memref_slice %arg6[%sub3A_653, %dma_wait3A_654] : memref<40x128xi32, #tpu.memory_space<vmem>> -> memref<1x128xi32, #tpu.memory_space<vmem>>
        %dma_wait3A_656 = tpu.memref_squeeze %dma_wait3A_655 : memref<1x128xi32, #tpu.memory_space<vmem>> -> memref<128xi32, #tpu.memory_space<vmem>>
        %dma_wait3A_657 = arith.constant 0 : i32
        %dma_wait3A_658 = arith.constant 0 : i32
        %dma_wait3A_659 = tpu.memref_slice %arg2[%dma_wait3A_657, %dma_wait3A_658] : memref<10000x128xf32, #tpu.memory_space<hbm>> -> memref<10000x128xf32, #tpu.memory_space<hbm>>
        tpu.wait_indirect_dma semaphore(%arg11 : memref<!tpu.dma_semaphore, #tpu.memory_space<semaphore_mem>>) src(%dma_wait3A_659 : memref<10000x128xf32, #tpu.memory_space<hbm>>) dst(%arg8 : memref<128x128xf32, #tpu.memory_space<vmem>>)
        %sub3A_660 = arith.constant 1 : i32
        %sub3A_661 = arith.subi %add3A_633, %sub3A_660 : i32
        %dma_start3A_662 = arith.constant 0 : i32
        %dma_start3A_663 = tpu.memref_slice %arg7[%sub3A_661, %dma_start3A_662] : memref<80x128xi32, #tpu.memory_space<vmem>> -> memref<1x128xi32, #tpu.memory_space<vmem>>
        %dma_start3A_664 = tpu.memref_squeeze %dma_start3A_663 : memref<1x128xi32, #tpu.memory_space<vmem>> -> memref<128xi32, #tpu.memory_space<vmem>>
        %dma_start3A_665 = arith.constant 0 : i32
        %dma_start3A_666 = arith.constant 0 : i32
        %dma_start3A_667 = tpu.memref_slice %arg10[%dma_start3A_665, %dma_start3A_666] : memref<10000x128xf32, #tpu.memory_space<vmem_shared>> -> memref<10000x128xf32, #tpu.memory_space<vmem_shared>>
        tpu.enqueue_indirect_dma source(%arg8 : memref<128x128xf32, #tpu.memory_space<vmem>>) target(%dma_start3A_667 : memref<10000x128xf32, #tpu.memory_space<vmem_shared>>) offsets(%dma_start3A_664 : memref<128xi32, #tpu.memory_space<vmem>>) semaphore(%arg13 : memref<!tpu.dma_semaphore, #tpu.memory_space<semaphore_mem>>) {add = true}
      }
      %scan3A_498 = arith.constant 19 : i32
      %dma_wait3A_499 = arith.constant 39 : i32
      %dma_wait3A_500 = arith.constant 0 : i32
      %dma_wait3A_501 = tpu.memref_slice %arg6[%dma_wait3A_499, %dma_wait3A_500] : memref<40x128xi32, #tpu.memory_space<vmem>> -> memref<1x128xi32, #tpu.memory_space<vmem>>
      %dma_wait3A_502 = tpu.memref_squeeze %dma_wait3A_501 : memref<1x128xi32, #tpu.memory_space<vmem>> -> memref<128xi32, #tpu.memory_space<vmem>>
      %dma_wait3A_503 = arith.constant 0 : i32
      %dma_wait3A_504 = arith.constant 0 : i32
      %dma_wait3A_505 = tpu.memref_slice %arg2[%dma_wait3A_503, %dma_wait3A_504] : memref<10000x128xf32, #tpu.memory_space<hbm>> -> memref<10000x128xf32, #tpu.memory_space<hbm>>
      tpu.wait_indirect_dma semaphore(%arg12 : memref<!tpu.dma_semaphore, #tpu.memory_space<semaphore_mem>>) src(%dma_wait3A_505 : memref<10000x128xf32, #tpu.memory_space<hbm>>) dst(%arg9 : memref<128x128xf32, #tpu.memory_space<vmem>>)
      %dma_start3A_506 = arith.constant 39 : i32
      %dma_start3A_507 = arith.constant 0 : i32
      %dma_start3A_508 = tpu.memref_slice %arg7[%dma_start3A_506, %dma_start3A_507] : memref<80x128xi32, #tpu.memory_space<vmem>> -> memref<1x128xi32, #tpu.memory_space<vmem>>
      %dma_start3A_509 = tpu.memref_squeeze %dma_start3A_508 : memref<1x128xi32, #tpu.memory_space<vmem>> -> memref<128xi32, #tpu.memory_space<vmem>>
      %dma_start3A_510 = arith.constant 0 : i32
      %dma_start3A_511 = arith.constant 0 : i32
      %dma_start3A_512 = tpu.memref_slice %arg10[%dma_start3A_510, %dma_start3A_511] : memref<10000x128xf32, #tpu.memory_space<vmem_shared>> -> memref<10000x128xf32, #tpu.memory_space<vmem_shared>>
      tpu.enqueue_indirect_dma source(%arg9 : memref<128x128xf32, #tpu.memory_space<vmem>>) target(%dma_start3A_512 : memref<10000x128xf32, #tpu.memory_space<vmem_shared>>) offsets(%dma_start3A_509 : memref<128xi32, #tpu.memory_space<vmem>>) semaphore(%arg14 : memref<!tpu.dma_semaphore, #tpu.memory_space<semaphore_mem>>) {add = true}
      %dma_wait3A_513 = arith.constant 38 : i32
      %dma_wait3A_514 = arith.constant 0 : i32
      %dma_wait3A_515 = tpu.memref_slice %arg7[%dma_wait3A_513, %dma_wait3A_514] : memref<80x128xi32, #tpu.memory_space<vmem>> -> memref<1x128xi32, #tpu.memory_space<vmem>>
      %dma_wait3A_516 = tpu.memref_squeeze %dma_wait3A_515 : memref<1x128xi32, #tpu.memory_space<vmem>> -> memref<128xi32, #tpu.memory_space<vmem>>
      %dma_wait3A_517 = arith.constant 0 : i32
      %dma_wait3A_518 = arith.constant 0 : i32
      %dma_wait3A_519 = tpu.memref_slice %arg10[%dma_wait3A_517, %dma_wait3A_518] : memref<10000x128xf32, #tpu.memory_space<vmem_shared>> -> memref<10000x128xf32, #tpu.memory_space<vmem_shared>>
      tpu.wait_indirect_dma semaphore(%arg13 : memref<!tpu.dma_semaphore, #tpu.memory_space<semaphore_mem>>) src(%arg8 : memref<128x128xf32, #tpu.memory_space<vmem>>) dst(%dma_wait3A_519 : memref<10000x128xf32, #tpu.memory_space<vmem_shared>>)
      %dma_wait3A_520 = arith.constant 39 : i32
      %dma_wait3A_521 = arith.constant 0 : i32
      %dma_wait3A_522 = tpu.memref_slice %arg7[%dma_wait3A_520, %dma_wait3A_521] : memref<80x128xi32, #tpu.memory_space<vmem>> -> memref<1x128xi32, #tpu.memory_space<vmem>>
      %dma_wait3A_523 = tpu.memref_squeeze %dma_wait3A_522 : memref<1x128xi32, #tpu.memory_space<vmem>> -> memref<128xi32, #tpu.memory_space<vmem>>
      %dma_wait3A_524 = arith.constant 0 : i32
      %dma_wait3A_525 = arith.constant 0 : i32
      %dma_wait3A_526 = tpu.memref_slice %arg10[%dma_wait3A_524, %dma_wait3A_525] : memref<10000x128xf32, #tpu.memory_space<vmem_shared>> -> memref<10000x128xf32, #tpu.memory_space<vmem_shared>>
      tpu.wait_indirect_dma semaphore(%arg14 : memref<!tpu.dma_semaphore, #tpu.memory_space<semaphore_mem>>) src(%arg9 : memref<128x128xf32, #tpu.memory_space<vmem>>) dst(%dma_wait3A_526 : memref<10000x128xf32, #tpu.memory_space<vmem_shared>>)
      %mul3A_527 = arith.constant 80 : i32
      %mul3A_528 = arith.muli %add3A, %mul3A_527 : i32
      %add3A_529 = arith.constant 40 : i32
      %add3A_530 = arith.addi %mul3A_528, %add3A_529 : i32
      "tpu.region"() ({
        %run_scoped3A = tpu.sem_alloc : memref<!tpu.dma_semaphore, #tpu.memory_space<semaphore_mem>>
        %dma_start3A_592 = arith.constant 0 : i32
        %dma_start3A_593 = tpu.memref_slice %arg3[%add3A_530, %dma_start3A_592] : memref<2500x128xi32, #tpu.memory_space<hbm>> -> memref<40x128xi32, #tpu.memory_space<hbm>>
        %dma_start3A_594 = arith.constant 0 : i32
        %dma_start3A_595 = tpu.memref_slice %arg3[%add3A_530, %dma_start3A_594] : memref<2500x128xi32, #tpu.memory_space<hbm>> -> memref<40x128xi32, #tpu.memory_space<hbm>>
        tpu.enqueue_dma source(%dma_start3A_595 : memref<40x128xi32, #tpu.memory_space<hbm>>) target(%arg6 : memref<40x128xi32, #tpu.memory_space<vmem>>) target_semaphore(%run_scoped3A : memref<!tpu.dma_semaphore, #tpu.memory_space<semaphore_mem>>)
        %dma_wait3A_596 = arith.constant 0 : i32
        %dma_wait3A_597 = tpu.memref_slice %arg3[%add3A_530, %dma_wait3A_596] : memref<2500x128xi32, #tpu.memory_space<hbm>> -> memref<40x128xi32, #tpu.memory_space<hbm>>
        %dma_wait3A_598 = arith.constant 0 : i32
        %dma_wait3A_599 = tpu.memref_slice %arg3[%add3A_530, %dma_wait3A_598] : memref<2500x128xi32, #tpu.memory_space<hbm>> -> memref<40x128xi32, #tpu.memory_space<hbm>>
        tpu.wait_dma2 semaphore(%run_scoped3A : memref<!tpu.dma_semaphore, #tpu.memory_space<semaphore_mem>>) src(%dma_wait3A_599 : memref<40x128xi32, #tpu.memory_space<hbm>>) dst(%arg6 : memref<40x128xi32, #tpu.memory_space<vmem>>)
        tpu.yield
      }) : () -> ()
      %dma_start3A_531 = arith.constant 0 : i32
      %dma_start3A_532 = arith.constant 0 : i32
      %dma_start3A_533 = tpu.memref_slice %arg6[%dma_start3A_531, %dma_start3A_532] : memref<40x128xi32, #tpu.memory_space<vmem>> -> memref<1x128xi32, #tpu.memory_space<vmem>>
      %dma_start3A_534 = tpu.memref_squeeze %dma_start3A_533 : memref<1x128xi32, #tpu.memory_space<vmem>> -> memref<128xi32, #tpu.memory_space<vmem>>
      %dma_start3A_535 = arith.constant 0 : i32
      %dma_start3A_536 = arith.constant 0 : i32
      %dma_start3A_537 = tpu.memref_slice %arg2[%dma_start3A_535, %dma_start3A_536] : memref<10000x128xf32, #tpu.memory_space<hbm>> -> memref<10000x128xf32, #tpu.memory_space<hbm>>
      tpu.enqueue_indirect_dma source(%dma_start3A_537 : memref<10000x128xf32, #tpu.memory_space<hbm>>) target(%arg8 : memref<128x128xf32, #tpu.memory_space<vmem>>) offsets(%dma_start3A_534 : memref<128xi32, #tpu.memory_space<vmem>>) semaphore(%arg11 : memref<!tpu.dma_semaphore, #tpu.memory_space<semaphore_mem>>)
      %dma_start3A_538 = arith.constant 1 : i32
      %dma_start3A_539 = arith.constant 0 : i32
      %dma_start3A_540 = tpu.memref_slice %arg6[%dma_start3A_538, %dma_start3A_539] : memref<40x128xi32, #tpu.memory_space<vmem>> -> memref<1x128xi32, #tpu.memory_space<vmem>>
      %dma_start3A_541 = tpu.memref_squeeze %dma_start3A_540 : memref<1x128xi32, #tpu.memory_space<vmem>> -> memref<128xi32, #tpu.memory_space<vmem>>
      %dma_start3A_542 = arith.constant 0 : i32
      %dma_start3A_543 = arith.constant 0 : i32
      %dma_start3A_544 = tpu.memref_slice %arg2[%dma_start3A_542, %dma_start3A_543] : memref<10000x128xf32, #tpu.memory_space<hbm>> -> memref<10000x128xf32, #tpu.memory_space<hbm>>
      tpu.enqueue_indirect_dma source(%dma_start3A_544 : memref<10000x128xf32, #tpu.memory_space<hbm>>) target(%arg9 : memref<128x128xf32, #tpu.memory_space<vmem>>) offsets(%dma_start3A_541 : memref<128xi32, #tpu.memory_space<vmem>>) semaphore(%arg12 : memref<!tpu.dma_semaphore, #tpu.memory_space<semaphore_mem>>)
      %dma_wait3A_545 = arith.constant 0 : i32
      %dma_wait3A_546 = arith.constant 0 : i32
      %dma_wait3A_547 = tpu.memref_slice %arg6[%dma_wait3A_545, %dma_wait3A_546] : memref<40x128xi32, #tpu.memory_space<vmem>> -> memref<1x128xi32, #tpu.memory_space<vmem>>
      %dma_wait3A_548 = tpu.memref_squeeze %dma_wait3A_547 : memref<1x128xi32, #tpu.memory_space<vmem>> -> memref<128xi32, #tpu.memory_space<vmem>>
      %dma_wait3A_549 = arith.constant 0 : i32
      %dma_wait3A_550 = arith.constant 0 : i32
      %dma_wait3A_551 = tpu.memref_slice %arg2[%dma_wait3A_549, %dma_wait3A_550] : memref<10000x128xf32, #tpu.memory_space<hbm>> -> memref<10000x128xf32, #tpu.memory_space<hbm>>
      tpu.wait_indirect_dma semaphore(%arg11 : memref<!tpu.dma_semaphore, #tpu.memory_space<semaphore_mem>>) src(%dma_wait3A_551 : memref<10000x128xf32, #tpu.memory_space<hbm>>) dst(%arg8 : memref<128x128xf32, #tpu.memory_space<vmem>>)
      %dma_start3A_552 = arith.constant 40 : i32
      %dma_start3A_553 = arith.constant 0 : i32
      %dma_start3A_554 = tpu.memref_slice %arg7[%dma_start3A_552, %dma_start3A_553] : memref<80x128xi32, #tpu.memory_space<vmem>> -> memref<1x128xi32, #tpu.memory_space<vmem>>
      %dma_start3A_555 = tpu.memref_squeeze %dma_start3A_554 : memref<1x128xi32, #tpu.memory_space<vmem>> -> memref<128xi32, #tpu.memory_space<vmem>>
      %dma_start3A_556 = arith.constant 0 : i32
      %dma_start3A_557 = arith.constant 0 : i32
      %dma_start3A_558 = tpu.memref_slice %arg10[%dma_start3A_556, %dma_start3A_557] : memref<10000x128xf32, #tpu.memory_space<vmem_shared>> -> memref<10000x128xf32, #tpu.memory_space<vmem_shared>>
      tpu.enqueue_indirect_dma source(%arg8 : memref<128x128xf32, #tpu.memory_space<vmem>>) target(%dma_start3A_558 : memref<10000x128xf32, #tpu.memory_space<vmem_shared>>) offsets(%dma_start3A_555 : memref<128xi32, #tpu.memory_space<vmem>>) semaphore(%arg13 : memref<!tpu.dma_semaphore, #tpu.memory_space<semaphore_mem>>) {add = true}
      %scan3A_559 = arith.constant 0 : i32
      %scan3A_560 = arith.constant 19 : i32
      %scan3A_561 = arith.addi %scan3A_559, %scan3A_560 : i32
      %scan3A_562 = arith.constant 1 : i32
      scf.for %scan3A_592 = %scan3A_559 to %scan3A_561 step %scan3A_562  : i32 {
        %mul3A_593 = arith.constant 2 : i32
        %mul3A_594 = arith.muli %scan3A_592, %mul3A_593 : i32
        %add3A_595 = arith.constant 42 : i32
        %add3A_596 = arith.addi %add3A_595, %mul3A_594 : i32
        %add3A_597 = arith.constant 0 : i32
        %add3A_598 = arith.addi %add3A_596, %add3A_597 : i32
        %sub3A = arith.constant 2 : i32
        %sub3A_599 = arith.subi %add3A_598, %sub3A : i32
        %dma_wait3A_600 = arith.constant 0 : i32
        %dma_wait3A_601 = tpu.memref_slice %arg7[%sub3A_599, %dma_wait3A_600] : memref<80x128xi32, #tpu.memory_space<vmem>> -> memref<1x128xi32, #tpu.memory_space<vmem>>
        %dma_wait3A_602 = tpu.memref_squeeze %dma_wait3A_601 : memref<1x128xi32, #tpu.memory_space<vmem>> -> memref<128xi32, #tpu.memory_space<vmem>>
        %dma_wait3A_603 = arith.constant 0 : i32
        %dma_wait3A_604 = arith.constant 0 : i32
        %dma_wait3A_605 = tpu.memref_slice %arg10[%dma_wait3A_603, %dma_wait3A_604] : memref<10000x128xf32, #tpu.memory_space<vmem_shared>> -> memref<10000x128xf32, #tpu.memory_space<vmem_shared>>
        tpu.wait_indirect_dma semaphore(%arg13 : memref<!tpu.dma_semaphore, #tpu.memory_space<semaphore_mem>>) src(%arg8 : memref<128x128xf32, #tpu.memory_space<vmem>>) dst(%dma_wait3A_605 : memref<10000x128xf32, #tpu.memory_space<vmem_shared>>)
        %sub3A_606 = arith.constant 40 : i32
        %sub3A_607 = arith.subi %add3A_598, %sub3A_606 : i32
        %dma_start3A_608 = arith.constant 0 : i32
        %dma_start3A_609 = tpu.memref_slice %arg6[%sub3A_607, %dma_start3A_608] : memref<40x128xi32, #tpu.memory_space<vmem>> -> memref<1x128xi32, #tpu.memory_space<vmem>>
        %dma_start3A_610 = tpu.memref_squeeze %dma_start3A_609 : memref<1x128xi32, #tpu.memory_space<vmem>> -> memref<128xi32, #tpu.memory_space<vmem>>
        %dma_start3A_611 = arith.constant 0 : i32
        %dma_start3A_612 = arith.constant 0 : i32
        %dma_start3A_613 = tpu.memref_slice %arg2[%dma_start3A_611, %dma_start3A_612] : memref<10000x128xf32, #tpu.memory_space<hbm>> -> memref<10000x128xf32, #tpu.memory_space<hbm>>
        tpu.enqueue_indirect_dma source(%dma_start3A_613 : memref<10000x128xf32, #tpu.memory_space<hbm>>) target(%arg8 : memref<128x128xf32, #tpu.memory_space<vmem>>) offsets(%dma_start3A_610 : memref<128xi32, #tpu.memory_space<vmem>>) semaphore(%arg11 : memref<!tpu.dma_semaphore, #tpu.memory_space<semaphore_mem>>)
        %sub3A_614 = arith.constant 1 : i32
        %sub3A_615 = arith.subi %add3A_598, %sub3A_614 : i32
        %sub3A_616 = arith.constant 40 : i32
        %sub3A_617 = arith.subi %sub3A_615, %sub3A_616 : i32
        %dma_wait3A_618 = arith.constant 0 : i32
        %dma_wait3A_619 = tpu.memref_slice %arg6[%sub3A_617, %dma_wait3A_618] : memref<40x128xi32, #tpu.memory_space<vmem>> -> memref<1x128xi32, #tpu.memory_space<vmem>>
        %dma_wait3A_620 = tpu.memref_squeeze %dma_wait3A_619 : memref<1x128xi32, #tpu.memory_space<vmem>> -> memref<128xi32, #tpu.memory_space<vmem>>
        %dma_wait3A_621 = arith.constant 0 : i32
        %dma_wait3A_622 = arith.constant 0 : i32
        %dma_wait3A_623 = tpu.memref_slice %arg2[%dma_wait3A_621, %dma_wait3A_622] : memref<10000x128xf32, #tpu.memory_space<hbm>> -> memref<10000x128xf32, #tpu.memory_space<hbm>>
        tpu.wait_indirect_dma semaphore(%arg12 : memref<!tpu.dma_semaphore, #tpu.memory_space<semaphore_mem>>) src(%dma_wait3A_623 : memref<10000x128xf32, #tpu.memory_space<hbm>>) dst(%arg9 : memref<128x128xf32, #tpu.memory_space<vmem>>)
        %sub3A_624 = arith.constant 1 : i32
        %sub3A_625 = arith.subi %add3A_598, %sub3A_624 : i32
        %dma_start3A_626 = arith.constant 0 : i32
        %dma_start3A_627 = tpu.memref_slice %arg7[%sub3A_625, %dma_start3A_626] : memref<80x128xi32, #tpu.memory_space<vmem>> -> memref<1x128xi32, #tpu.memory_space<vmem>>
        %dma_start3A_628 = tpu.memref_squeeze %dma_start3A_627 : memref<1x128xi32, #tpu.memory_space<vmem>> -> memref<128xi32, #tpu.memory_space<vmem>>
        %dma_start3A_629 = arith.constant 0 : i32
        %dma_start3A_630 = arith.constant 0 : i32
        %dma_start3A_631 = tpu.memref_slice %arg10[%dma_start3A_629, %dma_start3A_630] : memref<10000x128xf32, #tpu.memory_space<vmem_shared>> -> memref<10000x128xf32, #tpu.memory_space<vmem_shared>>
        tpu.enqueue_indirect_dma source(%arg9 : memref<128x128xf32, #tpu.memory_space<vmem>>) target(%dma_start3A_631 : memref<10000x128xf32, #tpu.memory_space<vmem_shared>>) offsets(%dma_start3A_628 : memref<128xi32, #tpu.memory_space<vmem>>) semaphore(%arg14 : memref<!tpu.dma_semaphore, #tpu.memory_space<semaphore_mem>>) {add = true}
        %add3A_632 = arith.constant 1 : i32
        %add3A_633 = arith.addi %add3A_596, %add3A_632 : i32
        %sub3A_634 = arith.constant 2 : i32
        %sub3A_635 = arith.subi %add3A_633, %sub3A_634 : i32
        %dma_wait3A_636 = arith.constant 0 : i32
        %dma_wait3A_637 = tpu.memref_slice %arg7[%sub3A_635, %dma_wait3A_636] : memref<80x128xi32, #tpu.memory_space<vmem>> -> memref<1x128xi32, #tpu.memory_space<vmem>>
        %dma_wait3A_638 = tpu.memref_squeeze %dma_wait3A_637 : memref<1x128xi32, #tpu.memory_space<vmem>> -> memref<128xi32, #tpu.memory_space<vmem>>
        %dma_wait3A_639 = arith.constant 0 : i32
        %dma_wait3A_640 = arith.constant 0 : i32
        %dma_wait3A_641 = tpu.memref_slice %arg10[%dma_wait3A_639, %dma_wait3A_640] : memref<10000x128xf32, #tpu.memory_space<vmem_shared>> -> memref<10000x128xf32, #tpu.memory_space<vmem_shared>>
        tpu.wait_indirect_dma semaphore(%arg14 : memref<!tpu.dma_semaphore, #tpu.memory_space<semaphore_mem>>) src(%arg9 : memref<128x128xf32, #tpu.memory_space<vmem>>) dst(%dma_wait3A_641 : memref<10000x128xf32, #tpu.memory_space<vmem_shared>>)
        %sub3A_642 = arith.constant 40 : i32
        %sub3A_643 = arith.subi %add3A_633, %sub3A_642 : i32
        %dma_start3A_644 = arith.constant 0 : i32
        %dma_start3A_645 = tpu.memref_slice %arg6[%sub3A_643, %dma_start3A_644] : memref<40x128xi32, #tpu.memory_space<vmem>> -> memref<1x128xi32, #tpu.memory_space<vmem>>
        %dma_start3A_646 = tpu.memref_squeeze %dma_start3A_645 : memref<1x128xi32, #tpu.memory_space<vmem>> -> memref<128xi32, #tpu.memory_space<vmem>>
        %dma_start3A_647 = arith.constant 0 : i32
        %dma_start3A_648 = arith.constant 0 : i32
        %dma_start3A_649 = tpu.memref_slice %arg2[%dma_start3A_647, %dma_start3A_648] : memref<10000x128xf32, #tpu.memory_space<hbm>> -> memref<10000x128xf32, #tpu.memory_space<hbm>>
        tpu.enqueue_indirect_dma source(%dma_start3A_649 : memref<10000x128xf32, #tpu.memory_space<hbm>>) target(%arg9 : memref<128x128xf32, #tpu.memory_space<vmem>>) offsets(%dma_start3A_646 : memref<128xi32, #tpu.memory_space<vmem>>) semaphore(%arg12 : memref<!tpu.dma_semaphore, #tpu.memory_space<semaphore_mem>>)
        %sub3A_650 = arith.constant 1 : i32
        %sub3A_651 = arith.subi %add3A_633, %sub3A_650 : i32
        %sub3A_652 = arith.constant 40 : i32
        %sub3A_653 = arith.subi %sub3A_651, %sub3A_652 : i32
        %dma_wait3A_654 = arith.constant 0 : i32
        %dma_wait3A_655 = tpu.memref_slice %arg6[%sub3A_653, %dma_wait3A_654] : memref<40x128xi32, #tpu.memory_space<vmem>> -> memref<1x128xi32, #tpu.memory_space<vmem>>
        %dma_wait3A_656 = tpu.memref_squeeze %dma_wait3A_655 : memref<1x128xi32, #tpu.memory_space<vmem>> -> memref<128xi32, #tpu.memory_space<vmem>>
        %dma_wait3A_657 = arith.constant 0 : i32
        %dma_wait3A_658 = arith.constant 0 : i32
        %dma_wait3A_659 = tpu.memref_slice %arg2[%dma_wait3A_657, %dma_wait3A_658] : memref<10000x128xf32, #tpu.memory_space<hbm>> -> memref<10000x128xf32, #tpu.memory_space<hbm>>
        tpu.wait_indirect_dma semaphore(%arg11 : memref<!tpu.dma_semaphore, #tpu.memory_space<semaphore_mem>>) src(%dma_wait3A_659 : memref<10000x128xf32, #tpu.memory_space<hbm>>) dst(%arg8 : memref<128x128xf32, #tpu.memory_space<vmem>>)
        %sub3A_660 = arith.constant 1 : i32
        %sub3A_661 = arith.subi %add3A_633, %sub3A_660 : i32
        %dma_start3A_662 = arith.constant 0 : i32
        %dma_start3A_663 = tpu.memref_slice %arg7[%sub3A_661, %dma_start3A_662] : memref<80x128xi32, #tpu.memory_space<vmem>> -> memref<1x128xi32, #tpu.memory_space<vmem>>
        %dma_start3A_664 = tpu.memref_squeeze %dma_start3A_663 : memref<1x128xi32, #tpu.memory_space<vmem>> -> memref<128xi32, #tpu.memory_space<vmem>>
        %dma_start3A_665 = arith.constant 0 : i32
        %dma_start3A_666 = arith.constant 0 : i32
        %dma_start3A_667 = tpu.memref_slice %arg10[%dma_start3A_665, %dma_start3A_666] : memref<10000x128xf32, #tpu.memory_space<vmem_shared>> -> memref<10000x128xf32, #tpu.memory_space<vmem_shared>>
        tpu.enqueue_indirect_dma source(%arg8 : memref<128x128xf32, #tpu.memory_space<vmem>>) target(%dma_start3A_667 : memref<10000x128xf32, #tpu.memory_space<vmem_shared>>) offsets(%dma_start3A_664 : memref<128xi32, #tpu.memory_space<vmem>>) semaphore(%arg13 : memref<!tpu.dma_semaphore, #tpu.memory_space<semaphore_mem>>) {add = true}
      }
      %scan3A_563 = arith.constant 19 : i32
      %dma_wait3A_564 = arith.constant 39 : i32
      %dma_wait3A_565 = arith.constant 0 : i32
      %dma_wait3A_566 = tpu.memref_slice %arg6[%dma_wait3A_564, %dma_wait3A_565] : memref<40x128xi32, #tpu.memory_space<vmem>> -> memref<1x128xi32, #tpu.memory_space<vmem>>
      %dma_wait3A_567 = tpu.memref_squeeze %dma_wait3A_566 : memref<1x128xi32, #tpu.memory_space<vmem>> -> memref<128xi32, #tpu.memory_space<vmem>>
      %dma_wait3A_568 = arith.constant 0 : i32
      %dma_wait3A_569 = arith.constant 0 : i32
      %dma_wait3A_570 = tpu.memref_slice %arg2[%dma_wait3A_568, %dma_wait3A_569] : memref<10000x128xf32, #tpu.memory_space<hbm>> -> memref<10000x128xf32, #tpu.memory_space<hbm>>
      tpu.wait_indirect_dma semaphore(%arg12 : memref<!tpu.dma_semaphore, #tpu.memory_space<semaphore_mem>>) src(%dma_wait3A_570 : memref<10000x128xf32, #tpu.memory_space<hbm>>) dst(%arg9 : memref<128x128xf32, #tpu.memory_space<vmem>>)
      %dma_start3A_571 = arith.constant 79 : i32
      %dma_start3A_572 = arith.constant 0 : i32
      %dma_start3A_573 = tpu.memref_slice %arg7[%dma_start3A_571, %dma_start3A_572] : memref<80x128xi32, #tpu.memory_space<vmem>> -> memref<1x128xi32, #tpu.memory_space<vmem>>
      %dma_start3A_574 = tpu.memref_squeeze %dma_start3A_573 : memref<1x128xi32, #tpu.memory_space<vmem>> -> memref<128xi32, #tpu.memory_space<vmem>>
      %dma_start3A_575 = arith.constant 0 : i32
      %dma_start3A_576 = arith.constant 0 : i32
      %dma_start3A_577 = tpu.memref_slice %arg10[%dma_start3A_575, %dma_start3A_576] : memref<10000x128xf32, #tpu.memory_space<vmem_shared>> -> memref<10000x128xf32, #tpu.memory_space<vmem_shared>>
      tpu.enqueue_indirect_dma source(%arg9 : memref<128x128xf32, #tpu.memory_space<vmem>>) target(%dma_start3A_577 : memref<10000x128xf32, #tpu.memory_space<vmem_shared>>) offsets(%dma_start3A_574 : memref<128xi32, #tpu.memory_space<vmem>>) semaphore(%arg14 : memref<!tpu.dma_semaphore, #tpu.memory_space<semaphore_mem>>) {add = true}
      %dma_wait3A_578 = arith.constant 78 : i32
      %dma_wait3A_579 = arith.constant 0 : i32
      %dma_wait3A_580 = tpu.memref_slice %arg7[%dma_wait3A_578, %dma_wait3A_579] : memref<80x128xi32, #tpu.memory_space<vmem>> -> memref<1x128xi32, #tpu.memory_space<vmem>>
      %dma_wait3A_581 = tpu.memref_squeeze %dma_wait3A_580 : memref<1x128xi32, #tpu.memory_space<vmem>> -> memref<128xi32, #tpu.memory_space<vmem>>
      %dma_wait3A_582 = arith.constant 0 : i32
      %dma_wait3A_583 = arith.constant 0 : i32
      %dma_wait3A_584 = tpu.memref_slice %arg10[%dma_wait3A_582, %dma_wait3A_583] : memref<10000x128xf32, #tpu.memory_space<vmem_shared>> -> memref<10000x128xf32, #tpu.memory_space<vmem_shared>>
      tpu.wait_indirect_dma semaphore(%arg13 : memref<!tpu.dma_semaphore, #tpu.memory_space<semaphore_mem>>) src(%arg8 : memref<128x128xf32, #tpu.memory_space<vmem>>) dst(%dma_wait3A_584 : memref<10000x128xf32, #tpu.memory_space<vmem_shared>>)
      %dma_wait3A_585 = arith.constant 79 : i32
      %dma_wait3A_586 = arith.constant 0 : i32
      %dma_wait3A_587 = tpu.memref_slice %arg7[%dma_wait3A_585, %dma_wait3A_586] : memref<80x128xi32, #tpu.memory_space<vmem>> -> memref<1x128xi32, #tpu.memory_space<vmem>>
      %dma_wait3A_588 = tpu.memref_squeeze %dma_wait3A_587 : memref<1x128xi32, #tpu.memory_space<vmem>> -> memref<128xi32, #tpu.memory_space<vmem>>
      %dma_wait3A_589 = arith.constant 0 : i32
      %dma_wait3A_590 = arith.constant 0 : i32
      %dma_wait3A_591 = tpu.memref_slice %arg10[%dma_wait3A_589, %dma_wait3A_590] : memref<10000x128xf32, #tpu.memory_space<vmem_shared>> -> memref<10000x128xf32, #tpu.memory_space<vmem_shared>>
      tpu.wait_indirect_dma semaphore(%arg14 : memref<!tpu.dma_semaphore, #tpu.memory_space<semaphore_mem>>) src(%arg9 : memref<128x128xf32, #tpu.memory_space<vmem>>) dst(%dma_wait3A_591 : memref<10000x128xf32, #tpu.memory_space<vmem_shared>>)
    } else {
    }
    %eq3A_169 = arith.constant 31 : i32
    %eq3A_170 = arith.cmpi eq, %add3A, %eq3A_169 : i32
    %convert_element_type3A_171 = arith.extui %eq3A_170 : i1 to i32
    %cond3A_172 = arith.constant 0 : i32
    %cond3A_173 = arith.cmpi ne, %convert_element_type3A_171, %cond3A_172 : i32
    scf.if %cond3A_173 {
      %dma_wait3A_480 = arith.constant 0 : i32
      %dma_wait3A_481 = arith.constant 0 : i32
      %dma_wait3A_482 = tpu.memref_slice %arg6[%dma_wait3A_480, %dma_wait3A_481] : memref<40x128xi32, #tpu.memory_space<vmem>> -> memref<1x128xi32, #tpu.memory_space<vmem>>
      %dma_wait3A_483 = tpu.memref_squeeze %dma_wait3A_482 : memref<1x128xi32, #tpu.memory_space<vmem>> -> memref<128xi32, #tpu.memory_space<vmem>>
      %dma_wait3A_484 = arith.constant 0 : i32
      %dma_wait3A_485 = arith.constant 0 : i32
      %dma_wait3A_486 = tpu.memref_slice %arg2[%dma_wait3A_484, %dma_wait3A_485] : memref<10000x128xf32, #tpu.memory_space<hbm>> -> memref<10000x128xf32, #tpu.memory_space<hbm>>
      tpu.wait_indirect_dma semaphore(%arg11 : memref<!tpu.dma_semaphore, #tpu.memory_space<semaphore_mem>>) src(%dma_wait3A_486 : memref<10000x128xf32, #tpu.memory_space<hbm>>) dst(%arg8 : memref<128x128xf32, #tpu.memory_space<vmem>>)
      %dma_start3A_487 = arith.constant 0 : i32
      %dma_start3A_488 = arith.constant 0 : i32
      %dma_start3A_489 = tpu.memref_slice %arg7[%dma_start3A_487, %dma_start3A_488] : memref<80x128xi32, #tpu.memory_space<vmem>> -> memref<1x128xi32, #tpu.memory_space<vmem>>
      %dma_start3A_490 = tpu.memref_squeeze %dma_start3A_489 : memref<1x128xi32, #tpu.memory_space<vmem>> -> memref<128xi32, #tpu.memory_space<vmem>>
      %dma_start3A_491 = arith.constant 0 : i32
      %dma_start3A_492 = arith.constant 0 : i32
      %dma_start3A_493 = tpu.memref_slice %arg10[%dma_start3A_491, %dma_start3A_492] : memref<10000x128xf32, #tpu.memory_space<vmem_shared>> -> memref<10000x128xf32, #tpu.memory_space<vmem_shared>>
      tpu.enqueue_indirect_dma source(%arg8 : memref<128x128xf32, #tpu.memory_space<vmem>>) target(%dma_start3A_493 : memref<10000x128xf32, #tpu.memory_space<vmem_shared>>) offsets(%dma_start3A_490 : memref<128xi32, #tpu.memory_space<vmem>>) semaphore(%arg13 : memref<!tpu.dma_semaphore, #tpu.memory_space<semaphore_mem>>) {add = true}
      %scan3A_494 = arith.constant 0 : i32
      %scan3A_495 = arith.constant 9 : i32
      %scan3A_496 = arith.addi %scan3A_494, %scan3A_495 : i32
      %scan3A_497 = arith.constant 1 : i32
      scf.for %scan3A_527 = %scan3A_494 to %scan3A_496 step %scan3A_497  : i32 {
        %mul3A_528 = arith.constant 2 : i32
        %mul3A_529 = arith.muli %scan3A_527, %mul3A_528 : i32
        %add3A_530 = arith.constant 2 : i32
        %add3A_531 = arith.addi %add3A_530, %mul3A_529 : i32
        %add3A_532 = arith.constant 0 : i32
        %add3A_533 = arith.addi %add3A_531, %add3A_532 : i32
        %sub3A = arith.constant 2 : i32
        %sub3A_534 = arith.subi %add3A_533, %sub3A : i32
        %dma_wait3A_535 = arith.constant 0 : i32
        %dma_wait3A_536 = tpu.memref_slice %arg7[%sub3A_534, %dma_wait3A_535] : memref<80x128xi32, #tpu.memory_space<vmem>> -> memref<1x128xi32, #tpu.memory_space<vmem>>
        %dma_wait3A_537 = tpu.memref_squeeze %dma_wait3A_536 : memref<1x128xi32, #tpu.memory_space<vmem>> -> memref<128xi32, #tpu.memory_space<vmem>>
        %dma_wait3A_538 = arith.constant 0 : i32
        %dma_wait3A_539 = arith.constant 0 : i32
        %dma_wait3A_540 = tpu.memref_slice %arg10[%dma_wait3A_538, %dma_wait3A_539] : memref<10000x128xf32, #tpu.memory_space<vmem_shared>> -> memref<10000x128xf32, #tpu.memory_space<vmem_shared>>
        tpu.wait_indirect_dma semaphore(%arg13 : memref<!tpu.dma_semaphore, #tpu.memory_space<semaphore_mem>>) src(%arg8 : memref<128x128xf32, #tpu.memory_space<vmem>>) dst(%dma_wait3A_540 : memref<10000x128xf32, #tpu.memory_space<vmem_shared>>)
        %sub3A_541 = arith.constant 0 : i32
        %sub3A_542 = arith.subi %add3A_533, %sub3A_541 : i32
        %dma_start3A_543 = arith.constant 0 : i32
        %dma_start3A_544 = tpu.memref_slice %arg6[%sub3A_542, %dma_start3A_543] : memref<40x128xi32, #tpu.memory_space<vmem>> -> memref<1x128xi32, #tpu.memory_space<vmem>>
        %dma_start3A_545 = tpu.memref_squeeze %dma_start3A_544 : memref<1x128xi32, #tpu.memory_space<vmem>> -> memref<128xi32, #tpu.memory_space<vmem>>
        %dma_start3A_546 = arith.constant 0 : i32
        %dma_start3A_547 = arith.constant 0 : i32
        %dma_start3A_548 = tpu.memref_slice %arg2[%dma_start3A_546, %dma_start3A_547] : memref<10000x128xf32, #tpu.memory_space<hbm>> -> memref<10000x128xf32, #tpu.memory_space<hbm>>
        tpu.enqueue_indirect_dma source(%dma_start3A_548 : memref<10000x128xf32, #tpu.memory_space<hbm>>) target(%arg8 : memref<128x128xf32, #tpu.memory_space<vmem>>) offsets(%dma_start3A_545 : memref<128xi32, #tpu.memory_space<vmem>>) semaphore(%arg11 : memref<!tpu.dma_semaphore, #tpu.memory_space<semaphore_mem>>)
        %sub3A_549 = arith.constant 1 : i32
        %sub3A_550 = arith.subi %add3A_533, %sub3A_549 : i32
        %sub3A_551 = arith.constant 0 : i32
        %sub3A_552 = arith.subi %sub3A_550, %sub3A_551 : i32
        %dma_wait3A_553 = arith.constant 0 : i32
        %dma_wait3A_554 = tpu.memref_slice %arg6[%sub3A_552, %dma_wait3A_553] : memref<40x128xi32, #tpu.memory_space<vmem>> -> memref<1x128xi32, #tpu.memory_space<vmem>>
        %dma_wait3A_555 = tpu.memref_squeeze %dma_wait3A_554 : memref<1x128xi32, #tpu.memory_space<vmem>> -> memref<128xi32, #tpu.memory_space<vmem>>
        %dma_wait3A_556 = arith.constant 0 : i32
        %dma_wait3A_557 = arith.constant 0 : i32
        %dma_wait3A_558 = tpu.memref_slice %arg2[%dma_wait3A_556, %dma_wait3A_557] : memref<10000x128xf32, #tpu.memory_space<hbm>> -> memref<10000x128xf32, #tpu.memory_space<hbm>>
        tpu.wait_indirect_dma semaphore(%arg12 : memref<!tpu.dma_semaphore, #tpu.memory_space<semaphore_mem>>) src(%dma_wait3A_558 : memref<10000x128xf32, #tpu.memory_space<hbm>>) dst(%arg9 : memref<128x128xf32, #tpu.memory_space<vmem>>)
        %sub3A_559 = arith.constant 1 : i32
        %sub3A_560 = arith.subi %add3A_533, %sub3A_559 : i32
        %dma_start3A_561 = arith.constant 0 : i32
        %dma_start3A_562 = tpu.memref_slice %arg7[%sub3A_560, %dma_start3A_561] : memref<80x128xi32, #tpu.memory_space<vmem>> -> memref<1x128xi32, #tpu.memory_space<vmem>>
        %dma_start3A_563 = tpu.memref_squeeze %dma_start3A_562 : memref<1x128xi32, #tpu.memory_space<vmem>> -> memref<128xi32, #tpu.memory_space<vmem>>
        %dma_start3A_564 = arith.constant 0 : i32
        %dma_start3A_565 = arith.constant 0 : i32
        %dma_start3A_566 = tpu.memref_slice %arg10[%dma_start3A_564, %dma_start3A_565] : memref<10000x128xf32, #tpu.memory_space<vmem_shared>> -> memref<10000x128xf32, #tpu.memory_space<vmem_shared>>
        tpu.enqueue_indirect_dma source(%arg9 : memref<128x128xf32, #tpu.memory_space<vmem>>) target(%dma_start3A_566 : memref<10000x128xf32, #tpu.memory_space<vmem_shared>>) offsets(%dma_start3A_563 : memref<128xi32, #tpu.memory_space<vmem>>) semaphore(%arg14 : memref<!tpu.dma_semaphore, #tpu.memory_space<semaphore_mem>>) {add = true}
        %add3A_567 = arith.constant 1 : i32
        %add3A_568 = arith.addi %add3A_531, %add3A_567 : i32
        %sub3A_569 = arith.constant 2 : i32
        %sub3A_570 = arith.subi %add3A_568, %sub3A_569 : i32
        %dma_wait3A_571 = arith.constant 0 : i32
        %dma_wait3A_572 = tpu.memref_slice %arg7[%sub3A_570, %dma_wait3A_571] : memref<80x128xi32, #tpu.memory_space<vmem>> -> memref<1x128xi32, #tpu.memory_space<vmem>>
        %dma_wait3A_573 = tpu.memref_squeeze %dma_wait3A_572 : memref<1x128xi32, #tpu.memory_space<vmem>> -> memref<128xi32, #tpu.memory_space<vmem>>
        %dma_wait3A_574 = arith.constant 0 : i32
        %dma_wait3A_575 = arith.constant 0 : i32
        %dma_wait3A_576 = tpu.memref_slice %arg10[%dma_wait3A_574, %dma_wait3A_575] : memref<10000x128xf32, #tpu.memory_space<vmem_shared>> -> memref<10000x128xf32, #tpu.memory_space<vmem_shared>>
        tpu.wait_indirect_dma semaphore(%arg14 : memref<!tpu.dma_semaphore, #tpu.memory_space<semaphore_mem>>) src(%arg9 : memref<128x128xf32, #tpu.memory_space<vmem>>) dst(%dma_wait3A_576 : memref<10000x128xf32, #tpu.memory_space<vmem_shared>>)
        %sub3A_577 = arith.constant 0 : i32
        %sub3A_578 = arith.subi %add3A_568, %sub3A_577 : i32
        %dma_start3A_579 = arith.constant 0 : i32
        %dma_start3A_580 = tpu.memref_slice %arg6[%sub3A_578, %dma_start3A_579] : memref<40x128xi32, #tpu.memory_space<vmem>> -> memref<1x128xi32, #tpu.memory_space<vmem>>
        %dma_start3A_581 = tpu.memref_squeeze %dma_start3A_580 : memref<1x128xi32, #tpu.memory_space<vmem>> -> memref<128xi32, #tpu.memory_space<vmem>>
        %dma_start3A_582 = arith.constant 0 : i32
        %dma_start3A_583 = arith.constant 0 : i32
        %dma_start3A_584 = tpu.memref_slice %arg2[%dma_start3A_582, %dma_start3A_583] : memref<10000x128xf32, #tpu.memory_space<hbm>> -> memref<10000x128xf32, #tpu.memory_space<hbm>>
        tpu.enqueue_indirect_dma source(%dma_start3A_584 : memref<10000x128xf32, #tpu.memory_space<hbm>>) target(%arg9 : memref<128x128xf32, #tpu.memory_space<vmem>>) offsets(%dma_start3A_581 : memref<128xi32, #tpu.memory_space<vmem>>) semaphore(%arg12 : memref<!tpu.dma_semaphore, #tpu.memory_space<semaphore_mem>>)
        %sub3A_585 = arith.constant 1 : i32
        %sub3A_586 = arith.subi %add3A_568, %sub3A_585 : i32
        %sub3A_587 = arith.constant 0 : i32
        %sub3A_588 = arith.subi %sub3A_586, %sub3A_587 : i32
        %dma_wait3A_589 = arith.constant 0 : i32
        %dma_wait3A_590 = tpu.memref_slice %arg6[%sub3A_588, %dma_wait3A_589] : memref<40x128xi32, #tpu.memory_space<vmem>> -> memref<1x128xi32, #tpu.memory_space<vmem>>
        %dma_wait3A_591 = tpu.memref_squeeze %dma_wait3A_590 : memref<1x128xi32, #tpu.memory_space<vmem>> -> memref<128xi32, #tpu.memory_space<vmem>>
        %dma_wait3A_592 = arith.constant 0 : i32
        %dma_wait3A_593 = arith.constant 0 : i32
        %dma_wait3A_594 = tpu.memref_slice %arg2[%dma_wait3A_592, %dma_wait3A_593] : memref<10000x128xf32, #tpu.memory_space<hbm>> -> memref<10000x128xf32, #tpu.memory_space<hbm>>
        tpu.wait_indirect_dma semaphore(%arg11 : memref<!tpu.dma_semaphore, #tpu.memory_space<semaphore_mem>>) src(%dma_wait3A_594 : memref<10000x128xf32, #tpu.memory_space<hbm>>) dst(%arg8 : memref<128x128xf32, #tpu.memory_space<vmem>>)
        %sub3A_595 = arith.constant 1 : i32
        %sub3A_596 = arith.subi %add3A_568, %sub3A_595 : i32
        %dma_start3A_597 = arith.constant 0 : i32
        %dma_start3A_598 = tpu.memref_slice %arg7[%sub3A_596, %dma_start3A_597] : memref<80x128xi32, #tpu.memory_space<vmem>> -> memref<1x128xi32, #tpu.memory_space<vmem>>
        %dma_start3A_599 = tpu.memref_squeeze %dma_start3A_598 : memref<1x128xi32, #tpu.memory_space<vmem>> -> memref<128xi32, #tpu.memory_space<vmem>>
        %dma_start3A_600 = arith.constant 0 : i32
        %dma_start3A_601 = arith.constant 0 : i32
        %dma_start3A_602 = tpu.memref_slice %arg10[%dma_start3A_600, %dma_start3A_601] : memref<10000x128xf32, #tpu.memory_space<vmem_shared>> -> memref<10000x128xf32, #tpu.memory_space<vmem_shared>>
        tpu.enqueue_indirect_dma source(%arg8 : memref<128x128xf32, #tpu.memory_space<vmem>>) target(%dma_start3A_602 : memref<10000x128xf32, #tpu.memory_space<vmem_shared>>) offsets(%dma_start3A_599 : memref<128xi32, #tpu.memory_space<vmem>>) semaphore(%arg13 : memref<!tpu.dma_semaphore, #tpu.memory_space<semaphore_mem>>) {add = true}
      }
      %scan3A_498 = arith.constant 9 : i32
      %dma_wait3A_499 = arith.constant 19 : i32
      %dma_wait3A_500 = arith.constant 0 : i32
      %dma_wait3A_501 = tpu.memref_slice %arg6[%dma_wait3A_499, %dma_wait3A_500] : memref<40x128xi32, #tpu.memory_space<vmem>> -> memref<1x128xi32, #tpu.memory_space<vmem>>
      %dma_wait3A_502 = tpu.memref_squeeze %dma_wait3A_501 : memref<1x128xi32, #tpu.memory_space<vmem>> -> memref<128xi32, #tpu.memory_space<vmem>>
      %dma_wait3A_503 = arith.constant 0 : i32
      %dma_wait3A_504 = arith.constant 0 : i32
      %dma_wait3A_505 = tpu.memref_slice %arg2[%dma_wait3A_503, %dma_wait3A_504] : memref<10000x128xf32, #tpu.memory_space<hbm>> -> memref<10000x128xf32, #tpu.memory_space<hbm>>
      tpu.wait_indirect_dma semaphore(%arg12 : memref<!tpu.dma_semaphore, #tpu.memory_space<semaphore_mem>>) src(%dma_wait3A_505 : memref<10000x128xf32, #tpu.memory_space<hbm>>) dst(%arg9 : memref<128x128xf32, #tpu.memory_space<vmem>>)
      %dma_start3A_506 = arith.constant 19 : i32
      %dma_start3A_507 = arith.constant 0 : i32
      %dma_start3A_508 = tpu.memref_slice %arg7[%dma_start3A_506, %dma_start3A_507] : memref<80x128xi32, #tpu.memory_space<vmem>> -> memref<1x128xi32, #tpu.memory_space<vmem>>
      %dma_start3A_509 = tpu.memref_squeeze %dma_start3A_508 : memref<1x128xi32, #tpu.memory_space<vmem>> -> memref<128xi32, #tpu.memory_space<vmem>>
      %dma_start3A_510 = arith.constant 0 : i32
      %dma_start3A_511 = arith.constant 0 : i32
      %dma_start3A_512 = tpu.memref_slice %arg10[%dma_start3A_510, %dma_start3A_511] : memref<10000x128xf32, #tpu.memory_space<vmem_shared>> -> memref<10000x128xf32, #tpu.memory_space<vmem_shared>>
      tpu.enqueue_indirect_dma source(%arg9 : memref<128x128xf32, #tpu.memory_space<vmem>>) target(%dma_start3A_512 : memref<10000x128xf32, #tpu.memory_space<vmem_shared>>) offsets(%dma_start3A_509 : memref<128xi32, #tpu.memory_space<vmem>>) semaphore(%arg14 : memref<!tpu.dma_semaphore, #tpu.memory_space<semaphore_mem>>) {add = true}
      %dma_wait3A_513 = arith.constant 18 : i32
      %dma_wait3A_514 = arith.constant 0 : i32
      %dma_wait3A_515 = tpu.memref_slice %arg7[%dma_wait3A_513, %dma_wait3A_514] : memref<80x128xi32, #tpu.memory_space<vmem>> -> memref<1x128xi32, #tpu.memory_space<vmem>>
      %dma_wait3A_516 = tpu.memref_squeeze %dma_wait3A_515 : memref<1x128xi32, #tpu.memory_space<vmem>> -> memref<128xi32, #tpu.memory_space<vmem>>
      %dma_wait3A_517 = arith.constant 0 : i32
      %dma_wait3A_518 = arith.constant 0 : i32
      %dma_wait3A_519 = tpu.memref_slice %arg10[%dma_wait3A_517, %dma_wait3A_518] : memref<10000x128xf32, #tpu.memory_space<vmem_shared>> -> memref<10000x128xf32, #tpu.memory_space<vmem_shared>>
      tpu.wait_indirect_dma semaphore(%arg13 : memref<!tpu.dma_semaphore, #tpu.memory_space<semaphore_mem>>) src(%arg8 : memref<128x128xf32, #tpu.memory_space<vmem>>) dst(%dma_wait3A_519 : memref<10000x128xf32, #tpu.memory_space<vmem_shared>>)
      %dma_wait3A_520 = arith.constant 19 : i32
      %dma_wait3A_521 = arith.constant 0 : i32
      %dma_wait3A_522 = tpu.memref_slice %arg7[%dma_wait3A_520, %dma_wait3A_521] : memref<80x128xi32, #tpu.memory_space<vmem>> -> memref<1x128xi32, #tpu.memory_space<vmem>>
      %dma_wait3A_523 = tpu.memref_squeeze %dma_wait3A_522 : memref<1x128xi32, #tpu.memory_space<vmem>> -> memref<128xi32, #tpu.memory_space<vmem>>
      %dma_wait3A_524 = arith.constant 0 : i32
      %dma_wait3A_525 = arith.constant 0 : i32
      %dma_wait3A_526 = tpu.memref_slice %arg10[%dma_wait3A_524, %dma_wait3A_525] : memref<10000x128xf32, #tpu.memory_space<vmem_shared>> -> memref<10000x128xf32, #tpu.memory_space<vmem_shared>>
      tpu.wait_indirect_dma semaphore(%arg14 : memref<!tpu.dma_semaphore, #tpu.memory_space<semaphore_mem>>) src(%arg9 : memref<128x128xf32, #tpu.memory_space<vmem>>) dst(%dma_wait3A_526 : memref<10000x128xf32, #tpu.memory_space<vmem_shared>>)
    } else {
    }
    %barrier3A_174 = arith.constant 0 : index
    tpu.barrier barrier_id(%barrier3A_174)
    %mul3A_175 = arith.constant 624 : i32
    %mul3A_176 = arith.muli %arg1, %mul3A_175 : i32
    %add3A_177 = arith.constant 0 : i32
    %add3A_178 = arith.addi %mul3A_176, %add3A_177 : i32
    %dma_start3A_179 = arith.constant 0 : i32
    %dma_start3A_180 = arith.constant 0 : i32
    %dma_start3A_181 = tpu.memref_slice %arg8[%dma_start3A_179, %dma_start3A_180] : memref<128x128xf32, #tpu.memory_space<vmem>> -> memref<128x128xf32, #tpu.memory_space<vmem>>
    %dma_start3A_182 = arith.constant 0 : i32
    %dma_start3A_183 = tpu.memref_slice %arg10[%add3A_178, %dma_start3A_182] : memref<10000x128xf32, #tpu.memory_space<vmem_shared>> -> memref<128x128xf32, #tpu.memory_space<vmem_shared>>
    %dma_start3A_184 = arith.constant 0 : i32
    %dma_start3A_185 = arith.constant 0 : i32
    %dma_start3A_186 = tpu.memref_slice %arg8[%dma_start3A_184, %dma_start3A_185] : memref<128x128xf32, #tpu.memory_space<vmem>> -> memref<128x128xf32, #tpu.memory_space<vmem>>
    %dma_start3A_187 = arith.constant 0 : i32
    %dma_start3A_188 = tpu.memref_slice %arg10[%add3A_178, %dma_start3A_187] : memref<10000x128xf32, #tpu.memory_space<vmem_shared>> -> memref<128x128xf32, #tpu.memory_space<vmem_shared>>
    tpu.enqueue_dma source(%dma_start3A_188 : memref<128x128xf32, #tpu.memory_space<vmem_shared>>) target(%dma_start3A_186 : memref<128x128xf32, #tpu.memory_space<vmem>>) target_semaphore(%arg11 : memref<!tpu.dma_semaphore, #tpu.memory_space<semaphore_mem>>)
    %mul3A_189 = arith.constant 624 : i32
    %mul3A_190 = arith.muli %arg1, %mul3A_189 : i32
    %add3A_191 = arith.constant 128 : i32
    %add3A_192 = arith.addi %mul3A_190, %add3A_191 : i32
    %dma_start3A_193 = arith.constant 0 : i32
    %dma_start3A_194 = arith.constant 0 : i32
    %dma_start3A_195 = tpu.memref_slice %arg9[%dma_start3A_193, %dma_start3A_194] : memref<128x128xf32, #tpu.memory_space<vmem>> -> memref<128x128xf32, #tpu.memory_space<vmem>>
    %dma_start3A_196 = arith.constant 0 : i32
    %dma_start3A_197 = tpu.memref_slice %arg10[%add3A_192, %dma_start3A_196] : memref<10000x128xf32, #tpu.memory_space<vmem_shared>> -> memref<128x128xf32, #tpu.memory_space<vmem_shared>>
    %dma_start3A_198 = arith.constant 0 : i32
    %dma_start3A_199 = arith.constant 0 : i32
    %dma_start3A_200 = tpu.memref_slice %arg9[%dma_start3A_198, %dma_start3A_199] : memref<128x128xf32, #tpu.memory_space<vmem>> -> memref<128x128xf32, #tpu.memory_space<vmem>>
    %dma_start3A_201 = arith.constant 0 : i32
    %dma_start3A_202 = tpu.memref_slice %arg10[%add3A_192, %dma_start3A_201] : memref<10000x128xf32, #tpu.memory_space<vmem_shared>> -> memref<128x128xf32, #tpu.memory_space<vmem_shared>>
    tpu.enqueue_dma source(%dma_start3A_202 : memref<128x128xf32, #tpu.memory_space<vmem_shared>>) target(%dma_start3A_200 : memref<128x128xf32, #tpu.memory_space<vmem>>) target_semaphore(%arg12 : memref<!tpu.dma_semaphore, #tpu.memory_space<semaphore_mem>>)
    %mul3A_203 = arith.constant 624 : i32
    %mul3A_204 = arith.muli %arg1, %mul3A_203 : i32
    %add3A_205 = arith.constant 0 : i32
    %add3A_206 = arith.addi %mul3A_204, %add3A_205 : i32
    %dma_wait3A_207 = arith.constant 0 : i32
    %dma_wait3A_208 = arith.constant 0 : i32
    %dma_wait3A_209 = tpu.memref_slice %arg8[%dma_wait3A_207, %dma_wait3A_208] : memref<128x128xf32, #tpu.memory_space<vmem>> -> memref<128x128xf32, #tpu.memory_space<vmem>>
    %dma_wait3A_210 = arith.constant 0 : i32
    %dma_wait3A_211 = tpu.memref_slice %arg10[%add3A_206, %dma_wait3A_210] : memref<10000x128xf32, #tpu.memory_space<vmem_shared>> -> memref<128x128xf32, #tpu.memory_space<vmem_shared>>
    %dma_wait3A_212 = arith.constant 0 : i32
    %dma_wait3A_213 = arith.constant 0 : i32
    %dma_wait3A_214 = tpu.memref_slice %arg8[%dma_wait3A_212, %dma_wait3A_213] : memref<128x128xf32, #tpu.memory_space<vmem>> -> memref<128x128xf32, #tpu.memory_space<vmem>>
    %dma_wait3A_215 = arith.constant 0 : i32
    %dma_wait3A_216 = tpu.memref_slice %arg10[%add3A_206, %dma_wait3A_215] : memref<10000x128xf32, #tpu.memory_space<vmem_shared>> -> memref<128x128xf32, #tpu.memory_space<vmem_shared>>
    tpu.wait_dma2 semaphore(%arg11 : memref<!tpu.dma_semaphore, #tpu.memory_space<semaphore_mem>>) src(%dma_wait3A_216 : memref<128x128xf32, #tpu.memory_space<vmem_shared>>) dst(%dma_wait3A_214 : memref<128x128xf32, #tpu.memory_space<vmem>>)
    %mul3A_217 = arith.constant 624 : i32
    %mul3A_218 = arith.muli %arg1, %mul3A_217 : i32
    %add3A_219 = arith.constant 0 : i32
    %add3A_220 = arith.addi %mul3A_218, %add3A_219 : i32
    %dma_start3A_221 = arith.constant 0 : i32
    %dma_start3A_222 = arith.constant 0 : i32
    %dma_start3A_223 = tpu.memref_slice %arg8[%dma_start3A_221, %dma_start3A_222] : memref<128x128xf32, #tpu.memory_space<vmem>> -> memref<128x128xf32, #tpu.memory_space<vmem>>
    %dma_start3A_224 = arith.constant 0 : i32
    %dma_start3A_225 = tpu.memref_slice %arg5[%arg0, %add3A_220, %dma_start3A_224] : memref<2x10000x128xf32, #tpu.memory_space<hbm>> -> memref<1x128x128xf32, #tpu.memory_space<hbm>>
    %dma_start3A_226 = tpu.memref_squeeze %dma_start3A_225 : memref<1x128x128xf32, #tpu.memory_space<hbm>> -> memref<128x128xf32, #tpu.memory_space<hbm>>
    %dma_start3A_227 = arith.constant 0 : i32
    %dma_start3A_228 = tpu.memref_slice %arg5[%arg0, %add3A_220, %dma_start3A_227] : memref<2x10000x128xf32, #tpu.memory_space<hbm>> -> memref<1x128x128xf32, #tpu.memory_space<hbm>>
    %dma_start3A_229 = tpu.memref_squeeze %dma_start3A_228 : memref<1x128x128xf32, #tpu.memory_space<hbm>> -> memref<128x128xf32, #tpu.memory_space<hbm>>
    %dma_start3A_230 = arith.constant 0 : i32
    %dma_start3A_231 = arith.constant 0 : i32
    %dma_start3A_232 = tpu.memref_slice %arg8[%dma_start3A_230, %dma_start3A_231] : memref<128x128xf32, #tpu.memory_space<vmem>> -> memref<128x128xf32, #tpu.memory_space<vmem>>
    tpu.enqueue_dma source(%dma_start3A_232 : memref<128x128xf32, #tpu.memory_space<vmem>>) target(%dma_start3A_229 : memref<128x128xf32, #tpu.memory_space<hbm>>) target_semaphore(%arg13 : memref<!tpu.dma_semaphore, #tpu.memory_space<semaphore_mem>>)
    %mul3A_233 = arith.constant 624 : i32
    %mul3A_234 = arith.muli %arg1, %mul3A_233 : i32
    %add3A_235 = arith.constant 0 : i32
    %add3A_236 = arith.addi %mul3A_234, %add3A_235 : i32
    %dma_wait3A_237 = arith.constant 0 : i32
    %dma_wait3A_238 = arith.constant 0 : i32
    %dma_wait3A_239 = tpu.memref_slice %arg8[%dma_wait3A_237, %dma_wait3A_238] : memref<128x128xf32, #tpu.memory_space<vmem>> -> memref<128x128xf32, #tpu.memory_space<vmem>>
    %dma_wait3A_240 = arith.constant 0 : i32
    %dma_wait3A_241 = tpu.memref_slice %arg5[%arg0, %add3A_236, %dma_wait3A_240] : memref<2x10000x128xf32, #tpu.memory_space<hbm>> -> memref<1x128x128xf32, #tpu.memory_space<hbm>>
    %dma_wait3A_242 = tpu.memref_squeeze %dma_wait3A_241 : memref<1x128x128xf32, #tpu.memory_space<hbm>> -> memref<128x128xf32, #tpu.memory_space<hbm>>
    %dma_wait3A_243 = arith.constant 0 : i32
    %dma_wait3A_244 = tpu.memref_slice %arg5[%arg0, %add3A_236, %dma_wait3A_243] : memref<2x10000x128xf32, #tpu.memory_space<hbm>> -> memref<1x128x128xf32, #tpu.memory_space<hbm>>
    %dma_wait3A_245 = tpu.memref_squeeze %dma_wait3A_244 : memref<1x128x128xf32, #tpu.memory_space<hbm>> -> memref<128x128xf32, #tpu.memory_space<hbm>>
    %dma_wait3A_246 = arith.constant 0 : i32
    %dma_wait3A_247 = arith.constant 0 : i32
    %dma_wait3A_248 = tpu.memref_slice %arg8[%dma_wait3A_246, %dma_wait3A_247] : memref<128x128xf32, #tpu.memory_space<vmem>> -> memref<128x128xf32, #tpu.memory_space<vmem>>
    tpu.wait_dma2 semaphore(%arg13 : memref<!tpu.dma_semaphore, #tpu.memory_space<semaphore_mem>>) src(%dma_wait3A_248 : memref<128x128xf32, #tpu.memory_space<vmem>>) dst(%dma_wait3A_245 : memref<128x128xf32, #tpu.memory_space<hbm>>)
    %mul3A_249 = arith.constant 624 : i32
    %mul3A_250 = arith.muli %arg1, %mul3A_249 : i32
    %add3A_251 = arith.constant 256 : i32
    %add3A_252 = arith.addi %mul3A_250, %add3A_251 : i32
    %dma_start3A_253 = arith.constant 0 : i32
    %dma_start3A_254 = arith.constant 0 : i32
    %dma_start3A_255 = tpu.memref_slice %arg8[%dma_start3A_253, %dma_start3A_254] : memref<128x128xf32, #tpu.memory_space<vmem>> -> memref<128x128xf32, #tpu.memory_space<vmem>>
    %dma_start3A_256 = arith.constant 0 : i32
    %dma_start3A_257 = tpu.memref_slice %arg10[%add3A_252, %dma_start3A_256] : memref<10000x128xf32, #tpu.memory_space<vmem_shared>> -> memref<128x128xf32, #tpu.memory_space<vmem_shared>>
    %dma_start3A_258 = arith.constant 0 : i32
    %dma_start3A_259 = arith.constant 0 : i32
    %dma_start3A_260 = tpu.memref_slice %arg8[%dma_start3A_258, %dma_start3A_259] : memref<128x128xf32, #tpu.memory_space<vmem>> -> memref<128x128xf32, #tpu.memory_space<vmem>>
    %dma_start3A_261 = arith.constant 0 : i32
    %dma_start3A_262 = tpu.memref_slice %arg10[%add3A_252, %dma_start3A_261] : memref<10000x128xf32, #tpu.memory_space<vmem_shared>> -> memref<128x128xf32, #tpu.memory_space<vmem_shared>>
    tpu.enqueue_dma source(%dma_start3A_262 : memref<128x128xf32, #tpu.memory_space<vmem_shared>>) target(%dma_start3A_260 : memref<128x128xf32, #tpu.memory_space<vmem>>) target_semaphore(%arg11 : memref<!tpu.dma_semaphore, #tpu.memory_space<semaphore_mem>>)
    %mul3A_263 = arith.constant 624 : i32
    %mul3A_264 = arith.muli %arg1, %mul3A_263 : i32
    %add3A_265 = arith.constant 128 : i32
    %add3A_266 = arith.addi %mul3A_264, %add3A_265 : i32
    %dma_wait3A_267 = arith.constant 0 : i32
    %dma_wait3A_268 = arith.constant 0 : i32
    %dma_wait3A_269 = tpu.memref_slice %arg9[%dma_wait3A_267, %dma_wait3A_268] : memref<128x128xf32, #tpu.memory_space<vmem>> -> memref<128x128xf32, #tpu.memory_space<vmem>>
    %dma_wait3A_270 = arith.constant 0 : i32
    %dma_wait3A_271 = tpu.memref_slice %arg10[%add3A_266, %dma_wait3A_270] : memref<10000x128xf32, #tpu.memory_space<vmem_shared>> -> memref<128x128xf32, #tpu.memory_space<vmem_shared>>
    %dma_wait3A_272 = arith.constant 0 : i32
    %dma_wait3A_273 = arith.constant 0 : i32
    %dma_wait3A_274 = tpu.memref_slice %arg9[%dma_wait3A_272, %dma_wait3A_273] : memref<128x128xf32, #tpu.memory_space<vmem>> -> memref<128x128xf32, #tpu.memory_space<vmem>>
    %dma_wait3A_275 = arith.constant 0 : i32
    %dma_wait3A_276 = tpu.memref_slice %arg10[%add3A_266, %dma_wait3A_275] : memref<10000x128xf32, #tpu.memory_space<vmem_shared>> -> memref<128x128xf32, #tpu.memory_space<vmem_shared>>
    tpu.wait_dma2 semaphore(%arg12 : memref<!tpu.dma_semaphore, #tpu.memory_space<semaphore_mem>>) src(%dma_wait3A_276 : memref<128x128xf32, #tpu.memory_space<vmem_shared>>) dst(%dma_wait3A_274 : memref<128x128xf32, #tpu.memory_space<vmem>>)
    %mul3A_277 = arith.constant 624 : i32
    %mul3A_278 = arith.muli %arg1, %mul3A_277 : i32
    %add3A_279 = arith.constant 128 : i32
    %add3A_280 = arith.addi %mul3A_278, %add3A_279 : i32
    %dma_start3A_281 = arith.constant 0 : i32
    %dma_start3A_282 = arith.constant 0 : i32
    %dma_start3A_283 = tpu.memref_slice %arg9[%dma_start3A_281, %dma_start3A_282] : memref<128x128xf32, #tpu.memory_space<vmem>> -> memref<128x128xf32, #tpu.memory_space<vmem>>
    %dma_start3A_284 = arith.constant 0 : i32
    %dma_start3A_285 = tpu.memref_slice %arg5[%arg0, %add3A_280, %dma_start3A_284] : memref<2x10000x128xf32, #tpu.memory_space<hbm>> -> memref<1x128x128xf32, #tpu.memory_space<hbm>>
    %dma_start3A_286 = tpu.memref_squeeze %dma_start3A_285 : memref<1x128x128xf32, #tpu.memory_space<hbm>> -> memref<128x128xf32, #tpu.memory_space<hbm>>
    %dma_start3A_287 = arith.constant 0 : i32
    %dma_start3A_288 = tpu.memref_slice %arg5[%arg0, %add3A_280, %dma_start3A_287] : memref<2x10000x128xf32, #tpu.memory_space<hbm>> -> memref<1x128x128xf32, #tpu.memory_space<hbm>>
    %dma_start3A_289 = tpu.memref_squeeze %dma_start3A_288 : memref<1x128x128xf32, #tpu.memory_space<hbm>> -> memref<128x128xf32, #tpu.memory_space<hbm>>
    %dma_start3A_290 = arith.constant 0 : i32
    %dma_start3A_291 = arith.constant 0 : i32
    %dma_start3A_292 = tpu.memref_slice %arg9[%dma_start3A_290, %dma_start3A_291] : memref<128x128xf32, #tpu.memory_space<vmem>> -> memref<128x128xf32, #tpu.memory_space<vmem>>
    tpu.enqueue_dma source(%dma_start3A_292 : memref<128x128xf32, #tpu.memory_space<vmem>>) target(%dma_start3A_289 : memref<128x128xf32, #tpu.memory_space<hbm>>) target_semaphore(%arg14 : memref<!tpu.dma_semaphore, #tpu.memory_space<semaphore_mem>>)
    %mul3A_293 = arith.constant 624 : i32
    %mul3A_294 = arith.muli %arg1, %mul3A_293 : i32
    %add3A_295 = arith.constant 128 : i32
    %add3A_296 = arith.addi %mul3A_294, %add3A_295 : i32
    %dma_wait3A_297 = arith.constant 0 : i32
    %dma_wait3A_298 = arith.constant 0 : i32
    %dma_wait3A_299 = tpu.memref_slice %arg9[%dma_wait3A_297, %dma_wait3A_298] : memref<128x128xf32, #tpu.memory_space<vmem>> -> memref<128x128xf32, #tpu.memory_space<vmem>>
    %dma_wait3A_300 = arith.constant 0 : i32
    %dma_wait3A_301 = tpu.memref_slice %arg5[%arg0, %add3A_296, %dma_wait3A_300] : memref<2x10000x128xf32, #tpu.memory_space<hbm>> -> memref<1x128x128xf32, #tpu.memory_space<hbm>>
    %dma_wait3A_302 = tpu.memref_squeeze %dma_wait3A_301 : memref<1x128x128xf32, #tpu.memory_space<hbm>> -> memref<128x128xf32, #tpu.memory_space<hbm>>
    %dma_wait3A_303 = arith.constant 0 : i32
    %dma_wait3A_304 = tpu.memref_slice %arg5[%arg0, %add3A_296, %dma_wait3A_303] : memref<2x10000x128xf32, #tpu.memory_space<hbm>> -> memref<1x128x128xf32, #tpu.memory_space<hbm>>
    %dma_wait3A_305 = tpu.memref_squeeze %dma_wait3A_304 : memref<1x128x128xf32, #tpu.memory_space<hbm>> -> memref<128x128xf32, #tpu.memory_space<hbm>>
    %dma_wait3A_306 = arith.constant 0 : i32
    %dma_wait3A_307 = arith.constant 0 : i32
    %dma_wait3A_308 = tpu.memref_slice %arg9[%dma_wait3A_306, %dma_wait3A_307] : memref<128x128xf32, #tpu.memory_space<vmem>> -> memref<128x128xf32, #tpu.memory_space<vmem>>
    tpu.wait_dma2 semaphore(%arg14 : memref<!tpu.dma_semaphore, #tpu.memory_space<semaphore_mem>>) src(%dma_wait3A_308 : memref<128x128xf32, #tpu.memory_space<vmem>>) dst(%dma_wait3A_305 : memref<128x128xf32, #tpu.memory_space<hbm>>)
    %mul3A_309 = arith.constant 624 : i32
    %mul3A_310 = arith.muli %arg1, %mul3A_309 : i32
    %add3A_311 = arith.constant 384 : i32
    %add3A_312 = arith.addi %mul3A_310, %add3A_311 : i32
    %dma_start3A_313 = arith.constant 0 : i32
    %dma_start3A_314 = arith.constant 0 : i32
    %dma_start3A_315 = tpu.memref_slice %arg9[%dma_start3A_313, %dma_start3A_314] : memref<128x128xf32, #tpu.memory_space<vmem>> -> memref<128x128xf32, #tpu.memory_space<vmem>>
    %dma_start3A_316 = arith.constant 0 : i32
    %dma_start3A_317 = tpu.memref_slice %arg10[%add3A_312, %dma_start3A_316] : memref<10000x128xf32, #tpu.memory_space<vmem_shared>> -> memref<128x128xf32, #tpu.memory_space<vmem_shared>>
    %dma_start3A_318 = arith.constant 0 : i32
    %dma_start3A_319 = arith.constant 0 : i32
    %dma_start3A_320 = tpu.memref_slice %arg9[%dma_start3A_318, %dma_start3A_319] : memref<128x128xf32, #tpu.memory_space<vmem>> -> memref<128x128xf32, #tpu.memory_space<vmem>>
    %dma_start3A_321 = arith.constant 0 : i32
    %dma_start3A_322 = tpu.memref_slice %arg10[%add3A_312, %dma_start3A_321] : memref<10000x128xf32, #tpu.memory_space<vmem_shared>> -> memref<128x128xf32, #tpu.memory_space<vmem_shared>>
    tpu.enqueue_dma source(%dma_start3A_322 : memref<128x128xf32, #tpu.memory_space<vmem_shared>>) target(%dma_start3A_320 : memref<128x128xf32, #tpu.memory_space<vmem>>) target_semaphore(%arg12 : memref<!tpu.dma_semaphore, #tpu.memory_space<semaphore_mem>>)
    %mul3A_323 = arith.constant 624 : i32
    %mul3A_324 = arith.muli %arg1, %mul3A_323 : i32
    %add3A_325 = arith.constant 256 : i32
    %add3A_326 = arith.addi %mul3A_324, %add3A_325 : i32
    %dma_wait3A_327 = arith.constant 0 : i32
    %dma_wait3A_328 = arith.constant 0 : i32
    %dma_wait3A_329 = tpu.memref_slice %arg8[%dma_wait3A_327, %dma_wait3A_328] : memref<128x128xf32, #tpu.memory_space<vmem>> -> memref<128x128xf32, #tpu.memory_space<vmem>>
    %dma_wait3A_330 = arith.constant 0 : i32
    %dma_wait3A_331 = tpu.memref_slice %arg10[%add3A_326, %dma_wait3A_330] : memref<10000x128xf32, #tpu.memory_space<vmem_shared>> -> memref<128x128xf32, #tpu.memory_space<vmem_shared>>
    %dma_wait3A_332 = arith.constant 0 : i32
    %dma_wait3A_333 = arith.constant 0 : i32
    %dma_wait3A_334 = tpu.memref_slice %arg8[%dma_wait3A_332, %dma_wait3A_333] : memref<128x128xf32, #tpu.memory_space<vmem>> -> memref<128x128xf32, #tpu.memory_space<vmem>>
    %dma_wait3A_335 = arith.constant 0 : i32
    %dma_wait3A_336 = tpu.memref_slice %arg10[%add3A_326, %dma_wait3A_335] : memref<10000x128xf32, #tpu.memory_space<vmem_shared>> -> memref<128x128xf32, #tpu.memory_space<vmem_shared>>
    tpu.wait_dma2 semaphore(%arg11 : memref<!tpu.dma_semaphore, #tpu.memory_space<semaphore_mem>>) src(%dma_wait3A_336 : memref<128x128xf32, #tpu.memory_space<vmem_shared>>) dst(%dma_wait3A_334 : memref<128x128xf32, #tpu.memory_space<vmem>>)
    %mul3A_337 = arith.constant 624 : i32
    %mul3A_338 = arith.muli %arg1, %mul3A_337 : i32
    %add3A_339 = arith.constant 256 : i32
    %add3A_340 = arith.addi %mul3A_338, %add3A_339 : i32
    %dma_start3A_341 = arith.constant 0 : i32
    %dma_start3A_342 = arith.constant 0 : i32
    %dma_start3A_343 = tpu.memref_slice %arg8[%dma_start3A_341, %dma_start3A_342] : memref<128x128xf32, #tpu.memory_space<vmem>> -> memref<128x128xf32, #tpu.memory_space<vmem>>
    %dma_start3A_344 = arith.constant 0 : i32
    %dma_start3A_345 = tpu.memref_slice %arg5[%arg0, %add3A_340, %dma_start3A_344] : memref<2x10000x128xf32, #tpu.memory_space<hbm>> -> memref<1x128x128xf32, #tpu.memory_space<hbm>>
    %dma_start3A_346 = tpu.memref_squeeze %dma_start3A_345 : memref<1x128x128xf32, #tpu.memory_space<hbm>> -> memref<128x128xf32, #tpu.memory_space<hbm>>
    %dma_start3A_347 = arith.constant 0 : i32
    %dma_start3A_348 = tpu.memref_slice %arg5[%arg0, %add3A_340, %dma_start3A_347] : memref<2x10000x128xf32, #tpu.memory_space<hbm>> -> memref<1x128x128xf32, #tpu.memory_space<hbm>>
    %dma_start3A_349 = tpu.memref_squeeze %dma_start3A_348 : memref<1x128x128xf32, #tpu.memory_space<hbm>> -> memref<128x128xf32, #tpu.memory_space<hbm>>
    %dma_start3A_350 = arith.constant 0 : i32
    %dma_start3A_351 = arith.constant 0 : i32
    %dma_start3A_352 = tpu.memref_slice %arg8[%dma_start3A_350, %dma_start3A_351] : memref<128x128xf32, #tpu.memory_space<vmem>> -> memref<128x128xf32, #tpu.memory_space<vmem>>
    tpu.enqueue_dma source(%dma_start3A_352 : memref<128x128xf32, #tpu.memory_space<vmem>>) target(%dma_start3A_349 : memref<128x128xf32, #tpu.memory_space<hbm>>) target_semaphore(%arg13 : memref<!tpu.dma_semaphore, #tpu.memory_space<semaphore_mem>>)
    %mul3A_353 = arith.constant 624 : i32
    %mul3A_354 = arith.muli %arg1, %mul3A_353 : i32
    %add3A_355 = arith.constant 256 : i32
    %add3A_356 = arith.addi %mul3A_354, %add3A_355 : i32
    %dma_wait3A_357 = arith.constant 0 : i32
    %dma_wait3A_358 = arith.constant 0 : i32
    %dma_wait3A_359 = tpu.memref_slice %arg8[%dma_wait3A_357, %dma_wait3A_358] : memref<128x128xf32, #tpu.memory_space<vmem>> -> memref<128x128xf32, #tpu.memory_space<vmem>>
    %dma_wait3A_360 = arith.constant 0 : i32
    %dma_wait3A_361 = tpu.memref_slice %arg5[%arg0, %add3A_356, %dma_wait3A_360] : memref<2x10000x128xf32, #tpu.memory_space<hbm>> -> memref<1x128x128xf32, #tpu.memory_space<hbm>>
    %dma_wait3A_362 = tpu.memref_squeeze %dma_wait3A_361 : memref<1x128x128xf32, #tpu.memory_space<hbm>> -> memref<128x128xf32, #tpu.memory_space<hbm>>
    %dma_wait3A_363 = arith.constant 0 : i32
    %dma_wait3A_364 = tpu.memref_slice %arg5[%arg0, %add3A_356, %dma_wait3A_363] : memref<2x10000x128xf32, #tpu.memory_space<hbm>> -> memref<1x128x128xf32, #tpu.memory_space<hbm>>
    %dma_wait3A_365 = tpu.memref_squeeze %dma_wait3A_364 : memref<1x128x128xf32, #tpu.memory_space<hbm>> -> memref<128x128xf32, #tpu.memory_space<hbm>>
    %dma_wait3A_366 = arith.constant 0 : i32
    %dma_wait3A_367 = arith.constant 0 : i32
    %dma_wait3A_368 = tpu.memref_slice %arg8[%dma_wait3A_366, %dma_wait3A_367] : memref<128x128xf32, #tpu.memory_space<vmem>> -> memref<128x128xf32, #tpu.memory_space<vmem>>
    tpu.wait_dma2 semaphore(%arg13 : memref<!tpu.dma_semaphore, #tpu.memory_space<semaphore_mem>>) src(%dma_wait3A_368 : memref<128x128xf32, #tpu.memory_space<vmem>>) dst(%dma_wait3A_365 : memref<128x128xf32, #tpu.memory_space<hbm>>)
    %mul3A_369 = arith.constant 624 : i32
    %mul3A_370 = arith.muli %arg1, %mul3A_369 : i32
    %add3A_371 = arith.constant 512 : i32
    %add3A_372 = arith.addi %mul3A_370, %add3A_371 : i32
    %dma_start3A_373 = arith.constant 0 : i32
    %dma_start3A_374 = arith.constant 0 : i32
    %dma_start3A_375 = tpu.memref_slice %arg8[%dma_start3A_373, %dma_start3A_374] : memref<128x128xf32, #tpu.memory_space<vmem>> -> memref<112x128xf32, #tpu.memory_space<vmem>>
    %dma_start3A_376 = arith.constant 0 : i32
    %dma_start3A_377 = tpu.memref_slice %arg10[%add3A_372, %dma_start3A_376] : memref<10000x128xf32, #tpu.memory_space<vmem_shared>> -> memref<112x128xf32, #tpu.memory_space<vmem_shared>>
    %dma_start3A_378 = arith.constant 0 : i32
    %dma_start3A_379 = arith.constant 0 : i32
    %dma_start3A_380 = tpu.memref_slice %arg8[%dma_start3A_378, %dma_start3A_379] : memref<128x128xf32, #tpu.memory_space<vmem>> -> memref<112x128xf32, #tpu.memory_space<vmem>>
    %dma_start3A_381 = arith.constant 0 : i32
    %dma_start3A_382 = tpu.memref_slice %arg10[%add3A_372, %dma_start3A_381] : memref<10000x128xf32, #tpu.memory_space<vmem_shared>> -> memref<112x128xf32, #tpu.memory_space<vmem_shared>>
    tpu.enqueue_dma source(%dma_start3A_382 : memref<112x128xf32, #tpu.memory_space<vmem_shared>>) target(%dma_start3A_380 : memref<112x128xf32, #tpu.memory_space<vmem>>) target_semaphore(%arg11 : memref<!tpu.dma_semaphore, #tpu.memory_space<semaphore_mem>>)
    %mul3A_383 = arith.constant 624 : i32
    %mul3A_384 = arith.muli %arg1, %mul3A_383 : i32
    %add3A_385 = arith.constant 384 : i32
    %add3A_386 = arith.addi %mul3A_384, %add3A_385 : i32
    %dma_wait3A_387 = arith.constant 0 : i32
    %dma_wait3A_388 = arith.constant 0 : i32
    %dma_wait3A_389 = tpu.memref_slice %arg9[%dma_wait3A_387, %dma_wait3A_388] : memref<128x128xf32, #tpu.memory_space<vmem>> -> memref<128x128xf32, #tpu.memory_space<vmem>>
    %dma_wait3A_390 = arith.constant 0 : i32
    %dma_wait3A_391 = tpu.memref_slice %arg10[%add3A_386, %dma_wait3A_390] : memref<10000x128xf32, #tpu.memory_space<vmem_shared>> -> memref<128x128xf32, #tpu.memory_space<vmem_shared>>
    %dma_wait3A_392 = arith.constant 0 : i32
    %dma_wait3A_393 = arith.constant 0 : i32
    %dma_wait3A_394 = tpu.memref_slice %arg9[%dma_wait3A_392, %dma_wait3A_393] : memref<128x128xf32, #tpu.memory_space<vmem>> -> memref<128x128xf32, #tpu.memory_space<vmem>>
    %dma_wait3A_395 = arith.constant 0 : i32
    %dma_wait3A_396 = tpu.memref_slice %arg10[%add3A_386, %dma_wait3A_395] : memref<10000x128xf32, #tpu.memory_space<vmem_shared>> -> memref<128x128xf32, #tpu.memory_space<vmem_shared>>
    tpu.wait_dma2 semaphore(%arg12 : memref<!tpu.dma_semaphore, #tpu.memory_space<semaphore_mem>>) src(%dma_wait3A_396 : memref<128x128xf32, #tpu.memory_space<vmem_shared>>) dst(%dma_wait3A_394 : memref<128x128xf32, #tpu.memory_space<vmem>>)
    %mul3A_397 = arith.constant 624 : i32
    %mul3A_398 = arith.muli %arg1, %mul3A_397 : i32
    %add3A_399 = arith.constant 384 : i32
    %add3A_400 = arith.addi %mul3A_398, %add3A_399 : i32
    %dma_start3A_401 = arith.constant 0 : i32
    %dma_start3A_402 = arith.constant 0 : i32
    %dma_start3A_403 = tpu.memref_slice %arg9[%dma_start3A_401, %dma_start3A_402] : memref<128x128xf32, #tpu.memory_space<vmem>> -> memref<128x128xf32, #tpu.memory_space<vmem>>
    %dma_start3A_404 = arith.constant 0 : i32
    %dma_start3A_405 = tpu.memref_slice %arg5[%arg0, %add3A_400, %dma_start3A_404] : memref<2x10000x128xf32, #tpu.memory_space<hbm>> -> memref<1x128x128xf32, #tpu.memory_space<hbm>>
    %dma_start3A_406 = tpu.memref_squeeze %dma_start3A_405 : memref<1x128x128xf32, #tpu.memory_space<hbm>> -> memref<128x128xf32, #tpu.memory_space<hbm>>
    %dma_start3A_407 = arith.constant 0 : i32
    %dma_start3A_408 = tpu.memref_slice %arg5[%arg0, %add3A_400, %dma_start3A_407] : memref<2x10000x128xf32, #tpu.memory_space<hbm>> -> memref<1x128x128xf32, #tpu.memory_space<hbm>>
    %dma_start3A_409 = tpu.memref_squeeze %dma_start3A_408 : memref<1x128x128xf32, #tpu.memory_space<hbm>> -> memref<128x128xf32, #tpu.memory_space<hbm>>
    %dma_start3A_410 = arith.constant 0 : i32
    %dma_start3A_411 = arith.constant 0 : i32
    %dma_start3A_412 = tpu.memref_slice %arg9[%dma_start3A_410, %dma_start3A_411] : memref<128x128xf32, #tpu.memory_space<vmem>> -> memref<128x128xf32, #tpu.memory_space<vmem>>
    tpu.enqueue_dma source(%dma_start3A_412 : memref<128x128xf32, #tpu.memory_space<vmem>>) target(%dma_start3A_409 : memref<128x128xf32, #tpu.memory_space<hbm>>) target_semaphore(%arg14 : memref<!tpu.dma_semaphore, #tpu.memory_space<semaphore_mem>>)
    %mul3A_413 = arith.constant 624 : i32
    %mul3A_414 = arith.muli %arg1, %mul3A_413 : i32
    %add3A_415 = arith.constant 512 : i32
    %add3A_416 = arith.addi %mul3A_414, %add3A_415 : i32
    %dma_wait3A_417 = arith.constant 0 : i32
    %dma_wait3A_418 = arith.constant 0 : i32
    %dma_wait3A_419 = tpu.memref_slice %arg8[%dma_wait3A_417, %dma_wait3A_418] : memref<128x128xf32, #tpu.memory_space<vmem>> -> memref<112x128xf32, #tpu.memory_space<vmem>>
    %dma_wait3A_420 = arith.constant 0 : i32
    %dma_wait3A_421 = tpu.memref_slice %arg10[%add3A_416, %dma_wait3A_420] : memref<10000x128xf32, #tpu.memory_space<vmem_shared>> -> memref<112x128xf32, #tpu.memory_space<vmem_shared>>
    %dma_wait3A_422 = arith.constant 0 : i32
    %dma_wait3A_423 = arith.constant 0 : i32
    %dma_wait3A_424 = tpu.memref_slice %arg8[%dma_wait3A_422, %dma_wait3A_423] : memref<128x128xf32, #tpu.memory_space<vmem>> -> memref<112x128xf32, #tpu.memory_space<vmem>>
    %dma_wait3A_425 = arith.constant 0 : i32
    %dma_wait3A_426 = tpu.memref_slice %arg10[%add3A_416, %dma_wait3A_425] : memref<10000x128xf32, #tpu.memory_space<vmem_shared>> -> memref<112x128xf32, #tpu.memory_space<vmem_shared>>
    tpu.wait_dma2 semaphore(%arg11 : memref<!tpu.dma_semaphore, #tpu.memory_space<semaphore_mem>>) src(%dma_wait3A_426 : memref<112x128xf32, #tpu.memory_space<vmem_shared>>) dst(%dma_wait3A_424 : memref<112x128xf32, #tpu.memory_space<vmem>>)
    %mul3A_427 = arith.constant 624 : i32
    %mul3A_428 = arith.muli %arg1, %mul3A_427 : i32
    %add3A_429 = arith.constant 512 : i32
    %add3A_430 = arith.addi %mul3A_428, %add3A_429 : i32
    %dma_start3A_431 = arith.constant 0 : i32
    %dma_start3A_432 = arith.constant 0 : i32
    %dma_start3A_433 = tpu.memref_slice %arg8[%dma_start3A_431, %dma_start3A_432] : memref<128x128xf32, #tpu.memory_space<vmem>> -> memref<112x128xf32, #tpu.memory_space<vmem>>
    %dma_start3A_434 = arith.constant 0 : i32
    %dma_start3A_435 = tpu.memref_slice %arg5[%arg0, %add3A_430, %dma_start3A_434] : memref<2x10000x128xf32, #tpu.memory_space<hbm>> -> memref<1x112x128xf32, #tpu.memory_space<hbm>>
    %dma_start3A_436 = tpu.memref_squeeze %dma_start3A_435 : memref<1x112x128xf32, #tpu.memory_space<hbm>> -> memref<112x128xf32, #tpu.memory_space<hbm>>
    %dma_start3A_437 = arith.constant 0 : i32
    %dma_start3A_438 = tpu.memref_slice %arg5[%arg0, %add3A_430, %dma_start3A_437] : memref<2x10000x128xf32, #tpu.memory_space<hbm>> -> memref<1x112x128xf32, #tpu.memory_space<hbm>>
    %dma_start3A_439 = tpu.memref_squeeze %dma_start3A_438 : memref<1x112x128xf32, #tpu.memory_space<hbm>> -> memref<112x128xf32, #tpu.memory_space<hbm>>
    %dma_start3A_440 = arith.constant 0 : i32
    %dma_start3A_441 = arith.constant 0 : i32
    %dma_start3A_442 = tpu.memref_slice %arg8[%dma_start3A_440, %dma_start3A_441] : memref<128x128xf32, #tpu.memory_space<vmem>> -> memref<112x128xf32, #tpu.memory_space<vmem>>
    tpu.enqueue_dma source(%dma_start3A_442 : memref<112x128xf32, #tpu.memory_space<vmem>>) target(%dma_start3A_439 : memref<112x128xf32, #tpu.memory_space<hbm>>) target_semaphore(%arg13 : memref<!tpu.dma_semaphore, #tpu.memory_space<semaphore_mem>>)
    %mul3A_443 = arith.constant 624 : i32
    %mul3A_444 = arith.muli %arg1, %mul3A_443 : i32
    %add3A_445 = arith.constant 384 : i32
    %add3A_446 = arith.addi %mul3A_444, %add3A_445 : i32
    %dma_wait3A_447 = arith.constant 0 : i32
    %dma_wait3A_448 = arith.constant 0 : i32
    %dma_wait3A_449 = tpu.memref_slice %arg9[%dma_wait3A_447, %dma_wait3A_448] : memref<128x128xf32, #tpu.memory_space<vmem>> -> memref<128x128xf32, #tpu.memory_space<vmem>>
    %dma_wait3A_450 = arith.constant 0 : i32
    %dma_wait3A_451 = tpu.memref_slice %arg5[%arg0, %add3A_446, %dma_wait3A_450] : memref<2x10000x128xf32, #tpu.memory_space<hbm>> -> memref<1x128x128xf32, #tpu.memory_space<hbm>>
    %dma_wait3A_452 = tpu.memref_squeeze %dma_wait3A_451 : memref<1x128x128xf32, #tpu.memory_space<hbm>> -> memref<128x128xf32, #tpu.memory_space<hbm>>
    %dma_wait3A_453 = arith.constant 0 : i32
    %dma_wait3A_454 = tpu.memref_slice %arg5[%arg0, %add3A_446, %dma_wait3A_453] : memref<2x10000x128xf32, #tpu.memory_space<hbm>> -> memref<1x128x128xf32, #tpu.memory_space<hbm>>
    %dma_wait3A_455 = tpu.memref_squeeze %dma_wait3A_454 : memref<1x128x128xf32, #tpu.memory_space<hbm>> -> memref<128x128xf32, #tpu.memory_space<hbm>>
    %dma_wait3A_456 = arith.constant 0 : i32
    %dma_wait3A_457 = arith.constant 0 : i32
    %dma_wait3A_458 = tpu.memref_slice %arg9[%dma_wait3A_456, %dma_wait3A_457] : memref<128x128xf32, #tpu.memory_space<vmem>> -> memref<128x128xf32, #tpu.memory_space<vmem>>
    tpu.wait_dma2 semaphore(%arg14 : memref<!tpu.dma_semaphore, #tpu.memory_space<semaphore_mem>>) src(%dma_wait3A_458 : memref<128x128xf32, #tpu.memory_space<vmem>>) dst(%dma_wait3A_455 : memref<128x128xf32, #tpu.memory_space<hbm>>)
    %mul3A_459 = arith.constant 624 : i32
    %mul3A_460 = arith.muli %arg1, %mul3A_459 : i32
    %add3A_461 = arith.constant 512 : i32
    %add3A_462 = arith.addi %mul3A_460, %add3A_461 : i32
    %dma_wait3A_463 = arith.constant 0 : i32
    %dma_wait3A_464 = arith.constant 0 : i32
    %dma_wait3A_465 = tpu.memref_slice %arg8[%dma_wait3A_463, %dma_wait3A_464] : memref<128x128xf32, #tpu.memory_space<vmem>> -> memref<112x128xf32, #tpu.memory_space<vmem>>
    %dma_wait3A_466 = arith.constant 0 : i32
    %dma_wait3A_467 = tpu.memref_slice %arg5[%arg0, %add3A_462, %dma_wait3A_466] : memref<2x10000x128xf32, #tpu.memory_space<hbm>> -> memref<1x112x128xf32, #tpu.memory_space<hbm>>
    %dma_wait3A_468 = tpu.memref_squeeze %dma_wait3A_467 : memref<1x112x128xf32, #tpu.memory_space<hbm>> -> memref<112x128xf32, #tpu.memory_space<hbm>>
    %dma_wait3A_469 = arith.constant 0 : i32
    %dma_wait3A_470 = tpu.memref_slice %arg5[%arg0, %add3A_462, %dma_wait3A_469] : memref<2x10000x128xf32, #tpu.memory_space<hbm>> -> memref<1x112x128xf32, #tpu.memory_space<hbm>>
    %dma_wait3A_471 = tpu.memref_squeeze %dma_wait3A_470 : memref<1x112x128xf32, #tpu.memory_space<hbm>> -> memref<112x128xf32, #tpu.memory_space<hbm>>
    %dma_wait3A_472 = arith.constant 0 : i32
    %dma_wait3A_473 = arith.constant 0 : i32
    %dma_wait3A_474 = tpu.memref_slice %arg8[%dma_wait3A_472, %dma_wait3A_473] : memref<128x128xf32, #tpu.memory_space<vmem>> -> memref<112x128xf32, #tpu.memory_space<vmem>>
    tpu.wait_dma2 semaphore(%arg13 : memref<!tpu.dma_semaphore, #tpu.memory_space<semaphore_mem>>) src(%dma_wait3A_474 : memref<112x128xf32, #tpu.memory_space<vmem>>) dst(%dma_wait3A_471 : memref<112x128xf32, #tpu.memory_space<hbm>>)
    %eq3A_475 = arith.constant 0 : i32
    %eq3A_476 = arith.cmpi eq, %arg1, %eq3A_475 : i32
    %convert_element_type3A_477 = arith.extui %eq3A_476 : i1 to i32
    %cond3A_478 = arith.constant 0 : i32
    %cond3A_479 = arith.cmpi ne, %convert_element_type3A_477, %cond3A_478 : i32
    scf.if %cond3A_479 {
      "tpu.region"() ({
        %run_scoped3A = tpu.sem_alloc : memref<!tpu.dma_semaphore, #tpu.memory_space<semaphore_mem>>
        %dma_start3A_480 = arith.constant 0 : i32
        %dma_start3A_481 = arith.constant 0 : i32
        %dma_start3A_482 = tpu.memref_slice %arg8[%dma_start3A_480, %dma_start3A_481] : memref<128x128xf32, #tpu.memory_space<vmem>> -> memref<16x128xf32, #tpu.memory_space<vmem>>
        %dma_start3A_483 = arith.constant 9984 : i32
        %dma_start3A_484 = arith.constant 0 : i32
        %dma_start3A_485 = tpu.memref_slice %arg10[%dma_start3A_483, %dma_start3A_484] : memref<10000x128xf32, #tpu.memory_space<vmem_shared>> -> memref<16x128xf32, #tpu.memory_space<vmem_shared>>
        %dma_start3A_486 = arith.constant 0 : i32
        %dma_start3A_487 = arith.constant 0 : i32
        %dma_start3A_488 = tpu.memref_slice %arg8[%dma_start3A_486, %dma_start3A_487] : memref<128x128xf32, #tpu.memory_space<vmem>> -> memref<16x128xf32, #tpu.memory_space<vmem>>
        %dma_start3A_489 = arith.constant 9984 : i32
        %dma_start3A_490 = arith.constant 0 : i32
        %dma_start3A_491 = tpu.memref_slice %arg10[%dma_start3A_489, %dma_start3A_490] : memref<10000x128xf32, #tpu.memory_space<vmem_shared>> -> memref<16x128xf32, #tpu.memory_space<vmem_shared>>
        tpu.enqueue_dma source(%dma_start3A_491 : memref<16x128xf32, #tpu.memory_space<vmem_shared>>) target(%dma_start3A_488 : memref<16x128xf32, #tpu.memory_space<vmem>>) target_semaphore(%run_scoped3A : memref<!tpu.dma_semaphore, #tpu.memory_space<semaphore_mem>>)
        %dma_wait3A_492 = arith.constant 0 : i32
        %dma_wait3A_493 = arith.constant 0 : i32
        %dma_wait3A_494 = tpu.memref_slice %arg8[%dma_wait3A_492, %dma_wait3A_493] : memref<128x128xf32, #tpu.memory_space<vmem>> -> memref<16x128xf32, #tpu.memory_space<vmem>>
        %dma_wait3A_495 = arith.constant 9984 : i32
        %dma_wait3A_496 = arith.constant 0 : i32
        %dma_wait3A_497 = tpu.memref_slice %arg10[%dma_wait3A_495, %dma_wait3A_496] : memref<10000x128xf32, #tpu.memory_space<vmem_shared>> -> memref<16x128xf32, #tpu.memory_space<vmem_shared>>
        %dma_wait3A_498 = arith.constant 0 : i32
        %dma_wait3A_499 = arith.constant 0 : i32
        %dma_wait3A_500 = tpu.memref_slice %arg8[%dma_wait3A_498, %dma_wait3A_499] : memref<128x128xf32, #tpu.memory_space<vmem>> -> memref<16x128xf32, #tpu.memory_space<vmem>>
        %dma_wait3A_501 = arith.constant 9984 : i32
        %dma_wait3A_502 = arith.constant 0 : i32
        %dma_wait3A_503 = tpu.memref_slice %arg10[%dma_wait3A_501, %dma_wait3A_502] : memref<10000x128xf32, #tpu.memory_space<vmem_shared>> -> memref<16x128xf32, #tpu.memory_space<vmem_shared>>
        tpu.wait_dma2 semaphore(%run_scoped3A : memref<!tpu.dma_semaphore, #tpu.memory_space<semaphore_mem>>) src(%dma_wait3A_503 : memref<16x128xf32, #tpu.memory_space<vmem_shared>>) dst(%dma_wait3A_500 : memref<16x128xf32, #tpu.memory_space<vmem>>)
        tpu.yield
      }) : () -> ()
      "tpu.region"() ({
        %run_scoped3A = tpu.sem_alloc : memref<!tpu.dma_semaphore, #tpu.memory_space<semaphore_mem>>
        %dma_start3A_480 = arith.constant 0 : i32
        %dma_start3A_481 = arith.constant 0 : i32
        %dma_start3A_482 = tpu.memref_slice %arg8[%dma_start3A_480, %dma_start3A_481] : memref<128x128xf32, #tpu.memory_space<vmem>> -> memref<16x128xf32, #tpu.memory_space<vmem>>
        %dma_start3A_483 = arith.constant 9984 : i32
        %dma_start3A_484 = arith.constant 0 : i32
        %dma_start3A_485 = tpu.memref_slice %arg5[%arg0, %dma_start3A_483, %dma_start3A_484] : memref<2x10000x128xf32, #tpu.memory_space<hbm>> -> memref<1x16x128xf32, #tpu.memory_space<hbm>>
        %dma_start3A_486 = tpu.memref_squeeze %dma_start3A_485 : memref<1x16x128xf32, #tpu.memory_space<hbm>> -> memref<16x128xf32, #tpu.memory_space<hbm>>
        %dma_start3A_487 = arith.constant 9984 : i32
        %dma_start3A_488 = arith.constant 0 : i32
        %dma_start3A_489 = tpu.memref_slice %arg5[%arg0, %dma_start3A_487, %dma_start3A_488] : memref<2x10000x128xf32, #tpu.memory_space<hbm>> -> memref<1x16x128xf32, #tpu.memory_space<hbm>>
        %dma_start3A_490 = tpu.memref_squeeze %dma_start3A_489 : memref<1x16x128xf32, #tpu.memory_space<hbm>> -> memref<16x128xf32, #tpu.memory_space<hbm>>
        %dma_start3A_491 = arith.constant 0 : i32
        %dma_start3A_492 = arith.constant 0 : i32
        %dma_start3A_493 = tpu.memref_slice %arg8[%dma_start3A_491, %dma_start3A_492] : memref<128x128xf32, #tpu.memory_space<vmem>> -> memref<16x128xf32, #tpu.memory_space<vmem>>
        tpu.enqueue_dma source(%dma_start3A_493 : memref<16x128xf32, #tpu.memory_space<vmem>>) target(%dma_start3A_490 : memref<16x128xf32, #tpu.memory_space<hbm>>) target_semaphore(%run_scoped3A : memref<!tpu.dma_semaphore, #tpu.memory_space<semaphore_mem>>)
        %dma_wait3A_494 = arith.constant 0 : i32
        %dma_wait3A_495 = arith.constant 0 : i32
        %dma_wait3A_496 = tpu.memref_slice %arg8[%dma_wait3A_494, %dma_wait3A_495] : memref<128x128xf32, #tpu.memory_space<vmem>> -> memref<16x128xf32, #tpu.memory_space<vmem>>
        %dma_wait3A_497 = arith.constant 9984 : i32
        %dma_wait3A_498 = arith.constant 0 : i32
        %dma_wait3A_499 = tpu.memref_slice %arg5[%arg0, %dma_wait3A_497, %dma_wait3A_498] : memref<2x10000x128xf32, #tpu.memory_space<hbm>> -> memref<1x16x128xf32, #tpu.memory_space<hbm>>
        %dma_wait3A_500 = tpu.memref_squeeze %dma_wait3A_499 : memref<1x16x128xf32, #tpu.memory_space<hbm>> -> memref<16x128xf32, #tpu.memory_space<hbm>>
        %dma_wait3A_501 = arith.constant 9984 : i32
        %dma_wait3A_502 = arith.constant 0 : i32
        %dma_wait3A_503 = tpu.memref_slice %arg5[%arg0, %dma_wait3A_501, %dma_wait3A_502] : memref<2x10000x128xf32, #tpu.memory_space<hbm>> -> memref<1x16x128xf32, #tpu.memory_space<hbm>>
        %dma_wait3A_504 = tpu.memref_squeeze %dma_wait3A_503 : memref<1x16x128xf32, #tpu.memory_space<hbm>> -> memref<16x128xf32, #tpu.memory_space<hbm>>
        %dma_wait3A_505 = arith.constant 0 : i32
        %dma_wait3A_506 = arith.constant 0 : i32
        %dma_wait3A_507 = tpu.memref_slice %arg8[%dma_wait3A_505, %dma_wait3A_506] : memref<128x128xf32, #tpu.memory_space<vmem>> -> memref<16x128xf32, #tpu.memory_space<vmem>>
        tpu.wait_dma2 semaphore(%run_scoped3A : memref<!tpu.dma_semaphore, #tpu.memory_space<semaphore_mem>>) src(%dma_wait3A_507 : memref<16x128xf32, #tpu.memory_space<vmem>>) dst(%dma_wait3A_504 : memref<16x128xf32, #tpu.memory_space<hbm>>)
        tpu.yield
      }) : () -> ()
    } else {
    }
    return
  }
}

#map = affine_map<(d0, d1) -> (0, 0)>
#map1 = affine_map<(d0, d1) -> (0, 0, 0)>
module attributes {stable_mosaic.version = 14 : i64} {
  func.func @_agg_kernel(%arg0: i32, %arg1: i32, %arg2: memref<10000x128xf32, #tpu.memory_space<hbm>>, %arg3: memref<2500x128xi32, #tpu.memory_space<hbm>>, %arg4: memref<2500x128xi32, #tpu.memory_space<hbm>>, %arg5: memref<2x10000x128xf32, #tpu.memory_space<hbm>>, %arg6: memref<40x128xi32, #tpu.memory_space<vmem>>, %arg7: memref<80x128xi32, #tpu.memory_space<vmem>>, %arg8: memref<128x128xf32, #tpu.memory_space<vmem>>, %arg9: memref<128x128xf32, #tpu.memory_space<vmem>>, %arg10: memref<10000x128xf32, #tpu.memory_space<vmem_shared>>, %arg11: memref<!tpu.dma_semaphore, #tpu.memory_space<semaphore_mem>>, %arg12: memref<!tpu.dma_semaphore, #tpu.memory_space<semaphore_mem>>, %arg13: memref<!tpu.dma_semaphore, #tpu.memory_space<semaphore_mem>>, %arg14: memref<!tpu.dma_semaphore, #tpu.memory_space<semaphore_mem>>) attributes {dimension_semantics = [#tpu.dimension_semantics<core_parallel>, #tpu.dimension_semantics<subcore_parallel>], iteration_bounds = array<i64: 2, 16>, scalar_prefetch = 0 : i64, scratch_operands = 9 : i64, tpu.core_type = #tpu.core_type<sc_vector_subcore>, window_params = [{transform_indices = #map}, {transform_indices = #map}, {transform_indices = #map}, {transform_indices = #map1}]} {
    %mul3A = arith.constant 16 : i32
    %mul3A_0 = arith.muli %arg0, %mul3A : i32
    %add3A = arith.addi %mul3A_0, %arg1 : i32
    %scan3A = arith.constant 0 : i32
    %scan3A_1 = arith.constant 128 : i32
    %scan3A_2 = arith.addi %scan3A, %scan3A_1 : i32
    %scan3A_3 = arith.constant 1 : i32
    scf.for %scan3A_480 = %scan3A to %scan3A_2 step %scan3A_3  : i32 {
      %mul3A_481 = arith.constant 1 : i32
      %mul3A_482 = arith.muli %scan3A_480, %mul3A_481 : i32
      %add3A_483 = arith.constant 0 : i32
      %add3A_484 = arith.addi %add3A_483, %mul3A_482 : i32
      %broadcast_in_dim3A = arith.constant 0.000000e+00 : f32
      %broadcast_in_dim3A_485 = vector.broadcast %broadcast_in_dim3A : f32 to vector<16xf32>
      %swap3A = arith.index_cast %add3A_484 : i32 to index
      %swap3A_486 = arith.constant 0 : index
      %swap3A_487 = tpu.vector_load %arg8[%swap3A, %swap3A_486] {strides = array<i32>} : memref<128x128xf32, #tpu.memory_space<vmem>>, vector<1x16xf32>,
      %swap3A_488 = vector.shape_cast %swap3A_487 : vector<1x16xf32> to vector<16xf32>
      %swap3A_489 = vector.shape_cast %broadcast_in_dim3A_485 : vector<16xf32> to vector<1x16xf32>
      tpu.vector_store %arg8[%swap3A, %swap3A_486], %swap3A_489 {strides = array<i32>} : memref<128x128xf32, #tpu.memory_space<vmem>>, vector<1x16xf32>,
      %broadcast_in_dim3A_490 = arith.constant 0.000000e+00 : f32
      %broadcast_in_dim3A_491 = vector.broadcast %broadcast_in_dim3A_490 : f32 to vector<16xf32>
      %swap3A_492 = arith.index_cast %add3A_484 : i32 to index
      %swap3A_493 = arith.constant 16 : index
      %swap3A_494 = tpu.vector_load %arg8[%swap3A_492, %swap3A_493] {strides = array<i32>} : memref<128x128xf32, #tpu.memory_space<vmem>>, vector<1x16xf32>,
      %swap3A_495 = vector.shape_cast %swap3A_494 : vector<1x16xf32> to vector<16xf32>
      %swap3A_496 = vector.shape_cast %broadcast_in_dim3A_491 : vector<16xf32> to vector<1x16xf32>
      tpu.vector_store %arg8[%swap3A_492, %swap3A_493], %swap3A_496 {strides = array<i32>} : memref<128x128xf32, #tpu.memory_space<vmem>>, vector<1x16xf32>,
      %broadcast_in_dim3A_497 = arith.constant 0.000000e+00 : f32
      %broadcast_in_dim3A_498 = vector.broadcast %broadcast_in_dim3A_497 : f32 to vector<16xf32>
      %swap3A_499 = arith.index_cast %add3A_484 : i32 to index
      %swap3A_500 = arith.constant 32 : index
      %swap3A_501 = tpu.vector_load %arg8[%swap3A_499, %swap3A_500] {strides = array<i32>} : memref<128x128xf32, #tpu.memory_space<vmem>>, vector<1x16xf32>,
      %swap3A_502 = vector.shape_cast %swap3A_501 : vector<1x16xf32> to vector<16xf32>
      %swap3A_503 = vector.shape_cast %broadcast_in_dim3A_498 : vector<16xf32> to vector<1x16xf32>
      tpu.vector_store %arg8[%swap3A_499, %swap3A_500], %swap3A_503 {strides = array<i32>} : memref<128x128xf32, #tpu.memory_space<vmem>>, vector<1x16xf32>,
      %broadcast_in_dim3A_504 = arith.constant 0.000000e+00 : f32
      %broadcast_in_dim3A_505 = vector.broadcast %broadcast_in_dim3A_504 : f32 to vector<16xf32>
      %swap3A_506 = arith.index_cast %add3A_484 : i32 to index
      %swap3A_507 = arith.constant 48 : index
      %swap3A_508 = tpu.vector_load %arg8[%swap3A_506, %swap3A_507] {strides = array<i32>} : memref<128x128xf32, #tpu.memory_space<vmem>>, vector<1x16xf32>,
      %swap3A_509 = vector.shape_cast %swap3A_508 : vector<1x16xf32> to vector<16xf32>
      %swap3A_510 = vector.shape_cast %broadcast_in_dim3A_505 : vector<16xf32> to vector<1x16xf32>
      tpu.vector_store %arg8[%swap3A_506, %swap3A_507], %swap3A_510 {strides = array<i32>} : memref<128x128xf32, #tpu.memory_space<vmem>>, vector<1x16xf32>,
      %broadcast_in_dim3A_511 = arith.constant 0.000000e+00 : f32
      %broadcast_in_dim3A_512 = vector.broadcast %broadcast_in_dim3A_511 : f32 to vector<16xf32>
      %swap3A_513 = arith.index_cast %add3A_484 : i32 to index
      %swap3A_514 = arith.constant 64 : index
      %swap3A_515 = tpu.vector_load %arg8[%swap3A_513, %swap3A_514] {strides = array<i32>} : memref<128x128xf32, #tpu.memory_space<vmem>>, vector<1x16xf32>,
      %swap3A_516 = vector.shape_cast %swap3A_515 : vector<1x16xf32> to vector<16xf32>
      %swap3A_517 = vector.shape_cast %broadcast_in_dim3A_512 : vector<16xf32> to vector<1x16xf32>
      tpu.vector_store %arg8[%swap3A_513, %swap3A_514], %swap3A_517 {strides = array<i32>} : memref<128x128xf32, #tpu.memory_space<vmem>>, vector<1x16xf32>,
      %broadcast_in_dim3A_518 = arith.constant 0.000000e+00 : f32
      %broadcast_in_dim3A_519 = vector.broadcast %broadcast_in_dim3A_518 : f32 to vector<16xf32>
      %swap3A_520 = arith.index_cast %add3A_484 : i32 to index
      %swap3A_521 = arith.constant 80 : index
      %swap3A_522 = tpu.vector_load %arg8[%swap3A_520, %swap3A_521] {strides = array<i32>} : memref<128x128xf32, #tpu.memory_space<vmem>>, vector<1x16xf32>,
      %swap3A_523 = vector.shape_cast %swap3A_522 : vector<1x16xf32> to vector<16xf32>
      %swap3A_524 = vector.shape_cast %broadcast_in_dim3A_519 : vector<16xf32> to vector<1x16xf32>
      tpu.vector_store %arg8[%swap3A_520, %swap3A_521], %swap3A_524 {strides = array<i32>} : memref<128x128xf32, #tpu.memory_space<vmem>>, vector<1x16xf32>,
      %broadcast_in_dim3A_525 = arith.constant 0.000000e+00 : f32
      %broadcast_in_dim3A_526 = vector.broadcast %broadcast_in_dim3A_525 : f32 to vector<16xf32>
      %swap3A_527 = arith.index_cast %add3A_484 : i32 to index
      %swap3A_528 = arith.constant 96 : index
      %swap3A_529 = tpu.vector_load %arg8[%swap3A_527, %swap3A_528] {strides = array<i32>} : memref<128x128xf32, #tpu.memory_space<vmem>>, vector<1x16xf32>,
      %swap3A_530 = vector.shape_cast %swap3A_529 : vector<1x16xf32> to vector<16xf32>
      %swap3A_531 = vector.shape_cast %broadcast_in_dim3A_526 : vector<16xf32> to vector<1x16xf32>
      tpu.vector_store %arg8[%swap3A_527, %swap3A_528], %swap3A_531 {strides = array<i32>} : memref<128x128xf32, #tpu.memory_space<vmem>>, vector<1x16xf32>,
      %broadcast_in_dim3A_532 = arith.constant 0.000000e+00 : f32
      %broadcast_in_dim3A_533 = vector.broadcast %broadcast_in_dim3A_532 : f32 to vector<16xf32>
      %swap3A_534 = arith.index_cast %add3A_484 : i32 to index
      %swap3A_535 = arith.constant 112 : index
      %swap3A_536 = tpu.vector_load %arg8[%swap3A_534, %swap3A_535] {strides = array<i32>} : memref<128x128xf32, #tpu.memory_space<vmem>>, vector<1x16xf32>,
      %swap3A_537 = vector.shape_cast %swap3A_536 : vector<1x16xf32> to vector<16xf32>
      %swap3A_538 = vector.shape_cast %broadcast_in_dim3A_533 : vector<16xf32> to vector<1x16xf32>
      tpu.vector_store %arg8[%swap3A_534, %swap3A_535], %swap3A_538 {strides = array<i32>} : memref<128x128xf32, #tpu.memory_space<vmem>>, vector<1x16xf32>,
    }
    %scan3A_4 = arith.constant 128 : i32
    %mul3A_5 = arith.constant 624 : i32
    %mul3A_6 = arith.muli %arg1, %mul3A_5 : i32
    %add3A_7 = arith.constant 0 : i32
    %add3A_8 = arith.addi %mul3A_6, %add3A_7 : i32
    %dma_start3A = arith.constant 0 : i32
    %dma_start3A_9 = arith.constant 0 : i32
    %dma_start3A_10 = tpu.memref_slice %arg8[%dma_start3A, %dma_start3A_9] : memref<128x128xf32, #tpu.memory_space<vmem>> -> memref<128x128xf32, #tpu.memory_space<vmem>>
    %dma_start3A_11 = arith.constant 0 : i32
    %dma_start3A_12 = tpu.memref_slice %arg10[%add3A_8, %dma_start3A_11] : memref<10000x128xf32, #tpu.memory_space<vmem_shared>> -> memref<128x128xf32, #tpu.memory_space<vmem_shared>>
    %dma_start3A_13 = arith.constant 0 : i32
    %dma_start3A_14 = tpu.memref_slice %arg10[%add3A_8, %dma_start3A_13] : memref<10000x128xf32, #tpu.memory_space<vmem_shared>> -> memref<128x128xf32, #tpu.memory_space<vmem_shared>>
    %dma_start3A_15 = arith.constant 0 : i32
    %dma_start3A_16 = arith.constant 0 : i32
    %dma_start3A_17 = tpu.memref_slice %arg8[%dma_start3A_15, %dma_start3A_16] : memref<128x128xf32, #tpu.memory_space<vmem>> -> memref<128x128xf32, #tpu.memory_space<vmem>>
    tpu.enqueue_dma source(%dma_start3A_17 : memref<128x128xf32, #tpu.memory_space<vmem>>) target(%dma_start3A_14 : memref<128x128xf32, #tpu.memory_space<vmem_shared>>) target_semaphore(%arg11 : memref<!tpu.dma_semaphore, #tpu.memory_space<semaphore_mem>>)
    %mul3A_18 = arith.constant 624 : i32
    %mul3A_19 = arith.muli %arg1, %mul3A_18 : i32
    %add3A_20 = arith.constant 128 : i32
    %add3A_21 = arith.addi %mul3A_19, %add3A_20 : i32
    %dma_start3A_22 = arith.constant 0 : i32
    %dma_start3A_23 = arith.constant 0 : i32
    %dma_start3A_24 = tpu.memref_slice %arg8[%dma_start3A_22, %dma_start3A_23] : memref<128x128xf32, #tpu.memory_space<vmem>> -> memref<128x128xf32, #tpu.memory_space<vmem>>
    %dma_start3A_25 = arith.constant 0 : i32
    %dma_start3A_26 = tpu.memref_slice %arg10[%add3A_21, %dma_start3A_25] : memref<10000x128xf32, #tpu.memory_space<vmem_shared>> -> memref<128x128xf32, #tpu.memory_space<vmem_shared>>
    %dma_start3A_27 = arith.constant 0 : i32
    %dma_start3A_28 = tpu.memref_slice %arg10[%add3A_21, %dma_start3A_27] : memref<10000x128xf32, #tpu.memory_space<vmem_shared>> -> memref<128x128xf32, #tpu.memory_space<vmem_shared>>
    %dma_start3A_29 = arith.constant 0 : i32
    %dma_start3A_30 = arith.constant 0 : i32
    %dma_start3A_31 = tpu.memref_slice %arg8[%dma_start3A_29, %dma_start3A_30] : memref<128x128xf32, #tpu.memory_space<vmem>> -> memref<128x128xf32, #tpu.memory_space<vmem>>
    tpu.enqueue_dma source(%dma_start3A_31 : memref<128x128xf32, #tpu.memory_space<vmem>>) target(%dma_start3A_28 : memref<128x128xf32, #tpu.memory_space<vmem_shared>>) target_semaphore(%arg11 : memref<!tpu.dma_semaphore, #tpu.memory_space<semaphore_mem>>)
    %mul3A_32 = arith.constant 624 : i32
    %mul3A_33 = arith.muli %arg1, %mul3A_32 : i32
    %add3A_34 = arith.constant 256 : i32
    %add3A_35 = arith.addi %mul3A_33, %add3A_34 : i32
    %dma_start3A_36 = arith.constant 0 : i32
    %dma_start3A_37 = arith.constant 0 : i32
    %dma_start3A_38 = tpu.memref_slice %arg8[%dma_start3A_36, %dma_start3A_37] : memref<128x128xf32, #tpu.memory_space<vmem>> -> memref<128x128xf32, #tpu.memory_space<vmem>>
    %dma_start3A_39 = arith.constant 0 : i32
    %dma_start3A_40 = tpu.memref_slice %arg10[%add3A_35, %dma_start3A_39] : memref<10000x128xf32, #tpu.memory_space<vmem_shared>> -> memref<128x128xf32, #tpu.memory_space<vmem_shared>>
    %dma_start3A_41 = arith.constant 0 : i32
    %dma_start3A_42 = tpu.memref_slice %arg10[%add3A_35, %dma_start3A_41] : memref<10000x128xf32, #tpu.memory_space<vmem_shared>> -> memref<128x128xf32, #tpu.memory_space<vmem_shared>>
    %dma_start3A_43 = arith.constant 0 : i32
    %dma_start3A_44 = arith.constant 0 : i32
    %dma_start3A_45 = tpu.memref_slice %arg8[%dma_start3A_43, %dma_start3A_44] : memref<128x128xf32, #tpu.memory_space<vmem>> -> memref<128x128xf32, #tpu.memory_space<vmem>>
    tpu.enqueue_dma source(%dma_start3A_45 : memref<128x128xf32, #tpu.memory_space<vmem>>) target(%dma_start3A_42 : memref<128x128xf32, #tpu.memory_space<vmem_shared>>) target_semaphore(%arg11 : memref<!tpu.dma_semaphore, #tpu.memory_space<semaphore_mem>>)
    %mul3A_46 = arith.constant 624 : i32
    %mul3A_47 = arith.muli %arg1, %mul3A_46 : i32
    %add3A_48 = arith.constant 384 : i32
    %add3A_49 = arith.addi %mul3A_47, %add3A_48 : i32
    %dma_start3A_50 = arith.constant 0 : i32
    %dma_start3A_51 = arith.constant 0 : i32
    %dma_start3A_52 = tpu.memref_slice %arg8[%dma_start3A_50, %dma_start3A_51] : memref<128x128xf32, #tpu.memory_space<vmem>> -> memref<128x128xf32, #tpu.memory_space<vmem>>
    %dma_start3A_53 = arith.constant 0 : i32
    %dma_start3A_54 = tpu.memref_slice %arg10[%add3A_49, %dma_start3A_53] : memref<10000x128xf32, #tpu.memory_space<vmem_shared>> -> memref<128x128xf32, #tpu.memory_space<vmem_shared>>
    %dma_start3A_55 = arith.constant 0 : i32
    %dma_start3A_56 = tpu.memref_slice %arg10[%add3A_49, %dma_start3A_55] : memref<10000x128xf32, #tpu.memory_space<vmem_shared>> -> memref<128x128xf32, #tpu.memory_space<vmem_shared>>
    %dma_start3A_57 = arith.constant 0 : i32
    %dma_start3A_58 = arith.constant 0 : i32
    %dma_start3A_59 = tpu.memref_slice %arg8[%dma_start3A_57, %dma_start3A_58] : memref<128x128xf32, #tpu.memory_space<vmem>> -> memref<128x128xf32, #tpu.memory_space<vmem>>
    tpu.enqueue_dma source(%dma_start3A_59 : memref<128x128xf32, #tpu.memory_space<vmem>>) target(%dma_start3A_56 : memref<128x128xf32, #tpu.memory_space<vmem_shared>>) target_semaphore(%arg11 : memref<!tpu.dma_semaphore, #tpu.memory_space<semaphore_mem>>)
    %mul3A_60 = arith.constant 624 : i32
    %mul3A_61 = arith.muli %arg1, %mul3A_60 : i32
    %add3A_62 = arith.constant 512 : i32
    %add3A_63 = arith.addi %mul3A_61, %add3A_62 : i32
    %dma_start3A_64 = arith.constant 0 : i32
    %dma_start3A_65 = arith.constant 0 : i32
    %dma_start3A_66 = tpu.memref_slice %arg8[%dma_start3A_64, %dma_start3A_65] : memref<128x128xf32, #tpu.memory_space<vmem>> -> memref<112x128xf32, #tpu.memory_space<vmem>>
    %dma_start3A_67 = arith.constant 0 : i32
    %dma_start3A_68 = tpu.memref_slice %arg10[%add3A_63, %dma_start3A_67] : memref<10000x128xf32, #tpu.memory_space<vmem_shared>> -> memref<112x128xf32, #tpu.memory_space<vmem_shared>>
    %dma_start3A_69 = arith.constant 0 : i32
    %dma_start3A_70 = tpu.memref_slice %arg10[%add3A_63, %dma_start3A_69] : memref<10000x128xf32, #tpu.memory_space<vmem_shared>> -> memref<112x128xf32, #tpu.memory_space<vmem_shared>>
    %dma_start3A_71 = arith.constant 0 : i32
    %dma_start3A_72 = arith.constant 0 : i32
    %dma_start3A_73 = tpu.memref_slice %arg8[%dma_start3A_71, %dma_start3A_72] : memref<128x128xf32, #tpu.memory_space<vmem>> -> memref<112x128xf32, #tpu.memory_space<vmem>>
    tpu.enqueue_dma source(%dma_start3A_73 : memref<112x128xf32, #tpu.memory_space<vmem>>) target(%dma_start3A_70 : memref<112x128xf32, #tpu.memory_space<vmem_shared>>) target_semaphore(%arg11 : memref<!tpu.dma_semaphore, #tpu.memory_space<semaphore_mem>>)
    %eq3A = arith.constant 0 : i32
    %eq3A_74 = arith.cmpi eq, %arg1, %eq3A : i32
    %convert_element_type3A = arith.extui %eq3A_74 : i1 to i32
    %cond3A = arith.constant 0 : i32
    %cond3A_75 = arith.cmpi ne, %convert_element_type3A, %cond3A : i32
    scf.if %cond3A_75 {
      %dma_start3A_480 = arith.constant 0 : i32
      %dma_start3A_481 = arith.constant 0 : i32
      %dma_start3A_482 = tpu.memref_slice %arg8[%dma_start3A_480, %dma_start3A_481] : memref<128x128xf32, #tpu.memory_space<vmem>> -> memref<16x128xf32, #tpu.memory_space<vmem>>
      %dma_start3A_483 = arith.constant 9984 : i32
      %dma_start3A_484 = arith.constant 0 : i32
      %dma_start3A_485 = tpu.memref_slice %arg10[%dma_start3A_483, %dma_start3A_484] : memref<10000x128xf32, #tpu.memory_space<vmem_shared>> -> memref<16x128xf32, #tpu.memory_space<vmem_shared>>
      %dma_start3A_486 = arith.constant 9984 : i32
      %dma_start3A_487 = arith.constant 0 : i32
      %dma_start3A_488 = tpu.memref_slice %arg10[%dma_start3A_486, %dma_start3A_487] : memref<10000x128xf32, #tpu.memory_space<vmem_shared>> -> memref<16x128xf32, #tpu.memory_space<vmem_shared>>
      %dma_start3A_489 = arith.constant 0 : i32
      %dma_start3A_490 = arith.constant 0 : i32
      %dma_start3A_491 = tpu.memref_slice %arg8[%dma_start3A_489, %dma_start3A_490] : memref<128x128xf32, #tpu.memory_space<vmem>> -> memref<16x128xf32, #tpu.memory_space<vmem>>
      tpu.enqueue_dma source(%dma_start3A_491 : memref<16x128xf32, #tpu.memory_space<vmem>>) target(%dma_start3A_488 : memref<16x128xf32, #tpu.memory_space<vmem_shared>>) target_semaphore(%arg12 : memref<!tpu.dma_semaphore, #tpu.memory_space<semaphore_mem>>)
      %dma_wait3A_492 = arith.constant 0 : i32
      %dma_wait3A_493 = arith.constant 0 : i32
      %dma_wait3A_494 = tpu.memref_slice %arg8[%dma_wait3A_492, %dma_wait3A_493] : memref<128x128xf32, #tpu.memory_space<vmem>> -> memref<16x128xf32, #tpu.memory_space<vmem>>
      %dma_wait3A_495 = arith.constant 9984 : i32
      %dma_wait3A_496 = arith.constant 0 : i32
      %dma_wait3A_497 = tpu.memref_slice %arg10[%dma_wait3A_495, %dma_wait3A_496] : memref<10000x128xf32, #tpu.memory_space<vmem_shared>> -> memref<16x128xf32, #tpu.memory_space<vmem_shared>>
      %dma_wait3A_498 = arith.constant 9984 : i32
      %dma_wait3A_499 = arith.constant 0 : i32
      %dma_wait3A_500 = tpu.memref_slice %arg10[%dma_wait3A_498, %dma_wait3A_499] : memref<10000x128xf32, #tpu.memory_space<vmem_shared>> -> memref<16x128xf32, #tpu.memory_space<vmem_shared>>
      %dma_wait3A_501 = arith.constant 0 : i32
      %dma_wait3A_502 = arith.constant 0 : i32
      %dma_wait3A_503 = tpu.memref_slice %arg8[%dma_wait3A_501, %dma_wait3A_502] : memref<128x128xf32, #tpu.memory_space<vmem>> -> memref<16x128xf32, #tpu.memory_space<vmem>>
      tpu.wait_dma2 semaphore(%arg12 : memref<!tpu.dma_semaphore, #tpu.memory_space<semaphore_mem>>) src(%dma_wait3A_503 : memref<16x128xf32, #tpu.memory_space<vmem>>) dst(%dma_wait3A_500 : memref<16x128xf32, #tpu.memory_space<vmem_shared>>)
    } else {
    }
    %lt3A = arith.constant 31 : i32
    %lt3A_76 = arith.cmpi slt, %add3A, %lt3A : i32
    %convert_element_type3A_77 = arith.extui %lt3A_76 : i1 to i32
    %cond3A_78 = arith.constant 0 : i32
    %cond3A_79 = arith.cmpi ne, %convert_element_type3A_77, %cond3A_78 : i32
    scf.if %cond3A_79 {
      %mul3A_480 = arith.constant 80 : i32
      %mul3A_481 = arith.muli %add3A, %mul3A_480 : i32
      "tpu.region"() ({
        %run_scoped3A = tpu.sem_alloc : memref<!tpu.dma_semaphore, #tpu.memory_space<semaphore_mem>>
        %dma_start3A_484 = arith.constant 0 : i32
        %dma_start3A_485 = tpu.memref_slice %arg4[%mul3A_481, %dma_start3A_484] : memref<2500x128xi32, #tpu.memory_space<hbm>> -> memref<80x128xi32, #tpu.memory_space<hbm>>
        %dma_start3A_486 = arith.constant 0 : i32
        %dma_start3A_487 = tpu.memref_slice %arg4[%mul3A_481, %dma_start3A_486] : memref<2500x128xi32, #tpu.memory_space<hbm>> -> memref<80x128xi32, #tpu.memory_space<hbm>>
        tpu.enqueue_dma source(%dma_start3A_487 : memref<80x128xi32, #tpu.memory_space<hbm>>) target(%arg7 : memref<80x128xi32, #tpu.memory_space<vmem>>) target_semaphore(%run_scoped3A : memref<!tpu.dma_semaphore, #tpu.memory_space<semaphore_mem>>)
        %dma_wait3A_488 = arith.constant 0 : i32
        %dma_wait3A_489 = tpu.memref_slice %arg4[%mul3A_481, %dma_wait3A_488] : memref<2500x128xi32, #tpu.memory_space<hbm>> -> memref<80x128xi32, #tpu.memory_space<hbm>>
        %dma_wait3A_490 = arith.constant 0 : i32
        %dma_wait3A_491 = tpu.memref_slice %arg4[%mul3A_481, %dma_wait3A_490] : memref<2500x128xi32, #tpu.memory_space<hbm>> -> memref<80x128xi32, #tpu.memory_space<hbm>>
        tpu.wait_dma2 semaphore(%run_scoped3A : memref<!tpu.dma_semaphore, #tpu.memory_space<semaphore_mem>>) src(%dma_wait3A_491 : memref<80x128xi32, #tpu.memory_space<hbm>>) dst(%arg7 : memref<80x128xi32, #tpu.memory_space<vmem>>)
        tpu.yield
      }) : () -> ()
      %mul3A_482 = arith.constant 80 : i32
      %mul3A_483 = arith.muli %add3A, %mul3A_482 : i32
      "tpu.region"() ({
        %run_scoped3A = tpu.sem_alloc : memref<!tpu.dma_semaphore, #tpu.memory_space<semaphore_mem>>
        %dma_start3A_484 = arith.constant 0 : i32
        %dma_start3A_485 = tpu.memref_slice %arg3[%mul3A_483, %dma_start3A_484] : memref<2500x128xi32, #tpu.memory_space<hbm>> -> memref<40x128xi32, #tpu.memory_space<hbm>>
        %dma_start3A_486 = arith.constant 0 : i32
        %dma_start3A_487 = tpu.memref_slice %arg3[%mul3A_483, %dma_start3A_486] : memref<2500x128xi32, #tpu.memory_space<hbm>> -> memref<40x128xi32, #tpu.memory_space<hbm>>
        tpu.enqueue_dma source(%dma_start3A_487 : memref<40x128xi32, #tpu.memory_space<hbm>>) target(%arg6 : memref<40x128xi32, #tpu.memory_space<vmem>>) target_semaphore(%run_scoped3A : memref<!tpu.dma_semaphore, #tpu.memory_space<semaphore_mem>>)
        %dma_wait3A_488 = arith.constant 0 : i32
        %dma_wait3A_489 = tpu.memref_slice %arg3[%mul3A_483, %dma_wait3A_488] : memref<2500x128xi32, #tpu.memory_space<hbm>> -> memref<40x128xi32, #tpu.memory_space<hbm>>
        %dma_wait3A_490 = arith.constant 0 : i32
        %dma_wait3A_491 = tpu.memref_slice %arg3[%mul3A_483, %dma_wait3A_490] : memref<2500x128xi32, #tpu.memory_space<hbm>> -> memref<40x128xi32, #tpu.memory_space<hbm>>
        tpu.wait_dma2 semaphore(%run_scoped3A : memref<!tpu.dma_semaphore, #tpu.memory_space<semaphore_mem>>) src(%dma_wait3A_491 : memref<40x128xi32, #tpu.memory_space<hbm>>) dst(%arg6 : memref<40x128xi32, #tpu.memory_space<vmem>>)
        tpu.yield
      }) : () -> ()
    } else {
    }
    %eq3A_80 = arith.constant 31 : i32
    %eq3A_81 = arith.cmpi eq, %add3A, %eq3A_80 : i32
    %convert_element_type3A_82 = arith.extui %eq3A_81 : i1 to i32
    %cond3A_83 = arith.constant 0 : i32
    %cond3A_84 = arith.cmpi ne, %convert_element_type3A_82, %cond3A_83 : i32
    scf.if %cond3A_84 {
      "tpu.region"() ({
        %run_scoped3A = tpu.sem_alloc : memref<!tpu.dma_semaphore, #tpu.memory_space<semaphore_mem>>
        %dma_start3A_480 = arith.constant 0 : i32
        %dma_start3A_481 = arith.constant 0 : i32
        %dma_start3A_482 = tpu.memref_slice %arg7[%dma_start3A_480, %dma_start3A_481] : memref<80x128xi32, #tpu.memory_space<vmem>> -> memref<20x128xi32, #tpu.memory_space<vmem>>
        %dma_start3A_483 = arith.constant 2480 : i32
        %dma_start3A_484 = arith.constant 0 : i32
        %dma_start3A_485 = tpu.memref_slice %arg4[%dma_start3A_483, %dma_start3A_484] : memref<2500x128xi32, #tpu.memory_space<hbm>> -> memref<20x128xi32, #tpu.memory_space<hbm>>
        %dma_start3A_486 = arith.constant 0 : i32
        %dma_start3A_487 = arith.constant 0 : i32
        %dma_start3A_488 = tpu.memref_slice %arg7[%dma_start3A_486, %dma_start3A_487] : memref<80x128xi32, #tpu.memory_space<vmem>> -> memref<20x128xi32, #tpu.memory_space<vmem>>
        %dma_start3A_489 = arith.constant 2480 : i32
        %dma_start3A_490 = arith.constant 0 : i32
        %dma_start3A_491 = tpu.memref_slice %arg4[%dma_start3A_489, %dma_start3A_490] : memref<2500x128xi32, #tpu.memory_space<hbm>> -> memref<20x128xi32, #tpu.memory_space<hbm>>
        tpu.enqueue_dma source(%dma_start3A_491 : memref<20x128xi32, #tpu.memory_space<hbm>>) target(%dma_start3A_488 : memref<20x128xi32, #tpu.memory_space<vmem>>) target_semaphore(%run_scoped3A : memref<!tpu.dma_semaphore, #tpu.memory_space<semaphore_mem>>)
        %dma_wait3A_492 = arith.constant 0 : i32
        %dma_wait3A_493 = arith.constant 0 : i32
        %dma_wait3A_494 = tpu.memref_slice %arg7[%dma_wait3A_492, %dma_wait3A_493] : memref<80x128xi32, #tpu.memory_space<vmem>> -> memref<20x128xi32, #tpu.memory_space<vmem>>
        %dma_wait3A_495 = arith.constant 2480 : i32
        %dma_wait3A_496 = arith.constant 0 : i32
        %dma_wait3A_497 = tpu.memref_slice %arg4[%dma_wait3A_495, %dma_wait3A_496] : memref<2500x128xi32, #tpu.memory_space<hbm>> -> memref<20x128xi32, #tpu.memory_space<hbm>>
        %dma_wait3A_498 = arith.constant 0 : i32
        %dma_wait3A_499 = arith.constant 0 : i32
        %dma_wait3A_500 = tpu.memref_slice %arg7[%dma_wait3A_498, %dma_wait3A_499] : memref<80x128xi32, #tpu.memory_space<vmem>> -> memref<20x128xi32, #tpu.memory_space<vmem>>
        %dma_wait3A_501 = arith.constant 2480 : i32
        %dma_wait3A_502 = arith.constant 0 : i32
        %dma_wait3A_503 = tpu.memref_slice %arg4[%dma_wait3A_501, %dma_wait3A_502] : memref<2500x128xi32, #tpu.memory_space<hbm>> -> memref<20x128xi32, #tpu.memory_space<hbm>>
        tpu.wait_dma2 semaphore(%run_scoped3A : memref<!tpu.dma_semaphore, #tpu.memory_space<semaphore_mem>>) src(%dma_wait3A_503 : memref<20x128xi32, #tpu.memory_space<hbm>>) dst(%dma_wait3A_500 : memref<20x128xi32, #tpu.memory_space<vmem>>)
        tpu.yield
      }) : () -> ()
      "tpu.region"() ({
        %run_scoped3A = tpu.sem_alloc : memref<!tpu.dma_semaphore, #tpu.memory_space<semaphore_mem>>
        %dma_start3A_480 = arith.constant 0 : i32
        %dma_start3A_481 = arith.constant 0 : i32
        %dma_start3A_482 = tpu.memref_slice %arg6[%dma_start3A_480, %dma_start3A_481] : memref<40x128xi32, #tpu.memory_space<vmem>> -> memref<20x128xi32, #tpu.memory_space<vmem>>
        %dma_start3A_483 = arith.constant 2480 : i32
        %dma_start3A_484 = arith.constant 0 : i32
        %dma_start3A_485 = tpu.memref_slice %arg3[%dma_start3A_483, %dma_start3A_484] : memref<2500x128xi32, #tpu.memory_space<hbm>> -> memref<20x128xi32, #tpu.memory_space<hbm>>
        %dma_start3A_486 = arith.constant 0 : i32
        %dma_start3A_487 = arith.constant 0 : i32
        %dma_start3A_488 = tpu.memref_slice %arg6[%dma_start3A_486, %dma_start3A_487] : memref<40x128xi32, #tpu.memory_space<vmem>> -> memref<20x128xi32, #tpu.memory_space<vmem>>
        %dma_start3A_489 = arith.constant 2480 : i32
        %dma_start3A_490 = arith.constant 0 : i32
        %dma_start3A_491 = tpu.memref_slice %arg3[%dma_start3A_489, %dma_start3A_490] : memref<2500x128xi32, #tpu.memory_space<hbm>> -> memref<20x128xi32, #tpu.memory_space<hbm>>
        tpu.enqueue_dma source(%dma_start3A_491 : memref<20x128xi32, #tpu.memory_space<hbm>>) target(%dma_start3A_488 : memref<20x128xi32, #tpu.memory_space<vmem>>) target_semaphore(%run_scoped3A : memref<!tpu.dma_semaphore, #tpu.memory_space<semaphore_mem>>)
        %dma_wait3A_492 = arith.constant 0 : i32
        %dma_wait3A_493 = arith.constant 0 : i32
        %dma_wait3A_494 = tpu.memref_slice %arg6[%dma_wait3A_492, %dma_wait3A_493] : memref<40x128xi32, #tpu.memory_space<vmem>> -> memref<20x128xi32, #tpu.memory_space<vmem>>
        %dma_wait3A_495 = arith.constant 2480 : i32
        %dma_wait3A_496 = arith.constant 0 : i32
        %dma_wait3A_497 = tpu.memref_slice %arg3[%dma_wait3A_495, %dma_wait3A_496] : memref<2500x128xi32, #tpu.memory_space<hbm>> -> memref<20x128xi32, #tpu.memory_space<hbm>>
        %dma_wait3A_498 = arith.constant 0 : i32
        %dma_wait3A_499 = arith.constant 0 : i32
        %dma_wait3A_500 = tpu.memref_slice %arg6[%dma_wait3A_498, %dma_wait3A_499] : memref<40x128xi32, #tpu.memory_space<vmem>> -> memref<20x128xi32, #tpu.memory_space<vmem>>
        %dma_wait3A_501 = arith.constant 2480 : i32
        %dma_wait3A_502 = arith.constant 0 : i32
        %dma_wait3A_503 = tpu.memref_slice %arg3[%dma_wait3A_501, %dma_wait3A_502] : memref<2500x128xi32, #tpu.memory_space<hbm>> -> memref<20x128xi32, #tpu.memory_space<hbm>>
        tpu.wait_dma2 semaphore(%run_scoped3A : memref<!tpu.dma_semaphore, #tpu.memory_space<semaphore_mem>>) src(%dma_wait3A_503 : memref<20x128xi32, #tpu.memory_space<hbm>>) dst(%dma_wait3A_500 : memref<20x128xi32, #tpu.memory_space<vmem>>)
        tpu.yield
      }) : () -> ()
    } else {
    }
    %mul3A_85 = arith.constant 624 : i32
    %mul3A_86 = arith.muli %arg1, %mul3A_85 : i32
    %add3A_87 = arith.constant 0 : i32
    %add3A_88 = arith.addi %mul3A_86, %add3A_87 : i32
    %dma_wait3A = arith.constant 0 : i32
    %dma_wait3A_89 = arith.constant 0 : i32
    %dma_wait3A_90 = tpu.memref_slice %arg8[%dma_wait3A, %dma_wait3A_89] : memref<128x128xf32, #tpu.memory_space<vmem>> -> memref<128x128xf32, #tpu.memory_space<vmem>>
    %dma_wait3A_91 = arith.constant 0 : i32
    %dma_wait3A_92 = tpu.memref_slice %arg10[%add3A_88, %dma_wait3A_91] : memref<10000x128xf32, #tpu.memory_space<vmem_shared>> -> memref<128x128xf32, #tpu.memory_space<vmem_shared>>
    %dma_wait3A_93 = arith.constant 0 : i32
    %dma_wait3A_94 = tpu.memref_slice %arg10[%add3A_88, %dma_wait3A_93] : memref<10000x128xf32, #tpu.memory_space<vmem_shared>> -> memref<128x128xf32, #tpu.memory_space<vmem_shared>>
    %dma_wait3A_95 = arith.constant 0 : i32
    %dma_wait3A_96 = arith.constant 0 : i32
    %dma_wait3A_97 = tpu.memref_slice %arg8[%dma_wait3A_95, %dma_wait3A_96] : memref<128x128xf32, #tpu.memory_space<vmem>> -> memref<128x128xf32, #tpu.memory_space<vmem>>
    tpu.wait_dma2 semaphore(%arg11 : memref<!tpu.dma_semaphore, #tpu.memory_space<semaphore_mem>>) src(%dma_wait3A_97 : memref<128x128xf32, #tpu.memory_space<vmem>>) dst(%dma_wait3A_94 : memref<128x128xf32, #tpu.memory_space<vmem_shared>>)
    %mul3A_98 = arith.constant 624 : i32
    %mul3A_99 = arith.muli %arg1, %mul3A_98 : i32
    %add3A_100 = arith.constant 128 : i32
    %add3A_101 = arith.addi %mul3A_99, %add3A_100 : i32
    %dma_wait3A_102 = arith.constant 0 : i32
    %dma_wait3A_103 = arith.constant 0 : i32
    %dma_wait3A_104 = tpu.memref_slice %arg8[%dma_wait3A_102, %dma_wait3A_103] : memref<128x128xf32, #tpu.memory_space<vmem>> -> memref<128x128xf32, #tpu.memory_space<vmem>>
    %dma_wait3A_105 = arith.constant 0 : i32
    %dma_wait3A_106 = tpu.memref_slice %arg10[%add3A_101, %dma_wait3A_105] : memref<10000x128xf32, #tpu.memory_space<vmem_shared>> -> memref<128x128xf32, #tpu.memory_space<vmem_shared>>
    %dma_wait3A_107 = arith.constant 0 : i32
    %dma_wait3A_108 = tpu.memref_slice %arg10[%add3A_101, %dma_wait3A_107] : memref<10000x128xf32, #tpu.memory_space<vmem_shared>> -> memref<128x128xf32, #tpu.memory_space<vmem_shared>>
    %dma_wait3A_109 = arith.constant 0 : i32
    %dma_wait3A_110 = arith.constant 0 : i32
    %dma_wait3A_111 = tpu.memref_slice %arg8[%dma_wait3A_109, %dma_wait3A_110] : memref<128x128xf32, #tpu.memory_space<vmem>> -> memref<128x128xf32, #tpu.memory_space<vmem>>
    tpu.wait_dma2 semaphore(%arg11 : memref<!tpu.dma_semaphore, #tpu.memory_space<semaphore_mem>>) src(%dma_wait3A_111 : memref<128x128xf32, #tpu.memory_space<vmem>>) dst(%dma_wait3A_108 : memref<128x128xf32, #tpu.memory_space<vmem_shared>>)
    %mul3A_112 = arith.constant 624 : i32
    %mul3A_113 = arith.muli %arg1, %mul3A_112 : i32
    %add3A_114 = arith.constant 256 : i32
    %add3A_115 = arith.addi %mul3A_113, %add3A_114 : i32
    %dma_wait3A_116 = arith.constant 0 : i32
    %dma_wait3A_117 = arith.constant 0 : i32
    %dma_wait3A_118 = tpu.memref_slice %arg8[%dma_wait3A_116, %dma_wait3A_117] : memref<128x128xf32, #tpu.memory_space<vmem>> -> memref<128x128xf32, #tpu.memory_space<vmem>>
    %dma_wait3A_119 = arith.constant 0 : i32
    %dma_wait3A_120 = tpu.memref_slice %arg10[%add3A_115, %dma_wait3A_119] : memref<10000x128xf32, #tpu.memory_space<vmem_shared>> -> memref<128x128xf32, #tpu.memory_space<vmem_shared>>
    %dma_wait3A_121 = arith.constant 0 : i32
    %dma_wait3A_122 = tpu.memref_slice %arg10[%add3A_115, %dma_wait3A_121] : memref<10000x128xf32, #tpu.memory_space<vmem_shared>> -> memref<128x128xf32, #tpu.memory_space<vmem_shared>>
    %dma_wait3A_123 = arith.constant 0 : i32
    %dma_wait3A_124 = arith.constant 0 : i32
    %dma_wait3A_125 = tpu.memref_slice %arg8[%dma_wait3A_123, %dma_wait3A_124] : memref<128x128xf32, #tpu.memory_space<vmem>> -> memref<128x128xf32, #tpu.memory_space<vmem>>
    tpu.wait_dma2 semaphore(%arg11 : memref<!tpu.dma_semaphore, #tpu.memory_space<semaphore_mem>>) src(%dma_wait3A_125 : memref<128x128xf32, #tpu.memory_space<vmem>>) dst(%dma_wait3A_122 : memref<128x128xf32, #tpu.memory_space<vmem_shared>>)
    %mul3A_126 = arith.constant 624 : i32
    %mul3A_127 = arith.muli %arg1, %mul3A_126 : i32
    %add3A_128 = arith.constant 384 : i32
    %add3A_129 = arith.addi %mul3A_127, %add3A_128 : i32
    %dma_wait3A_130 = arith.constant 0 : i32
    %dma_wait3A_131 = arith.constant 0 : i32
    %dma_wait3A_132 = tpu.memref_slice %arg8[%dma_wait3A_130, %dma_wait3A_131] : memref<128x128xf32, #tpu.memory_space<vmem>> -> memref<128x128xf32, #tpu.memory_space<vmem>>
    %dma_wait3A_133 = arith.constant 0 : i32
    %dma_wait3A_134 = tpu.memref_slice %arg10[%add3A_129, %dma_wait3A_133] : memref<10000x128xf32, #tpu.memory_space<vmem_shared>> -> memref<128x128xf32, #tpu.memory_space<vmem_shared>>
    %dma_wait3A_135 = arith.constant 0 : i32
    %dma_wait3A_136 = tpu.memref_slice %arg10[%add3A_129, %dma_wait3A_135] : memref<10000x128xf32, #tpu.memory_space<vmem_shared>> -> memref<128x128xf32, #tpu.memory_space<vmem_shared>>
    %dma_wait3A_137 = arith.constant 0 : i32
    %dma_wait3A_138 = arith.constant 0 : i32
    %dma_wait3A_139 = tpu.memref_slice %arg8[%dma_wait3A_137, %dma_wait3A_138] : memref<128x128xf32, #tpu.memory_space<vmem>> -> memref<128x128xf32, #tpu.memory_space<vmem>>
    tpu.wait_dma2 semaphore(%arg11 : memref<!tpu.dma_semaphore, #tpu.memory_space<semaphore_mem>>) src(%dma_wait3A_139 : memref<128x128xf32, #tpu.memory_space<vmem>>) dst(%dma_wait3A_136 : memref<128x128xf32, #tpu.memory_space<vmem_shared>>)
    %mul3A_140 = arith.constant 624 : i32
    %mul3A_141 = arith.muli %arg1, %mul3A_140 : i32
    %add3A_142 = arith.constant 512 : i32
    %add3A_143 = arith.addi %mul3A_141, %add3A_142 : i32
    %dma_wait3A_144 = arith.constant 0 : i32
    %dma_wait3A_145 = arith.constant 0 : i32
    %dma_wait3A_146 = tpu.memref_slice %arg8[%dma_wait3A_144, %dma_wait3A_145] : memref<128x128xf32, #tpu.memory_space<vmem>> -> memref<112x128xf32, #tpu.memory_space<vmem>>
    %dma_wait3A_147 = arith.constant 0 : i32
    %dma_wait3A_148 = tpu.memref_slice %arg10[%add3A_143, %dma_wait3A_147] : memref<10000x128xf32, #tpu.memory_space<vmem_shared>> -> memref<112x128xf32, #tpu.memory_space<vmem_shared>>
    %dma_wait3A_149 = arith.constant 0 : i32
    %dma_wait3A_150 = tpu.memref_slice %arg10[%add3A_143, %dma_wait3A_149] : memref<10000x128xf32, #tpu.memory_space<vmem_shared>> -> memref<112x128xf32, #tpu.memory_space<vmem_shared>>
    %dma_wait3A_151 = arith.constant 0 : i32
    %dma_wait3A_152 = arith.constant 0 : i32
    %dma_wait3A_153 = tpu.memref_slice %arg8[%dma_wait3A_151, %dma_wait3A_152] : memref<128x128xf32, #tpu.memory_space<vmem>> -> memref<112x128xf32, #tpu.memory_space<vmem>>
    tpu.wait_dma2 semaphore(%arg11 : memref<!tpu.dma_semaphore, #tpu.memory_space<semaphore_mem>>) src(%dma_wait3A_153 : memref<112x128xf32, #tpu.memory_space<vmem>>) dst(%dma_wait3A_150 : memref<112x128xf32, #tpu.memory_space<vmem_shared>>)
    %lt3A_154 = arith.constant 31 : i32
    %lt3A_155 = arith.cmpi slt, %add3A, %lt3A_154 : i32
    %convert_element_type3A_156 = arith.extui %lt3A_155 : i1 to i32
    %cond3A_157 = arith.constant 0 : i32
    %cond3A_158 = arith.cmpi ne, %convert_element_type3A_156, %cond3A_157 : i32
    scf.if %cond3A_158 {
      %dma_start3A_480 = arith.constant 0 : i32
      %dma_start3A_481 = arith.constant 0 : i32
      %dma_start3A_482 = tpu.memref_slice %arg6[%dma_start3A_480, %dma_start3A_481] : memref<40x128xi32, #tpu.memory_space<vmem>> -> memref<1x128xi32, #tpu.memory_space<vmem>>
      %dma_start3A_483 = tpu.memref_squeeze %dma_start3A_482 : memref<1x128xi32, #tpu.memory_space<vmem>> -> memref<128xi32, #tpu.memory_space<vmem>>
      %dma_start3A_484 = arith.constant 0 : i32
      %dma_start3A_485 = arith.constant 0 : i32
      %dma_start3A_486 = tpu.memref_slice %arg2[%dma_start3A_484, %dma_start3A_485] : memref<10000x128xf32, #tpu.memory_space<hbm>> -> memref<10000x128xf32, #tpu.memory_space<hbm>>
      tpu.enqueue_indirect_dma source(%dma_start3A_486 : memref<10000x128xf32, #tpu.memory_space<hbm>>) target(%arg8 : memref<128x128xf32, #tpu.memory_space<vmem>>) offsets(%dma_start3A_483 : memref<128xi32, #tpu.memory_space<vmem>>) semaphore(%arg11 : memref<!tpu.dma_semaphore, #tpu.memory_space<semaphore_mem>>)
      %dma_start3A_487 = arith.constant 1 : i32
      %dma_start3A_488 = arith.constant 0 : i32
      %dma_start3A_489 = tpu.memref_slice %arg6[%dma_start3A_487, %dma_start3A_488] : memref<40x128xi32, #tpu.memory_space<vmem>> -> memref<1x128xi32, #tpu.memory_space<vmem>>
      %dma_start3A_490 = tpu.memref_squeeze %dma_start3A_489 : memref<1x128xi32, #tpu.memory_space<vmem>> -> memref<128xi32, #tpu.memory_space<vmem>>
      %dma_start3A_491 = arith.constant 0 : i32
      %dma_start3A_492 = arith.constant 0 : i32
      %dma_start3A_493 = tpu.memref_slice %arg2[%dma_start3A_491, %dma_start3A_492] : memref<10000x128xf32, #tpu.memory_space<hbm>> -> memref<10000x128xf32, #tpu.memory_space<hbm>>
      tpu.enqueue_indirect_dma source(%dma_start3A_493 : memref<10000x128xf32, #tpu.memory_space<hbm>>) target(%arg9 : memref<128x128xf32, #tpu.memory_space<vmem>>) offsets(%dma_start3A_490 : memref<128xi32, #tpu.memory_space<vmem>>) semaphore(%arg12 : memref<!tpu.dma_semaphore, #tpu.memory_space<semaphore_mem>>)
    } else {
    }
    %eq3A_159 = arith.constant 31 : i32
    %eq3A_160 = arith.cmpi eq, %add3A, %eq3A_159 : i32
    %convert_element_type3A_161 = arith.extui %eq3A_160 : i1 to i32
    %cond3A_162 = arith.constant 0 : i32
    %cond3A_163 = arith.cmpi ne, %convert_element_type3A_161, %cond3A_162 : i32
    scf.if %cond3A_163 {
      %dma_start3A_480 = arith.constant 0 : i32
      %dma_start3A_481 = arith.constant 0 : i32
      %dma_start3A_482 = tpu.memref_slice %arg6[%dma_start3A_480, %dma_start3A_481] : memref<40x128xi32, #tpu.memory_space<vmem>> -> memref<1x128xi32, #tpu.memory_space<vmem>>
      %dma_start3A_483 = tpu.memref_squeeze %dma_start3A_482 : memref<1x128xi32, #tpu.memory_space<vmem>> -> memref<128xi32, #tpu.memory_space<vmem>>
      %dma_start3A_484 = arith.constant 0 : i32
      %dma_start3A_485 = arith.constant 0 : i32
      %dma_start3A_486 = tpu.memref_slice %arg2[%dma_start3A_484, %dma_start3A_485] : memref<10000x128xf32, #tpu.memory_space<hbm>> -> memref<10000x128xf32, #tpu.memory_space<hbm>>
      tpu.enqueue_indirect_dma source(%dma_start3A_486 : memref<10000x128xf32, #tpu.memory_space<hbm>>) target(%arg8 : memref<128x128xf32, #tpu.memory_space<vmem>>) offsets(%dma_start3A_483 : memref<128xi32, #tpu.memory_space<vmem>>) semaphore(%arg11 : memref<!tpu.dma_semaphore, #tpu.memory_space<semaphore_mem>>)
      %dma_start3A_487 = arith.constant 1 : i32
      %dma_start3A_488 = arith.constant 0 : i32
      %dma_start3A_489 = tpu.memref_slice %arg6[%dma_start3A_487, %dma_start3A_488] : memref<40x128xi32, #tpu.memory_space<vmem>> -> memref<1x128xi32, #tpu.memory_space<vmem>>
      %dma_start3A_490 = tpu.memref_squeeze %dma_start3A_489 : memref<1x128xi32, #tpu.memory_space<vmem>> -> memref<128xi32, #tpu.memory_space<vmem>>
      %dma_start3A_491 = arith.constant 0 : i32
      %dma_start3A_492 = arith.constant 0 : i32
      %dma_start3A_493 = tpu.memref_slice %arg2[%dma_start3A_491, %dma_start3A_492] : memref<10000x128xf32, #tpu.memory_space<hbm>> -> memref<10000x128xf32, #tpu.memory_space<hbm>>
      tpu.enqueue_indirect_dma source(%dma_start3A_493 : memref<10000x128xf32, #tpu.memory_space<hbm>>) target(%arg9 : memref<128x128xf32, #tpu.memory_space<vmem>>) offsets(%dma_start3A_490 : memref<128xi32, #tpu.memory_space<vmem>>) semaphore(%arg12 : memref<!tpu.dma_semaphore, #tpu.memory_space<semaphore_mem>>)
    } else {
    }
    %barrier3A = arith.constant 0 : index
    tpu.barrier barrier_id(%barrier3A)
    %lt3A_164 = arith.constant 31 : i32
    %lt3A_165 = arith.cmpi slt, %add3A, %lt3A_164 : i32
    %convert_element_type3A_166 = arith.extui %lt3A_165 : i1 to i32
    %cond3A_167 = arith.constant 0 : i32
    %cond3A_168 = arith.cmpi ne, %convert_element_type3A_166, %cond3A_167 : i32
    scf.if %cond3A_168 {
      %dma_wait3A_480 = arith.constant 0 : i32
      %dma_wait3A_481 = arith.constant 0 : i32
      %dma_wait3A_482 = tpu.memref_slice %arg6[%dma_wait3A_480, %dma_wait3A_481] : memref<40x128xi32, #tpu.memory_space<vmem>> -> memref<1x128xi32, #tpu.memory_space<vmem>>
      %dma_wait3A_483 = tpu.memref_squeeze %dma_wait3A_482 : memref<1x128xi32, #tpu.memory_space<vmem>> -> memref<128xi32, #tpu.memory_space<vmem>>
      %dma_wait3A_484 = arith.constant 0 : i32
      %dma_wait3A_485 = arith.constant 0 : i32
      %dma_wait3A_486 = tpu.memref_slice %arg2[%dma_wait3A_484, %dma_wait3A_485] : memref<10000x128xf32, #tpu.memory_space<hbm>> -> memref<10000x128xf32, #tpu.memory_space<hbm>>
      tpu.wait_indirect_dma semaphore(%arg11 : memref<!tpu.dma_semaphore, #tpu.memory_space<semaphore_mem>>) src(%dma_wait3A_486 : memref<10000x128xf32, #tpu.memory_space<hbm>>) dst(%arg8 : memref<128x128xf32, #tpu.memory_space<vmem>>)
      %dma_start3A_487 = arith.constant 0 : i32
      %dma_start3A_488 = arith.constant 0 : i32
      %dma_start3A_489 = tpu.memref_slice %arg7[%dma_start3A_487, %dma_start3A_488] : memref<80x128xi32, #tpu.memory_space<vmem>> -> memref<1x128xi32, #tpu.memory_space<vmem>>
      %dma_start3A_490 = tpu.memref_squeeze %dma_start3A_489 : memref<1x128xi32, #tpu.memory_space<vmem>> -> memref<128xi32, #tpu.memory_space<vmem>>
      %dma_start3A_491 = arith.constant 0 : i32
      %dma_start3A_492 = arith.constant 0 : i32
      %dma_start3A_493 = tpu.memref_slice %arg10[%dma_start3A_491, %dma_start3A_492] : memref<10000x128xf32, #tpu.memory_space<vmem_shared>> -> memref<10000x128xf32, #tpu.memory_space<vmem_shared>>
      tpu.enqueue_indirect_dma source(%arg8 : memref<128x128xf32, #tpu.memory_space<vmem>>) target(%dma_start3A_493 : memref<10000x128xf32, #tpu.memory_space<vmem_shared>>) offsets(%dma_start3A_490 : memref<128xi32, #tpu.memory_space<vmem>>) semaphore(%arg13 : memref<!tpu.dma_semaphore, #tpu.memory_space<semaphore_mem>>) {add = true}
      %scan3A_494 = arith.constant 0 : i32
      %scan3A_495 = arith.constant 19 : i32
      %scan3A_496 = arith.addi %scan3A_494, %scan3A_495 : i32
      %scan3A_497 = arith.constant 1 : i32
      scf.for %scan3A_592 = %scan3A_494 to %scan3A_496 step %scan3A_497  : i32 {
        %mul3A_593 = arith.constant 2 : i32
        %mul3A_594 = arith.muli %scan3A_592, %mul3A_593 : i32
        %add3A_595 = arith.constant 2 : i32
        %add3A_596 = arith.addi %add3A_595, %mul3A_594 : i32
        %add3A_597 = arith.constant 0 : i32
        %add3A_598 = arith.addi %add3A_596, %add3A_597 : i32
        %sub3A = arith.constant 2 : i32
        %sub3A_599 = arith.subi %add3A_598, %sub3A : i32
        %dma_wait3A_600 = arith.constant 0 : i32
        %dma_wait3A_601 = tpu.memref_slice %arg7[%sub3A_599, %dma_wait3A_600] : memref<80x128xi32, #tpu.memory_space<vmem>> -> memref<1x128xi32, #tpu.memory_space<vmem>>
        %dma_wait3A_602 = tpu.memref_squeeze %dma_wait3A_601 : memref<1x128xi32, #tpu.memory_space<vmem>> -> memref<128xi32, #tpu.memory_space<vmem>>
        %dma_wait3A_603 = arith.constant 0 : i32
        %dma_wait3A_604 = arith.constant 0 : i32
        %dma_wait3A_605 = tpu.memref_slice %arg10[%dma_wait3A_603, %dma_wait3A_604] : memref<10000x128xf32, #tpu.memory_space<vmem_shared>> -> memref<10000x128xf32, #tpu.memory_space<vmem_shared>>
        tpu.wait_indirect_dma semaphore(%arg13 : memref<!tpu.dma_semaphore, #tpu.memory_space<semaphore_mem>>) src(%arg8 : memref<128x128xf32, #tpu.memory_space<vmem>>) dst(%dma_wait3A_605 : memref<10000x128xf32, #tpu.memory_space<vmem_shared>>)
        %sub3A_606 = arith.constant 0 : i32
        %sub3A_607 = arith.subi %add3A_598, %sub3A_606 : i32
        %dma_start3A_608 = arith.constant 0 : i32
        %dma_start3A_609 = tpu.memref_slice %arg6[%sub3A_607, %dma_start3A_608] : memref<40x128xi32, #tpu.memory_space<vmem>> -> memref<1x128xi32, #tpu.memory_space<vmem>>
        %dma_start3A_610 = tpu.memref_squeeze %dma_start3A_609 : memref<1x128xi32, #tpu.memory_space<vmem>> -> memref<128xi32, #tpu.memory_space<vmem>>
        %dma_start3A_611 = arith.constant 0 : i32
        %dma_start3A_612 = arith.constant 0 : i32
        %dma_start3A_613 = tpu.memref_slice %arg2[%dma_start3A_611, %dma_start3A_612] : memref<10000x128xf32, #tpu.memory_space<hbm>> -> memref<10000x128xf32, #tpu.memory_space<hbm>>
        tpu.enqueue_indirect_dma source(%dma_start3A_613 : memref<10000x128xf32, #tpu.memory_space<hbm>>) target(%arg8 : memref<128x128xf32, #tpu.memory_space<vmem>>) offsets(%dma_start3A_610 : memref<128xi32, #tpu.memory_space<vmem>>) semaphore(%arg11 : memref<!tpu.dma_semaphore, #tpu.memory_space<semaphore_mem>>)
        %sub3A_614 = arith.constant 1 : i32
        %sub3A_615 = arith.subi %add3A_598, %sub3A_614 : i32
        %sub3A_616 = arith.constant 0 : i32
        %sub3A_617 = arith.subi %sub3A_615, %sub3A_616 : i32
        %dma_wait3A_618 = arith.constant 0 : i32
        %dma_wait3A_619 = tpu.memref_slice %arg6[%sub3A_617, %dma_wait3A_618] : memref<40x128xi32, #tpu.memory_space<vmem>> -> memref<1x128xi32, #tpu.memory_space<vmem>>
        %dma_wait3A_620 = tpu.memref_squeeze %dma_wait3A_619 : memref<1x128xi32, #tpu.memory_space<vmem>> -> memref<128xi32, #tpu.memory_space<vmem>>
        %dma_wait3A_621 = arith.constant 0 : i32
        %dma_wait3A_622 = arith.constant 0 : i32
        %dma_wait3A_623 = tpu.memref_slice %arg2[%dma_wait3A_621, %dma_wait3A_622] : memref<10000x128xf32, #tpu.memory_space<hbm>> -> memref<10000x128xf32, #tpu.memory_space<hbm>>
        tpu.wait_indirect_dma semaphore(%arg12 : memref<!tpu.dma_semaphore, #tpu.memory_space<semaphore_mem>>) src(%dma_wait3A_623 : memref<10000x128xf32, #tpu.memory_space<hbm>>) dst(%arg9 : memref<128x128xf32, #tpu.memory_space<vmem>>)
        %sub3A_624 = arith.constant 1 : i32
        %sub3A_625 = arith.subi %add3A_598, %sub3A_624 : i32
        %dma_start3A_626 = arith.constant 0 : i32
        %dma_start3A_627 = tpu.memref_slice %arg7[%sub3A_625, %dma_start3A_626] : memref<80x128xi32, #tpu.memory_space<vmem>> -> memref<1x128xi32, #tpu.memory_space<vmem>>
        %dma_start3A_628 = tpu.memref_squeeze %dma_start3A_627 : memref<1x128xi32, #tpu.memory_space<vmem>> -> memref<128xi32, #tpu.memory_space<vmem>>
        %dma_start3A_629 = arith.constant 0 : i32
        %dma_start3A_630 = arith.constant 0 : i32
        %dma_start3A_631 = tpu.memref_slice %arg10[%dma_start3A_629, %dma_start3A_630] : memref<10000x128xf32, #tpu.memory_space<vmem_shared>> -> memref<10000x128xf32, #tpu.memory_space<vmem_shared>>
        tpu.enqueue_indirect_dma source(%arg9 : memref<128x128xf32, #tpu.memory_space<vmem>>) target(%dma_start3A_631 : memref<10000x128xf32, #tpu.memory_space<vmem_shared>>) offsets(%dma_start3A_628 : memref<128xi32, #tpu.memory_space<vmem>>) semaphore(%arg14 : memref<!tpu.dma_semaphore, #tpu.memory_space<semaphore_mem>>) {add = true}
        %add3A_632 = arith.constant 1 : i32
        %add3A_633 = arith.addi %add3A_596, %add3A_632 : i32
        %sub3A_634 = arith.constant 2 : i32
        %sub3A_635 = arith.subi %add3A_633, %sub3A_634 : i32
        %dma_wait3A_636 = arith.constant 0 : i32
        %dma_wait3A_637 = tpu.memref_slice %arg7[%sub3A_635, %dma_wait3A_636] : memref<80x128xi32, #tpu.memory_space<vmem>> -> memref<1x128xi32, #tpu.memory_space<vmem>>
        %dma_wait3A_638 = tpu.memref_squeeze %dma_wait3A_637 : memref<1x128xi32, #tpu.memory_space<vmem>> -> memref<128xi32, #tpu.memory_space<vmem>>
        %dma_wait3A_639 = arith.constant 0 : i32
        %dma_wait3A_640 = arith.constant 0 : i32
        %dma_wait3A_641 = tpu.memref_slice %arg10[%dma_wait3A_639, %dma_wait3A_640] : memref<10000x128xf32, #tpu.memory_space<vmem_shared>> -> memref<10000x128xf32, #tpu.memory_space<vmem_shared>>
        tpu.wait_indirect_dma semaphore(%arg14 : memref<!tpu.dma_semaphore, #tpu.memory_space<semaphore_mem>>) src(%arg9 : memref<128x128xf32, #tpu.memory_space<vmem>>) dst(%dma_wait3A_641 : memref<10000x128xf32, #tpu.memory_space<vmem_shared>>)
        %sub3A_642 = arith.constant 0 : i32
        %sub3A_643 = arith.subi %add3A_633, %sub3A_642 : i32
        %dma_start3A_644 = arith.constant 0 : i32
        %dma_start3A_645 = tpu.memref_slice %arg6[%sub3A_643, %dma_start3A_644] : memref<40x128xi32, #tpu.memory_space<vmem>> -> memref<1x128xi32, #tpu.memory_space<vmem>>
        %dma_start3A_646 = tpu.memref_squeeze %dma_start3A_645 : memref<1x128xi32, #tpu.memory_space<vmem>> -> memref<128xi32, #tpu.memory_space<vmem>>
        %dma_start3A_647 = arith.constant 0 : i32
        %dma_start3A_648 = arith.constant 0 : i32
        %dma_start3A_649 = tpu.memref_slice %arg2[%dma_start3A_647, %dma_start3A_648] : memref<10000x128xf32, #tpu.memory_space<hbm>> -> memref<10000x128xf32, #tpu.memory_space<hbm>>
        tpu.enqueue_indirect_dma source(%dma_start3A_649 : memref<10000x128xf32, #tpu.memory_space<hbm>>) target(%arg9 : memref<128x128xf32, #tpu.memory_space<vmem>>) offsets(%dma_start3A_646 : memref<128xi32, #tpu.memory_space<vmem>>) semaphore(%arg12 : memref<!tpu.dma_semaphore, #tpu.memory_space<semaphore_mem>>)
        %sub3A_650 = arith.constant 1 : i32
        %sub3A_651 = arith.subi %add3A_633, %sub3A_650 : i32
        %sub3A_652 = arith.constant 0 : i32
        %sub3A_653 = arith.subi %sub3A_651, %sub3A_652 : i32
        %dma_wait3A_654 = arith.constant 0 : i32
        %dma_wait3A_655 = tpu.memref_slice %arg6[%sub3A_653, %dma_wait3A_654] : memref<40x128xi32, #tpu.memory_space<vmem>> -> memref<1x128xi32, #tpu.memory_space<vmem>>
        %dma_wait3A_656 = tpu.memref_squeeze %dma_wait3A_655 : memref<1x128xi32, #tpu.memory_space<vmem>> -> memref<128xi32, #tpu.memory_space<vmem>>
        %dma_wait3A_657 = arith.constant 0 : i32
        %dma_wait3A_658 = arith.constant 0 : i32
        %dma_wait3A_659 = tpu.memref_slice %arg2[%dma_wait3A_657, %dma_wait3A_658] : memref<10000x128xf32, #tpu.memory_space<hbm>> -> memref<10000x128xf32, #tpu.memory_space<hbm>>
        tpu.wait_indirect_dma semaphore(%arg11 : memref<!tpu.dma_semaphore, #tpu.memory_space<semaphore_mem>>) src(%dma_wait3A_659 : memref<10000x128xf32, #tpu.memory_space<hbm>>) dst(%arg8 : memref<128x128xf32, #tpu.memory_space<vmem>>)
        %sub3A_660 = arith.constant 1 : i32
        %sub3A_661 = arith.subi %add3A_633, %sub3A_660 : i32
        %dma_start3A_662 = arith.constant 0 : i32
        %dma_start3A_663 = tpu.memref_slice %arg7[%sub3A_661, %dma_start3A_662] : memref<80x128xi32, #tpu.memory_space<vmem>> -> memref<1x128xi32, #tpu.memory_space<vmem>>
        %dma_start3A_664 = tpu.memref_squeeze %dma_start3A_663 : memref<1x128xi32, #tpu.memory_space<vmem>> -> memref<128xi32, #tpu.memory_space<vmem>>
        %dma_start3A_665 = arith.constant 0 : i32
        %dma_start3A_666 = arith.constant 0 : i32
        %dma_start3A_667 = tpu.memref_slice %arg10[%dma_start3A_665, %dma_start3A_666] : memref<10000x128xf32, #tpu.memory_space<vmem_shared>> -> memref<10000x128xf32, #tpu.memory_space<vmem_shared>>
        tpu.enqueue_indirect_dma source(%arg8 : memref<128x128xf32, #tpu.memory_space<vmem>>) target(%dma_start3A_667 : memref<10000x128xf32, #tpu.memory_space<vmem_shared>>) offsets(%dma_start3A_664 : memref<128xi32, #tpu.memory_space<vmem>>) semaphore(%arg13 : memref<!tpu.dma_semaphore, #tpu.memory_space<semaphore_mem>>) {add = true}
      }
      %scan3A_498 = arith.constant 19 : i32
      %dma_wait3A_499 = arith.constant 39 : i32
      %dma_wait3A_500 = arith.constant 0 : i32
      %dma_wait3A_501 = tpu.memref_slice %arg6[%dma_wait3A_499, %dma_wait3A_500] : memref<40x128xi32, #tpu.memory_space<vmem>> -> memref<1x128xi32, #tpu.memory_space<vmem>>
      %dma_wait3A_502 = tpu.memref_squeeze %dma_wait3A_501 : memref<1x128xi32, #tpu.memory_space<vmem>> -> memref<128xi32, #tpu.memory_space<vmem>>
      %dma_wait3A_503 = arith.constant 0 : i32
      %dma_wait3A_504 = arith.constant 0 : i32
      %dma_wait3A_505 = tpu.memref_slice %arg2[%dma_wait3A_503, %dma_wait3A_504] : memref<10000x128xf32, #tpu.memory_space<hbm>> -> memref<10000x128xf32, #tpu.memory_space<hbm>>
      tpu.wait_indirect_dma semaphore(%arg12 : memref<!tpu.dma_semaphore, #tpu.memory_space<semaphore_mem>>) src(%dma_wait3A_505 : memref<10000x128xf32, #tpu.memory_space<hbm>>) dst(%arg9 : memref<128x128xf32, #tpu.memory_space<vmem>>)
      %dma_start3A_506 = arith.constant 39 : i32
      %dma_start3A_507 = arith.constant 0 : i32
      %dma_start3A_508 = tpu.memref_slice %arg7[%dma_start3A_506, %dma_start3A_507] : memref<80x128xi32, #tpu.memory_space<vmem>> -> memref<1x128xi32, #tpu.memory_space<vmem>>
      %dma_start3A_509 = tpu.memref_squeeze %dma_start3A_508 : memref<1x128xi32, #tpu.memory_space<vmem>> -> memref<128xi32, #tpu.memory_space<vmem>>
      %dma_start3A_510 = arith.constant 0 : i32
      %dma_start3A_511 = arith.constant 0 : i32
      %dma_start3A_512 = tpu.memref_slice %arg10[%dma_start3A_510, %dma_start3A_511] : memref<10000x128xf32, #tpu.memory_space<vmem_shared>> -> memref<10000x128xf32, #tpu.memory_space<vmem_shared>>
      tpu.enqueue_indirect_dma source(%arg9 : memref<128x128xf32, #tpu.memory_space<vmem>>) target(%dma_start3A_512 : memref<10000x128xf32, #tpu.memory_space<vmem_shared>>) offsets(%dma_start3A_509 : memref<128xi32, #tpu.memory_space<vmem>>) semaphore(%arg14 : memref<!tpu.dma_semaphore, #tpu.memory_space<semaphore_mem>>) {add = true}
      %dma_wait3A_513 = arith.constant 38 : i32
      %dma_wait3A_514 = arith.constant 0 : i32
      %dma_wait3A_515 = tpu.memref_slice %arg7[%dma_wait3A_513, %dma_wait3A_514] : memref<80x128xi32, #tpu.memory_space<vmem>> -> memref<1x128xi32, #tpu.memory_space<vmem>>
      %dma_wait3A_516 = tpu.memref_squeeze %dma_wait3A_515 : memref<1x128xi32, #tpu.memory_space<vmem>> -> memref<128xi32, #tpu.memory_space<vmem>>
      %dma_wait3A_517 = arith.constant 0 : i32
      %dma_wait3A_518 = arith.constant 0 : i32
      %dma_wait3A_519 = tpu.memref_slice %arg10[%dma_wait3A_517, %dma_wait3A_518] : memref<10000x128xf32, #tpu.memory_space<vmem_shared>> -> memref<10000x128xf32, #tpu.memory_space<vmem_shared>>
      tpu.wait_indirect_dma semaphore(%arg13 : memref<!tpu.dma_semaphore, #tpu.memory_space<semaphore_mem>>) src(%arg8 : memref<128x128xf32, #tpu.memory_space<vmem>>) dst(%dma_wait3A_519 : memref<10000x128xf32, #tpu.memory_space<vmem_shared>>)
      %dma_wait3A_520 = arith.constant 39 : i32
      %dma_wait3A_521 = arith.constant 0 : i32
      %dma_wait3A_522 = tpu.memref_slice %arg7[%dma_wait3A_520, %dma_wait3A_521] : memref<80x128xi32, #tpu.memory_space<vmem>> -> memref<1x128xi32, #tpu.memory_space<vmem>>
      %dma_wait3A_523 = tpu.memref_squeeze %dma_wait3A_522 : memref<1x128xi32, #tpu.memory_space<vmem>> -> memref<128xi32, #tpu.memory_space<vmem>>
      %dma_wait3A_524 = arith.constant 0 : i32
      %dma_wait3A_525 = arith.constant 0 : i32
      %dma_wait3A_526 = tpu.memref_slice %arg10[%dma_wait3A_524, %dma_wait3A_525] : memref<10000x128xf32, #tpu.memory_space<vmem_shared>> -> memref<10000x128xf32, #tpu.memory_space<vmem_shared>>
      tpu.wait_indirect_dma semaphore(%arg14 : memref<!tpu.dma_semaphore, #tpu.memory_space<semaphore_mem>>) src(%arg9 : memref<128x128xf32, #tpu.memory_space<vmem>>) dst(%dma_wait3A_526 : memref<10000x128xf32, #tpu.memory_space<vmem_shared>>)
      %mul3A_527 = arith.constant 80 : i32
      %mul3A_528 = arith.muli %add3A, %mul3A_527 : i32
      %add3A_529 = arith.constant 40 : i32
      %add3A_530 = arith.addi %mul3A_528, %add3A_529 : i32
      "tpu.region"() ({
        %run_scoped3A = tpu.sem_alloc : memref<!tpu.dma_semaphore, #tpu.memory_space<semaphore_mem>>
        %dma_start3A_592 = arith.constant 0 : i32
        %dma_start3A_593 = tpu.memref_slice %arg3[%add3A_530, %dma_start3A_592] : memref<2500x128xi32, #tpu.memory_space<hbm>> -> memref<40x128xi32, #tpu.memory_space<hbm>>
        %dma_start3A_594 = arith.constant 0 : i32
        %dma_start3A_595 = tpu.memref_slice %arg3[%add3A_530, %dma_start3A_594] : memref<2500x128xi32, #tpu.memory_space<hbm>> -> memref<40x128xi32, #tpu.memory_space<hbm>>
        tpu.enqueue_dma source(%dma_start3A_595 : memref<40x128xi32, #tpu.memory_space<hbm>>) target(%arg6 : memref<40x128xi32, #tpu.memory_space<vmem>>) target_semaphore(%run_scoped3A : memref<!tpu.dma_semaphore, #tpu.memory_space<semaphore_mem>>)
        %dma_wait3A_596 = arith.constant 0 : i32
        %dma_wait3A_597 = tpu.memref_slice %arg3[%add3A_530, %dma_wait3A_596] : memref<2500x128xi32, #tpu.memory_space<hbm>> -> memref<40x128xi32, #tpu.memory_space<hbm>>
        %dma_wait3A_598 = arith.constant 0 : i32
        %dma_wait3A_599 = tpu.memref_slice %arg3[%add3A_530, %dma_wait3A_598] : memref<2500x128xi32, #tpu.memory_space<hbm>> -> memref<40x128xi32, #tpu.memory_space<hbm>>
        tpu.wait_dma2 semaphore(%run_scoped3A : memref<!tpu.dma_semaphore, #tpu.memory_space<semaphore_mem>>) src(%dma_wait3A_599 : memref<40x128xi32, #tpu.memory_space<hbm>>) dst(%arg6 : memref<40x128xi32, #tpu.memory_space<vmem>>)
        tpu.yield
      }) : () -> ()
      %dma_start3A_531 = arith.constant 0 : i32
      %dma_start3A_532 = arith.constant 0 : i32
      %dma_start3A_533 = tpu.memref_slice %arg6[%dma_start3A_531, %dma_start3A_532] : memref<40x128xi32, #tpu.memory_space<vmem>> -> memref<1x128xi32, #tpu.memory_space<vmem>>
      %dma_start3A_534 = tpu.memref_squeeze %dma_start3A_533 : memref<1x128xi32, #tpu.memory_space<vmem>> -> memref<128xi32, #tpu.memory_space<vmem>>
      %dma_start3A_535 = arith.constant 0 : i32
      %dma_start3A_536 = arith.constant 0 : i32
      %dma_start3A_537 = tpu.memref_slice %arg2[%dma_start3A_535, %dma_start3A_536] : memref<10000x128xf32, #tpu.memory_space<hbm>> -> memref<10000x128xf32, #tpu.memory_space<hbm>>
      tpu.enqueue_indirect_dma source(%dma_start3A_537 : memref<10000x128xf32, #tpu.memory_space<hbm>>) target(%arg8 : memref<128x128xf32, #tpu.memory_space<vmem>>) offsets(%dma_start3A_534 : memref<128xi32, #tpu.memory_space<vmem>>) semaphore(%arg11 : memref<!tpu.dma_semaphore, #tpu.memory_space<semaphore_mem>>)
      %dma_start3A_538 = arith.constant 1 : i32
      %dma_start3A_539 = arith.constant 0 : i32
      %dma_start3A_540 = tpu.memref_slice %arg6[%dma_start3A_538, %dma_start3A_539] : memref<40x128xi32, #tpu.memory_space<vmem>> -> memref<1x128xi32, #tpu.memory_space<vmem>>
      %dma_start3A_541 = tpu.memref_squeeze %dma_start3A_540 : memref<1x128xi32, #tpu.memory_space<vmem>> -> memref<128xi32, #tpu.memory_space<vmem>>
      %dma_start3A_542 = arith.constant 0 : i32
      %dma_start3A_543 = arith.constant 0 : i32
      %dma_start3A_544 = tpu.memref_slice %arg2[%dma_start3A_542, %dma_start3A_543] : memref<10000x128xf32, #tpu.memory_space<hbm>> -> memref<10000x128xf32, #tpu.memory_space<hbm>>
      tpu.enqueue_indirect_dma source(%dma_start3A_544 : memref<10000x128xf32, #tpu.memory_space<hbm>>) target(%arg9 : memref<128x128xf32, #tpu.memory_space<vmem>>) offsets(%dma_start3A_541 : memref<128xi32, #tpu.memory_space<vmem>>) semaphore(%arg12 : memref<!tpu.dma_semaphore, #tpu.memory_space<semaphore_mem>>)
      %dma_wait3A_545 = arith.constant 0 : i32
      %dma_wait3A_546 = arith.constant 0 : i32
      %dma_wait3A_547 = tpu.memref_slice %arg6[%dma_wait3A_545, %dma_wait3A_546] : memref<40x128xi32, #tpu.memory_space<vmem>> -> memref<1x128xi32, #tpu.memory_space<vmem>>
      %dma_wait3A_548 = tpu.memref_squeeze %dma_wait3A_547 : memref<1x128xi32, #tpu.memory_space<vmem>> -> memref<128xi32, #tpu.memory_space<vmem>>
      %dma_wait3A_549 = arith.constant 0 : i32
      %dma_wait3A_550 = arith.constant 0 : i32
      %dma_wait3A_551 = tpu.memref_slice %arg2[%dma_wait3A_549, %dma_wait3A_550] : memref<10000x128xf32, #tpu.memory_space<hbm>> -> memref<10000x128xf32, #tpu.memory_space<hbm>>
      tpu.wait_indirect_dma semaphore(%arg11 : memref<!tpu.dma_semaphore, #tpu.memory_space<semaphore_mem>>) src(%dma_wait3A_551 : memref<10000x128xf32, #tpu.memory_space<hbm>>) dst(%arg8 : memref<128x128xf32, #tpu.memory_space<vmem>>)
      %dma_start3A_552 = arith.constant 40 : i32
      %dma_start3A_553 = arith.constant 0 : i32
      %dma_start3A_554 = tpu.memref_slice %arg7[%dma_start3A_552, %dma_start3A_553] : memref<80x128xi32, #tpu.memory_space<vmem>> -> memref<1x128xi32, #tpu.memory_space<vmem>>
      %dma_start3A_555 = tpu.memref_squeeze %dma_start3A_554 : memref<1x128xi32, #tpu.memory_space<vmem>> -> memref<128xi32, #tpu.memory_space<vmem>>
      %dma_start3A_556 = arith.constant 0 : i32
      %dma_start3A_557 = arith.constant 0 : i32
      %dma_start3A_558 = tpu.memref_slice %arg10[%dma_start3A_556, %dma_start3A_557] : memref<10000x128xf32, #tpu.memory_space<vmem_shared>> -> memref<10000x128xf32, #tpu.memory_space<vmem_shared>>
      tpu.enqueue_indirect_dma source(%arg8 : memref<128x128xf32, #tpu.memory_space<vmem>>) target(%dma_start3A_558 : memref<10000x128xf32, #tpu.memory_space<vmem_shared>>) offsets(%dma_start3A_555 : memref<128xi32, #tpu.memory_space<vmem>>) semaphore(%arg13 : memref<!tpu.dma_semaphore, #tpu.memory_space<semaphore_mem>>) {add = true}
      %scan3A_559 = arith.constant 0 : i32
      %scan3A_560 = arith.constant 19 : i32
      %scan3A_561 = arith.addi %scan3A_559, %scan3A_560 : i32
      %scan3A_562 = arith.constant 1 : i32
      scf.for %scan3A_592 = %scan3A_559 to %scan3A_561 step %scan3A_562  : i32 {
        %mul3A_593 = arith.constant 2 : i32
        %mul3A_594 = arith.muli %scan3A_592, %mul3A_593 : i32
        %add3A_595 = arith.constant 42 : i32
        %add3A_596 = arith.addi %add3A_595, %mul3A_594 : i32
        %add3A_597 = arith.constant 0 : i32
        %add3A_598 = arith.addi %add3A_596, %add3A_597 : i32
        %sub3A = arith.constant 2 : i32
        %sub3A_599 = arith.subi %add3A_598, %sub3A : i32
        %dma_wait3A_600 = arith.constant 0 : i32
        %dma_wait3A_601 = tpu.memref_slice %arg7[%sub3A_599, %dma_wait3A_600] : memref<80x128xi32, #tpu.memory_space<vmem>> -> memref<1x128xi32, #tpu.memory_space<vmem>>
        %dma_wait3A_602 = tpu.memref_squeeze %dma_wait3A_601 : memref<1x128xi32, #tpu.memory_space<vmem>> -> memref<128xi32, #tpu.memory_space<vmem>>
        %dma_wait3A_603 = arith.constant 0 : i32
        %dma_wait3A_604 = arith.constant 0 : i32
        %dma_wait3A_605 = tpu.memref_slice %arg10[%dma_wait3A_603, %dma_wait3A_604] : memref<10000x128xf32, #tpu.memory_space<vmem_shared>> -> memref<10000x128xf32, #tpu.memory_space<vmem_shared>>
        tpu.wait_indirect_dma semaphore(%arg13 : memref<!tpu.dma_semaphore, #tpu.memory_space<semaphore_mem>>) src(%arg8 : memref<128x128xf32, #tpu.memory_space<vmem>>) dst(%dma_wait3A_605 : memref<10000x128xf32, #tpu.memory_space<vmem_shared>>)
        %sub3A_606 = arith.constant 40 : i32
        %sub3A_607 = arith.subi %add3A_598, %sub3A_606 : i32
        %dma_start3A_608 = arith.constant 0 : i32
        %dma_start3A_609 = tpu.memref_slice %arg6[%sub3A_607, %dma_start3A_608] : memref<40x128xi32, #tpu.memory_space<vmem>> -> memref<1x128xi32, #tpu.memory_space<vmem>>
        %dma_start3A_610 = tpu.memref_squeeze %dma_start3A_609 : memref<1x128xi32, #tpu.memory_space<vmem>> -> memref<128xi32, #tpu.memory_space<vmem>>
        %dma_start3A_611 = arith.constant 0 : i32
        %dma_start3A_612 = arith.constant 0 : i32
        %dma_start3A_613 = tpu.memref_slice %arg2[%dma_start3A_611, %dma_start3A_612] : memref<10000x128xf32, #tpu.memory_space<hbm>> -> memref<10000x128xf32, #tpu.memory_space<hbm>>
        tpu.enqueue_indirect_dma source(%dma_start3A_613 : memref<10000x128xf32, #tpu.memory_space<hbm>>) target(%arg8 : memref<128x128xf32, #tpu.memory_space<vmem>>) offsets(%dma_start3A_610 : memref<128xi32, #tpu.memory_space<vmem>>) semaphore(%arg11 : memref<!tpu.dma_semaphore, #tpu.memory_space<semaphore_mem>>)
        %sub3A_614 = arith.constant 1 : i32
        %sub3A_615 = arith.subi %add3A_598, %sub3A_614 : i32
        %sub3A_616 = arith.constant 40 : i32
        %sub3A_617 = arith.subi %sub3A_615, %sub3A_616 : i32
        %dma_wait3A_618 = arith.constant 0 : i32
        %dma_wait3A_619 = tpu.memref_slice %arg6[%sub3A_617, %dma_wait3A_618] : memref<40x128xi32, #tpu.memory_space<vmem>> -> memref<1x128xi32, #tpu.memory_space<vmem>>
        %dma_wait3A_620 = tpu.memref_squeeze %dma_wait3A_619 : memref<1x128xi32, #tpu.memory_space<vmem>> -> memref<128xi32, #tpu.memory_space<vmem>>
        %dma_wait3A_621 = arith.constant 0 : i32
        %dma_wait3A_622 = arith.constant 0 : i32
        %dma_wait3A_623 = tpu.memref_slice %arg2[%dma_wait3A_621, %dma_wait3A_622] : memref<10000x128xf32, #tpu.memory_space<hbm>> -> memref<10000x128xf32, #tpu.memory_space<hbm>>
        tpu.wait_indirect_dma semaphore(%arg12 : memref<!tpu.dma_semaphore, #tpu.memory_space<semaphore_mem>>) src(%dma_wait3A_623 : memref<10000x128xf32, #tpu.memory_space<hbm>>) dst(%arg9 : memref<128x128xf32, #tpu.memory_space<vmem>>)
        %sub3A_624 = arith.constant 1 : i32
        %sub3A_625 = arith.subi %add3A_598, %sub3A_624 : i32
        %dma_start3A_626 = arith.constant 0 : i32
        %dma_start3A_627 = tpu.memref_slice %arg7[%sub3A_625, %dma_start3A_626] : memref<80x128xi32, #tpu.memory_space<vmem>> -> memref<1x128xi32, #tpu.memory_space<vmem>>
        %dma_start3A_628 = tpu.memref_squeeze %dma_start3A_627 : memref<1x128xi32, #tpu.memory_space<vmem>> -> memref<128xi32, #tpu.memory_space<vmem>>
        %dma_start3A_629 = arith.constant 0 : i32
        %dma_start3A_630 = arith.constant 0 : i32
        %dma_start3A_631 = tpu.memref_slice %arg10[%dma_start3A_629, %dma_start3A_630] : memref<10000x128xf32, #tpu.memory_space<vmem_shared>> -> memref<10000x128xf32, #tpu.memory_space<vmem_shared>>
        tpu.enqueue_indirect_dma source(%arg9 : memref<128x128xf32, #tpu.memory_space<vmem>>) target(%dma_start3A_631 : memref<10000x128xf32, #tpu.memory_space<vmem_shared>>) offsets(%dma_start3A_628 : memref<128xi32, #tpu.memory_space<vmem>>) semaphore(%arg14 : memref<!tpu.dma_semaphore, #tpu.memory_space<semaphore_mem>>) {add = true}
        %add3A_632 = arith.constant 1 : i32
        %add3A_633 = arith.addi %add3A_596, %add3A_632 : i32
        %sub3A_634 = arith.constant 2 : i32
        %sub3A_635 = arith.subi %add3A_633, %sub3A_634 : i32
        %dma_wait3A_636 = arith.constant 0 : i32
        %dma_wait3A_637 = tpu.memref_slice %arg7[%sub3A_635, %dma_wait3A_636] : memref<80x128xi32, #tpu.memory_space<vmem>> -> memref<1x128xi32, #tpu.memory_space<vmem>>
        %dma_wait3A_638 = tpu.memref_squeeze %dma_wait3A_637 : memref<1x128xi32, #tpu.memory_space<vmem>> -> memref<128xi32, #tpu.memory_space<vmem>>
        %dma_wait3A_639 = arith.constant 0 : i32
        %dma_wait3A_640 = arith.constant 0 : i32
        %dma_wait3A_641 = tpu.memref_slice %arg10[%dma_wait3A_639, %dma_wait3A_640] : memref<10000x128xf32, #tpu.memory_space<vmem_shared>> -> memref<10000x128xf32, #tpu.memory_space<vmem_shared>>
        tpu.wait_indirect_dma semaphore(%arg14 : memref<!tpu.dma_semaphore, #tpu.memory_space<semaphore_mem>>) src(%arg9 : memref<128x128xf32, #tpu.memory_space<vmem>>) dst(%dma_wait3A_641 : memref<10000x128xf32, #tpu.memory_space<vmem_shared>>)
        %sub3A_642 = arith.constant 40 : i32
        %sub3A_643 = arith.subi %add3A_633, %sub3A_642 : i32
        %dma_start3A_644 = arith.constant 0 : i32
        %dma_start3A_645 = tpu.memref_slice %arg6[%sub3A_643, %dma_start3A_644] : memref<40x128xi32, #tpu.memory_space<vmem>> -> memref<1x128xi32, #tpu.memory_space<vmem>>
        %dma_start3A_646 = tpu.memref_squeeze %dma_start3A_645 : memref<1x128xi32, #tpu.memory_space<vmem>> -> memref<128xi32, #tpu.memory_space<vmem>>
        %dma_start3A_647 = arith.constant 0 : i32
        %dma_start3A_648 = arith.constant 0 : i32
        %dma_start3A_649 = tpu.memref_slice %arg2[%dma_start3A_647, %dma_start3A_648] : memref<10000x128xf32, #tpu.memory_space<hbm>> -> memref<10000x128xf32, #tpu.memory_space<hbm>>
        tpu.enqueue_indirect_dma source(%dma_start3A_649 : memref<10000x128xf32, #tpu.memory_space<hbm>>) target(%arg9 : memref<128x128xf32, #tpu.memory_space<vmem>>) offsets(%dma_start3A_646 : memref<128xi32, #tpu.memory_space<vmem>>) semaphore(%arg12 : memref<!tpu.dma_semaphore, #tpu.memory_space<semaphore_mem>>)
        %sub3A_650 = arith.constant 1 : i32
        %sub3A_651 = arith.subi %add3A_633, %sub3A_650 : i32
        %sub3A_652 = arith.constant 40 : i32
        %sub3A_653 = arith.subi %sub3A_651, %sub3A_652 : i32
        %dma_wait3A_654 = arith.constant 0 : i32
        %dma_wait3A_655 = tpu.memref_slice %arg6[%sub3A_653, %dma_wait3A_654] : memref<40x128xi32, #tpu.memory_space<vmem>> -> memref<1x128xi32, #tpu.memory_space<vmem>>
        %dma_wait3A_656 = tpu.memref_squeeze %dma_wait3A_655 : memref<1x128xi32, #tpu.memory_space<vmem>> -> memref<128xi32, #tpu.memory_space<vmem>>
        %dma_wait3A_657 = arith.constant 0 : i32
        %dma_wait3A_658 = arith.constant 0 : i32
        %dma_wait3A_659 = tpu.memref_slice %arg2[%dma_wait3A_657, %dma_wait3A_658] : memref<10000x128xf32, #tpu.memory_space<hbm>> -> memref<10000x128xf32, #tpu.memory_space<hbm>>
        tpu.wait_indirect_dma semaphore(%arg11 : memref<!tpu.dma_semaphore, #tpu.memory_space<semaphore_mem>>) src(%dma_wait3A_659 : memref<10000x128xf32, #tpu.memory_space<hbm>>) dst(%arg8 : memref<128x128xf32, #tpu.memory_space<vmem>>)
        %sub3A_660 = arith.constant 1 : i32
        %sub3A_661 = arith.subi %add3A_633, %sub3A_660 : i32
        %dma_start3A_662 = arith.constant 0 : i32
        %dma_start3A_663 = tpu.memref_slice %arg7[%sub3A_661, %dma_start3A_662] : memref<80x128xi32, #tpu.memory_space<vmem>> -> memref<1x128xi32, #tpu.memory_space<vmem>>
        %dma_start3A_664 = tpu.memref_squeeze %dma_start3A_663 : memref<1x128xi32, #tpu.memory_space<vmem>> -> memref<128xi32, #tpu.memory_space<vmem>>
        %dma_start3A_665 = arith.constant 0 : i32
        %dma_start3A_666 = arith.constant 0 : i32
        %dma_start3A_667 = tpu.memref_slice %arg10[%dma_start3A_665, %dma_start3A_666] : memref<10000x128xf32, #tpu.memory_space<vmem_shared>> -> memref<10000x128xf32, #tpu.memory_space<vmem_shared>>
        tpu.enqueue_indirect_dma source(%arg8 : memref<128x128xf32, #tpu.memory_space<vmem>>) target(%dma_start3A_667 : memref<10000x128xf32, #tpu.memory_space<vmem_shared>>) offsets(%dma_start3A_664 : memref<128xi32, #tpu.memory_space<vmem>>) semaphore(%arg13 : memref<!tpu.dma_semaphore, #tpu.memory_space<semaphore_mem>>) {add = true}
      }
      %scan3A_563 = arith.constant 19 : i32
      %dma_wait3A_564 = arith.constant 39 : i32
      %dma_wait3A_565 = arith.constant 0 : i32
      %dma_wait3A_566 = tpu.memref_slice %arg6[%dma_wait3A_564, %dma_wait3A_565] : memref<40x128xi32, #tpu.memory_space<vmem>> -> memref<1x128xi32, #tpu.memory_space<vmem>>
      %dma_wait3A_567 = tpu.memref_squeeze %dma_wait3A_566 : memref<1x128xi32, #tpu.memory_space<vmem>> -> memref<128xi32, #tpu.memory_space<vmem>>
      %dma_wait3A_568 = arith.constant 0 : i32
      %dma_wait3A_569 = arith.constant 0 : i32
      %dma_wait3A_570 = tpu.memref_slice %arg2[%dma_wait3A_568, %dma_wait3A_569] : memref<10000x128xf32, #tpu.memory_space<hbm>> -> memref<10000x128xf32, #tpu.memory_space<hbm>>
      tpu.wait_indirect_dma semaphore(%arg12 : memref<!tpu.dma_semaphore, #tpu.memory_space<semaphore_mem>>) src(%dma_wait3A_570 : memref<10000x128xf32, #tpu.memory_space<hbm>>) dst(%arg9 : memref<128x128xf32, #tpu.memory_space<vmem>>)
      %dma_start3A_571 = arith.constant 79 : i32
      %dma_start3A_572 = arith.constant 0 : i32
      %dma_start3A_573 = tpu.memref_slice %arg7[%dma_start3A_571, %dma_start3A_572] : memref<80x128xi32, #tpu.memory_space<vmem>> -> memref<1x128xi32, #tpu.memory_space<vmem>>
      %dma_start3A_574 = tpu.memref_squeeze %dma_start3A_573 : memref<1x128xi32, #tpu.memory_space<vmem>> -> memref<128xi32, #tpu.memory_space<vmem>>
      %dma_start3A_575 = arith.constant 0 : i32
      %dma_start3A_576 = arith.constant 0 : i32
      %dma_start3A_577 = tpu.memref_slice %arg10[%dma_start3A_575, %dma_start3A_576] : memref<10000x128xf32, #tpu.memory_space<vmem_shared>> -> memref<10000x128xf32, #tpu.memory_space<vmem_shared>>
      tpu.enqueue_indirect_dma source(%arg9 : memref<128x128xf32, #tpu.memory_space<vmem>>) target(%dma_start3A_577 : memref<10000x128xf32, #tpu.memory_space<vmem_shared>>) offsets(%dma_start3A_574 : memref<128xi32, #tpu.memory_space<vmem>>) semaphore(%arg14 : memref<!tpu.dma_semaphore, #tpu.memory_space<semaphore_mem>>) {add = true}
      %dma_wait3A_578 = arith.constant 78 : i32
      %dma_wait3A_579 = arith.constant 0 : i32
      %dma_wait3A_580 = tpu.memref_slice %arg7[%dma_wait3A_578, %dma_wait3A_579] : memref<80x128xi32, #tpu.memory_space<vmem>> -> memref<1x128xi32, #tpu.memory_space<vmem>>
      %dma_wait3A_581 = tpu.memref_squeeze %dma_wait3A_580 : memref<1x128xi32, #tpu.memory_space<vmem>> -> memref<128xi32, #tpu.memory_space<vmem>>
      %dma_wait3A_582 = arith.constant 0 : i32
      %dma_wait3A_583 = arith.constant 0 : i32
      %dma_wait3A_584 = tpu.memref_slice %arg10[%dma_wait3A_582, %dma_wait3A_583] : memref<10000x128xf32, #tpu.memory_space<vmem_shared>> -> memref<10000x128xf32, #tpu.memory_space<vmem_shared>>
      tpu.wait_indirect_dma semaphore(%arg13 : memref<!tpu.dma_semaphore, #tpu.memory_space<semaphore_mem>>) src(%arg8 : memref<128x128xf32, #tpu.memory_space<vmem>>) dst(%dma_wait3A_584 : memref<10000x128xf32, #tpu.memory_space<vmem_shared>>)
      %dma_wait3A_585 = arith.constant 79 : i32
      %dma_wait3A_586 = arith.constant 0 : i32
      %dma_wait3A_587 = tpu.memref_slice %arg7[%dma_wait3A_585, %dma_wait3A_586] : memref<80x128xi32, #tpu.memory_space<vmem>> -> memref<1x128xi32, #tpu.memory_space<vmem>>
      %dma_wait3A_588 = tpu.memref_squeeze %dma_wait3A_587 : memref<1x128xi32, #tpu.memory_space<vmem>> -> memref<128xi32, #tpu.memory_space<vmem>>
      %dma_wait3A_589 = arith.constant 0 : i32
      %dma_wait3A_590 = arith.constant 0 : i32
      %dma_wait3A_591 = tpu.memref_slice %arg10[%dma_wait3A_589, %dma_wait3A_590] : memref<10000x128xf32, #tpu.memory_space<vmem_shared>> -> memref<10000x128xf32, #tpu.memory_space<vmem_shared>>
      tpu.wait_indirect_dma semaphore(%arg14 : memref<!tpu.dma_semaphore, #tpu.memory_space<semaphore_mem>>) src(%arg9 : memref<128x128xf32, #tpu.memory_space<vmem>>) dst(%dma_wait3A_591 : memref<10000x128xf32, #tpu.memory_space<vmem_shared>>)
    } else {
    }
    %eq3A_169 = arith.constant 31 : i32
    %eq3A_170 = arith.cmpi eq, %add3A, %eq3A_169 : i32
    %convert_element_type3A_171 = arith.extui %eq3A_170 : i1 to i32
    %cond3A_172 = arith.constant 0 : i32
    %cond3A_173 = arith.cmpi ne, %convert_element_type3A_171, %cond3A_172 : i32
    scf.if %cond3A_173 {
      %dma_wait3A_480 = arith.constant 0 : i32
      %dma_wait3A_481 = arith.constant 0 : i32
      %dma_wait3A_482 = tpu.memref_slice %arg6[%dma_wait3A_480, %dma_wait3A_481] : memref<40x128xi32, #tpu.memory_space<vmem>> -> memref<1x128xi32, #tpu.memory_space<vmem>>
      %dma_wait3A_483 = tpu.memref_squeeze %dma_wait3A_482 : memref<1x128xi32, #tpu.memory_space<vmem>> -> memref<128xi32, #tpu.memory_space<vmem>>
      %dma_wait3A_484 = arith.constant 0 : i32
      %dma_wait3A_485 = arith.constant 0 : i32
      %dma_wait3A_486 = tpu.memref_slice %arg2[%dma_wait3A_484, %dma_wait3A_485] : memref<10000x128xf32, #tpu.memory_space<hbm>> -> memref<10000x128xf32, #tpu.memory_space<hbm>>
      tpu.wait_indirect_dma semaphore(%arg11 : memref<!tpu.dma_semaphore, #tpu.memory_space<semaphore_mem>>) src(%dma_wait3A_486 : memref<10000x128xf32, #tpu.memory_space<hbm>>) dst(%arg8 : memref<128x128xf32, #tpu.memory_space<vmem>>)
      %dma_start3A_487 = arith.constant 0 : i32
      %dma_start3A_488 = arith.constant 0 : i32
      %dma_start3A_489 = tpu.memref_slice %arg7[%dma_start3A_487, %dma_start3A_488] : memref<80x128xi32, #tpu.memory_space<vmem>> -> memref<1x128xi32, #tpu.memory_space<vmem>>
      %dma_start3A_490 = tpu.memref_squeeze %dma_start3A_489 : memref<1x128xi32, #tpu.memory_space<vmem>> -> memref<128xi32, #tpu.memory_space<vmem>>
      %dma_start3A_491 = arith.constant 0 : i32
      %dma_start3A_492 = arith.constant 0 : i32
      %dma_start3A_493 = tpu.memref_slice %arg10[%dma_start3A_491, %dma_start3A_492] : memref<10000x128xf32, #tpu.memory_space<vmem_shared>> -> memref<10000x128xf32, #tpu.memory_space<vmem_shared>>
      tpu.enqueue_indirect_dma source(%arg8 : memref<128x128xf32, #tpu.memory_space<vmem>>) target(%dma_start3A_493 : memref<10000x128xf32, #tpu.memory_space<vmem_shared>>) offsets(%dma_start3A_490 : memref<128xi32, #tpu.memory_space<vmem>>) semaphore(%arg13 : memref<!tpu.dma_semaphore, #tpu.memory_space<semaphore_mem>>) {add = true}
      %scan3A_494 = arith.constant 0 : i32
      %scan3A_495 = arith.constant 9 : i32
      %scan3A_496 = arith.addi %scan3A_494, %scan3A_495 : i32
      %scan3A_497 = arith.constant 1 : i32
      scf.for %scan3A_527 = %scan3A_494 to %scan3A_496 step %scan3A_497  : i32 {
        %mul3A_528 = arith.constant 2 : i32
        %mul3A_529 = arith.muli %scan3A_527, %mul3A_528 : i32
        %add3A_530 = arith.constant 2 : i32
        %add3A_531 = arith.addi %add3A_530, %mul3A_529 : i32
        %add3A_532 = arith.constant 0 : i32
        %add3A_533 = arith.addi %add3A_531, %add3A_532 : i32
        %sub3A = arith.constant 2 : i32
        %sub3A_534 = arith.subi %add3A_533, %sub3A : i32
        %dma_wait3A_535 = arith.constant 0 : i32
        %dma_wait3A_536 = tpu.memref_slice %arg7[%sub3A_534, %dma_wait3A_535] : memref<80x128xi32, #tpu.memory_space<vmem>> -> memref<1x128xi32, #tpu.memory_space<vmem>>
        %dma_wait3A_537 = tpu.memref_squeeze %dma_wait3A_536 : memref<1x128xi32, #tpu.memory_space<vmem>> -> memref<128xi32, #tpu.memory_space<vmem>>
        %dma_wait3A_538 = arith.constant 0 : i32
        %dma_wait3A_539 = arith.constant 0 : i32
        %dma_wait3A_540 = tpu.memref_slice %arg10[%dma_wait3A_538, %dma_wait3A_539] : memref<10000x128xf32, #tpu.memory_space<vmem_shared>> -> memref<10000x128xf32, #tpu.memory_space<vmem_shared>>
        tpu.wait_indirect_dma semaphore(%arg13 : memref<!tpu.dma_semaphore, #tpu.memory_space<semaphore_mem>>) src(%arg8 : memref<128x128xf32, #tpu.memory_space<vmem>>) dst(%dma_wait3A_540 : memref<10000x128xf32, #tpu.memory_space<vmem_shared>>)
        %sub3A_541 = arith.constant 0 : i32
        %sub3A_542 = arith.subi %add3A_533, %sub3A_541 : i32
        %dma_start3A_543 = arith.constant 0 : i32
        %dma_start3A_544 = tpu.memref_slice %arg6[%sub3A_542, %dma_start3A_543] : memref<40x128xi32, #tpu.memory_space<vmem>> -> memref<1x128xi32, #tpu.memory_space<vmem>>
        %dma_start3A_545 = tpu.memref_squeeze %dma_start3A_544 : memref<1x128xi32, #tpu.memory_space<vmem>> -> memref<128xi32, #tpu.memory_space<vmem>>
        %dma_start3A_546 = arith.constant 0 : i32
        %dma_start3A_547 = arith.constant 0 : i32
        %dma_start3A_548 = tpu.memref_slice %arg2[%dma_start3A_546, %dma_start3A_547] : memref<10000x128xf32, #tpu.memory_space<hbm>> -> memref<10000x128xf32, #tpu.memory_space<hbm>>
        tpu.enqueue_indirect_dma source(%dma_start3A_548 : memref<10000x128xf32, #tpu.memory_space<hbm>>) target(%arg8 : memref<128x128xf32, #tpu.memory_space<vmem>>) offsets(%dma_start3A_545 : memref<128xi32, #tpu.memory_space<vmem>>) semaphore(%arg11 : memref<!tpu.dma_semaphore, #tpu.memory_space<semaphore_mem>>)
        %sub3A_549 = arith.constant 1 : i32
        %sub3A_550 = arith.subi %add3A_533, %sub3A_549 : i32
        %sub3A_551 = arith.constant 0 : i32
        %sub3A_552 = arith.subi %sub3A_550, %sub3A_551 : i32
        %dma_wait3A_553 = arith.constant 0 : i32
        %dma_wait3A_554 = tpu.memref_slice %arg6[%sub3A_552, %dma_wait3A_553] : memref<40x128xi32, #tpu.memory_space<vmem>> -> memref<1x128xi32, #tpu.memory_space<vmem>>
        %dma_wait3A_555 = tpu.memref_squeeze %dma_wait3A_554 : memref<1x128xi32, #tpu.memory_space<vmem>> -> memref<128xi32, #tpu.memory_space<vmem>>
        %dma_wait3A_556 = arith.constant 0 : i32
        %dma_wait3A_557 = arith.constant 0 : i32
        %dma_wait3A_558 = tpu.memref_slice %arg2[%dma_wait3A_556, %dma_wait3A_557] : memref<10000x128xf32, #tpu.memory_space<hbm>> -> memref<10000x128xf32, #tpu.memory_space<hbm>>
        tpu.wait_indirect_dma semaphore(%arg12 : memref<!tpu.dma_semaphore, #tpu.memory_space<semaphore_mem>>) src(%dma_wait3A_558 : memref<10000x128xf32, #tpu.memory_space<hbm>>) dst(%arg9 : memref<128x128xf32, #tpu.memory_space<vmem>>)
        %sub3A_559 = arith.constant 1 : i32
        %sub3A_560 = arith.subi %add3A_533, %sub3A_559 : i32
        %dma_start3A_561 = arith.constant 0 : i32
        %dma_start3A_562 = tpu.memref_slice %arg7[%sub3A_560, %dma_start3A_561] : memref<80x128xi32, #tpu.memory_space<vmem>> -> memref<1x128xi32, #tpu.memory_space<vmem>>
        %dma_start3A_563 = tpu.memref_squeeze %dma_start3A_562 : memref<1x128xi32, #tpu.memory_space<vmem>> -> memref<128xi32, #tpu.memory_space<vmem>>
        %dma_start3A_564 = arith.constant 0 : i32
        %dma_start3A_565 = arith.constant 0 : i32
        %dma_start3A_566 = tpu.memref_slice %arg10[%dma_start3A_564, %dma_start3A_565] : memref<10000x128xf32, #tpu.memory_space<vmem_shared>> -> memref<10000x128xf32, #tpu.memory_space<vmem_shared>>
        tpu.enqueue_indirect_dma source(%arg9 : memref<128x128xf32, #tpu.memory_space<vmem>>) target(%dma_start3A_566 : memref<10000x128xf32, #tpu.memory_space<vmem_shared>>) offsets(%dma_start3A_563 : memref<128xi32, #tpu.memory_space<vmem>>) semaphore(%arg14 : memref<!tpu.dma_semaphore, #tpu.memory_space<semaphore_mem>>) {add = true}
        %add3A_567 = arith.constant 1 : i32
        %add3A_568 = arith.addi %add3A_531, %add3A_567 : i32
        %sub3A_569 = arith.constant 2 : i32
        %sub3A_570 = arith.subi %add3A_568, %sub3A_569 : i32
        %dma_wait3A_571 = arith.constant 0 : i32
        %dma_wait3A_572 = tpu.memref_slice %arg7[%sub3A_570, %dma_wait3A_571] : memref<80x128xi32, #tpu.memory_space<vmem>> -> memref<1x128xi32, #tpu.memory_space<vmem>>
        %dma_wait3A_573 = tpu.memref_squeeze %dma_wait3A_572 : memref<1x128xi32, #tpu.memory_space<vmem>> -> memref<128xi32, #tpu.memory_space<vmem>>
        %dma_wait3A_574 = arith.constant 0 : i32
        %dma_wait3A_575 = arith.constant 0 : i32
        %dma_wait3A_576 = tpu.memref_slice %arg10[%dma_wait3A_574, %dma_wait3A_575] : memref<10000x128xf32, #tpu.memory_space<vmem_shared>> -> memref<10000x128xf32, #tpu.memory_space<vmem_shared>>
        tpu.wait_indirect_dma semaphore(%arg14 : memref<!tpu.dma_semaphore, #tpu.memory_space<semaphore_mem>>) src(%arg9 : memref<128x128xf32, #tpu.memory_space<vmem>>) dst(%dma_wait3A_576 : memref<10000x128xf32, #tpu.memory_space<vmem_shared>>)
        %sub3A_577 = arith.constant 0 : i32
        %sub3A_578 = arith.subi %add3A_568, %sub3A_577 : i32
        %dma_start3A_579 = arith.constant 0 : i32
        %dma_start3A_580 = tpu.memref_slice %arg6[%sub3A_578, %dma_start3A_579] : memref<40x128xi32, #tpu.memory_space<vmem>> -> memref<1x128xi32, #tpu.memory_space<vmem>>
        %dma_start3A_581 = tpu.memref_squeeze %dma_start3A_580 : memref<1x128xi32, #tpu.memory_space<vmem>> -> memref<128xi32, #tpu.memory_space<vmem>>
        %dma_start3A_582 = arith.constant 0 : i32
        %dma_start3A_583 = arith.constant 0 : i32
        %dma_start3A_584 = tpu.memref_slice %arg2[%dma_start3A_582, %dma_start3A_583] : memref<10000x128xf32, #tpu.memory_space<hbm>> -> memref<10000x128xf32, #tpu.memory_space<hbm>>
        tpu.enqueue_indirect_dma source(%dma_start3A_584 : memref<10000x128xf32, #tpu.memory_space<hbm>>) target(%arg9 : memref<128x128xf32, #tpu.memory_space<vmem>>) offsets(%dma_start3A_581 : memref<128xi32, #tpu.memory_space<vmem>>) semaphore(%arg12 : memref<!tpu.dma_semaphore, #tpu.memory_space<semaphore_mem>>)
        %sub3A_585 = arith.constant 1 : i32
        %sub3A_586 = arith.subi %add3A_568, %sub3A_585 : i32
        %sub3A_587 = arith.constant 0 : i32
        %sub3A_588 = arith.subi %sub3A_586, %sub3A_587 : i32
        %dma_wait3A_589 = arith.constant 0 : i32
        %dma_wait3A_590 = tpu.memref_slice %arg6[%sub3A_588, %dma_wait3A_589] : memref<40x128xi32, #tpu.memory_space<vmem>> -> memref<1x128xi32, #tpu.memory_space<vmem>>
        %dma_wait3A_591 = tpu.memref_squeeze %dma_wait3A_590 : memref<1x128xi32, #tpu.memory_space<vmem>> -> memref<128xi32, #tpu.memory_space<vmem>>
        %dma_wait3A_592 = arith.constant 0 : i32
        %dma_wait3A_593 = arith.constant 0 : i32
        %dma_wait3A_594 = tpu.memref_slice %arg2[%dma_wait3A_592, %dma_wait3A_593] : memref<10000x128xf32, #tpu.memory_space<hbm>> -> memref<10000x128xf32, #tpu.memory_space<hbm>>
        tpu.wait_indirect_dma semaphore(%arg11 : memref<!tpu.dma_semaphore, #tpu.memory_space<semaphore_mem>>) src(%dma_wait3A_594 : memref<10000x128xf32, #tpu.memory_space<hbm>>) dst(%arg8 : memref<128x128xf32, #tpu.memory_space<vmem>>)
        %sub3A_595 = arith.constant 1 : i32
        %sub3A_596 = arith.subi %add3A_568, %sub3A_595 : i32
        %dma_start3A_597 = arith.constant 0 : i32
        %dma_start3A_598 = tpu.memref_slice %arg7[%sub3A_596, %dma_start3A_597] : memref<80x128xi32, #tpu.memory_space<vmem>> -> memref<1x128xi32, #tpu.memory_space<vmem>>
        %dma_start3A_599 = tpu.memref_squeeze %dma_start3A_598 : memref<1x128xi32, #tpu.memory_space<vmem>> -> memref<128xi32, #tpu.memory_space<vmem>>
        %dma_start3A_600 = arith.constant 0 : i32
        %dma_start3A_601 = arith.constant 0 : i32
        %dma_start3A_602 = tpu.memref_slice %arg10[%dma_start3A_600, %dma_start3A_601] : memref<10000x128xf32, #tpu.memory_space<vmem_shared>> -> memref<10000x128xf32, #tpu.memory_space<vmem_shared>>
        tpu.enqueue_indirect_dma source(%arg8 : memref<128x128xf32, #tpu.memory_space<vmem>>) target(%dma_start3A_602 : memref<10000x128xf32, #tpu.memory_space<vmem_shared>>) offsets(%dma_start3A_599 : memref<128xi32, #tpu.memory_space<vmem>>) semaphore(%arg13 : memref<!tpu.dma_semaphore, #tpu.memory_space<semaphore_mem>>) {add = true}
      }
      %scan3A_498 = arith.constant 9 : i32
      %dma_wait3A_499 = arith.constant 19 : i32
      %dma_wait3A_500 = arith.constant 0 : i32
      %dma_wait3A_501 = tpu.memref_slice %arg6[%dma_wait3A_499, %dma_wait3A_500] : memref<40x128xi32, #tpu.memory_space<vmem>> -> memref<1x128xi32, #tpu.memory_space<vmem>>
      %dma_wait3A_502 = tpu.memref_squeeze %dma_wait3A_501 : memref<1x128xi32, #tpu.memory_space<vmem>> -> memref<128xi32, #tpu.memory_space<vmem>>
      %dma_wait3A_503 = arith.constant 0 : i32
      %dma_wait3A_504 = arith.constant 0 : i32
      %dma_wait3A_505 = tpu.memref_slice %arg2[%dma_wait3A_503, %dma_wait3A_504] : memref<10000x128xf32, #tpu.memory_space<hbm>> -> memref<10000x128xf32, #tpu.memory_space<hbm>>
      tpu.wait_indirect_dma semaphore(%arg12 : memref<!tpu.dma_semaphore, #tpu.memory_space<semaphore_mem>>) src(%dma_wait3A_505 : memref<10000x128xf32, #tpu.memory_space<hbm>>) dst(%arg9 : memref<128x128xf32, #tpu.memory_space<vmem>>)
      %dma_start3A_506 = arith.constant 19 : i32
      %dma_start3A_507 = arith.constant 0 : i32
      %dma_start3A_508 = tpu.memref_slice %arg7[%dma_start3A_506, %dma_start3A_507] : memref<80x128xi32, #tpu.memory_space<vmem>> -> memref<1x128xi32, #tpu.memory_space<vmem>>
      %dma_start3A_509 = tpu.memref_squeeze %dma_start3A_508 : memref<1x128xi32, #tpu.memory_space<vmem>> -> memref<128xi32, #tpu.memory_space<vmem>>
      %dma_start3A_510 = arith.constant 0 : i32
      %dma_start3A_511 = arith.constant 0 : i32
      %dma_start3A_512 = tpu.memref_slice %arg10[%dma_start3A_510, %dma_start3A_511] : memref<10000x128xf32, #tpu.memory_space<vmem_shared>> -> memref<10000x128xf32, #tpu.memory_space<vmem_shared>>
      tpu.enqueue_indirect_dma source(%arg9 : memref<128x128xf32, #tpu.memory_space<vmem>>) target(%dma_start3A_512 : memref<10000x128xf32, #tpu.memory_space<vmem_shared>>) offsets(%dma_start3A_509 : memref<128xi32, #tpu.memory_space<vmem>>) semaphore(%arg14 : memref<!tpu.dma_semaphore, #tpu.memory_space<semaphore_mem>>) {add = true}
      %dma_wait3A_513 = arith.constant 18 : i32
      %dma_wait3A_514 = arith.constant 0 : i32
      %dma_wait3A_515 = tpu.memref_slice %arg7[%dma_wait3A_513, %dma_wait3A_514] : memref<80x128xi32, #tpu.memory_space<vmem>> -> memref<1x128xi32, #tpu.memory_space<vmem>>
      %dma_wait3A_516 = tpu.memref_squeeze %dma_wait3A_515 : memref<1x128xi32, #tpu.memory_space<vmem>> -> memref<128xi32, #tpu.memory_space<vmem>>
      %dma_wait3A_517 = arith.constant 0 : i32
      %dma_wait3A_518 = arith.constant 0 : i32
      %dma_wait3A_519 = tpu.memref_slice %arg10[%dma_wait3A_517, %dma_wait3A_518] : memref<10000x128xf32, #tpu.memory_space<vmem_shared>> -> memref<10000x128xf32, #tpu.memory_space<vmem_shared>>
      tpu.wait_indirect_dma semaphore(%arg13 : memref<!tpu.dma_semaphore, #tpu.memory_space<semaphore_mem>>) src(%arg8 : memref<128x128xf32, #tpu.memory_space<vmem>>) dst(%dma_wait3A_519 : memref<10000x128xf32, #tpu.memory_space<vmem_shared>>)
      %dma_wait3A_520 = arith.constant 19 : i32
      %dma_wait3A_521 = arith.constant 0 : i32
      %dma_wait3A_522 = tpu.memref_slice %arg7[%dma_wait3A_520, %dma_wait3A_521] : memref<80x128xi32, #tpu.memory_space<vmem>> -> memref<1x128xi32, #tpu.memory_space<vmem>>
      %dma_wait3A_523 = tpu.memref_squeeze %dma_wait3A_522 : memref<1x128xi32, #tpu.memory_space<vmem>> -> memref<128xi32, #tpu.memory_space<vmem>>
      %dma_wait3A_524 = arith.constant 0 : i32
      %dma_wait3A_525 = arith.constant 0 : i32
      %dma_wait3A_526 = tpu.memref_slice %arg10[%dma_wait3A_524, %dma_wait3A_525] : memref<10000x128xf32, #tpu.memory_space<vmem_shared>> -> memref<10000x128xf32, #tpu.memory_space<vmem_shared>>
      tpu.wait_indirect_dma semaphore(%arg14 : memref<!tpu.dma_semaphore, #tpu.memory_space<semaphore_mem>>) src(%arg9 : memref<128x128xf32, #tpu.memory_space<vmem>>) dst(%dma_wait3A_526 : memref<10000x128xf32, #tpu.memory_space<vmem_shared>>)
    } else {
    }
    %barrier3A_174 = arith.constant 0 : index
    tpu.barrier barrier_id(%barrier3A_174)
    %mul3A_175 = arith.constant 624 : i32
    %mul3A_176 = arith.muli %arg1, %mul3A_175 : i32
    %add3A_177 = arith.constant 0 : i32
    %add3A_178 = arith.addi %mul3A_176, %add3A_177 : i32
    %dma_start3A_179 = arith.constant 0 : i32
    %dma_start3A_180 = arith.constant 0 : i32
    %dma_start3A_181 = tpu.memref_slice %arg8[%dma_start3A_179, %dma_start3A_180] : memref<128x128xf32, #tpu.memory_space<vmem>> -> memref<128x128xf32, #tpu.memory_space<vmem>>
    %dma_start3A_182 = arith.constant 0 : i32
    %dma_start3A_183 = tpu.memref_slice %arg10[%add3A_178, %dma_start3A_182] : memref<10000x128xf32, #tpu.memory_space<vmem_shared>> -> memref<128x128xf32, #tpu.memory_space<vmem_shared>>
    %dma_start3A_184 = arith.constant 0 : i32
    %dma_start3A_185 = arith.constant 0 : i32
    %dma_start3A_186 = tpu.memref_slice %arg8[%dma_start3A_184, %dma_start3A_185] : memref<128x128xf32, #tpu.memory_space<vmem>> -> memref<128x128xf32, #tpu.memory_space<vmem>>
    %dma_start3A_187 = arith.constant 0 : i32
    %dma_start3A_188 = tpu.memref_slice %arg10[%add3A_178, %dma_start3A_187] : memref<10000x128xf32, #tpu.memory_space<vmem_shared>> -> memref<128x128xf32, #tpu.memory_space<vmem_shared>>
    tpu.enqueue_dma source(%dma_start3A_188 : memref<128x128xf32, #tpu.memory_space<vmem_shared>>) target(%dma_start3A_186 : memref<128x128xf32, #tpu.memory_space<vmem>>) target_semaphore(%arg11 : memref<!tpu.dma_semaphore, #tpu.memory_space<semaphore_mem>>)
    %mul3A_189 = arith.constant 624 : i32
    %mul3A_190 = arith.muli %arg1, %mul3A_189 : i32
    %add3A_191 = arith.constant 128 : i32
    %add3A_192 = arith.addi %mul3A_190, %add3A_191 : i32
    %dma_start3A_193 = arith.constant 0 : i32
    %dma_start3A_194 = arith.constant 0 : i32
    %dma_start3A_195 = tpu.memref_slice %arg9[%dma_start3A_193, %dma_start3A_194] : memref<128x128xf32, #tpu.memory_space<vmem>> -> memref<128x128xf32, #tpu.memory_space<vmem>>
    %dma_start3A_196 = arith.constant 0 : i32
    %dma_start3A_197 = tpu.memref_slice %arg10[%add3A_192, %dma_start3A_196] : memref<10000x128xf32, #tpu.memory_space<vmem_shared>> -> memref<128x128xf32, #tpu.memory_space<vmem_shared>>
    %dma_start3A_198 = arith.constant 0 : i32
    %dma_start3A_199 = arith.constant 0 : i32
    %dma_start3A_200 = tpu.memref_slice %arg9[%dma_start3A_198, %dma_start3A_199] : memref<128x128xf32, #tpu.memory_space<vmem>> -> memref<128x128xf32, #tpu.memory_space<vmem>>
    %dma_start3A_201 = arith.constant 0 : i32
    %dma_start3A_202 = tpu.memref_slice %arg10[%add3A_192, %dma_start3A_201] : memref<10000x128xf32, #tpu.memory_space<vmem_shared>> -> memref<128x128xf32, #tpu.memory_space<vmem_shared>>
    tpu.enqueue_dma source(%dma_start3A_202 : memref<128x128xf32, #tpu.memory_space<vmem_shared>>) target(%dma_start3A_200 : memref<128x128xf32, #tpu.memory_space<vmem>>) target_semaphore(%arg12 : memref<!tpu.dma_semaphore, #tpu.memory_space<semaphore_mem>>)
    %mul3A_203 = arith.constant 624 : i32
    %mul3A_204 = arith.muli %arg1, %mul3A_203 : i32
    %add3A_205 = arith.constant 0 : i32
    %add3A_206 = arith.addi %mul3A_204, %add3A_205 : i32
    %dma_wait3A_207 = arith.constant 0 : i32
    %dma_wait3A_208 = arith.constant 0 : i32
    %dma_wait3A_209 = tpu.memref_slice %arg8[%dma_wait3A_207, %dma_wait3A_208] : memref<128x128xf32, #tpu.memory_space<vmem>> -> memref<128x128xf32, #tpu.memory_space<vmem>>
    %dma_wait3A_210 = arith.constant 0 : i32
    %dma_wait3A_211 = tpu.memref_slice %arg10[%add3A_206, %dma_wait3A_210] : memref<10000x128xf32, #tpu.memory_space<vmem_shared>> -> memref<128x128xf32, #tpu.memory_space<vmem_shared>>
    %dma_wait3A_212 = arith.constant 0 : i32
    %dma_wait3A_213 = arith.constant 0 : i32
    %dma_wait3A_214 = tpu.memref_slice %arg8[%dma_wait3A_212, %dma_wait3A_213] : memref<128x128xf32, #tpu.memory_space<vmem>> -> memref<128x128xf32, #tpu.memory_space<vmem>>
    %dma_wait3A_215 = arith.constant 0 : i32
    %dma_wait3A_216 = tpu.memref_slice %arg10[%add3A_206, %dma_wait3A_215] : memref<10000x128xf32, #tpu.memory_space<vmem_shared>> -> memref<128x128xf32, #tpu.memory_space<vmem_shared>>
    tpu.wait_dma2 semaphore(%arg11 : memref<!tpu.dma_semaphore, #tpu.memory_space<semaphore_mem>>) src(%dma_wait3A_216 : memref<128x128xf32, #tpu.memory_space<vmem_shared>>) dst(%dma_wait3A_214 : memref<128x128xf32, #tpu.memory_space<vmem>>)
    %mul3A_217 = arith.constant 624 : i32
    %mul3A_218 = arith.muli %arg1, %mul3A_217 : i32
    %add3A_219 = arith.constant 0 : i32
    %add3A_220 = arith.addi %mul3A_218, %add3A_219 : i32
    %dma_start3A_221 = arith.constant 0 : i32
    %dma_start3A_222 = arith.constant 0 : i32
    %dma_start3A_223 = tpu.memref_slice %arg8[%dma_start3A_221, %dma_start3A_222] : memref<128x128xf32, #tpu.memory_space<vmem>> -> memref<128x128xf32, #tpu.memory_space<vmem>>
    %dma_start3A_224 = arith.constant 0 : i32
    %dma_start3A_225 = tpu.memref_slice %arg5[%arg0, %add3A_220, %dma_start3A_224] : memref<2x10000x128xf32, #tpu.memory_space<hbm>> -> memref<1x128x128xf32, #tpu.memory_space<hbm>>
    %dma_start3A_226 = tpu.memref_squeeze %dma_start3A_225 : memref<1x128x128xf32, #tpu.memory_space<hbm>> -> memref<128x128xf32, #tpu.memory_space<hbm>>
    %dma_start3A_227 = arith.constant 0 : i32
    %dma_start3A_228 = tpu.memref_slice %arg5[%arg0, %add3A_220, %dma_start3A_227] : memref<2x10000x128xf32, #tpu.memory_space<hbm>> -> memref<1x128x128xf32, #tpu.memory_space<hbm>>
    %dma_start3A_229 = tpu.memref_squeeze %dma_start3A_228 : memref<1x128x128xf32, #tpu.memory_space<hbm>> -> memref<128x128xf32, #tpu.memory_space<hbm>>
    %dma_start3A_230 = arith.constant 0 : i32
    %dma_start3A_231 = arith.constant 0 : i32
    %dma_start3A_232 = tpu.memref_slice %arg8[%dma_start3A_230, %dma_start3A_231] : memref<128x128xf32, #tpu.memory_space<vmem>> -> memref<128x128xf32, #tpu.memory_space<vmem>>
    tpu.enqueue_dma source(%dma_start3A_232 : memref<128x128xf32, #tpu.memory_space<vmem>>) target(%dma_start3A_229 : memref<128x128xf32, #tpu.memory_space<hbm>>) target_semaphore(%arg13 : memref<!tpu.dma_semaphore, #tpu.memory_space<semaphore_mem>>)
    %mul3A_233 = arith.constant 624 : i32
    %mul3A_234 = arith.muli %arg1, %mul3A_233 : i32
    %add3A_235 = arith.constant 0 : i32
    %add3A_236 = arith.addi %mul3A_234, %add3A_235 : i32
    %dma_wait3A_237 = arith.constant 0 : i32
    %dma_wait3A_238 = arith.constant 0 : i32
    %dma_wait3A_239 = tpu.memref_slice %arg8[%dma_wait3A_237, %dma_wait3A_238] : memref<128x128xf32, #tpu.memory_space<vmem>> -> memref<128x128xf32, #tpu.memory_space<vmem>>
    %dma_wait3A_240 = arith.constant 0 : i32
    %dma_wait3A_241 = tpu.memref_slice %arg5[%arg0, %add3A_236, %dma_wait3A_240] : memref<2x10000x128xf32, #tpu.memory_space<hbm>> -> memref<1x128x128xf32, #tpu.memory_space<hbm>>
    %dma_wait3A_242 = tpu.memref_squeeze %dma_wait3A_241 : memref<1x128x128xf32, #tpu.memory_space<hbm>> -> memref<128x128xf32, #tpu.memory_space<hbm>>
    %dma_wait3A_243 = arith.constant 0 : i32
    %dma_wait3A_244 = tpu.memref_slice %arg5[%arg0, %add3A_236, %dma_wait3A_243] : memref<2x10000x128xf32, #tpu.memory_space<hbm>> -> memref<1x128x128xf32, #tpu.memory_space<hbm>>
    %dma_wait3A_245 = tpu.memref_squeeze %dma_wait3A_244 : memref<1x128x128xf32, #tpu.memory_space<hbm>> -> memref<128x128xf32, #tpu.memory_space<hbm>>
    %dma_wait3A_246 = arith.constant 0 : i32
    %dma_wait3A_247 = arith.constant 0 : i32
    %dma_wait3A_248 = tpu.memref_slice %arg8[%dma_wait3A_246, %dma_wait3A_247] : memref<128x128xf32, #tpu.memory_space<vmem>> -> memref<128x128xf32, #tpu.memory_space<vmem>>
    tpu.wait_dma2 semaphore(%arg13 : memref<!tpu.dma_semaphore, #tpu.memory_space<semaphore_mem>>) src(%dma_wait3A_248 : memref<128x128xf32, #tpu.memory_space<vmem>>) dst(%dma_wait3A_245 : memref<128x128xf32, #tpu.memory_space<hbm>>)
    %mul3A_249 = arith.constant 624 : i32
    %mul3A_250 = arith.muli %arg1, %mul3A_249 : i32
    %add3A_251 = arith.constant 256 : i32
    %add3A_252 = arith.addi %mul3A_250, %add3A_251 : i32
    %dma_start3A_253 = arith.constant 0 : i32
    %dma_start3A_254 = arith.constant 0 : i32
    %dma_start3A_255 = tpu.memref_slice %arg8[%dma_start3A_253, %dma_start3A_254] : memref<128x128xf32, #tpu.memory_space<vmem>> -> memref<128x128xf32, #tpu.memory_space<vmem>>
    %dma_start3A_256 = arith.constant 0 : i32
    %dma_start3A_257 = tpu.memref_slice %arg10[%add3A_252, %dma_start3A_256] : memref<10000x128xf32, #tpu.memory_space<vmem_shared>> -> memref<128x128xf32, #tpu.memory_space<vmem_shared>>
    %dma_start3A_258 = arith.constant 0 : i32
    %dma_start3A_259 = arith.constant 0 : i32
    %dma_start3A_260 = tpu.memref_slice %arg8[%dma_start3A_258, %dma_start3A_259] : memref<128x128xf32, #tpu.memory_space<vmem>> -> memref<128x128xf32, #tpu.memory_space<vmem>>
    %dma_start3A_261 = arith.constant 0 : i32
    %dma_start3A_262 = tpu.memref_slice %arg10[%add3A_252, %dma_start3A_261] : memref<10000x128xf32, #tpu.memory_space<vmem_shared>> -> memref<128x128xf32, #tpu.memory_space<vmem_shared>>
    tpu.enqueue_dma source(%dma_start3A_262 : memref<128x128xf32, #tpu.memory_space<vmem_shared>>) target(%dma_start3A_260 : memref<128x128xf32, #tpu.memory_space<vmem>>) target_semaphore(%arg11 : memref<!tpu.dma_semaphore, #tpu.memory_space<semaphore_mem>>)
    %mul3A_263 = arith.constant 624 : i32
    %mul3A_264 = arith.muli %arg1, %mul3A_263 : i32
    %add3A_265 = arith.constant 128 : i32
    %add3A_266 = arith.addi %mul3A_264, %add3A_265 : i32
    %dma_wait3A_267 = arith.constant 0 : i32
    %dma_wait3A_268 = arith.constant 0 : i32
    %dma_wait3A_269 = tpu.memref_slice %arg9[%dma_wait3A_267, %dma_wait3A_268] : memref<128x128xf32, #tpu.memory_space<vmem>> -> memref<128x128xf32, #tpu.memory_space<vmem>>
    %dma_wait3A_270 = arith.constant 0 : i32
    %dma_wait3A_271 = tpu.memref_slice %arg10[%add3A_266, %dma_wait3A_270] : memref<10000x128xf32, #tpu.memory_space<vmem_shared>> -> memref<128x128xf32, #tpu.memory_space<vmem_shared>>
    %dma_wait3A_272 = arith.constant 0 : i32
    %dma_wait3A_273 = arith.constant 0 : i32
    %dma_wait3A_274 = tpu.memref_slice %arg9[%dma_wait3A_272, %dma_wait3A_273] : memref<128x128xf32, #tpu.memory_space<vmem>> -> memref<128x128xf32, #tpu.memory_space<vmem>>
    %dma_wait3A_275 = arith.constant 0 : i32
    %dma_wait3A_276 = tpu.memref_slice %arg10[%add3A_266, %dma_wait3A_275] : memref<10000x128xf32, #tpu.memory_space<vmem_shared>> -> memref<128x128xf32, #tpu.memory_space<vmem_shared>>
    tpu.wait_dma2 semaphore(%arg12 : memref<!tpu.dma_semaphore, #tpu.memory_space<semaphore_mem>>) src(%dma_wait3A_276 : memref<128x128xf32, #tpu.memory_space<vmem_shared>>) dst(%dma_wait3A_274 : memref<128x128xf32, #tpu.memory_space<vmem>>)
    %mul3A_277 = arith.constant 624 : i32
    %mul3A_278 = arith.muli %arg1, %mul3A_277 : i32
    %add3A_279 = arith.constant 128 : i32
    %add3A_280 = arith.addi %mul3A_278, %add3A_279 : i32
    %dma_start3A_281 = arith.constant 0 : i32
    %dma_start3A_282 = arith.constant 0 : i32
    %dma_start3A_283 = tpu.memref_slice %arg9[%dma_start3A_281, %dma_start3A_282] : memref<128x128xf32, #tpu.memory_space<vmem>> -> memref<128x128xf32, #tpu.memory_space<vmem>>
    %dma_start3A_284 = arith.constant 0 : i32
    %dma_start3A_285 = tpu.memref_slice %arg5[%arg0, %add3A_280, %dma_start3A_284] : memref<2x10000x128xf32, #tpu.memory_space<hbm>> -> memref<1x128x128xf32, #tpu.memory_space<hbm>>
    %dma_start3A_286 = tpu.memref_squeeze %dma_start3A_285 : memref<1x128x128xf32, #tpu.memory_space<hbm>> -> memref<128x128xf32, #tpu.memory_space<hbm>>
    %dma_start3A_287 = arith.constant 0 : i32
    %dma_start3A_288 = tpu.memref_slice %arg5[%arg0, %add3A_280, %dma_start3A_287] : memref<2x10000x128xf32, #tpu.memory_space<hbm>> -> memref<1x128x128xf32, #tpu.memory_space<hbm>>
    %dma_start3A_289 = tpu.memref_squeeze %dma_start3A_288 : memref<1x128x128xf32, #tpu.memory_space<hbm>> -> memref<128x128xf32, #tpu.memory_space<hbm>>
    %dma_start3A_290 = arith.constant 0 : i32
    %dma_start3A_291 = arith.constant 0 : i32
    %dma_start3A_292 = tpu.memref_slice %arg9[%dma_start3A_290, %dma_start3A_291] : memref<128x128xf32, #tpu.memory_space<vmem>> -> memref<128x128xf32, #tpu.memory_space<vmem>>
    tpu.enqueue_dma source(%dma_start3A_292 : memref<128x128xf32, #tpu.memory_space<vmem>>) target(%dma_start3A_289 : memref<128x128xf32, #tpu.memory_space<hbm>>) target_semaphore(%arg14 : memref<!tpu.dma_semaphore, #tpu.memory_space<semaphore_mem>>)
    %mul3A_293 = arith.constant 624 : i32
    %mul3A_294 = arith.muli %arg1, %mul3A_293 : i32
    %add3A_295 = arith.constant 128 : i32
    %add3A_296 = arith.addi %mul3A_294, %add3A_295 : i32
    %dma_wait3A_297 = arith.constant 0 : i32
    %dma_wait3A_298 = arith.constant 0 : i32
    %dma_wait3A_299 = tpu.memref_slice %arg9[%dma_wait3A_297, %dma_wait3A_298] : memref<128x128xf32, #tpu.memory_space<vmem>> -> memref<128x128xf32, #tpu.memory_space<vmem>>
    %dma_wait3A_300 = arith.constant 0 : i32
    %dma_wait3A_301 = tpu.memref_slice %arg5[%arg0, %add3A_296, %dma_wait3A_300] : memref<2x10000x128xf32, #tpu.memory_space<hbm>> -> memref<1x128x128xf32, #tpu.memory_space<hbm>>
    %dma_wait3A_302 = tpu.memref_squeeze %dma_wait3A_301 : memref<1x128x128xf32, #tpu.memory_space<hbm>> -> memref<128x128xf32, #tpu.memory_space<hbm>>
    %dma_wait3A_303 = arith.constant 0 : i32
    %dma_wait3A_304 = tpu.memref_slice %arg5[%arg0, %add3A_296, %dma_wait3A_303] : memref<2x10000x128xf32, #tpu.memory_space<hbm>> -> memref<1x128x128xf32, #tpu.memory_space<hbm>>
    %dma_wait3A_305 = tpu.memref_squeeze %dma_wait3A_304 : memref<1x128x128xf32, #tpu.memory_space<hbm>> -> memref<128x128xf32, #tpu.memory_space<hbm>>
    %dma_wait3A_306 = arith.constant 0 : i32
    %dma_wait3A_307 = arith.constant 0 : i32
    %dma_wait3A_308 = tpu.memref_slice %arg9[%dma_wait3A_306, %dma_wait3A_307] : memref<128x128xf32, #tpu.memory_space<vmem>> -> memref<128x128xf32, #tpu.memory_space<vmem>>
    tpu.wait_dma2 semaphore(%arg14 : memref<!tpu.dma_semaphore, #tpu.memory_space<semaphore_mem>>) src(%dma_wait3A_308 : memref<128x128xf32, #tpu.memory_space<vmem>>) dst(%dma_wait3A_305 : memref<128x128xf32, #tpu.memory_space<hbm>>)
    %mul3A_309 = arith.constant 624 : i32
    %mul3A_310 = arith.muli %arg1, %mul3A_309 : i32
    %add3A_311 = arith.constant 384 : i32
    %add3A_312 = arith.addi %mul3A_310, %add3A_311 : i32
    %dma_start3A_313 = arith.constant 0 : i32
    %dma_start3A_314 = arith.constant 0 : i32
    %dma_start3A_315 = tpu.memref_slice %arg9[%dma_start3A_313, %dma_start3A_314] : memref<128x128xf32, #tpu.memory_space<vmem>> -> memref<128x128xf32, #tpu.memory_space<vmem>>
    %dma_start3A_316 = arith.constant 0 : i32
    %dma_start3A_317 = tpu.memref_slice %arg10[%add3A_312, %dma_start3A_316] : memref<10000x128xf32, #tpu.memory_space<vmem_shared>> -> memref<128x128xf32, #tpu.memory_space<vmem_shared>>
    %dma_start3A_318 = arith.constant 0 : i32
    %dma_start3A_319 = arith.constant 0 : i32
    %dma_start3A_320 = tpu.memref_slice %arg9[%dma_start3A_318, %dma_start3A_319] : memref<128x128xf32, #tpu.memory_space<vmem>> -> memref<128x128xf32, #tpu.memory_space<vmem>>
    %dma_start3A_321 = arith.constant 0 : i32
    %dma_start3A_322 = tpu.memref_slice %arg10[%add3A_312, %dma_start3A_321] : memref<10000x128xf32, #tpu.memory_space<vmem_shared>> -> memref<128x128xf32, #tpu.memory_space<vmem_shared>>
    tpu.enqueue_dma source(%dma_start3A_322 : memref<128x128xf32, #tpu.memory_space<vmem_shared>>) target(%dma_start3A_320 : memref<128x128xf32, #tpu.memory_space<vmem>>) target_semaphore(%arg12 : memref<!tpu.dma_semaphore, #tpu.memory_space<semaphore_mem>>)
    %mul3A_323 = arith.constant 624 : i32
    %mul3A_324 = arith.muli %arg1, %mul3A_323 : i32
    %add3A_325 = arith.constant 256 : i32
    %add3A_326 = arith.addi %mul3A_324, %add3A_325 : i32
    %dma_wait3A_327 = arith.constant 0 : i32
    %dma_wait3A_328 = arith.constant 0 : i32
    %dma_wait3A_329 = tpu.memref_slice %arg8[%dma_wait3A_327, %dma_wait3A_328] : memref<128x128xf32, #tpu.memory_space<vmem>> -> memref<128x128xf32, #tpu.memory_space<vmem>>
    %dma_wait3A_330 = arith.constant 0 : i32
    %dma_wait3A_331 = tpu.memref_slice %arg10[%add3A_326, %dma_wait3A_330] : memref<10000x128xf32, #tpu.memory_space<vmem_shared>> -> memref<128x128xf32, #tpu.memory_space<vmem_shared>>
    %dma_wait3A_332 = arith.constant 0 : i32
    %dma_wait3A_333 = arith.constant 0 : i32
    %dma_wait3A_334 = tpu.memref_slice %arg8[%dma_wait3A_332, %dma_wait3A_333] : memref<128x128xf32, #tpu.memory_space<vmem>> -> memref<128x128xf32, #tpu.memory_space<vmem>>
    %dma_wait3A_335 = arith.constant 0 : i32
    %dma_wait3A_336 = tpu.memref_slice %arg10[%add3A_326, %dma_wait3A_335] : memref<10000x128xf32, #tpu.memory_space<vmem_shared>> -> memref<128x128xf32, #tpu.memory_space<vmem_shared>>
    tpu.wait_dma2 semaphore(%arg11 : memref<!tpu.dma_semaphore, #tpu.memory_space<semaphore_mem>>) src(%dma_wait3A_336 : memref<128x128xf32, #tpu.memory_space<vmem_shared>>) dst(%dma_wait3A_334 : memref<128x128xf32, #tpu.memory_space<vmem>>)
    %mul3A_337 = arith.constant 624 : i32
    %mul3A_338 = arith.muli %arg1, %mul3A_337 : i32
    %add3A_339 = arith.constant 256 : i32
    %add3A_340 = arith.addi %mul3A_338, %add3A_339 : i32
    %dma_start3A_341 = arith.constant 0 : i32
    %dma_start3A_342 = arith.constant 0 : i32
    %dma_start3A_343 = tpu.memref_slice %arg8[%dma_start3A_341, %dma_start3A_342] : memref<128x128xf32, #tpu.memory_space<vmem>> -> memref<128x128xf32, #tpu.memory_space<vmem>>
    %dma_start3A_344 = arith.constant 0 : i32
    %dma_start3A_345 = tpu.memref_slice %arg5[%arg0, %add3A_340, %dma_start3A_344] : memref<2x10000x128xf32, #tpu.memory_space<hbm>> -> memref<1x128x128xf32, #tpu.memory_space<hbm>>
    %dma_start3A_346 = tpu.memref_squeeze %dma_start3A_345 : memref<1x128x128xf32, #tpu.memory_space<hbm>> -> memref<128x128xf32, #tpu.memory_space<hbm>>
    %dma_start3A_347 = arith.constant 0 : i32
    %dma_start3A_348 = tpu.memref_slice %arg5[%arg0, %add3A_340, %dma_start3A_347] : memref<2x10000x128xf32, #tpu.memory_space<hbm>> -> memref<1x128x128xf32, #tpu.memory_space<hbm>>
    %dma_start3A_349 = tpu.memref_squeeze %dma_start3A_348 : memref<1x128x128xf32, #tpu.memory_space<hbm>> -> memref<128x128xf32, #tpu.memory_space<hbm>>
    %dma_start3A_350 = arith.constant 0 : i32
    %dma_start3A_351 = arith.constant 0 : i32
    %dma_start3A_352 = tpu.memref_slice %arg8[%dma_start3A_350, %dma_start3A_351] : memref<128x128xf32, #tpu.memory_space<vmem>> -> memref<128x128xf32, #tpu.memory_space<vmem>>
    tpu.enqueue_dma source(%dma_start3A_352 : memref<128x128xf32, #tpu.memory_space<vmem>>) target(%dma_start3A_349 : memref<128x128xf32, #tpu.memory_space<hbm>>) target_semaphore(%arg13 : memref<!tpu.dma_semaphore, #tpu.memory_space<semaphore_mem>>)
    %mul3A_353 = arith.constant 624 : i32
    %mul3A_354 = arith.muli %arg1, %mul3A_353 : i32
    %add3A_355 = arith.constant 256 : i32
    %add3A_356 = arith.addi %mul3A_354, %add3A_355 : i32
    %dma_wait3A_357 = arith.constant 0 : i32
    %dma_wait3A_358 = arith.constant 0 : i32
    %dma_wait3A_359 = tpu.memref_slice %arg8[%dma_wait3A_357, %dma_wait3A_358] : memref<128x128xf32, #tpu.memory_space<vmem>> -> memref<128x128xf32, #tpu.memory_space<vmem>>
    %dma_wait3A_360 = arith.constant 0 : i32
    %dma_wait3A_361 = tpu.memref_slice %arg5[%arg0, %add3A_356, %dma_wait3A_360] : memref<2x10000x128xf32, #tpu.memory_space<hbm>> -> memref<1x128x128xf32, #tpu.memory_space<hbm>>
    %dma_wait3A_362 = tpu.memref_squeeze %dma_wait3A_361 : memref<1x128x128xf32, #tpu.memory_space<hbm>> -> memref<128x128xf32, #tpu.memory_space<hbm>>
    %dma_wait3A_363 = arith.constant 0 : i32
    %dma_wait3A_364 = tpu.memref_slice %arg5[%arg0, %add3A_356, %dma_wait3A_363] : memref<2x10000x128xf32, #tpu.memory_space<hbm>> -> memref<1x128x128xf32, #tpu.memory_space<hbm>>
    %dma_wait3A_365 = tpu.memref_squeeze %dma_wait3A_364 : memref<1x128x128xf32, #tpu.memory_space<hbm>> -> memref<128x128xf32, #tpu.memory_space<hbm>>
    %dma_wait3A_366 = arith.constant 0 : i32
    %dma_wait3A_367 = arith.constant 0 : i32
    %dma_wait3A_368 = tpu.memref_slice %arg8[%dma_wait3A_366, %dma_wait3A_367] : memref<128x128xf32, #tpu.memory_space<vmem>> -> memref<128x128xf32, #tpu.memory_space<vmem>>
    tpu.wait_dma2 semaphore(%arg13 : memref<!tpu.dma_semaphore, #tpu.memory_space<semaphore_mem>>) src(%dma_wait3A_368 : memref<128x128xf32, #tpu.memory_space<vmem>>) dst(%dma_wait3A_365 : memref<128x128xf32, #tpu.memory_space<hbm>>)
    %mul3A_369 = arith.constant 624 : i32
    %mul3A_370 = arith.muli %arg1, %mul3A_369 : i32
    %add3A_371 = arith.constant 512 : i32
    %add3A_372 = arith.addi %mul3A_370, %add3A_371 : i32
    %dma_start3A_373 = arith.constant 0 : i32
    %dma_start3A_374 = arith.constant 0 : i32
    %dma_start3A_375 = tpu.memref_slice %arg8[%dma_start3A_373, %dma_start3A_374] : memref<128x128xf32, #tpu.memory_space<vmem>> -> memref<112x128xf32, #tpu.memory_space<vmem>>
    %dma_start3A_376 = arith.constant 0 : i32
    %dma_start3A_377 = tpu.memref_slice %arg10[%add3A_372, %dma_start3A_376] : memref<10000x128xf32, #tpu.memory_space<vmem_shared>> -> memref<112x128xf32, #tpu.memory_space<vmem_shared>>
    %dma_start3A_378 = arith.constant 0 : i32
    %dma_start3A_379 = arith.constant 0 : i32
    %dma_start3A_380 = tpu.memref_slice %arg8[%dma_start3A_378, %dma_start3A_379] : memref<128x128xf32, #tpu.memory_space<vmem>> -> memref<112x128xf32, #tpu.memory_space<vmem>>
    %dma_start3A_381 = arith.constant 0 : i32
    %dma_start3A_382 = tpu.memref_slice %arg10[%add3A_372, %dma_start3A_381] : memref<10000x128xf32, #tpu.memory_space<vmem_shared>> -> memref<112x128xf32, #tpu.memory_space<vmem_shared>>
    tpu.enqueue_dma source(%dma_start3A_382 : memref<112x128xf32, #tpu.memory_space<vmem_shared>>) target(%dma_start3A_380 : memref<112x128xf32, #tpu.memory_space<vmem>>) target_semaphore(%arg11 : memref<!tpu.dma_semaphore, #tpu.memory_space<semaphore_mem>>)
    %mul3A_383 = arith.constant 624 : i32
    %mul3A_384 = arith.muli %arg1, %mul3A_383 : i32
    %add3A_385 = arith.constant 384 : i32
    %add3A_386 = arith.addi %mul3A_384, %add3A_385 : i32
    %dma_wait3A_387 = arith.constant 0 : i32
    %dma_wait3A_388 = arith.constant 0 : i32
    %dma_wait3A_389 = tpu.memref_slice %arg9[%dma_wait3A_387, %dma_wait3A_388] : memref<128x128xf32, #tpu.memory_space<vmem>> -> memref<128x128xf32, #tpu.memory_space<vmem>>
    %dma_wait3A_390 = arith.constant 0 : i32
    %dma_wait3A_391 = tpu.memref_slice %arg10[%add3A_386, %dma_wait3A_390] : memref<10000x128xf32, #tpu.memory_space<vmem_shared>> -> memref<128x128xf32, #tpu.memory_space<vmem_shared>>
    %dma_wait3A_392 = arith.constant 0 : i32
    %dma_wait3A_393 = arith.constant 0 : i32
    %dma_wait3A_394 = tpu.memref_slice %arg9[%dma_wait3A_392, %dma_wait3A_393] : memref<128x128xf32, #tpu.memory_space<vmem>> -> memref<128x128xf32, #tpu.memory_space<vmem>>
    %dma_wait3A_395 = arith.constant 0 : i32
    %dma_wait3A_396 = tpu.memref_slice %arg10[%add3A_386, %dma_wait3A_395] : memref<10000x128xf32, #tpu.memory_space<vmem_shared>> -> memref<128x128xf32, #tpu.memory_space<vmem_shared>>
    tpu.wait_dma2 semaphore(%arg12 : memref<!tpu.dma_semaphore, #tpu.memory_space<semaphore_mem>>) src(%dma_wait3A_396 : memref<128x128xf32, #tpu.memory_space<vmem_shared>>) dst(%dma_wait3A_394 : memref<128x128xf32, #tpu.memory_space<vmem>>)
    %mul3A_397 = arith.constant 624 : i32
    %mul3A_398 = arith.muli %arg1, %mul3A_397 : i32
    %add3A_399 = arith.constant 384 : i32
    %add3A_400 = arith.addi %mul3A_398, %add3A_399 : i32
    %dma_start3A_401 = arith.constant 0 : i32
    %dma_start3A_402 = arith.constant 0 : i32
    %dma_start3A_403 = tpu.memref_slice %arg9[%dma_start3A_401, %dma_start3A_402] : memref<128x128xf32, #tpu.memory_space<vmem>> -> memref<128x128xf32, #tpu.memory_space<vmem>>
    %dma_start3A_404 = arith.constant 0 : i32
    %dma_start3A_405 = tpu.memref_slice %arg5[%arg0, %add3A_400, %dma_start3A_404] : memref<2x10000x128xf32, #tpu.memory_space<hbm>> -> memref<1x128x128xf32, #tpu.memory_space<hbm>>
    %dma_start3A_406 = tpu.memref_squeeze %dma_start3A_405 : memref<1x128x128xf32, #tpu.memory_space<hbm>> -> memref<128x128xf32, #tpu.memory_space<hbm>>
    %dma_start3A_407 = arith.constant 0 : i32
    %dma_start3A_408 = tpu.memref_slice %arg5[%arg0, %add3A_400, %dma_start3A_407] : memref<2x10000x128xf32, #tpu.memory_space<hbm>> -> memref<1x128x128xf32, #tpu.memory_space<hbm>>
    %dma_start3A_409 = tpu.memref_squeeze %dma_start3A_408 : memref<1x128x128xf32, #tpu.memory_space<hbm>> -> memref<128x128xf32, #tpu.memory_space<hbm>>
    %dma_start3A_410 = arith.constant 0 : i32
    %dma_start3A_411 = arith.constant 0 : i32
    %dma_start3A_412 = tpu.memref_slice %arg9[%dma_start3A_410, %dma_start3A_411] : memref<128x128xf32, #tpu.memory_space<vmem>> -> memref<128x128xf32, #tpu.memory_space<vmem>>
    tpu.enqueue_dma source(%dma_start3A_412 : memref<128x128xf32, #tpu.memory_space<vmem>>) target(%dma_start3A_409 : memref<128x128xf32, #tpu.memory_space<hbm>>) target_semaphore(%arg14 : memref<!tpu.dma_semaphore, #tpu.memory_space<semaphore_mem>>)
    %mul3A_413 = arith.constant 624 : i32
    %mul3A_414 = arith.muli %arg1, %mul3A_413 : i32
    %add3A_415 = arith.constant 512 : i32
    %add3A_416 = arith.addi %mul3A_414, %add3A_415 : i32
    %dma_wait3A_417 = arith.constant 0 : i32
    %dma_wait3A_418 = arith.constant 0 : i32
    %dma_wait3A_419 = tpu.memref_slice %arg8[%dma_wait3A_417, %dma_wait3A_418] : memref<128x128xf32, #tpu.memory_space<vmem>> -> memref<112x128xf32, #tpu.memory_space<vmem>>
    %dma_wait3A_420 = arith.constant 0 : i32
    %dma_wait3A_421 = tpu.memref_slice %arg10[%add3A_416, %dma_wait3A_420] : memref<10000x128xf32, #tpu.memory_space<vmem_shared>> -> memref<112x128xf32, #tpu.memory_space<vmem_shared>>
    %dma_wait3A_422 = arith.constant 0 : i32
    %dma_wait3A_423 = arith.constant 0 : i32
    %dma_wait3A_424 = tpu.memref_slice %arg8[%dma_wait3A_422, %dma_wait3A_423] : memref<128x128xf32, #tpu.memory_space<vmem>> -> memref<112x128xf32, #tpu.memory_space<vmem>>
    %dma_wait3A_425 = arith.constant 0 : i32
    %dma_wait3A_426 = tpu.memref_slice %arg10[%add3A_416, %dma_wait3A_425] : memref<10000x128xf32, #tpu.memory_space<vmem_shared>> -> memref<112x128xf32, #tpu.memory_space<vmem_shared>>
    tpu.wait_dma2 semaphore(%arg11 : memref<!tpu.dma_semaphore, #tpu.memory_space<semaphore_mem>>) src(%dma_wait3A_426 : memref<112x128xf32, #tpu.memory_space<vmem_shared>>) dst(%dma_wait3A_424 : memref<112x128xf32, #tpu.memory_space<vmem>>)
    %mul3A_427 = arith.constant 624 : i32
    %mul3A_428 = arith.muli %arg1, %mul3A_427 : i32
    %add3A_429 = arith.constant 512 : i32
    %add3A_430 = arith.addi %mul3A_428, %add3A_429 : i32
    %dma_start3A_431 = arith.constant 0 : i32
    %dma_start3A_432 = arith.constant 0 : i32
    %dma_start3A_433 = tpu.memref_slice %arg8[%dma_start3A_431, %dma_start3A_432] : memref<128x128xf32, #tpu.memory_space<vmem>> -> memref<112x128xf32, #tpu.memory_space<vmem>>
    %dma_start3A_434 = arith.constant 0 : i32
    %dma_start3A_435 = tpu.memref_slice %arg5[%arg0, %add3A_430, %dma_start3A_434] : memref<2x10000x128xf32, #tpu.memory_space<hbm>> -> memref<1x112x128xf32, #tpu.memory_space<hbm>>
    %dma_start3A_436 = tpu.memref_squeeze %dma_start3A_435 : memref<1x112x128xf32, #tpu.memory_space<hbm>> -> memref<112x128xf32, #tpu.memory_space<hbm>>
    %dma_start3A_437 = arith.constant 0 : i32
    %dma_start3A_438 = tpu.memref_slice %arg5[%arg0, %add3A_430, %dma_start3A_437] : memref<2x10000x128xf32, #tpu.memory_space<hbm>> -> memref<1x112x128xf32, #tpu.memory_space<hbm>>
    %dma_start3A_439 = tpu.memref_squeeze %dma_start3A_438 : memref<1x112x128xf32, #tpu.memory_space<hbm>> -> memref<112x128xf32, #tpu.memory_space<hbm>>
    %dma_start3A_440 = arith.constant 0 : i32
    %dma_start3A_441 = arith.constant 0 : i32
    %dma_start3A_442 = tpu.memref_slice %arg8[%dma_start3A_440, %dma_start3A_441] : memref<128x128xf32, #tpu.memory_space<vmem>> -> memref<112x128xf32, #tpu.memory_space<vmem>>
    tpu.enqueue_dma source(%dma_start3A_442 : memref<112x128xf32, #tpu.memory_space<vmem>>) target(%dma_start3A_439 : memref<112x128xf32, #tpu.memory_space<hbm>>) target_semaphore(%arg13 : memref<!tpu.dma_semaphore, #tpu.memory_space<semaphore_mem>>)
    %mul3A_443 = arith.constant 624 : i32
    %mul3A_444 = arith.muli %arg1, %mul3A_443 : i32
    %add3A_445 = arith.constant 384 : i32
    %add3A_446 = arith.addi %mul3A_444, %add3A_445 : i32
    %dma_wait3A_447 = arith.constant 0 : i32
    %dma_wait3A_448 = arith.constant 0 : i32
    %dma_wait3A_449 = tpu.memref_slice %arg9[%dma_wait3A_447, %dma_wait3A_448] : memref<128x128xf32, #tpu.memory_space<vmem>> -> memref<128x128xf32, #tpu.memory_space<vmem>>
    %dma_wait3A_450 = arith.constant 0 : i32
    %dma_wait3A_451 = tpu.memref_slice %arg5[%arg0, %add3A_446, %dma_wait3A_450] : memref<2x10000x128xf32, #tpu.memory_space<hbm>> -> memref<1x128x128xf32, #tpu.memory_space<hbm>>
    %dma_wait3A_452 = tpu.memref_squeeze %dma_wait3A_451 : memref<1x128x128xf32, #tpu.memory_space<hbm>> -> memref<128x128xf32, #tpu.memory_space<hbm>>
    %dma_wait3A_453 = arith.constant 0 : i32
    %dma_wait3A_454 = tpu.memref_slice %arg5[%arg0, %add3A_446, %dma_wait3A_453] : memref<2x10000x128xf32, #tpu.memory_space<hbm>> -> memref<1x128x128xf32, #tpu.memory_space<hbm>>
    %dma_wait3A_455 = tpu.memref_squeeze %dma_wait3A_454 : memref<1x128x128xf32, #tpu.memory_space<hbm>> -> memref<128x128xf32, #tpu.memory_space<hbm>>
    %dma_wait3A_456 = arith.constant 0 : i32
    %dma_wait3A_457 = arith.constant 0 : i32
    %dma_wait3A_458 = tpu.memref_slice %arg9[%dma_wait3A_456, %dma_wait3A_457] : memref<128x128xf32, #tpu.memory_space<vmem>> -> memref<128x128xf32, #tpu.memory_space<vmem>>
    tpu.wait_dma2 semaphore(%arg14 : memref<!tpu.dma_semaphore, #tpu.memory_space<semaphore_mem>>) src(%dma_wait3A_458 : memref<128x128xf32, #tpu.memory_space<vmem>>) dst(%dma_wait3A_455 : memref<128x128xf32, #tpu.memory_space<hbm>>)
    %mul3A_459 = arith.constant 624 : i32
    %mul3A_460 = arith.muli %arg1, %mul3A_459 : i32
    %add3A_461 = arith.constant 512 : i32
    %add3A_462 = arith.addi %mul3A_460, %add3A_461 : i32
    %dma_wait3A_463 = arith.constant 0 : i32
    %dma_wait3A_464 = arith.constant 0 : i32
    %dma_wait3A_465 = tpu.memref_slice %arg8[%dma_wait3A_463, %dma_wait3A_464] : memref<128x128xf32, #tpu.memory_space<vmem>> -> memref<112x128xf32, #tpu.memory_space<vmem>>
    %dma_wait3A_466 = arith.constant 0 : i32
    %dma_wait3A_467 = tpu.memref_slice %arg5[%arg0, %add3A_462, %dma_wait3A_466] : memref<2x10000x128xf32, #tpu.memory_space<hbm>> -> memref<1x112x128xf32, #tpu.memory_space<hbm>>
    %dma_wait3A_468 = tpu.memref_squeeze %dma_wait3A_467 : memref<1x112x128xf32, #tpu.memory_space<hbm>> -> memref<112x128xf32, #tpu.memory_space<hbm>>
    %dma_wait3A_469 = arith.constant 0 : i32
    %dma_wait3A_470 = tpu.memref_slice %arg5[%arg0, %add3A_462, %dma_wait3A_469] : memref<2x10000x128xf32, #tpu.memory_space<hbm>> -> memref<1x112x128xf32, #tpu.memory_space<hbm>>
    %dma_wait3A_471 = tpu.memref_squeeze %dma_wait3A_470 : memref<1x112x128xf32, #tpu.memory_space<hbm>> -> memref<112x128xf32, #tpu.memory_space<hbm>>
    %dma_wait3A_472 = arith.constant 0 : i32
    %dma_wait3A_473 = arith.constant 0 : i32
    %dma_wait3A_474 = tpu.memref_slice %arg8[%dma_wait3A_472, %dma_wait3A_473] : memref<128x128xf32, #tpu.memory_space<vmem>> -> memref<112x128xf32, #tpu.memory_space<vmem>>
    tpu.wait_dma2 semaphore(%arg13 : memref<!tpu.dma_semaphore, #tpu.memory_space<semaphore_mem>>) src(%dma_wait3A_474 : memref<112x128xf32, #tpu.memory_space<vmem>>) dst(%dma_wait3A_471 : memref<112x128xf32, #tpu.memory_space<hbm>>)
    %eq3A_475 = arith.constant 0 : i32
    %eq3A_476 = arith.cmpi eq, %arg1, %eq3A_475 : i32
    %convert_element_type3A_477 = arith.extui %eq3A_476 : i1 to i32
    %cond3A_478 = arith.constant 0 : i32
    %cond3A_479 = arith.cmpi ne, %convert_element_type3A_477, %cond3A_478 : i32
    scf.if %cond3A_479 {
      "tpu.region"() ({
        %run_scoped3A = tpu.sem_alloc : memref<!tpu.dma_semaphore, #tpu.memory_space<semaphore_mem>>
        %dma_start3A_480 = arith.constant 0 : i32
        %dma_start3A_481 = arith.constant 0 : i32
        %dma_start3A_482 = tpu.memref_slice %arg8[%dma_start3A_480, %dma_start3A_481] : memref<128x128xf32, #tpu.memory_space<vmem>> -> memref<16x128xf32, #tpu.memory_space<vmem>>
        %dma_start3A_483 = arith.constant 9984 : i32
        %dma_start3A_484 = arith.constant 0 : i32
        %dma_start3A_485 = tpu.memref_slice %arg10[%dma_start3A_483, %dma_start3A_484] : memref<10000x128xf32, #tpu.memory_space<vmem_shared>> -> memref<16x128xf32, #tpu.memory_space<vmem_shared>>
        %dma_start3A_486 = arith.constant 0 : i32
        %dma_start3A_487 = arith.constant 0 : i32
        %dma_start3A_488 = tpu.memref_slice %arg8[%dma_start3A_486, %dma_start3A_487] : memref<128x128xf32, #tpu.memory_space<vmem>> -> memref<16x128xf32, #tpu.memory_space<vmem>>
        %dma_start3A_489 = arith.constant 9984 : i32
        %dma_start3A_490 = arith.constant 0 : i32
        %dma_start3A_491 = tpu.memref_slice %arg10[%dma_start3A_489, %dma_start3A_490] : memref<10000x128xf32, #tpu.memory_space<vmem_shared>> -> memref<16x128xf32, #tpu.memory_space<vmem_shared>>
        tpu.enqueue_dma source(%dma_start3A_491 : memref<16x128xf32, #tpu.memory_space<vmem_shared>>) target(%dma_start3A_488 : memref<16x128xf32, #tpu.memory_space<vmem>>) target_semaphore(%run_scoped3A : memref<!tpu.dma_semaphore, #tpu.memory_space<semaphore_mem>>)
        %dma_wait3A_492 = arith.constant 0 : i32
        %dma_wait3A_493 = arith.constant 0 : i32
        %dma_wait3A_494 = tpu.memref_slice %arg8[%dma_wait3A_492, %dma_wait3A_493] : memref<128x128xf32, #tpu.memory_space<vmem>> -> memref<16x128xf32, #tpu.memory_space<vmem>>
        %dma_wait3A_495 = arith.constant 9984 : i32
        %dma_wait3A_496 = arith.constant 0 : i32
        %dma_wait3A_497 = tpu.memref_slice %arg10[%dma_wait3A_495, %dma_wait3A_496] : memref<10000x128xf32, #tpu.memory_space<vmem_shared>> -> memref<16x128xf32, #tpu.memory_space<vmem_shared>>
        %dma_wait3A_498 = arith.constant 0 : i32
        %dma_wait3A_499 = arith.constant 0 : i32
        %dma_wait3A_500 = tpu.memref_slice %arg8[%dma_wait3A_498, %dma_wait3A_499] : memref<128x128xf32, #tpu.memory_space<vmem>> -> memref<16x128xf32, #tpu.memory_space<vmem>>
        %dma_wait3A_501 = arith.constant 9984 : i32
        %dma_wait3A_502 = arith.constant 0 : i32
        %dma_wait3A_503 = tpu.memref_slice %arg10[%dma_wait3A_501, %dma_wait3A_502] : memref<10000x128xf32, #tpu.memory_space<vmem_shared>> -> memref<16x128xf32, #tpu.memory_space<vmem_shared>>
        tpu.wait_dma2 semaphore(%run_scoped3A : memref<!tpu.dma_semaphore, #tpu.memory_space<semaphore_mem>>) src(%dma_wait3A_503 : memref<16x128xf32, #tpu.memory_space<vmem_shared>>) dst(%dma_wait3A_500 : memref<16x128xf32, #tpu.memory_space<vmem>>)
        tpu.yield
      }) : () -> ()
      "tpu.region"() ({
        %run_scoped3A = tpu.sem_alloc : memref<!tpu.dma_semaphore, #tpu.memory_space<semaphore_mem>>
        %dma_start3A_480 = arith.constant 0 : i32
        %dma_start3A_481 = arith.constant 0 : i32
        %dma_start3A_482 = tpu.memref_slice %arg8[%dma_start3A_480, %dma_start3A_481] : memref<128x128xf32, #tpu.memory_space<vmem>> -> memref<16x128xf32, #tpu.memory_space<vmem>>
        %dma_start3A_483 = arith.constant 9984 : i32
        %dma_start3A_484 = arith.constant 0 : i32
        %dma_start3A_485 = tpu.memref_slice %arg5[%arg0, %dma_start3A_483, %dma_start3A_484] : memref<2x10000x128xf32, #tpu.memory_space<hbm>> -> memref<1x16x128xf32, #tpu.memory_space<hbm>>
        %dma_start3A_486 = tpu.memref_squeeze %dma_start3A_485 : memref<1x16x128xf32, #tpu.memory_space<hbm>> -> memref<16x128xf32, #tpu.memory_space<hbm>>
        %dma_start3A_487 = arith.constant 9984 : i32
        %dma_start3A_488 = arith.constant 0 : i32
        %dma_start3A_489 = tpu.memref_slice %arg5[%arg0, %dma_start3A_487, %dma_start3A_488] : memref<2x10000x128xf32, #tpu.memory_space<hbm>> -> memref<1x16x128xf32, #tpu.memory_space<hbm>>
        %dma_start3A_490 = tpu.memref_squeeze %dma_start3A_489 : memref<1x16x128xf32, #tpu.memory_space<hbm>> -> memref<16x128xf32, #tpu.memory_space<hbm>>
        %dma_start3A_491 = arith.constant 0 : i32
        %dma_start3A_492 = arith.constant 0 : i32
        %dma_start3A_493 = tpu.memref_slice %arg8[%dma_start3A_491, %dma_start3A_492] : memref<128x128xf32, #tpu.memory_space<vmem>> -> memref<16x128xf32, #tpu.memory_space<vmem>>
        tpu.enqueue_dma source(%dma_start3A_493 : memref<16x128xf32, #tpu.memory_space<vmem>>) target(%dma_start3A_490 : memref<16x128xf32, #tpu.memory_space<hbm>>) target_semaphore(%run_scoped3A : memref<!tpu.dma_semaphore, #tpu.memory_space<semaphore_mem>>)
        %dma_wait3A_494 = arith.constant 0 : i32
        %dma_wait3A_495 = arith.constant 0 : i32
        %dma_wait3A_496 = tpu.memref_slice %arg8[%dma_wait3A_494, %dma_wait3A_495] : memref<128x128xf32, #tpu.memory_space<vmem>> -> memref<16x128xf32, #tpu.memory_space<vmem>>
        %dma_wait3A_497 = arith.constant 9984 : i32
        %dma_wait3A_498 = arith.constant 0 : i32
        %dma_wait3A_499 = tpu.memref_slice %arg5[%arg0, %dma_wait3A_497, %dma_wait3A_498] : memref<2x10000x128xf32, #tpu.memory_space<hbm>> -> memref<1x16x128xf32, #tpu.memory_space<hbm>>
        %dma_wait3A_500 = tpu.memref_squeeze %dma_wait3A_499 : memref<1x16x128xf32, #tpu.memory_space<hbm>> -> memref<16x128xf32, #tpu.memory_space<hbm>>
        %dma_wait3A_501 = arith.constant 9984 : i32
        %dma_wait3A_502 = arith.constant 0 : i32
        %dma_wait3A_503 = tpu.memref_slice %arg5[%arg0, %dma_wait3A_501, %dma_wait3A_502] : memref<2x10000x128xf32, #tpu.memory_space<hbm>> -> memref<1x16x128xf32, #tpu.memory_space<hbm>>
        %dma_wait3A_504 = tpu.memref_squeeze %dma_wait3A_503 : memref<1x16x128xf32, #tpu.memory_space<hbm>> -> memref<16x128xf32, #tpu.memory_space<hbm>>
        %dma_wait3A_505 = arith.constant 0 : i32
        %dma_wait3A_506 = arith.constant 0 : i32
        %dma_wait3A_507 = tpu.memref_slice %arg8[%dma_wait3A_505, %dma_wait3A_506] : memref<128x128xf32, #tpu.memory_space<vmem>> -> memref<16x128xf32, #tpu.memory_space<vmem>>
        tpu.wait_dma2 semaphore(%run_scoped3A : memref<!tpu.dma_semaphore, #tpu.memory_space<semaphore_mem>>) src(%dma_wait3A_507 : memref<16x128xf32, #tpu.memory_space<vmem>>) dst(%dma_wait3A_504 : memref<16x128xf32, #tpu.memory_space<hbm>>)
        tpu.yield
      }) : () -> ()
    } else {
    }
    return
  }
}

#map = affine_map<(d0, d1) -> (0, 0)>
#map1 = affine_map<(d0, d1) -> (0)>
module attributes {stable_mosaic.version = 14 : i64} {
  func.func @_deg_kernel(%arg0: i32, %arg1: i32, %arg2: memref<2500x128xi32, #tpu.memory_space<hbm>>, %arg3: memref<2500x128xi32, #tpu.memory_space<hbm>>, %arg4: memref<40000xf32, #tpu.memory_space<hbm>>, %arg5: memref<80x128xi32, #tpu.memory_space<vmem>>, %arg6: memref<80x128xi32, #tpu.memory_space<vmem>>, %arg7: memref<128xf32, #tpu.memory_space<vmem>>, %arg8: memref<624xf32, #tpu.memory_space<vmem>>, %arg9: memref<10000xf32, #tpu.memory_space<vmem_shared>>, %arg10: memref<10000xf32, #tpu.memory_space<vmem_shared>>, %arg11: memref<!tpu.dma_semaphore, #tpu.memory_space<semaphore_mem>>, %arg12: memref<!tpu.dma_semaphore, #tpu.memory_space<semaphore_mem>>) attributes {dimension_semantics = [#tpu.dimension_semantics<core_parallel>, #tpu.dimension_semantics<subcore_parallel>], iteration_bounds = array<i64: 2, 16>, scalar_prefetch = 0 : i64, scratch_operands = 8 : i64, tpu.core_type = #tpu.core_type<sc_vector_subcore>, window_params = [{transform_indices = #map}, {transform_indices = #map}, {transform_indices = #map1}]} {
    %mul3A = arith.constant 16 : i32
    %mul3A_0 = arith.muli %arg0, %mul3A : i32
    %add3A = arith.addi %mul3A_0, %arg1 : i32
    %eq3A = arith.constant 31 : i32
    %eq3A_1 = arith.cmpi eq, %add3A, %eq3A : i32
    %jit3A = arith.constant 20 : i32
    %jit3A_2 = arith.constant 80 : i32
    %select_n3A = arith.select %eq3A_1, %jit3A, %jit3A_2 : i32
    %broadcast_in_dim3A = arith.constant 1.000000e+00 : f32
    %broadcast_in_dim3A_3 = vector.broadcast %broadcast_in_dim3A : f32 to vector<16xf32>
    %swap3A = arith.constant 0 : index
    %swap3A_4 = tpu.vector_load %arg7[%swap3A] {strides = array<i32>} : memref<128xf32, #tpu.memory_space<vmem>>, vector<16xf32>,
    %swap3A_5 = vector.shape_cast %swap3A_4 : vector<16xf32> to vector<16xf32>
    %swap3A_6 = vector.shape_cast %broadcast_in_dim3A_3 : vector<16xf32> to vector<16xf32>
    tpu.vector_store %arg7[%swap3A], %swap3A_6 {strides = array<i32>} : memref<128xf32, #tpu.memory_space<vmem>>, vector<16xf32>,
    %broadcast_in_dim3A_7 = arith.constant 1.000000e+00 : f32
    %broadcast_in_dim3A_8 = vector.broadcast %broadcast_in_dim3A_7 : f32 to vector<16xf32>
    %swap3A_9 = arith.constant 16 : index
    %swap3A_10 = tpu.vector_load %arg7[%swap3A_9] {strides = array<i32>} : memref<128xf32, #tpu.memory_space<vmem>>, vector<16xf32>,
    %swap3A_11 = vector.shape_cast %swap3A_10 : vector<16xf32> to vector<16xf32>
    %swap3A_12 = vector.shape_cast %broadcast_in_dim3A_8 : vector<16xf32> to vector<16xf32>
    tpu.vector_store %arg7[%swap3A_9], %swap3A_12 {strides = array<i32>} : memref<128xf32, #tpu.memory_space<vmem>>, vector<16xf32>,
    %broadcast_in_dim3A_13 = arith.constant 1.000000e+00 : f32
    %broadcast_in_dim3A_14 = vector.broadcast %broadcast_in_dim3A_13 : f32 to vector<16xf32>
    %swap3A_15 = arith.constant 32 : index
    %swap3A_16 = tpu.vector_load %arg7[%swap3A_15] {strides = array<i32>} : memref<128xf32, #tpu.memory_space<vmem>>, vector<16xf32>,
    %swap3A_17 = vector.shape_cast %swap3A_16 : vector<16xf32> to vector<16xf32>
    %swap3A_18 = vector.shape_cast %broadcast_in_dim3A_14 : vector<16xf32> to vector<16xf32>
    tpu.vector_store %arg7[%swap3A_15], %swap3A_18 {strides = array<i32>} : memref<128xf32, #tpu.memory_space<vmem>>, vector<16xf32>,
    %broadcast_in_dim3A_19 = arith.constant 1.000000e+00 : f32
    %broadcast_in_dim3A_20 = vector.broadcast %broadcast_in_dim3A_19 : f32 to vector<16xf32>
    %swap3A_21 = arith.constant 48 : index
    %swap3A_22 = tpu.vector_load %arg7[%swap3A_21] {strides = array<i32>} : memref<128xf32, #tpu.memory_space<vmem>>, vector<16xf32>,
    %swap3A_23 = vector.shape_cast %swap3A_22 : vector<16xf32> to vector<16xf32>
    %swap3A_24 = vector.shape_cast %broadcast_in_dim3A_20 : vector<16xf32> to vector<16xf32>
    tpu.vector_store %arg7[%swap3A_21], %swap3A_24 {strides = array<i32>} : memref<128xf32, #tpu.memory_space<vmem>>, vector<16xf32>,
    %broadcast_in_dim3A_25 = arith.constant 1.000000e+00 : f32
    %broadcast_in_dim3A_26 = vector.broadcast %broadcast_in_dim3A_25 : f32 to vector<16xf32>
    %swap3A_27 = arith.constant 64 : index
    %swap3A_28 = tpu.vector_load %arg7[%swap3A_27] {strides = array<i32>} : memref<128xf32, #tpu.memory_space<vmem>>, vector<16xf32>,
    %swap3A_29 = vector.shape_cast %swap3A_28 : vector<16xf32> to vector<16xf32>
    %swap3A_30 = vector.shape_cast %broadcast_in_dim3A_26 : vector<16xf32> to vector<16xf32>
    tpu.vector_store %arg7[%swap3A_27], %swap3A_30 {strides = array<i32>} : memref<128xf32, #tpu.memory_space<vmem>>, vector<16xf32>,
    %broadcast_in_dim3A_31 = arith.constant 1.000000e+00 : f32
    %broadcast_in_dim3A_32 = vector.broadcast %broadcast_in_dim3A_31 : f32 to vector<16xf32>
    %swap3A_33 = arith.constant 80 : index
    %swap3A_34 = tpu.vector_load %arg7[%swap3A_33] {strides = array<i32>} : memref<128xf32, #tpu.memory_space<vmem>>, vector<16xf32>,
    %swap3A_35 = vector.shape_cast %swap3A_34 : vector<16xf32> to vector<16xf32>
    %swap3A_36 = vector.shape_cast %broadcast_in_dim3A_32 : vector<16xf32> to vector<16xf32>
    tpu.vector_store %arg7[%swap3A_33], %swap3A_36 {strides = array<i32>} : memref<128xf32, #tpu.memory_space<vmem>>, vector<16xf32>,
    %broadcast_in_dim3A_37 = arith.constant 1.000000e+00 : f32
    %broadcast_in_dim3A_38 = vector.broadcast %broadcast_in_dim3A_37 : f32 to vector<16xf32>
    %swap3A_39 = arith.constant 96 : index
    %swap3A_40 = tpu.vector_load %arg7[%swap3A_39] {strides = array<i32>} : memref<128xf32, #tpu.memory_space<vmem>>, vector<16xf32>,
    %swap3A_41 = vector.shape_cast %swap3A_40 : vector<16xf32> to vector<16xf32>
    %swap3A_42 = vector.shape_cast %broadcast_in_dim3A_38 : vector<16xf32> to vector<16xf32>
    tpu.vector_store %arg7[%swap3A_39], %swap3A_42 {strides = array<i32>} : memref<128xf32, #tpu.memory_space<vmem>>, vector<16xf32>,
    %broadcast_in_dim3A_43 = arith.constant 1.000000e+00 : f32
    %broadcast_in_dim3A_44 = vector.broadcast %broadcast_in_dim3A_43 : f32 to vector<16xf32>
    %swap3A_45 = arith.constant 112 : index
    %swap3A_46 = tpu.vector_load %arg7[%swap3A_45] {strides = array<i32>} : memref<128xf32, #tpu.memory_space<vmem>>, vector<16xf32>,
    %swap3A_47 = vector.shape_cast %swap3A_46 : vector<16xf32> to vector<16xf32>
    %swap3A_48 = vector.shape_cast %broadcast_in_dim3A_44 : vector<16xf32> to vector<16xf32>
    tpu.vector_store %arg7[%swap3A_45], %swap3A_48 {strides = array<i32>} : memref<128xf32, #tpu.memory_space<vmem>>, vector<16xf32>,
    %scan3A = arith.constant 0 : i32
    %scan3A_49 = arith.constant 39 : i32
    %scan3A_50 = arith.addi %scan3A, %scan3A_49 : i32
    %scan3A_51 = arith.constant 1 : i32
    scf.for %scan3A_161 = %scan3A to %scan3A_50 step %scan3A_51  : i32 {
      %mul3A_162 = arith.constant 1 : i32
      %mul3A_163 = arith.muli %scan3A_161, %mul3A_162 : i32
      %add3A_164 = arith.constant 0 : i32
      %add3A_165 = arith.addi %add3A_164, %mul3A_163 : i32
      %broadcast_in_dim3A_166 = arith.constant 0.000000e+00 : f32
      %broadcast_in_dim3A_167 = vector.broadcast %broadcast_in_dim3A_166 : f32 to vector<16xf32>
      %mul3A_168 = arith.constant 16 : i32
      %mul3A_169 = arith.muli %mul3A_168, %add3A_165 : i32
      %swap3A_170 = arith.index_cast %mul3A_169 : i32 to index
      %swap3A_171 = tpu.vector_load %arg8[%swap3A_170] {strides = array<i32>} : memref<624xf32, #tpu.memory_space<vmem>>, vector<16xf32>,
      %swap3A_172 = vector.shape_cast %swap3A_171 : vector<16xf32> to vector<16xf32>
      %swap3A_173 = vector.shape_cast %broadcast_in_dim3A_167 : vector<16xf32> to vector<16xf32>
      tpu.vector_store %arg8[%swap3A_170], %swap3A_173 {strides = array<i32>} : memref<624xf32, #tpu.memory_space<vmem>>, vector<16xf32>,
    }
    %scan3A_52 = arith.constant 39 : i32
    %lt3A = arith.constant 31 : i32
    %lt3A_53 = arith.cmpi slt, %add3A, %lt3A : i32
    %convert_element_type3A = arith.extui %lt3A_53 : i1 to i32
    %cond3A = arith.constant 0 : i32
    %cond3A_54 = arith.cmpi ne, %convert_element_type3A, %cond3A : i32
    scf.if %cond3A_54 {
      %mul3A_161 = arith.constant 80 : i32
      %mul3A_162 = arith.muli %add3A, %mul3A_161 : i32
      "tpu.region"() ({
        %run_scoped3A = tpu.sem_alloc : memref<!tpu.dma_semaphore, #tpu.memory_space<semaphore_mem>>
        %dma_start3A_165 = arith.constant 0 : i32
        %dma_start3A_166 = tpu.memref_slice %arg2[%mul3A_162, %dma_start3A_165] : memref<2500x128xi32, #tpu.memory_space<hbm>> -> memref<80x128xi32, #tpu.memory_space<hbm>>
        %dma_start3A_167 = arith.constant 0 : i32
        %dma_start3A_168 = tpu.memref_slice %arg2[%mul3A_162, %dma_start3A_167] : memref<2500x128xi32, #tpu.memory_space<hbm>> -> memref<80x128xi32, #tpu.memory_space<hbm>>
        tpu.enqueue_dma source(%dma_start3A_168 : memref<80x128xi32, #tpu.memory_space<hbm>>) target(%arg5 : memref<80x128xi32, #tpu.memory_space<vmem>>) target_semaphore(%run_scoped3A : memref<!tpu.dma_semaphore, #tpu.memory_space<semaphore_mem>>)
        %dma_wait3A_169 = arith.constant 0 : i32
        %dma_wait3A_170 = tpu.memref_slice %arg2[%mul3A_162, %dma_wait3A_169] : memref<2500x128xi32, #tpu.memory_space<hbm>> -> memref<80x128xi32, #tpu.memory_space<hbm>>
        %dma_wait3A_171 = arith.constant 0 : i32
        %dma_wait3A_172 = tpu.memref_slice %arg2[%mul3A_162, %dma_wait3A_171] : memref<2500x128xi32, #tpu.memory_space<hbm>> -> memref<80x128xi32, #tpu.memory_space<hbm>>
        tpu.wait_dma2 semaphore(%run_scoped3A : memref<!tpu.dma_semaphore, #tpu.memory_space<semaphore_mem>>) src(%dma_wait3A_172 : memref<80x128xi32, #tpu.memory_space<hbm>>) dst(%arg5 : memref<80x128xi32, #tpu.memory_space<vmem>>)
        tpu.yield
      }) : () -> ()
      %mul3A_163 = arith.constant 80 : i32
      %mul3A_164 = arith.muli %add3A, %mul3A_163 : i32
      "tpu.region"() ({
        %run_scoped3A = tpu.sem_alloc : memref<!tpu.dma_semaphore, #tpu.memory_space<semaphore_mem>>
        %dma_start3A_165 = arith.constant 0 : i32
        %dma_start3A_166 = tpu.memref_slice %arg3[%mul3A_164, %dma_start3A_165] : memref<2500x128xi32, #tpu.memory_space<hbm>> -> memref<80x128xi32, #tpu.memory_space<hbm>>
        %dma_start3A_167 = arith.constant 0 : i32
        %dma_start3A_168 = tpu.memref_slice %arg3[%mul3A_164, %dma_start3A_167] : memref<2500x128xi32, #tpu.memory_space<hbm>> -> memref<80x128xi32, #tpu.memory_space<hbm>>
        tpu.enqueue_dma source(%dma_start3A_168 : memref<80x128xi32, #tpu.memory_space<hbm>>) target(%arg6 : memref<80x128xi32, #tpu.memory_space<vmem>>) target_semaphore(%run_scoped3A : memref<!tpu.dma_semaphore, #tpu.memory_space<semaphore_mem>>)
        %dma_wait3A_169 = arith.constant 0 : i32
        %dma_wait3A_170 = tpu.memref_slice %arg3[%mul3A_164, %dma_wait3A_169] : memref<2500x128xi32, #tpu.memory_space<hbm>> -> memref<80x128xi32, #tpu.memory_space<hbm>>
        %dma_wait3A_171 = arith.constant 0 : i32
        %dma_wait3A_172 = tpu.memref_slice %arg3[%mul3A_164, %dma_wait3A_171] : memref<2500x128xi32, #tpu.memory_space<hbm>> -> memref<80x128xi32, #tpu.memory_space<hbm>>
        tpu.wait_dma2 semaphore(%run_scoped3A : memref<!tpu.dma_semaphore, #tpu.memory_space<semaphore_mem>>) src(%dma_wait3A_172 : memref<80x128xi32, #tpu.memory_space<hbm>>) dst(%arg6 : memref<80x128xi32, #tpu.memory_space<vmem>>)
        tpu.yield
      }) : () -> ()
    } else {
    }
    %eq3A_55 = arith.constant 31 : i32
    %eq3A_56 = arith.cmpi eq, %add3A, %eq3A_55 : i32
    %convert_element_type3A_57 = arith.extui %eq3A_56 : i1 to i32
    %cond3A_58 = arith.constant 0 : i32
    %cond3A_59 = arith.cmpi ne, %convert_element_type3A_57, %cond3A_58 : i32
    scf.if %cond3A_59 {
      "tpu.region"() ({
        %run_scoped3A = tpu.sem_alloc : memref<!tpu.dma_semaphore, #tpu.memory_space<semaphore_mem>>
        %dma_start3A_161 = arith.constant 0 : i32
        %dma_start3A_162 = arith.constant 0 : i32
        %dma_start3A_163 = tpu.memref_slice %arg5[%dma_start3A_161, %dma_start3A_162] : memref<80x128xi32, #tpu.memory_space<vmem>> -> memref<20x128xi32, #tpu.memory_space<vmem>>
        %dma_start3A_164 = arith.constant 2480 : i32
        %dma_start3A_165 = arith.constant 0 : i32
        %dma_start3A_166 = tpu.memref_slice %arg2[%dma_start3A_164, %dma_start3A_165] : memref<2500x128xi32, #tpu.memory_space<hbm>> -> memref<20x128xi32, #tpu.memory_space<hbm>>
        %dma_start3A_167 = arith.constant 0 : i32
        %dma_start3A_168 = arith.constant 0 : i32
        %dma_start3A_169 = tpu.memref_slice %arg5[%dma_start3A_167, %dma_start3A_168] : memref<80x128xi32, #tpu.memory_space<vmem>> -> memref<20x128xi32, #tpu.memory_space<vmem>>
        %dma_start3A_170 = arith.constant 2480 : i32
        %dma_start3A_171 = arith.constant 0 : i32
        %dma_start3A_172 = tpu.memref_slice %arg2[%dma_start3A_170, %dma_start3A_171] : memref<2500x128xi32, #tpu.memory_space<hbm>> -> memref<20x128xi32, #tpu.memory_space<hbm>>
        tpu.enqueue_dma source(%dma_start3A_172 : memref<20x128xi32, #tpu.memory_space<hbm>>) target(%dma_start3A_169 : memref<20x128xi32, #tpu.memory_space<vmem>>) target_semaphore(%run_scoped3A : memref<!tpu.dma_semaphore, #tpu.memory_space<semaphore_mem>>)
        %dma_wait3A_173 = arith.constant 0 : i32
        %dma_wait3A_174 = arith.constant 0 : i32
        %dma_wait3A_175 = tpu.memref_slice %arg5[%dma_wait3A_173, %dma_wait3A_174] : memref<80x128xi32, #tpu.memory_space<vmem>> -> memref<20x128xi32, #tpu.memory_space<vmem>>
        %dma_wait3A_176 = arith.constant 2480 : i32
        %dma_wait3A_177 = arith.constant 0 : i32
        %dma_wait3A_178 = tpu.memref_slice %arg2[%dma_wait3A_176, %dma_wait3A_177] : memref<2500x128xi32, #tpu.memory_space<hbm>> -> memref<20x128xi32, #tpu.memory_space<hbm>>
        %dma_wait3A_179 = arith.constant 0 : i32
        %dma_wait3A_180 = arith.constant 0 : i32
        %dma_wait3A_181 = tpu.memref_slice %arg5[%dma_wait3A_179, %dma_wait3A_180] : memref<80x128xi32, #tpu.memory_space<vmem>> -> memref<20x128xi32, #tpu.memory_space<vmem>>
        %dma_wait3A_182 = arith.constant 2480 : i32
        %dma_wait3A_183 = arith.constant 0 : i32
        %dma_wait3A_184 = tpu.memref_slice %arg2[%dma_wait3A_182, %dma_wait3A_183] : memref<2500x128xi32, #tpu.memory_space<hbm>> -> memref<20x128xi32, #tpu.memory_space<hbm>>
        tpu.wait_dma2 semaphore(%run_scoped3A : memref<!tpu.dma_semaphore, #tpu.memory_space<semaphore_mem>>) src(%dma_wait3A_184 : memref<20x128xi32, #tpu.memory_space<hbm>>) dst(%dma_wait3A_181 : memref<20x128xi32, #tpu.memory_space<vmem>>)
        tpu.yield
      }) : () -> ()
      "tpu.region"() ({
        %run_scoped3A = tpu.sem_alloc : memref<!tpu.dma_semaphore, #tpu.memory_space<semaphore_mem>>
        %dma_start3A_161 = arith.constant 0 : i32
        %dma_start3A_162 = arith.constant 0 : i32
        %dma_start3A_163 = tpu.memref_slice %arg6[%dma_start3A_161, %dma_start3A_162] : memref<80x128xi32, #tpu.memory_space<vmem>> -> memref<20x128xi32, #tpu.memory_space<vmem>>
        %dma_start3A_164 = arith.constant 2480 : i32
        %dma_start3A_165 = arith.constant 0 : i32
        %dma_start3A_166 = tpu.memref_slice %arg3[%dma_start3A_164, %dma_start3A_165] : memref<2500x128xi32, #tpu.memory_space<hbm>> -> memref<20x128xi32, #tpu.memory_space<hbm>>
        %dma_start3A_167 = arith.constant 0 : i32
        %dma_start3A_168 = arith.constant 0 : i32
        %dma_start3A_169 = tpu.memref_slice %arg6[%dma_start3A_167, %dma_start3A_168] : memref<80x128xi32, #tpu.memory_space<vmem>> -> memref<20x128xi32, #tpu.memory_space<vmem>>
        %dma_start3A_170 = arith.constant 2480 : i32
        %dma_start3A_171 = arith.constant 0 : i32
        %dma_start3A_172 = tpu.memref_slice %arg3[%dma_start3A_170, %dma_start3A_171] : memref<2500x128xi32, #tpu.memory_space<hbm>> -> memref<20x128xi32, #tpu.memory_space<hbm>>
        tpu.enqueue_dma source(%dma_start3A_172 : memref<20x128xi32, #tpu.memory_space<hbm>>) target(%dma_start3A_169 : memref<20x128xi32, #tpu.memory_space<vmem>>) target_semaphore(%run_scoped3A : memref<!tpu.dma_semaphore, #tpu.memory_space<semaphore_mem>>)
        %dma_wait3A_173 = arith.constant 0 : i32
        %dma_wait3A_174 = arith.constant 0 : i32
        %dma_wait3A_175 = tpu.memref_slice %arg6[%dma_wait3A_173, %dma_wait3A_174] : memref<80x128xi32, #tpu.memory_space<vmem>> -> memref<20x128xi32, #tpu.memory_space<vmem>>
        %dma_wait3A_176 = arith.constant 2480 : i32
        %dma_wait3A_177 = arith.constant 0 : i32
        %dma_wait3A_178 = tpu.memref_slice %arg3[%dma_wait3A_176, %dma_wait3A_177] : memref<2500x128xi32, #tpu.memory_space<hbm>> -> memref<20x128xi32, #tpu.memory_space<hbm>>
        %dma_wait3A_179 = arith.constant 0 : i32
        %dma_wait3A_180 = arith.constant 0 : i32
        %dma_wait3A_181 = tpu.memref_slice %arg6[%dma_wait3A_179, %dma_wait3A_180] : memref<80x128xi32, #tpu.memory_space<vmem>> -> memref<20x128xi32, #tpu.memory_space<vmem>>
        %dma_wait3A_182 = arith.constant 2480 : i32
        %dma_wait3A_183 = arith.constant 0 : i32
        %dma_wait3A_184 = tpu.memref_slice %arg3[%dma_wait3A_182, %dma_wait3A_183] : memref<2500x128xi32, #tpu.memory_space<hbm>> -> memref<20x128xi32, #tpu.memory_space<hbm>>
        tpu.wait_dma2 semaphore(%run_scoped3A : memref<!tpu.dma_semaphore, #tpu.memory_space<semaphore_mem>>) src(%dma_wait3A_184 : memref<20x128xi32, #tpu.memory_space<hbm>>) dst(%dma_wait3A_181 : memref<20x128xi32, #tpu.memory_space<vmem>>)
        tpu.yield
      }) : () -> ()
    } else {
    }
    %mul3A_60 = arith.constant 624 : i32
    %mul3A_61 = arith.muli %arg1, %mul3A_60 : i32
    "tpu.region"() ({
      %run_scoped3A = tpu.sem_alloc : memref<!tpu.dma_semaphore, #tpu.memory_space<semaphore_mem>>
      %dma_start3A_161 = tpu.memref_slice %arg9[%mul3A_61] : memref<10000xf32, #tpu.memory_space<vmem_shared>> -> memref<624xf32, #tpu.memory_space<vmem_shared>>
      %dma_start3A_162 = tpu.memref_slice %arg9[%mul3A_61] : memref<10000xf32, #tpu.memory_space<vmem_shared>> -> memref<624xf32, #tpu.memory_space<vmem_shared>>
      tpu.enqueue_dma source(%arg8 : memref<624xf32, #tpu.memory_space<vmem>>) target(%dma_start3A_162 : memref<624xf32, #tpu.memory_space<vmem_shared>>) target_semaphore(%run_scoped3A : memref<!tpu.dma_semaphore, #tpu.memory_space<semaphore_mem>>)
      %dma_wait3A_163 = tpu.memref_slice %arg9[%mul3A_61] : memref<10000xf32, #tpu.memory_space<vmem_shared>> -> memref<624xf32, #tpu.memory_space<vmem_shared>>
      %dma_wait3A_164 = tpu.memref_slice %arg9[%mul3A_61] : memref<10000xf32, #tpu.memory_space<vmem_shared>> -> memref<624xf32, #tpu.memory_space<vmem_shared>>
      tpu.wait_dma2 semaphore(%run_scoped3A : memref<!tpu.dma_semaphore, #tpu.memory_space<semaphore_mem>>) src(%arg8 : memref<624xf32, #tpu.memory_space<vmem>>) dst(%dma_wait3A_164 : memref<624xf32, #tpu.memory_space<vmem_shared>>)
      tpu.yield
    }) : () -> ()
    %mul3A_62 = arith.constant 624 : i32
    %mul3A_63 = arith.muli %arg1, %mul3A_62 : i32
    "tpu.region"() ({
      %run_scoped3A = tpu.sem_alloc : memref<!tpu.dma_semaphore, #tpu.memory_space<semaphore_mem>>
      %dma_start3A_161 = tpu.memref_slice %arg10[%mul3A_63] : memref<10000xf32, #tpu.memory_space<vmem_shared>> -> memref<624xf32, #tpu.memory_space<vmem_shared>>
      %dma_start3A_162 = tpu.memref_slice %arg10[%mul3A_63] : memref<10000xf32, #tpu.memory_space<vmem_shared>> -> memref<624xf32, #tpu.memory_space<vmem_shared>>
      tpu.enqueue_dma source(%arg8 : memref<624xf32, #tpu.memory_space<vmem>>) target(%dma_start3A_162 : memref<624xf32, #tpu.memory_space<vmem_shared>>) target_semaphore(%run_scoped3A : memref<!tpu.dma_semaphore, #tpu.memory_space<semaphore_mem>>)
      %dma_wait3A_163 = tpu.memref_slice %arg10[%mul3A_63] : memref<10000xf32, #tpu.memory_space<vmem_shared>> -> memref<624xf32, #tpu.memory_space<vmem_shared>>
      %dma_wait3A_164 = tpu.memref_slice %arg10[%mul3A_63] : memref<10000xf32, #tpu.memory_space<vmem_shared>> -> memref<624xf32, #tpu.memory_space<vmem_shared>>
      tpu.wait_dma2 semaphore(%run_scoped3A : memref<!tpu.dma_semaphore, #tpu.memory_space<semaphore_mem>>) src(%arg8 : memref<624xf32, #tpu.memory_space<vmem>>) dst(%dma_wait3A_164 : memref<624xf32, #tpu.memory_space<vmem_shared>>)
      tpu.yield
    }) : () -> ()
    %eq3A_64 = arith.constant 0 : i32
    %eq3A_65 = arith.cmpi eq, %arg1, %eq3A_64 : i32
    %convert_element_type3A_66 = arith.extui %eq3A_65 : i1 to i32
    %cond3A_67 = arith.constant 0 : i32
    %cond3A_68 = arith.cmpi ne, %convert_element_type3A_66, %cond3A_67 : i32
    scf.if %cond3A_68 {
      "tpu.region"() ({
        %run_scoped3A = tpu.sem_alloc : memref<!tpu.dma_semaphore, #tpu.memory_space<semaphore_mem>>
        %dma_start3A_161 = arith.constant 0 : i32
        %dma_start3A_162 = tpu.memref_slice %arg8[%dma_start3A_161] : memref<624xf32, #tpu.memory_space<vmem>> -> memref<16xf32, #tpu.memory_space<vmem>>
        %dma_start3A_163 = arith.constant 9984 : i32
        %dma_start3A_164 = tpu.memref_slice %arg9[%dma_start3A_163] : memref<10000xf32, #tpu.memory_space<vmem_shared>> -> memref<16xf32, #tpu.memory_space<vmem_shared>>
        %dma_start3A_165 = arith.constant 9984 : i32
        %dma_start3A_166 = tpu.memref_slice %arg9[%dma_start3A_165] : memref<10000xf32, #tpu.memory_space<vmem_shared>> -> memref<16xf32, #tpu.memory_space<vmem_shared>>
        %dma_start3A_167 = arith.constant 0 : i32
        %dma_start3A_168 = tpu.memref_slice %arg8[%dma_start3A_167] : memref<624xf32, #tpu.memory_space<vmem>> -> memref<16xf32, #tpu.memory_space<vmem>>
        tpu.enqueue_dma source(%dma_start3A_168 : memref<16xf32, #tpu.memory_space<vmem>>) target(%dma_start3A_166 : memref<16xf32, #tpu.memory_space<vmem_shared>>) target_semaphore(%run_scoped3A : memref<!tpu.dma_semaphore, #tpu.memory_space<semaphore_mem>>)
        %dma_wait3A_169 = arith.constant 0 : i32
        %dma_wait3A_170 = tpu.memref_slice %arg8[%dma_wait3A_169] : memref<624xf32, #tpu.memory_space<vmem>> -> memref<16xf32, #tpu.memory_space<vmem>>
        %dma_wait3A_171 = arith.constant 9984 : i32
        %dma_wait3A_172 = tpu.memref_slice %arg9[%dma_wait3A_171] : memref<10000xf32, #tpu.memory_space<vmem_shared>> -> memref<16xf32, #tpu.memory_space<vmem_shared>>
        %dma_wait3A_173 = arith.constant 9984 : i32
        %dma_wait3A_174 = tpu.memref_slice %arg9[%dma_wait3A_173] : memref<10000xf32, #tpu.memory_space<vmem_shared>> -> memref<16xf32, #tpu.memory_space<vmem_shared>>
        %dma_wait3A_175 = arith.constant 0 : i32
        %dma_wait3A_176 = tpu.memref_slice %arg8[%dma_wait3A_175] : memref<624xf32, #tpu.memory_space<vmem>> -> memref<16xf32, #tpu.memory_space<vmem>>
        tpu.wait_dma2 semaphore(%run_scoped3A : memref<!tpu.dma_semaphore, #tpu.memory_space<semaphore_mem>>) src(%dma_wait3A_176 : memref<16xf32, #tpu.memory_space<vmem>>) dst(%dma_wait3A_174 : memref<16xf32, #tpu.memory_space<vmem_shared>>)
        tpu.yield
      }) : () -> ()
      "tpu.region"() ({
        %run_scoped3A = tpu.sem_alloc : memref<!tpu.dma_semaphore, #tpu.memory_space<semaphore_mem>>
        %dma_start3A_161 = arith.constant 0 : i32
        %dma_start3A_162 = tpu.memref_slice %arg8[%dma_start3A_161] : memref<624xf32, #tpu.memory_space<vmem>> -> memref<16xf32, #tpu.memory_space<vmem>>
        %dma_start3A_163 = arith.constant 9984 : i32
        %dma_start3A_164 = tpu.memref_slice %arg10[%dma_start3A_163] : memref<10000xf32, #tpu.memory_space<vmem_shared>> -> memref<16xf32, #tpu.memory_space<vmem_shared>>
        %dma_start3A_165 = arith.constant 9984 : i32
        %dma_start3A_166 = tpu.memref_slice %arg10[%dma_start3A_165] : memref<10000xf32, #tpu.memory_space<vmem_shared>> -> memref<16xf32, #tpu.memory_space<vmem_shared>>
        %dma_start3A_167 = arith.constant 0 : i32
        %dma_start3A_168 = tpu.memref_slice %arg8[%dma_start3A_167] : memref<624xf32, #tpu.memory_space<vmem>> -> memref<16xf32, #tpu.memory_space<vmem>>
        tpu.enqueue_dma source(%dma_start3A_168 : memref<16xf32, #tpu.memory_space<vmem>>) target(%dma_start3A_166 : memref<16xf32, #tpu.memory_space<vmem_shared>>) target_semaphore(%run_scoped3A : memref<!tpu.dma_semaphore, #tpu.memory_space<semaphore_mem>>)
        %dma_wait3A_169 = arith.constant 0 : i32
        %dma_wait3A_170 = tpu.memref_slice %arg8[%dma_wait3A_169] : memref<624xf32, #tpu.memory_space<vmem>> -> memref<16xf32, #tpu.memory_space<vmem>>
        %dma_wait3A_171 = arith.constant 9984 : i32
        %dma_wait3A_172 = tpu.memref_slice %arg10[%dma_wait3A_171] : memref<10000xf32, #tpu.memory_space<vmem_shared>> -> memref<16xf32, #tpu.memory_space<vmem_shared>>
        %dma_wait3A_173 = arith.constant 9984 : i32
        %dma_wait3A_174 = tpu.memref_slice %arg10[%dma_wait3A_173] : memref<10000xf32, #tpu.memory_space<vmem_shared>> -> memref<16xf32, #tpu.memory_space<vmem_shared>>
        %dma_wait3A_175 = arith.constant 0 : i32
        %dma_wait3A_176 = tpu.memref_slice %arg8[%dma_wait3A_175] : memref<624xf32, #tpu.memory_space<vmem>> -> memref<16xf32, #tpu.memory_space<vmem>>
        tpu.wait_dma2 semaphore(%run_scoped3A : memref<!tpu.dma_semaphore, #tpu.memory_space<semaphore_mem>>) src(%dma_wait3A_176 : memref<16xf32, #tpu.memory_space<vmem>>) dst(%dma_wait3A_174 : memref<16xf32, #tpu.memory_space<vmem_shared>>)
        tpu.yield
      }) : () -> ()
    } else {
    }
    %barrier3A = arith.constant 0 : index
    tpu.barrier barrier_id(%barrier3A)
    %dma_start3A = arith.constant 0 : i32
    %dma_start3A_69 = arith.constant 0 : i32
    %dma_start3A_70 = tpu.memref_slice %arg5[%dma_start3A, %dma_start3A_69] : memref<80x128xi32, #tpu.memory_space<vmem>> -> memref<1x128xi32, #tpu.memory_space<vmem>>
    %dma_start3A_71 = tpu.memref_squeeze %dma_start3A_70 : memref<1x128xi32, #tpu.memory_space<vmem>> -> memref<128xi32, #tpu.memory_space<vmem>>
    %dma_start3A_72 = arith.constant 0 : i32
    %dma_start3A_73 = tpu.memref_slice %arg9[%dma_start3A_72] : memref<10000xf32, #tpu.memory_space<vmem_shared>> -> memref<10000xf32, #tpu.memory_space<vmem_shared>>
    tpu.enqueue_indirect_dma source(%arg7 : memref<128xf32, #tpu.memory_space<vmem>>) target(%dma_start3A_73 : memref<10000xf32, #tpu.memory_space<vmem_shared>>) offsets(%dma_start3A_71 : memref<128xi32, #tpu.memory_space<vmem>>) semaphore(%arg11 : memref<!tpu.dma_semaphore, #tpu.memory_space<semaphore_mem>>) {add = true}
    %dma_start3A_74 = arith.constant 0 : i32
    %dma_start3A_75 = arith.constant 0 : i32
    %dma_start3A_76 = tpu.memref_slice %arg6[%dma_start3A_74, %dma_start3A_75] : memref<80x128xi32, #tpu.memory_space<vmem>> -> memref<1x128xi32, #tpu.memory_space<vmem>>
    %dma_start3A_77 = tpu.memref_squeeze %dma_start3A_76 : memref<1x128xi32, #tpu.memory_space<vmem>> -> memref<128xi32, #tpu.memory_space<vmem>>
    %dma_start3A_78 = arith.constant 0 : i32
    %dma_start3A_79 = tpu.memref_slice %arg10[%dma_start3A_78] : memref<10000xf32, #tpu.memory_space<vmem_shared>> -> memref<10000xf32, #tpu.memory_space<vmem_shared>>
    tpu.enqueue_indirect_dma source(%arg7 : memref<128xf32, #tpu.memory_space<vmem>>) target(%dma_start3A_79 : memref<10000xf32, #tpu.memory_space<vmem_shared>>) offsets(%dma_start3A_77 : memref<128xi32, #tpu.memory_space<vmem>>) semaphore(%arg11 : memref<!tpu.dma_semaphore, #tpu.memory_space<semaphore_mem>>) {add = true}
    %dma_start3A_80 = arith.constant 1 : i32
    %dma_start3A_81 = arith.constant 0 : i32
    %dma_start3A_82 = tpu.memref_slice %arg5[%dma_start3A_80, %dma_start3A_81] : memref<80x128xi32, #tpu.memory_space<vmem>> -> memref<1x128xi32, #tpu.memory_space<vmem>>
    %dma_start3A_83 = tpu.memref_squeeze %dma_start3A_82 : memref<1x128xi32, #tpu.memory_space<vmem>> -> memref<128xi32, #tpu.memory_space<vmem>>
    %dma_start3A_84 = arith.constant 0 : i32
    %dma_start3A_85 = tpu.memref_slice %arg9[%dma_start3A_84] : memref<10000xf32, #tpu.memory_space<vmem_shared>> -> memref<10000xf32, #tpu.memory_space<vmem_shared>>
    tpu.enqueue_indirect_dma source(%arg7 : memref<128xf32, #tpu.memory_space<vmem>>) target(%dma_start3A_85 : memref<10000xf32, #tpu.memory_space<vmem_shared>>) offsets(%dma_start3A_83 : memref<128xi32, #tpu.memory_space<vmem>>) semaphore(%arg12 : memref<!tpu.dma_semaphore, #tpu.memory_space<semaphore_mem>>) {add = true}
    %dma_start3A_86 = arith.constant 1 : i32
    %dma_start3A_87 = arith.constant 0 : i32
    %dma_start3A_88 = tpu.memref_slice %arg6[%dma_start3A_86, %dma_start3A_87] : memref<80x128xi32, #tpu.memory_space<vmem>> -> memref<1x128xi32, #tpu.memory_space<vmem>>
    %dma_start3A_89 = tpu.memref_squeeze %dma_start3A_88 : memref<1x128xi32, #tpu.memory_space<vmem>> -> memref<128xi32, #tpu.memory_space<vmem>>
    %dma_start3A_90 = arith.constant 0 : i32
    %dma_start3A_91 = tpu.memref_slice %arg10[%dma_start3A_90] : memref<10000xf32, #tpu.memory_space<vmem_shared>> -> memref<10000xf32, #tpu.memory_space<vmem_shared>>
    tpu.enqueue_indirect_dma source(%arg7 : memref<128xf32, #tpu.memory_space<vmem>>) target(%dma_start3A_91 : memref<10000xf32, #tpu.memory_space<vmem_shared>>) offsets(%dma_start3A_89 : memref<128xi32, #tpu.memory_space<vmem>>) semaphore(%arg12 : memref<!tpu.dma_semaphore, #tpu.memory_space<semaphore_mem>>) {add = true}
    %sub3A = arith.constant 2 : i32
    %sub3A_92 = arith.subi %select_n3A, %sub3A : i32
    %sub3A_93 = arith.constant 2 : i32
    %sub3A_94 = arith.constant 1 : i32
    %sub3A_95 = arith.subi %sub3A_93, %sub3A_94 : i32
    %add3A_96 = arith.addi %sub3A_92, %sub3A_95 : i32
    %div3A = arith.constant 2 : i32
    %div3A_97 = arith.divsi %add3A_96, %div3A : i32
    %while3A = arith.constant 2 : i32
    %while3A_98 = arith.constant 2 : i32
    %while3A_99 = arith.constant 0 : i32
    %while3A_100 = arith.subi %div3A_97, %while3A_99 : i32
    %while3A_101 = arith.addi %while3A_99, %while3A_100 : i32
    %while3A_102 = arith.constant 1 : i32
    %while3A_103 = arith.divsi %while3A_100, %while3A_102 : i32
    %while3A_104 = arith.muli %while3A_103, %while3A_102 : i32
    %while3A_105 = arith.addi %while3A_99, %while3A_104 : i32
    %while3A_106 = arith.constant 1 : i32
    scf.for %while3A_161 = %while3A_99 to %while3A_105 step %while3A_106  : i32 {
      %mul3A_162 = arith.muli %while3A_161, %while3A : i32
      %add3A_163 = arith.addi %while3A_98, %mul3A_162 : i32
      %add3A_164 = arith.constant 0 : i32
      %add3A_165 = arith.addi %add3A_163, %add3A_164 : i32
      %sub3A_166 = arith.constant 2 : i32
      %sub3A_167 = arith.subi %add3A_165, %sub3A_166 : i32
      %dma_wait3A_168 = arith.constant 0 : i32
      %dma_wait3A_169 = tpu.memref_slice %arg5[%sub3A_167, %dma_wait3A_168] : memref<80x128xi32, #tpu.memory_space<vmem>> -> memref<1x128xi32, #tpu.memory_space<vmem>>
      %dma_wait3A_170 = tpu.memref_squeeze %dma_wait3A_169 : memref<1x128xi32, #tpu.memory_space<vmem>> -> memref<128xi32, #tpu.memory_space<vmem>>
      %dma_wait3A_171 = arith.constant 0 : i32
      %dma_wait3A_172 = tpu.memref_slice %arg9[%dma_wait3A_171] : memref<10000xf32, #tpu.memory_space<vmem_shared>> -> memref<10000xf32, #tpu.memory_space<vmem_shared>>
      tpu.wait_indirect_dma semaphore(%arg11 : memref<!tpu.dma_semaphore, #tpu.memory_space<semaphore_mem>>) src(%arg7 : memref<128xf32, #tpu.memory_space<vmem>>) dst(%dma_wait3A_172 : memref<10000xf32, #tpu.memory_space<vmem_shared>>)
      %dma_wait3A_173 = arith.constant 0 : i32
      %dma_wait3A_174 = tpu.memref_slice %arg6[%sub3A_167, %dma_wait3A_173] : memref<80x128xi32, #tpu.memory_space<vmem>> -> memref<1x128xi32, #tpu.memory_space<vmem>>
      %dma_wait3A_175 = tpu.memref_squeeze %dma_wait3A_174 : memref<1x128xi32, #tpu.memory_space<vmem>> -> memref<128xi32, #tpu.memory_space<vmem>>
      %dma_wait3A_176 = arith.constant 0 : i32
      %dma_wait3A_177 = tpu.memref_slice %arg10[%dma_wait3A_176] : memref<10000xf32, #tpu.memory_space<vmem_shared>> -> memref<10000xf32, #tpu.memory_space<vmem_shared>>
      tpu.wait_indirect_dma semaphore(%arg11 : memref<!tpu.dma_semaphore, #tpu.memory_space<semaphore_mem>>) src(%arg7 : memref<128xf32, #tpu.memory_space<vmem>>) dst(%dma_wait3A_177 : memref<10000xf32, #tpu.memory_space<vmem_shared>>)
      %dma_start3A_178 = arith.constant 0 : i32
      %dma_start3A_179 = tpu.memref_slice %arg5[%add3A_165, %dma_start3A_178] : memref<80x128xi32, #tpu.memory_space<vmem>> -> memref<1x128xi32, #tpu.memory_space<vmem>>
      %dma_start3A_180 = tpu.memref_squeeze %dma_start3A_179 : memref<1x128xi32, #tpu.memory_space<vmem>> -> memref<128xi32, #tpu.memory_space<vmem>>
      %dma_start3A_181 = arith.constant 0 : i32
      %dma_start3A_182 = tpu.memref_slice %arg9[%dma_start3A_181] : memref<10000xf32, #tpu.memory_space<vmem_shared>> -> memref<10000xf32, #tpu.memory_space<vmem_shared>>
      tpu.enqueue_indirect_dma source(%arg7 : memref<128xf32, #tpu.memory_space<vmem>>) target(%dma_start3A_182 : memref<10000xf32, #tpu.memory_space<vmem_shared>>) offsets(%dma_start3A_180 : memref<128xi32, #tpu.memory_space<vmem>>) semaphore(%arg11 : memref<!tpu.dma_semaphore, #tpu.memory_space<semaphore_mem>>) {add = true}
      %dma_start3A_183 = arith.constant 0 : i32
      %dma_start3A_184 = tpu.memref_slice %arg6[%add3A_165, %dma_start3A_183] : memref<80x128xi32, #tpu.memory_space<vmem>> -> memref<1x128xi32, #tpu.memory_space<vmem>>
      %dma_start3A_185 = tpu.memref_squeeze %dma_start3A_184 : memref<1x128xi32, #tpu.memory_space<vmem>> -> memref<128xi32, #tpu.memory_space<vmem>>
      %dma_start3A_186 = arith.constant 0 : i32
      %dma_start3A_187 = tpu.memref_slice %arg10[%dma_start3A_186] : memref<10000xf32, #tpu.memory_space<vmem_shared>> -> memref<10000xf32, #tpu.memory_space<vmem_shared>>
      tpu.enqueue_indirect_dma source(%arg7 : memref<128xf32, #tpu.memory_space<vmem>>) target(%dma_start3A_187 : memref<10000xf32, #tpu.memory_space<vmem_shared>>) offsets(%dma_start3A_185 : memref<128xi32, #tpu.memory_space<vmem>>) semaphore(%arg11 : memref<!tpu.dma_semaphore, #tpu.memory_space<semaphore_mem>>) {add = true}
      %add3A_188 = arith.constant 1 : i32
      %add3A_189 = arith.addi %add3A_163, %add3A_188 : i32
      %sub3A_190 = arith.constant 2 : i32
      %sub3A_191 = arith.subi %add3A_189, %sub3A_190 : i32
      %dma_wait3A_192 = arith.constant 0 : i32
      %dma_wait3A_193 = tpu.memref_slice %arg5[%sub3A_191, %dma_wait3A_192] : memref<80x128xi32, #tpu.memory_space<vmem>> -> memref<1x128xi32, #tpu.memory_space<vmem>>
      %dma_wait3A_194 = tpu.memref_squeeze %dma_wait3A_193 : memref<1x128xi32, #tpu.memory_space<vmem>> -> memref<128xi32, #tpu.memory_space<vmem>>
      %dma_wait3A_195 = arith.constant 0 : i32
      %dma_wait3A_196 = tpu.memref_slice %arg9[%dma_wait3A_195] : memref<10000xf32, #tpu.memory_space<vmem_shared>> -> memref<10000xf32, #tpu.memory_space<vmem_shared>>
      tpu.wait_indirect_dma semaphore(%arg12 : memref<!tpu.dma_semaphore, #tpu.memory_space<semaphore_mem>>) src(%arg7 : memref<128xf32, #tpu.memory_space<vmem>>) dst(%dma_wait3A_196 : memref<10000xf32, #tpu.memory_space<vmem_shared>>)
      %dma_wait3A_197 = arith.constant 0 : i32
      %dma_wait3A_198 = tpu.memref_slice %arg6[%sub3A_191, %dma_wait3A_197] : memref<80x128xi32, #tpu.memory_space<vmem>> -> memref<1x128xi32, #tpu.memory_space<vmem>>
      %dma_wait3A_199 = tpu.memref_squeeze %dma_wait3A_198 : memref<1x128xi32, #tpu.memory_space<vmem>> -> memref<128xi32, #tpu.memory_space<vmem>>
      %dma_wait3A_200 = arith.constant 0 : i32
      %dma_wait3A_201 = tpu.memref_slice %arg10[%dma_wait3A_200] : memref<10000xf32, #tpu.memory_space<vmem_shared>> -> memref<10000xf32, #tpu.memory_space<vmem_shared>>
      tpu.wait_indirect_dma semaphore(%arg12 : memref<!tpu.dma_semaphore, #tpu.memory_space<semaphore_mem>>) src(%arg7 : memref<128xf32, #tpu.memory_space<vmem>>) dst(%dma_wait3A_201 : memref<10000xf32, #tpu.memory_space<vmem_shared>>)
      %dma_start3A_202 = arith.constant 0 : i32
      %dma_start3A_203 = tpu.memref_slice %arg5[%add3A_189, %dma_start3A_202] : memref<80x128xi32, #tpu.memory_space<vmem>> -> memref<1x128xi32, #tpu.memory_space<vmem>>
      %dma_start3A_204 = tpu.memref_squeeze %dma_start3A_203 : memref<1x128xi32, #tpu.memory_space<vmem>> -> memref<128xi32, #tpu.memory_space<vmem>>
      %dma_start3A_205 = arith.constant 0 : i32
      %dma_start3A_206 = tpu.memref_slice %arg9[%dma_start3A_205] : memref<10000xf32, #tpu.memory_space<vmem_shared>> -> memref<10000xf32, #tpu.memory_space<vmem_shared>>
      tpu.enqueue_indirect_dma source(%arg7 : memref<128xf32, #tpu.memory_space<vmem>>) target(%dma_start3A_206 : memref<10000xf32, #tpu.memory_space<vmem_shared>>) offsets(%dma_start3A_204 : memref<128xi32, #tpu.memory_space<vmem>>) semaphore(%arg12 : memref<!tpu.dma_semaphore, #tpu.memory_space<semaphore_mem>>) {add = true}
      %dma_start3A_207 = arith.constant 0 : i32
      %dma_start3A_208 = tpu.memref_slice %arg6[%add3A_189, %dma_start3A_207] : memref<80x128xi32, #tpu.memory_space<vmem>> -> memref<1x128xi32, #tpu.memory_space<vmem>>
      %dma_start3A_209 = tpu.memref_squeeze %dma_start3A_208 : memref<1x128xi32, #tpu.memory_space<vmem>> -> memref<128xi32, #tpu.memory_space<vmem>>
      %dma_start3A_210 = arith.constant 0 : i32
      %dma_start3A_211 = tpu.memref_slice %arg10[%dma_start3A_210] : memref<10000xf32, #tpu.memory_space<vmem_shared>> -> memref<10000xf32, #tpu.memory_space<vmem_shared>>
      tpu.enqueue_indirect_dma source(%arg7 : memref<128xf32, #tpu.memory_space<vmem>>) target(%dma_start3A_211 : memref<10000xf32, #tpu.memory_space<vmem_shared>>) offsets(%dma_start3A_209 : memref<128xi32, #tpu.memory_space<vmem>>) semaphore(%arg12 : memref<!tpu.dma_semaphore, #tpu.memory_space<semaphore_mem>>) {add = true}
    }
    %while3A_107 = arith.constant 1 : i32
    scf.for %while3A_161 = %while3A_105 to %while3A_101 step %while3A_107  : i32 {
      %mul3A_162 = arith.muli %while3A_161, %while3A : i32
      %add3A_163 = arith.addi %while3A_98, %mul3A_162 : i32
      %add3A_164 = arith.constant 0 : i32
      %add3A_165 = arith.addi %add3A_163, %add3A_164 : i32
      %sub3A_166 = arith.constant 2 : i32
      %sub3A_167 = arith.subi %add3A_165, %sub3A_166 : i32
      %dma_wait3A_168 = arith.constant 0 : i32
      %dma_wait3A_169 = tpu.memref_slice %arg5[%sub3A_167, %dma_wait3A_168] : memref<80x128xi32, #tpu.memory_space<vmem>> -> memref<1x128xi32, #tpu.memory_space<vmem>>
      %dma_wait3A_170 = tpu.memref_squeeze %dma_wait3A_169 : memref<1x128xi32, #tpu.memory_space<vmem>> -> memref<128xi32, #tpu.memory_space<vmem>>
      %dma_wait3A_171 = arith.constant 0 : i32
      %dma_wait3A_172 = tpu.memref_slice %arg9[%dma_wait3A_171] : memref<10000xf32, #tpu.memory_space<vmem_shared>> -> memref<10000xf32, #tpu.memory_space<vmem_shared>>
      tpu.wait_indirect_dma semaphore(%arg11 : memref<!tpu.dma_semaphore, #tpu.memory_space<semaphore_mem>>) src(%arg7 : memref<128xf32, #tpu.memory_space<vmem>>) dst(%dma_wait3A_172 : memref<10000xf32, #tpu.memory_space<vmem_shared>>)
      %dma_wait3A_173 = arith.constant 0 : i32
      %dma_wait3A_174 = tpu.memref_slice %arg6[%sub3A_167, %dma_wait3A_173] : memref<80x128xi32, #tpu.memory_space<vmem>> -> memref<1x128xi32, #tpu.memory_space<vmem>>
      %dma_wait3A_175 = tpu.memref_squeeze %dma_wait3A_174 : memref<1x128xi32, #tpu.memory_space<vmem>> -> memref<128xi32, #tpu.memory_space<vmem>>
      %dma_wait3A_176 = arith.constant 0 : i32
      %dma_wait3A_177 = tpu.memref_slice %arg10[%dma_wait3A_176] : memref<10000xf32, #tpu.memory_space<vmem_shared>> -> memref<10000xf32, #tpu.memory_space<vmem_shared>>
      tpu.wait_indirect_dma semaphore(%arg11 : memref<!tpu.dma_semaphore, #tpu.memory_space<semaphore_mem>>) src(%arg7 : memref<128xf32, #tpu.memory_space<vmem>>) dst(%dma_wait3A_177 : memref<10000xf32, #tpu.memory_space<vmem_shared>>)
      %dma_start3A_178 = arith.constant 0 : i32
      %dma_start3A_179 = tpu.memref_slice %arg5[%add3A_165, %dma_start3A_178] : memref<80x128xi32, #tpu.memory_space<vmem>> -> memref<1x128xi32, #tpu.memory_space<vmem>>
      %dma_start3A_180 = tpu.memref_squeeze %dma_start3A_179 : memref<1x128xi32, #tpu.memory_space<vmem>> -> memref<128xi32, #tpu.memory_space<vmem>>
      %dma_start3A_181 = arith.constant 0 : i32
      %dma_start3A_182 = tpu.memref_slice %arg9[%dma_start3A_181] : memref<10000xf32, #tpu.memory_space<vmem_shared>> -> memref<10000xf32, #tpu.memory_space<vmem_shared>>
      tpu.enqueue_indirect_dma source(%arg7 : memref<128xf32, #tpu.memory_space<vmem>>) target(%dma_start3A_182 : memref<10000xf32, #tpu.memory_space<vmem_shared>>) offsets(%dma_start3A_180 : memref<128xi32, #tpu.memory_space<vmem>>) semaphore(%arg11 : memref<!tpu.dma_semaphore, #tpu.memory_space<semaphore_mem>>) {add = true}
      %dma_start3A_183 = arith.constant 0 : i32
      %dma_start3A_184 = tpu.memref_slice %arg6[%add3A_165, %dma_start3A_183] : memref<80x128xi32, #tpu.memory_space<vmem>> -> memref<1x128xi32, #tpu.memory_space<vmem>>
      %dma_start3A_185 = tpu.memref_squeeze %dma_start3A_184 : memref<1x128xi32, #tpu.memory_space<vmem>> -> memref<128xi32, #tpu.memory_space<vmem>>
      %dma_start3A_186 = arith.constant 0 : i32
      %dma_start3A_187 = tpu.memref_slice %arg10[%dma_start3A_186] : memref<10000xf32, #tpu.memory_space<vmem_shared>> -> memref<10000xf32, #tpu.memory_space<vmem_shared>>
      tpu.enqueue_indirect_dma source(%arg7 : memref<128xf32, #tpu.memory_space<vmem>>) target(%dma_start3A_187 : memref<10000xf32, #tpu.memory_space<vmem_shared>>) offsets(%dma_start3A_185 : memref<128xi32, #tpu.memory_space<vmem>>) semaphore(%arg11 : memref<!tpu.dma_semaphore, #tpu.memory_space<semaphore_mem>>) {add = true}
      %add3A_188 = arith.constant 1 : i32
      %add3A_189 = arith.addi %add3A_163, %add3A_188 : i32
      %sub3A_190 = arith.constant 2 : i32
      %sub3A_191 = arith.subi %add3A_189, %sub3A_190 : i32
      %dma_wait3A_192 = arith.constant 0 : i32
      %dma_wait3A_193 = tpu.memref_slice %arg5[%sub3A_191, %dma_wait3A_192] : memref<80x128xi32, #tpu.memory_space<vmem>> -> memref<1x128xi32, #tpu.memory_space<vmem>>
      %dma_wait3A_194 = tpu.memref_squeeze %dma_wait3A_193 : memref<1x128xi32, #tpu.memory_space<vmem>> -> memref<128xi32, #tpu.memory_space<vmem>>
      %dma_wait3A_195 = arith.constant 0 : i32
      %dma_wait3A_196 = tpu.memref_slice %arg9[%dma_wait3A_195] : memref<10000xf32, #tpu.memory_space<vmem_shared>> -> memref<10000xf32, #tpu.memory_space<vmem_shared>>
      tpu.wait_indirect_dma semaphore(%arg12 : memref<!tpu.dma_semaphore, #tpu.memory_space<semaphore_mem>>) src(%arg7 : memref<128xf32, #tpu.memory_space<vmem>>) dst(%dma_wait3A_196 : memref<10000xf32, #tpu.memory_space<vmem_shared>>)
      %dma_wait3A_197 = arith.constant 0 : i32
      %dma_wait3A_198 = tpu.memref_slice %arg6[%sub3A_191, %dma_wait3A_197] : memref<80x128xi32, #tpu.memory_space<vmem>> -> memref<1x128xi32, #tpu.memory_space<vmem>>
      %dma_wait3A_199 = tpu.memref_squeeze %dma_wait3A_198 : memref<1x128xi32, #tpu.memory_space<vmem>> -> memref<128xi32, #tpu.memory_space<vmem>>
      %dma_wait3A_200 = arith.constant 0 : i32
      %dma_wait3A_201 = tpu.memref_slice %arg10[%dma_wait3A_200] : memref<10000xf32, #tpu.memory_space<vmem_shared>> -> memref<10000xf32, #tpu.memory_space<vmem_shared>>
      tpu.wait_indirect_dma semaphore(%arg12 : memref<!tpu.dma_semaphore, #tpu.memory_space<semaphore_mem>>) src(%arg7 : memref<128xf32, #tpu.memory_space<vmem>>) dst(%dma_wait3A_201 : memref<10000xf32, #tpu.memory_space<vmem_shared>>)
      %dma_start3A_202 = arith.constant 0 : i32
      %dma_start3A_203 = tpu.memref_slice %arg5[%add3A_189, %dma_start3A_202] : memref<80x128xi32, #tpu.memory_space<vmem>> -> memref<1x128xi32, #tpu.memory_space<vmem>>
      %dma_start3A_204 = tpu.memref_squeeze %dma_start3A_203 : memref<1x128xi32, #tpu.memory_space<vmem>> -> memref<128xi32, #tpu.memory_space<vmem>>
      %dma_start3A_205 = arith.constant 0 : i32
      %dma_start3A_206 = tpu.memref_slice %arg9[%dma_start3A_205] : memref<10000xf32, #tpu.memory_space<vmem_shared>> -> memref<10000xf32, #tpu.memory_space<vmem_shared>>
      tpu.enqueue_indirect_dma source(%arg7 : memref<128xf32, #tpu.memory_space<vmem>>) target(%dma_start3A_206 : memref<10000xf32, #tpu.memory_space<vmem_shared>>) offsets(%dma_start3A_204 : memref<128xi32, #tpu.memory_space<vmem>>) semaphore(%arg12 : memref<!tpu.dma_semaphore, #tpu.memory_space<semaphore_mem>>) {add = true}
      %dma_start3A_207 = arith.constant 0 : i32
      %dma_start3A_208 = tpu.memref_slice %arg6[%add3A_189, %dma_start3A_207] : memref<80x128xi32, #tpu.memory_space<vmem>> -> memref<1x128xi32, #tpu.memory_space<vmem>>
      %dma_start3A_209 = tpu.memref_squeeze %dma_start3A_208 : memref<1x128xi32, #tpu.memory_space<vmem>> -> memref<128xi32, #tpu.memory_space<vmem>>
      %dma_start3A_210 = arith.constant 0 : i32
      %dma_start3A_211 = tpu.memref_slice %arg10[%dma_start3A_210] : memref<10000xf32, #tpu.memory_space<vmem_shared>> -> memref<10000xf32, #tpu.memory_space<vmem_shared>>
      tpu.enqueue_indirect_dma source(%arg7 : memref<128xf32, #tpu.memory_space<vmem>>) target(%dma_start3A_211 : memref<10000xf32, #tpu.memory_space<vmem_shared>>) offsets(%dma_start3A_209 : memref<128xi32, #tpu.memory_space<vmem>>) semaphore(%arg12 : memref<!tpu.dma_semaphore, #tpu.memory_space<semaphore_mem>>) {add = true}
    }
    %sub3A_108 = arith.constant 2 : i32
    %sub3A_109 = arith.subi %select_n3A, %sub3A_108 : i32
    %add3A_110 = arith.constant 0 : i32
    %add3A_111 = arith.addi %sub3A_109, %add3A_110 : i32
    %dma_wait3A = arith.constant 0 : i32
    %dma_wait3A_112 = tpu.memref_slice %arg5[%add3A_111, %dma_wait3A] : memref<80x128xi32, #tpu.memory_space<vmem>> -> memref<1x128xi32, #tpu.memory_space<vmem>>
    %dma_wait3A_113 = tpu.memref_squeeze %dma_wait3A_112 : memref<1x128xi32, #tpu.memory_space<vmem>> -> memref<128xi32, #tpu.memory_space<vmem>>
    %dma_wait3A_114 = arith.constant 0 : i32
    %dma_wait3A_115 = tpu.memref_slice %arg9[%dma_wait3A_114] : memref<10000xf32, #tpu.memory_space<vmem_shared>> -> memref<10000xf32, #tpu.memory_space<vmem_shared>>
    tpu.wait_indirect_dma semaphore(%arg11 : memref<!tpu.dma_semaphore, #tpu.memory_space<semaphore_mem>>) src(%arg7 : memref<128xf32, #tpu.memory_space<vmem>>) dst(%dma_wait3A_115 : memref<10000xf32, #tpu.memory_space<vmem_shared>>)
    %dma_wait3A_116 = arith.constant 0 : i32
    %dma_wait3A_117 = tpu.memref_slice %arg6[%add3A_111, %dma_wait3A_116] : memref<80x128xi32, #tpu.memory_space<vmem>> -> memref<1x128xi32, #tpu.memory_space<vmem>>
    %dma_wait3A_118 = tpu.memref_squeeze %dma_wait3A_117 : memref<1x128xi32, #tpu.memory_space<vmem>> -> memref<128xi32, #tpu.memory_space<vmem>>
    %dma_wait3A_119 = arith.constant 0 : i32
    %dma_wait3A_120 = tpu.memref_slice %arg10[%dma_wait3A_119] : memref<10000xf32, #tpu.memory_space<vmem_shared>> -> memref<10000xf32, #tpu.memory_space<vmem_shared>>
    tpu.wait_indirect_dma semaphore(%arg11 : memref<!tpu.dma_semaphore, #tpu.memory_space<semaphore_mem>>) src(%arg7 : memref<128xf32, #tpu.memory_space<vmem>>) dst(%dma_wait3A_120 : memref<10000xf32, #tpu.memory_space<vmem_shared>>)
    %sub3A_121 = arith.constant 2 : i32
    %sub3A_122 = arith.subi %select_n3A, %sub3A_121 : i32
    %add3A_123 = arith.constant 1 : i32
    %add3A_124 = arith.addi %sub3A_122, %add3A_123 : i32
    %dma_wait3A_125 = arith.constant 0 : i32
    %dma_wait3A_126 = tpu.memref_slice %arg5[%add3A_124, %dma_wait3A_125] : memref<80x128xi32, #tpu.memory_space<vmem>> -> memref<1x128xi32, #tpu.memory_space<vmem>>
    %dma_wait3A_127 = tpu.memref_squeeze %dma_wait3A_126 : memref<1x128xi32, #tpu.memory_space<vmem>> -> memref<128xi32, #tpu.memory_space<vmem>>
    %dma_wait3A_128 = arith.constant 0 : i32
    %dma_wait3A_129 = tpu.memref_slice %arg9[%dma_wait3A_128] : memref<10000xf32, #tpu.memory_space<vmem_shared>> -> memref<10000xf32, #tpu.memory_space<vmem_shared>>
    tpu.wait_indirect_dma semaphore(%arg12 : memref<!tpu.dma_semaphore, #tpu.memory_space<semaphore_mem>>) src(%arg7 : memref<128xf32, #tpu.memory_space<vmem>>) dst(%dma_wait3A_129 : memref<10000xf32, #tpu.memory_space<vmem_shared>>)
    %dma_wait3A_130 = arith.constant 0 : i32
    %dma_wait3A_131 = tpu.memref_slice %arg6[%add3A_124, %dma_wait3A_130] : memref<80x128xi32, #tpu.memory_space<vmem>> -> memref<1x128xi32, #tpu.memory_space<vmem>>
    %dma_wait3A_132 = tpu.memref_squeeze %dma_wait3A_131 : memref<1x128xi32, #tpu.memory_space<vmem>> -> memref<128xi32, #tpu.memory_space<vmem>>
    %dma_wait3A_133 = arith.constant 0 : i32
    %dma_wait3A_134 = tpu.memref_slice %arg10[%dma_wait3A_133] : memref<10000xf32, #tpu.memory_space<vmem_shared>> -> memref<10000xf32, #tpu.memory_space<vmem_shared>>
    tpu.wait_indirect_dma semaphore(%arg12 : memref<!tpu.dma_semaphore, #tpu.memory_space<semaphore_mem>>) src(%arg7 : memref<128xf32, #tpu.memory_space<vmem>>) dst(%dma_wait3A_134 : memref<10000xf32, #tpu.memory_space<vmem_shared>>)
    %barrier3A_135 = arith.constant 0 : index
    tpu.barrier barrier_id(%barrier3A_135)
    %mul3A_136 = arith.constant 624 : i32
    %mul3A_137 = arith.muli %arg1, %mul3A_136 : i32
    "tpu.region"() ({
      %run_scoped3A = tpu.sem_alloc : memref<!tpu.dma_semaphore, #tpu.memory_space<semaphore_mem>>
      %dma_start3A_161 = tpu.memref_slice %arg9[%mul3A_137] : memref<10000xf32, #tpu.memory_space<vmem_shared>> -> memref<624xf32, #tpu.memory_space<vmem_shared>>
      %dma_start3A_162 = tpu.memref_slice %arg9[%mul3A_137] : memref<10000xf32, #tpu.memory_space<vmem_shared>> -> memref<624xf32, #tpu.memory_space<vmem_shared>>
      tpu.enqueue_dma source(%dma_start3A_162 : memref<624xf32, #tpu.memory_space<vmem_shared>>) target(%arg8 : memref<624xf32, #tpu.memory_space<vmem>>) target_semaphore(%run_scoped3A : memref<!tpu.dma_semaphore, #tpu.memory_space<semaphore_mem>>)
      %dma_wait3A_163 = tpu.memref_slice %arg9[%mul3A_137] : memref<10000xf32, #tpu.memory_space<vmem_shared>> -> memref<624xf32, #tpu.memory_space<vmem_shared>>
      %dma_wait3A_164 = tpu.memref_slice %arg9[%mul3A_137] : memref<10000xf32, #tpu.memory_space<vmem_shared>> -> memref<624xf32, #tpu.memory_space<vmem_shared>>
      tpu.wait_dma2 semaphore(%run_scoped3A : memref<!tpu.dma_semaphore, #tpu.memory_space<semaphore_mem>>) src(%dma_wait3A_164 : memref<624xf32, #tpu.memory_space<vmem_shared>>) dst(%arg8 : memref<624xf32, #tpu.memory_space<vmem>>)
      tpu.yield
    }) : () -> ()
    %mul3A_138 = arith.constant 2 : i32
    %mul3A_139 = arith.muli %arg0, %mul3A_138 : i32
    %mul3A_140 = arith.constant 10000 : i32
    %mul3A_141 = arith.muli %mul3A_139, %mul3A_140 : i32
    %mul3A_142 = arith.constant 624 : i32
    %mul3A_143 = arith.muli %arg1, %mul3A_142 : i32
    %add3A_144 = arith.addi %mul3A_141, %mul3A_143 : i32
    "tpu.region"() ({
      %run_scoped3A = tpu.sem_alloc : memref<!tpu.dma_semaphore, #tpu.memory_space<semaphore_mem>>
      %dma_start3A_161 = tpu.memref_slice %arg4[%add3A_144] : memref<40000xf32, #tpu.memory_space<hbm>> -> memref<624xf32, #tpu.memory_space<hbm>>
      %dma_start3A_162 = tpu.memref_slice %arg4[%add3A_144] : memref<40000xf32, #tpu.memory_space<hbm>> -> memref<624xf32, #tpu.memory_space<hbm>>
      tpu.enqueue_dma source(%arg8 : memref<624xf32, #tpu.memory_space<vmem>>) target(%dma_start3A_162 : memref<624xf32, #tpu.memory_space<hbm>>) target_semaphore(%run_scoped3A : memref<!tpu.dma_semaphore, #tpu.memory_space<semaphore_mem>>)
      %dma_wait3A_163 = tpu.memref_slice %arg4[%add3A_144] : memref<40000xf32, #tpu.memory_space<hbm>> -> memref<624xf32, #tpu.memory_space<hbm>>
      %dma_wait3A_164 = tpu.memref_slice %arg4[%add3A_144] : memref<40000xf32, #tpu.memory_space<hbm>> -> memref<624xf32, #tpu.memory_space<hbm>>
      tpu.wait_dma2 semaphore(%run_scoped3A : memref<!tpu.dma_semaphore, #tpu.memory_space<semaphore_mem>>) src(%arg8 : memref<624xf32, #tpu.memory_space<vmem>>) dst(%dma_wait3A_164 : memref<624xf32, #tpu.memory_space<hbm>>)
      tpu.yield
    }) : () -> ()
    %mul3A_145 = arith.constant 624 : i32
    %mul3A_146 = arith.muli %arg1, %mul3A_145 : i32
    "tpu.region"() ({
      %run_scoped3A = tpu.sem_alloc : memref<!tpu.dma_semaphore, #tpu.memory_space<semaphore_mem>>
      %dma_start3A_161 = tpu.memref_slice %arg10[%mul3A_146] : memref<10000xf32, #tpu.memory_space<vmem_shared>> -> memref<624xf32, #tpu.memory_space<vmem_shared>>
      %dma_start3A_162 = tpu.memref_slice %arg10[%mul3A_146] : memref<10000xf32, #tpu.memory_space<vmem_shared>> -> memref<624xf32, #tpu.memory_space<vmem_shared>>
      tpu.enqueue_dma source(%dma_start3A_162 : memref<624xf32, #tpu.memory_space<vmem_shared>>) target(%arg8 : memref<624xf32, #tpu.memory_space<vmem>>) target_semaphore(%run_scoped3A : memref<!tpu.dma_semaphore, #tpu.memory_space<semaphore_mem>>)
      %dma_wait3A_163 = tpu.memref_slice %arg10[%mul3A_146] : memref<10000xf32, #tpu.memory_space<vmem_shared>> -> memref<624xf32, #tpu.memory_space<vmem_shared>>
      %dma_wait3A_164 = tpu.memref_slice %arg10[%mul3A_146] : memref<10000xf32, #tpu.memory_space<vmem_shared>> -> memref<624xf32, #tpu.memory_space<vmem_shared>>
      tpu.wait_dma2 semaphore(%run_scoped3A : memref<!tpu.dma_semaphore, #tpu.memory_space<semaphore_mem>>) src(%dma_wait3A_164 : memref<624xf32, #tpu.memory_space<vmem_shared>>) dst(%arg8 : memref<624xf32, #tpu.memory_space<vmem>>)
      tpu.yield
    }) : () -> ()
    %mul3A_147 = arith.constant 2 : i32
    %mul3A_148 = arith.muli %arg0, %mul3A_147 : i32
    %mul3A_149 = arith.constant 10000 : i32
    %mul3A_150 = arith.muli %mul3A_148, %mul3A_149 : i32
    %add3A_151 = arith.constant 10000 : i32
    %add3A_152 = arith.addi %mul3A_150, %add3A_151 : i32
    %mul3A_153 = arith.constant 624 : i32
    %mul3A_154 = arith.muli %arg1, %mul3A_153 : i32
    %add3A_155 = arith.addi %add3A_152, %mul3A_154 : i32
    "tpu.region"() ({
      %run_scoped3A = tpu.sem_alloc : memref<!tpu.dma_semaphore, #tpu.memory_space<semaphore_mem>>
      %dma_start3A_161 = tpu.memref_slice %arg4[%add3A_155] : memref<40000xf32, #tpu.memory_space<hbm>> -> memref<624xf32, #tpu.memory_space<hbm>>
      %dma_start3A_162 = tpu.memref_slice %arg4[%add3A_155] : memref<40000xf32, #tpu.memory_space<hbm>> -> memref<624xf32, #tpu.memory_space<hbm>>
      tpu.enqueue_dma source(%arg8 : memref<624xf32, #tpu.memory_space<vmem>>) target(%dma_start3A_162 : memref<624xf32, #tpu.memory_space<hbm>>) target_semaphore(%run_scoped3A : memref<!tpu.dma_semaphore, #tpu.memory_space<semaphore_mem>>)
      %dma_wait3A_163 = tpu.memref_slice %arg4[%add3A_155] : memref<40000xf32, #tpu.memory_space<hbm>> -> memref<624xf32, #tpu.memory_space<hbm>>
      %dma_wait3A_164 = tpu.memref_slice %arg4[%add3A_155] : memref<40000xf32, #tpu.memory_space<hbm>> -> memref<624xf32, #tpu.memory_space<hbm>>
      tpu.wait_dma2 semaphore(%run_scoped3A : memref<!tpu.dma_semaphore, #tpu.memory_space<semaphore_mem>>) src(%arg8 : memref<624xf32, #tpu.memory_space<vmem>>) dst(%dma_wait3A_164 : memref<624xf32, #tpu.memory_space<hbm>>)
      tpu.yield
    }) : () -> ()
    %eq3A_156 = arith.constant 0 : i32
    %eq3A_157 = arith.cmpi eq, %arg1, %eq3A_156 : i32
    %convert_element_type3A_158 = arith.extui %eq3A_157 : i1 to i32
    %cond3A_159 = arith.constant 0 : i32
    %cond3A_160 = arith.cmpi ne, %convert_element_type3A_158, %cond3A_159 : i32
    scf.if %cond3A_160 {
      "tpu.region"() ({
        %run_scoped3A = tpu.sem_alloc : memref<!tpu.dma_semaphore, #tpu.memory_space<semaphore_mem>>
        %dma_start3A_175 = arith.constant 0 : i32
        %dma_start3A_176 = tpu.memref_slice %arg8[%dma_start3A_175] : memref<624xf32, #tpu.memory_space<vmem>> -> memref<16xf32, #tpu.memory_space<vmem>>
        %dma_start3A_177 = arith.constant 9984 : i32
        %dma_start3A_178 = tpu.memref_slice %arg9[%dma_start3A_177] : memref<10000xf32, #tpu.memory_space<vmem_shared>> -> memref<16xf32, #tpu.memory_space<vmem_shared>>
        %dma_start3A_179 = arith.constant 0 : i32
        %dma_start3A_180 = tpu.memref_slice %arg8[%dma_start3A_179] : memref<624xf32, #tpu.memory_space<vmem>> -> memref<16xf32, #tpu.memory_space<vmem>>
        %dma_start3A_181 = arith.constant 9984 : i32
        %dma_start3A_182 = tpu.memref_slice %arg9[%dma_start3A_181] : memref<10000xf32, #tpu.memory_space<vmem_shared>> -> memref<16xf32, #tpu.memory_space<vmem_shared>>
        tpu.enqueue_dma source(%dma_start3A_182 : memref<16xf32, #tpu.memory_space<vmem_shared>>) target(%dma_start3A_180 : memref<16xf32, #tpu.memory_space<vmem>>) target_semaphore(%run_scoped3A : memref<!tpu.dma_semaphore, #tpu.memory_space<semaphore_mem>>)
        %dma_wait3A_183 = arith.constant 0 : i32
        %dma_wait3A_184 = tpu.memref_slice %arg8[%dma_wait3A_183] : memref<624xf32, #tpu.memory_space<vmem>> -> memref<16xf32, #tpu.memory_space<vmem>>
        %dma_wait3A_185 = arith.constant 9984 : i32
        %dma_wait3A_186 = tpu.memref_slice %arg9[%dma_wait3A_185] : memref<10000xf32, #tpu.memory_space<vmem_shared>> -> memref<16xf32, #tpu.memory_space<vmem_shared>>
        %dma_wait3A_187 = arith.constant 0 : i32
        %dma_wait3A_188 = tpu.memref_slice %arg8[%dma_wait3A_187] : memref<624xf32, #tpu.memory_space<vmem>> -> memref<16xf32, #tpu.memory_space<vmem>>
        %dma_wait3A_189 = arith.constant 9984 : i32
        %dma_wait3A_190 = tpu.memref_slice %arg9[%dma_wait3A_189] : memref<10000xf32, #tpu.memory_space<vmem_shared>> -> memref<16xf32, #tpu.memory_space<vmem_shared>>
        tpu.wait_dma2 semaphore(%run_scoped3A : memref<!tpu.dma_semaphore, #tpu.memory_space<semaphore_mem>>) src(%dma_wait3A_190 : memref<16xf32, #tpu.memory_space<vmem_shared>>) dst(%dma_wait3A_188 : memref<16xf32, #tpu.memory_space<vmem>>)
        tpu.yield
      }) : () -> ()
      %mul3A_161 = arith.constant 2 : i32
      %mul3A_162 = arith.muli %arg0, %mul3A_161 : i32
      %mul3A_163 = arith.constant 10000 : i32
      %mul3A_164 = arith.muli %mul3A_162, %mul3A_163 : i32
      %add3A_165 = arith.constant 9984 : i32
      %add3A_166 = arith.addi %mul3A_164, %add3A_165 : i32
      "tpu.region"() ({
        %run_scoped3A = tpu.sem_alloc : memref<!tpu.dma_semaphore, #tpu.memory_space<semaphore_mem>>
        %dma_start3A_175 = arith.constant 0 : i32
        %dma_start3A_176 = tpu.memref_slice %arg8[%dma_start3A_175] : memref<624xf32, #tpu.memory_space<vmem>> -> memref<16xf32, #tpu.memory_space<vmem>>
        %dma_start3A_177 = tpu.memref_slice %arg4[%add3A_166] : memref<40000xf32, #tpu.memory_space<hbm>> -> memref<16xf32, #tpu.memory_space<hbm>>
        %dma_start3A_178 = tpu.memref_slice %arg4[%add3A_166] : memref<40000xf32, #tpu.memory_space<hbm>> -> memref<16xf32, #tpu.memory_space<hbm>>
        %dma_start3A_179 = arith.constant 0 : i32
        %dma_start3A_180 = tpu.memref_slice %arg8[%dma_start3A_179] : memref<624xf32, #tpu.memory_space<vmem>> -> memref<16xf32, #tpu.memory_space<vmem>>
        tpu.enqueue_dma source(%dma_start3A_180 : memref<16xf32, #tpu.memory_space<vmem>>) target(%dma_start3A_178 : memref<16xf32, #tpu.memory_space<hbm>>) target_semaphore(%run_scoped3A : memref<!tpu.dma_semaphore, #tpu.memory_space<semaphore_mem>>)
        %dma_wait3A_181 = arith.constant 0 : i32
        %dma_wait3A_182 = tpu.memref_slice %arg8[%dma_wait3A_181] : memref<624xf32, #tpu.memory_space<vmem>> -> memref<16xf32, #tpu.memory_space<vmem>>
        %dma_wait3A_183 = tpu.memref_slice %arg4[%add3A_166] : memref<40000xf32, #tpu.memory_space<hbm>> -> memref<16xf32, #tpu.memory_space<hbm>>
        %dma_wait3A_184 = tpu.memref_slice %arg4[%add3A_166] : memref<40000xf32, #tpu.memory_space<hbm>> -> memref<16xf32, #tpu.memory_space<hbm>>
        %dma_wait3A_185 = arith.constant 0 : i32
        %dma_wait3A_186 = tpu.memref_slice %arg8[%dma_wait3A_185] : memref<624xf32, #tpu.memory_space<vmem>> -> memref<16xf32, #tpu.memory_space<vmem>>
        tpu.wait_dma2 semaphore(%run_scoped3A : memref<!tpu.dma_semaphore, #tpu.memory_space<semaphore_mem>>) src(%dma_wait3A_186 : memref<16xf32, #tpu.memory_space<vmem>>) dst(%dma_wait3A_184 : memref<16xf32, #tpu.memory_space<hbm>>)
        tpu.yield
      }) : () -> ()
      "tpu.region"() ({
        %run_scoped3A = tpu.sem_alloc : memref<!tpu.dma_semaphore, #tpu.memory_space<semaphore_mem>>
        %dma_start3A_175 = arith.constant 0 : i32
        %dma_start3A_176 = tpu.memref_slice %arg8[%dma_start3A_175] : memref<624xf32, #tpu.memory_space<vmem>> -> memref<16xf32, #tpu.memory_space<vmem>>
        %dma_start3A_177 = arith.constant 9984 : i32
        %dma_start3A_178 = tpu.memref_slice %arg10[%dma_start3A_177] : memref<10000xf32, #tpu.memory_space<vmem_shared>> -> memref<16xf32, #tpu.memory_space<vmem_shared>>
        %dma_start3A_179 = arith.constant 0 : i32
        %dma_start3A_180 = tpu.memref_slice %arg8[%dma_start3A_179] : memref<624xf32, #tpu.memory_space<vmem>> -> memref<16xf32, #tpu.memory_space<vmem>>
        %dma_start3A_181 = arith.constant 9984 : i32
        %dma_start3A_182 = tpu.memref_slice %arg10[%dma_start3A_181] : memref<10000xf32, #tpu.memory_space<vmem_shared>> -> memref<16xf32, #tpu.memory_space<vmem_shared>>
        tpu.enqueue_dma source(%dma_start3A_182 : memref<16xf32, #tpu.memory_space<vmem_shared>>) target(%dma_start3A_180 : memref<16xf32, #tpu.memory_space<vmem>>) target_semaphore(%run_scoped3A : memref<!tpu.dma_semaphore, #tpu.memory_space<semaphore_mem>>)
        %dma_wait3A_183 = arith.constant 0 : i32
        %dma_wait3A_184 = tpu.memref_slice %arg8[%dma_wait3A_183] : memref<624xf32, #tpu.memory_space<vmem>> -> memref<16xf32, #tpu.memory_space<vmem>>
        %dma_wait3A_185 = arith.constant 9984 : i32
        %dma_wait3A_186 = tpu.memref_slice %arg10[%dma_wait3A_185] : memref<10000xf32, #tpu.memory_space<vmem_shared>> -> memref<16xf32, #tpu.memory_space<vmem_shared>>
        %dma_wait3A_187 = arith.constant 0 : i32
        %dma_wait3A_188 = tpu.memref_slice %arg8[%dma_wait3A_187] : memref<624xf32, #tpu.memory_space<vmem>> -> memref<16xf32, #tpu.memory_space<vmem>>
        %dma_wait3A_189 = arith.constant 9984 : i32
        %dma_wait3A_190 = tpu.memref_slice %arg10[%dma_wait3A_189] : memref<10000xf32, #tpu.memory_space<vmem_shared>> -> memref<16xf32, #tpu.memory_space<vmem_shared>>
        tpu.wait_dma2 semaphore(%run_scoped3A : memref<!tpu.dma_semaphore, #tpu.memory_space<semaphore_mem>>) src(%dma_wait3A_190 : memref<16xf32, #tpu.memory_space<vmem_shared>>) dst(%dma_wait3A_188 : memref<16xf32, #tpu.memory_space<vmem>>)
        tpu.yield
      }) : () -> ()
      %mul3A_167 = arith.constant 2 : i32
      %mul3A_168 = arith.muli %arg0, %mul3A_167 : i32
      %mul3A_169 = arith.constant 10000 : i32
      %mul3A_170 = arith.muli %mul3A_168, %mul3A_169 : i32
      %add3A_171 = arith.constant 10000 : i32
      %add3A_172 = arith.addi %mul3A_170, %add3A_171 : i32
      %add3A_173 = arith.constant 9984 : i32
      %add3A_174 = arith.addi %add3A_172, %add3A_173 : i32
      "tpu.region"() ({
        %run_scoped3A = tpu.sem_alloc : memref<!tpu.dma_semaphore, #tpu.memory_space<semaphore_mem>>
        %dma_start3A_175 = arith.constant 0 : i32
        %dma_start3A_176 = tpu.memref_slice %arg8[%dma_start3A_175] : memref<624xf32, #tpu.memory_space<vmem>> -> memref<16xf32, #tpu.memory_space<vmem>>
        %dma_start3A_177 = tpu.memref_slice %arg4[%add3A_174] : memref<40000xf32, #tpu.memory_space<hbm>> -> memref<16xf32, #tpu.memory_space<hbm>>
        %dma_start3A_178 = tpu.memref_slice %arg4[%add3A_174] : memref<40000xf32, #tpu.memory_space<hbm>> -> memref<16xf32, #tpu.memory_space<hbm>>
        %dma_start3A_179 = arith.constant 0 : i32
        %dma_start3A_180 = tpu.memref_slice %arg8[%dma_start3A_179] : memref<624xf32, #tpu.memory_space<vmem>> -> memref<16xf32, #tpu.memory_space<vmem>>
        tpu.enqueue_dma source(%dma_start3A_180 : memref<16xf32, #tpu.memory_space<vmem>>) target(%dma_start3A_178 : memref<16xf32, #tpu.memory_space<hbm>>) target_semaphore(%run_scoped3A : memref<!tpu.dma_semaphore, #tpu.memory_space<semaphore_mem>>)
        %dma_wait3A_181 = arith.constant 0 : i32
        %dma_wait3A_182 = tpu.memref_slice %arg8[%dma_wait3A_181] : memref<624xf32, #tpu.memory_space<vmem>> -> memref<16xf32, #tpu.memory_space<vmem>>
        %dma_wait3A_183 = tpu.memref_slice %arg4[%add3A_174] : memref<40000xf32, #tpu.memory_space<hbm>> -> memref<16xf32, #tpu.memory_space<hbm>>
        %dma_wait3A_184 = tpu.memref_slice %arg4[%add3A_174] : memref<40000xf32, #tpu.memory_space<hbm>> -> memref<16xf32, #tpu.memory_space<hbm>>
        %dma_wait3A_185 = arith.constant 0 : i32
        %dma_wait3A_186 = tpu.memref_slice %arg8[%dma_wait3A_185] : memref<624xf32, #tpu.memory_space<vmem>> -> memref<16xf32, #tpu.memory_space<vmem>>
        tpu.wait_dma2 semaphore(%run_scoped3A : memref<!tpu.dma_semaphore, #tpu.memory_space<semaphore_mem>>) src(%dma_wait3A_186 : memref<16xf32, #tpu.memory_space<vmem>>) dst(%dma_wait3A_184 : memref<16xf32, #tpu.memory_space<hbm>>)
        tpu.yield
      }) : () -> ()
    } else {
    }
    return
  }
}

module attributes {stable_mosaic.version = 14 : i64} {
  func.func @_mid_body(%arg0: memref<2x10000x128xf32, #tpu.memory_space<vmem>>, %arg1: memref<128x128xf32, #tpu.memory_space<vmem>>, %arg2: memref<128xf32, #tpu.memory_space<vmem>>, %arg3: memref<10000xf32, #tpu.memory_space<vmem>>, %arg4: memref<10000xf32, #tpu.memory_space<vmem>>, %arg5: memref<10000x128xf32, #tpu.memory_space<vmem>>) attributes {dimension_semantics = [], scalar_prefetch = 0 : i64, scratch_operands = 0 : i64, tpu.core_type = #tpu.core_type<tc>} {
    %get3A = arith.constant 0 : index
    %get3A_0 = arith.constant 0 : index
    %get3A_1 = arith.constant 0 : index
    %get3A_2 = vector.load %arg0[%get3A, %get3A_0, %get3A_1] : memref<2x10000x128xf32, #tpu.memory_space<vmem>>, vector<1x10000x128xf32>
    %get3A_3 = vector.shape_cast %get3A_2 : vector<1x10000x128xf32> to vector<10000x128xf32>
    %get3A_4 = arith.constant 1 : index
    %get3A_5 = arith.constant 0 : index
    %get3A_6 = arith.constant 0 : index
    %get3A_7 = vector.load %arg0[%get3A_4, %get3A_5, %get3A_6] : memref<2x10000x128xf32, #tpu.memory_space<vmem>>, vector<1x10000x128xf32>
    %get3A_8 = vector.shape_cast %get3A_7 : vector<1x10000x128xf32> to vector<10000x128xf32>
    %add3A = arith.addf %get3A_3, %get3A_8 : vector<10000x128xf32>
    %get3A_9 = arith.constant 0 : index
    %get3A_10 = vector.load %arg4[%get3A_9] : memref<10000xf32, #tpu.memory_space<vmem>>, vector<10000xf32>
    %broadcast_in_dim3A = vector.shape_cast %get3A_10 : vector<10000xf32> to vector<10000x1xf32>
    %mul3A = vector.broadcast %broadcast_in_dim3A : vector<10000x1xf32> to vector<10000x128xf32>
    %mul3A_11 = arith.mulf %add3A, %mul3A : vector<10000x128xf32>
    %get3A_12 = arith.constant 0 : index
    %get3A_13 = vector.load %arg2[%get3A_12] : memref<128xf32, #tpu.memory_space<vmem>>, vector<128xf32>
    %broadcast_in_dim3A_14 = vector.shape_cast %get3A_13 : vector<128xf32> to vector<1x128xf32>
    %add3A_15 = vector.broadcast %broadcast_in_dim3A_14 : vector<1x128xf32> to vector<10000x128xf32>
    %add3A_16 = arith.addf %mul3A_11, %add3A_15 : vector<10000x128xf32>
    %max3A = arith.constant 0.000000e+00 : f32
    %max3A_17 = vector.broadcast %max3A : f32 to vector<10000x128xf32>
    %max3A_18 = arith.maximumf %add3A_16, %max3A_17 : vector<10000x128xf32>
    %get3A_19 = arith.constant 0 : index
    %get3A_20 = arith.constant 0 : index
    %get3A_21 = vector.load %arg1[%get3A_19, %get3A_20] : memref<128x128xf32, #tpu.memory_space<vmem>>, vector<128x128xf32>
    %dot_general3A = arith.constant dense<0.000000e+00> : vector<10000x128xf32>
    %dot_general3A_22 = tpu.matmul %max3A_18, %get3A_21, %dot_general3A {dimension_numbers = #tpu.dot_dimension_numbers<[1], [0], [0], [1], [0, 0, 1, 1], [], []>, transpose_lhs_hint = false} : vector<10000x128xf32>, vector<128x128xf32>, vector<10000x128xf32> -> vector<10000x128xf32>
    %get3A_23 = arith.constant 0 : index
    %get3A_24 = vector.load %arg3[%get3A_23] : memref<10000xf32, #tpu.memory_space<vmem>>, vector<10000xf32>
    %broadcast_in_dim3A_25 = vector.shape_cast %get3A_24 : vector<10000xf32> to vector<10000x1xf32>
    %mul3A_26 = vector.broadcast %broadcast_in_dim3A_25 : vector<10000x1xf32> to vector<10000x128xf32>
    %mul3A_27 = arith.mulf %dot_general3A_22, %mul3A_26 : vector<10000x128xf32>
    %swap3A = arith.constant 0 : index
    %swap3A_28 = arith.constant 0 : index
    %swap3A_29 = vector.load %arg5[%swap3A, %swap3A_28] : memref<10000x128xf32, #tpu.memory_space<vmem>>, vector<10000x128xf32>
    tpu.vector_store %arg5[%swap3A, %swap3A_28], %mul3A_27 {strides = array<i32>} : memref<10000x128xf32, #tpu.memory_space<vmem>>, vector<10000x128xf32>,
    return
  }
}

module attributes {stable_mosaic.version = 14 : i64} {
  func.func @_fin_body(%arg0: memref<2x10000x128xf32, #tpu.memory_space<vmem>>, %arg1: memref<128xf32, #tpu.memory_space<vmem>>, %arg2: memref<10000xf32, #tpu.memory_space<vmem>>, %arg3: memref<10000x128xf32, #tpu.memory_space<vmem>>) attributes {dimension_semantics = [], scalar_prefetch = 0 : i64, scratch_operands = 0 : i64, tpu.core_type = #tpu.core_type<tc>} {
    %get3A = arith.constant 0 : index
    %get3A_0 = arith.constant 0 : index
    %get3A_1 = arith.constant 0 : index
    %get3A_2 = vector.load %arg0[%get3A, %get3A_0, %get3A_1] : memref<2x10000x128xf32, #tpu.memory_space<vmem>>, vector<1x10000x128xf32>
    %get3A_3 = vector.shape_cast %get3A_2 : vector<1x10000x128xf32> to vector<10000x128xf32>
    %get3A_4 = arith.constant 1 : index
    %get3A_5 = arith.constant 0 : index
    %get3A_6 = arith.constant 0 : index
    %get3A_7 = vector.load %arg0[%get3A_4, %get3A_5, %get3A_6] : memref<2x10000x128xf32, #tpu.memory_space<vmem>>, vector<1x10000x128xf32>
    %get3A_8 = vector.shape_cast %get3A_7 : vector<1x10000x128xf32> to vector<10000x128xf32>
    %add3A = arith.addf %get3A_3, %get3A_8 : vector<10000x128xf32>
    %get3A_9 = arith.constant 0 : index
    %get3A_10 = vector.load %arg2[%get3A_9] : memref<10000xf32, #tpu.memory_space<vmem>>, vector<10000xf32>
    %broadcast_in_dim3A = vector.shape_cast %get3A_10 : vector<10000xf32> to vector<10000x1xf32>
    %mul3A = vector.broadcast %broadcast_in_dim3A : vector<10000x1xf32> to vector<10000x128xf32>
    %mul3A_11 = arith.mulf %add3A, %mul3A : vector<10000x128xf32>
    %get3A_12 = arith.constant 0 : index
    %get3A_13 = vector.load %arg1[%get3A_12] : memref<128xf32, #tpu.memory_space<vmem>>, vector<128xf32>
    %broadcast_in_dim3A_14 = vector.shape_cast %get3A_13 : vector<128xf32> to vector<1x128xf32>
    %add3A_15 = vector.broadcast %broadcast_in_dim3A_14 : vector<1x128xf32> to vector<10000x128xf32>
    %add3A_16 = arith.addf %mul3A_11, %add3A_15 : vector<10000x128xf32>
    %swap3A = arith.constant 0 : index
    %swap3A_17 = arith.constant 0 : index
    %swap3A_18 = vector.load %arg3[%swap3A, %swap3A_17] : memref<10000x128xf32, #tpu.memory_space<vmem>>, vector<10000x128xf32>
    tpu.vector_store %arg3[%swap3A, %swap3A_17], %add3A_16 {strides = array<i32>} : memref<10000x128xf32, #tpu.memory_space<vmem>>, vector<10000x128xf32>,
    return
  }
}

module attributes {stable_mosaic.version = 14 : i64} {
  func.func @_head_body(%arg0: memref<2x2x10000xf32, #tpu.memory_space<vmem>>, %arg1: memref<10000x128xf32, #tpu.memory_space<vmem>>, %arg2: memref<128x128xf32, #tpu.memory_space<vmem>>, %arg3: memref<10000x128xf32, #tpu.memory_space<vmem>>, %arg4: memref<10000xf32, #tpu.memory_space<vmem>>, %arg5: memref<10000xf32, #tpu.memory_space<vmem>>) attributes {dimension_semantics = [], scalar_prefetch = 0 : i64, scratch_operands = 0 : i64, tpu.core_type = #tpu.core_type<tc>} {
    %get3A = arith.constant 0 : index
    %get3A_0 = arith.constant 0 : index
    %get3A_1 = arith.constant 0 : index
    %get3A_2 = vector.load %arg0[%get3A, %get3A_0, %get3A_1] : memref<2x2x10000xf32, #tpu.memory_space<vmem>>, vector<1x1x10000xf32>
    %get3A_3 = vector.shape_cast %get3A_2 : vector<1x1x10000xf32> to vector<10000xf32>
    %get3A_4 = arith.constant 1 : index
    %get3A_5 = arith.constant 0 : index
    %get3A_6 = arith.constant 0 : index
    %get3A_7 = vector.load %arg0[%get3A_4, %get3A_5, %get3A_6] : memref<2x2x10000xf32, #tpu.memory_space<vmem>>, vector<1x1x10000xf32>
    %get3A_8 = vector.shape_cast %get3A_7 : vector<1x1x10000xf32> to vector<10000xf32>
    %add3A = arith.addf %get3A_3, %get3A_8 : vector<10000xf32>
    %get3A_9 = arith.constant 0 : index
    %get3A_10 = arith.constant 1 : index
    %get3A_11 = arith.constant 0 : index
    %get3A_12 = vector.load %arg0[%get3A_9, %get3A_10, %get3A_11] : memref<2x2x10000xf32, #tpu.memory_space<vmem>>, vector<1x1x10000xf32>
    %get3A_13 = vector.shape_cast %get3A_12 : vector<1x1x10000xf32> to vector<10000xf32>
    %get3A_14 = arith.constant 1 : index
    %get3A_15 = arith.constant 1 : index
    %get3A_16 = arith.constant 0 : index
    %get3A_17 = vector.load %arg0[%get3A_14, %get3A_15, %get3A_16] : memref<2x2x10000xf32, #tpu.memory_space<vmem>>, vector<1x1x10000xf32>
    %get3A_18 = vector.shape_cast %get3A_17 : vector<1x1x10000xf32> to vector<10000xf32>
    %add3A_19 = arith.addf %get3A_13, %get3A_18 : vector<10000xf32>
    %max3A = arith.constant 1.000000e+00 : f32
    %max3A_20 = vector.broadcast %max3A : f32 to vector<10000xf32>
    %max3A_21 = arith.maximumf %add3A, %max3A_20 : vector<10000xf32>
    %rsqrt3A = math.rsqrt %max3A_21 : vector<10000xf32>
    %max3A_22 = arith.constant 1.000000e+00 : f32
    %max3A_23 = vector.broadcast %max3A_22 : f32 to vector<10000xf32>
    %max3A_24 = arith.maximumf %add3A_19, %max3A_23 : vector<10000xf32>
    %rsqrt3A_25 = math.rsqrt %max3A_24 : vector<10000xf32>
    %swap3A = arith.constant 0 : index
    %swap3A_26 = vector.load %arg4[%swap3A] : memref<10000xf32, #tpu.memory_space<vmem>>, vector<10000xf32>
    tpu.vector_store %arg4[%swap3A], %rsqrt3A {strides = array<i32>} : memref<10000xf32, #tpu.memory_space<vmem>>, vector<10000xf32>,
    %swap3A_27 = arith.constant 0 : index
    %swap3A_28 = vector.load %arg5[%swap3A_27] : memref<10000xf32, #tpu.memory_space<vmem>>, vector<10000xf32>
    tpu.vector_store %arg5[%swap3A_27], %rsqrt3A_25 {strides = array<i32>} : memref<10000xf32, #tpu.memory_space<vmem>>, vector<10000xf32>,
    %get3A_29 = arith.constant 0 : index
    %get3A_30 = arith.constant 0 : index
    %get3A_31 = vector.load %arg1[%get3A_29, %get3A_30] : memref<10000x128xf32, #tpu.memory_space<vmem>>, vector<10000x128xf32>
    %get3A_32 = arith.constant 0 : index
    %get3A_33 = arith.constant 0 : index
    %get3A_34 = vector.load %arg2[%get3A_32, %get3A_33] : memref<128x128xf32, #tpu.memory_space<vmem>>, vector<128x128xf32>
    %dot_general3A = arith.constant dense<0.000000e+00> : vector<10000x128xf32>
    %dot_general3A_35 = tpu.matmul %get3A_31, %get3A_34, %dot_general3A {dimension_numbers = #tpu.dot_dimension_numbers<[1], [0], [0], [1], [0, 0, 1, 1], [], []>, transpose_lhs_hint = false} : vector<10000x128xf32>, vector<128x128xf32>, vector<10000x128xf32> -> vector<10000x128xf32>
    %broadcast_in_dim3A = vector.shape_cast %rsqrt3A : vector<10000xf32> to vector<10000x1xf32>
    %mul3A = vector.broadcast %broadcast_in_dim3A : vector<10000x1xf32> to vector<10000x128xf32>
    %mul3A_36 = arith.mulf %dot_general3A_35, %mul3A : vector<10000x128xf32>
    %swap3A_37 = arith.constant 0 : index
    %swap3A_38 = arith.constant 0 : index
    %swap3A_39 = vector.load %arg3[%swap3A_37, %swap3A_38] : memref<10000x128xf32, #tpu.memory_space<vmem>>, vector<10000x128xf32>
    tpu.vector_store %arg3[%swap3A_37, %swap3A_38], %mul3A_36 {strides = array<i32>} : memref<10000x128xf32, #tpu.memory_space<vmem>>, vector<10000x128xf32>,
    return
  }
}

</mosaic_0001>

<sc_bundles>
// kernel: kernel.11.cloned.1.call-start
scs
__scs_entry_jumppad:
0x0: {  	(pc) =	sbr.rel $0x88, $3  }
0x1: {  	(tag) =	ssettag $0x0;
	lr =	simm.s32 $0x1  }
0x2: {  	[smem:$0x3F9B] =	sst lr;
	_ =	strace $0xD0000000  }
0x3: {  	_ = 	snop  }
0x4: {  	_ = 	snop  }
0x5: {  	_ = 	snop  }
0x6: {  	_ = 	snop  }
0x7: {  	_ = 	snop  }
__scs_overlays_trampoline_lowered:
0x8: {  	[smem:$0x3FAA] =	sst s0  }
0x9: {  	[smem:$0x3FAB] =	sst s1  }
0xa: {  	[smem:$0x3FAC] =	sst s2  }
0xb: {  	[smem:$0x3FAD] =	sst s3  }
0xc: {  	[smem:$0x3FAE] =	sst s4  }
0xd: {  	[smem:$0x3FAF] =	sst s5  }
0xe: {  	[smem:$0x3FB0] =	sst s6  }
0xf: {  	[smem:$0x3FB1] =	sst s7  }
0x10: {  	[smem:$0x3FB2] =	sst s8  }
0x11: {  	[smem:$0x3FB3] =	sst s9;
	s0 =	simm.s32 @!p0 $0x0  }
0x12: {  	s1 =	sld [smem:$0x3F99];
	s0 =	simm.s32 @p0 $0x1  }
0x13: {  	[smem:$0x3FB4] =	sst s0;
	s0 =	simm.s32 @!p1 $0x0  }
0x14: {  	s2 =	sld [smem:$0x3F98];
	s0 =	simm.s32 @p1 $0x1  }
0x15: {  	[smem:$0x3FB5] =	sst s0;
	s0 =	simm.s32 @!p2 $0x0  }
0x16: {  	s3 =	sld [smem:$0x3FDB];
	s0 =	simm.s32 @p2 $0x1  }
0x17: {  	s4 =	simm.s32 $0x1BF5;
	[smem:$0x3FB7] =	sst s0  }
0x18: {  	s0 =	sld [smem:$0x3F9A];
	_ =	swait.ge [sflag:s4], $0x0  }
0x19: {  	s7 =	sld [smem:$0x3F9B]  }
0x1a: {  	s8 =	sadd.s32 $0xFFFFE003, lr  }
0x1b: {  	s9 =	sadd.s32 $0xFFFFFEF7, lr;
	s5 =	simm.s32 $0xFFFFFFFF;
	p2 =	slt.u32 s8, $0xFFFFF086  }
0x1c: {  	p1 =	slt.u32 s9, $0xF7A;
	s5 =	simm.s32 @!p2 $0x0  }
0x1d: {  	s5 =	simm.s32 @p1 $0x1;
	p0 =	seq.s32 s7, s2  }
0x1e: {  	s7 =	smul.u32 @!p0 $0xF7A, s2;
	p2 =	seq.s32 @!p0 s5, $0x0  }
0x1f: {  	s9 =	smul.u32 $0xF7A, s1;
	s8 =	simm.s32 @!p0 $0x1BF5;
	p2 =	por !p2, p0  }
0x20: {  	[sflag:s8] =	ssyncset.s32 @!p0 $0xFFFFF086;
	s6 =	sadd.s32 @!p0 s3, s7;
	s7 =	simm.s32 @!p0 $0x108  }
0x21: {  	s3 =	sadd.s32 s3, s9;
	s6 =	sadd.s32 @!p0 $0x88, s6;
	s7 =	simm.s32 @p2 $0x1082  }
0x22: {  	[simem:s7], [sflag:s8] =	dma.local @!p0 [hbm:s6], $0xF7A  }
0x23: {  	s9 =	sor.u32 $0xD0000000, s2;
	s6 =	simm.s32 $0x108;
	_ =	swait.ge @!p0 [sflag:s8], $0x0  }
0x24: {  	s3 =	sadd.s32 $0x88, s3;
	s6 =	simm.s32 @!p1 $0x1082;
	[sflag:s4] =	ssyncset.s32 $0xFFFFF086  }
0x25: {  	[simem:s6], [sflag:s4] =	dma.local [hbm:s3], $0xF7A  }
0x26: {  	[smem:$0x3F9B] =	sst s1;
	(tag) =	ssettag s2;
	_ =	strace s9  }
0x27: {  	s1 =	sld [smem:$0x3FAB]  }
0x28: {  	s2 =	sld [smem:$0x3FAC]  }
0x29: {  	s4 =	sld [smem:$0x3FAE]  }
0x2a: {  	p0 =	seq.s32 s5, $0x0;
	s5 =	sld [smem:$0x3FAF]  }
0x2b: {  	s6 =	sld [smem:$0x3FB0]  }
0x2c: {  	s7 =	sld [smem:$0x3FB1]  }
0x2d: {  	s3 =	simm.s32 $0x108;
	s8 =	sld [smem:$0x3FB2]  }
0x2e: {  	s3 =	simm.s32 @!p0 $0x1082;
	s9 =	sld [smem:$0x3FB3]  }
0x2f: {  	lr =	sadd.s32 s0, s3;
	s0 =	sld [smem:$0x3FAA]  }
0x30: {  	s3 =	sld [smem:$0x3FAD]  }
0x31: {  	[smem:$0x3FB6] =	sst s10  }
0x32: {  	s10 =	sld [smem:$0x3FB4];
	_ =	sdelay $0x3  }
0x33: {  	p0 =	seq.s32 s10, $0x1;
	s10 =	sld [smem:$0x3FB6];
	_ =	sdelay $0x3  }
0x34: {  	[smem:$0x3FB6] =	sst s10  }
0x35: {  	s10 =	sld [smem:$0x3FB5];
	_ =	sdelay $0x3  }
0x36: {  	p1 =	seq.s32 s10, $0x1;
	s10 =	sld [smem:$0x3FB6];
	_ =	sdelay $0x3  }
0x37: {  	[smem:$0x3FB6] =	sst s10  }
0x38: {  	s10 =	sld [smem:$0x3FB7]  }
0x39: {  	_ = 	snop;
	(pc) =	sbr.ind lr, $3  }
0x3a: {  	_ = 	snop  }
0x3b: {  	_ = 	snop  }
0x3c: {  	p2 =	seq.s32 s10, $0x1;
	s10 =	sld [smem:$0x3FB6]  }
0x3d: {  	_ =	shalt  }
0x3e: {  	_ =	shalt  }
0x3f: {  	_ =	shalt  }
0x40: {  	_ =	shalt  }
0x41: {  	_ =	shalt  }
0x42: {  	_ =	shalt  }
0x43: {  	_ =	shalt  }
0x44: {  	_ =	shalt  }
0x45: {  	_ =	shalt  }
0x46: {  	_ =	shalt  }
0x47: {  	_ =	shalt  }
0x48: {  	_ =	shalt  }
0x49: {  	_ =	shalt  }
0x4a: {  	_ =	shalt  }
0x4b: {  	_ =	shalt  }
0x4c: {  	_ =	shalt  }
0x4d: {  	_ =	shalt  }
0x4e: {  	_ =	shalt  }
0x4f: {  	_ =	shalt  }
0x50: {  	_ =	shalt  }
0x51: {  	_ =	shalt  }
0x52: {  	_ =	shalt  }
0x53: {  	_ =	shalt  }
0x54: {  	_ =	shalt  }
0x55: {  	_ =	shalt  }
0x56: {  	_ =	shalt  }
0x57: {  	_ =	shalt  }
0x58: {  	_ =	shalt  }
0x59: {  	_ =	shalt  }
0x5a: {  	_ =	shalt  }
0x5b: {  	_ =	shalt  }
0x5c: {  	_ =	shalt  }
0x5d: {  	_ =	shalt  }
0x5e: {  	_ =	shalt  }
0x5f: {  	_ =	shalt  }
0x60: {  	_ =	shalt  }
0x61: {  	_ =	shalt  }
0x62: {  	_ =	shalt  }
0x63: {  	_ =	shalt  }
0x64: {  	_ =	shalt  }
0x65: {  	_ =	shalt  }
0x66: {  	_ =	shalt  }
0x67: {  	_ =	shalt  }
0x68: {  	_ =	shalt  }
0x69: {  	_ =	shalt  }
0x6a: {  	_ =	shalt  }
0x6b: {  	_ =	shalt  }
0x6c: {  	_ =	shalt  }
0x6d: {  	_ =	shalt  }
0x6e: {  	_ =	shalt  }
0x6f: {  	_ =	shalt  }
0x70: {  	_ =	shalt  }
0x71: {  	_ =	shalt  }
0x72: {  	_ =	shalt  }
0x73: {  	_ =	shalt  }
0x74: {  	_ =	shalt  }
0x75: {  	_ =	shalt  }
0x76: {  	_ =	shalt  }
0x77: {  	_ =	shalt  }
0x78: {  	_ =	shalt  }
0x79: {  	_ =	shalt  }
0x7a: {  	_ =	shalt  }
0x7b: {  	_ =	shalt  }
0x7c: {  	_ =	shalt  }
0x7d: {  	_ =	shalt  }
0x7e: {  	_ =	shalt  }
0x7f: {  	_ =	shalt  }
0x80: {  	_ =	shalt  }
0x81: {  	_ =	shalt  }
0x82: {  	_ =	shalt  }
0x83: {  	_ =	shalt  }
0x84: {  	_ =	shalt  }
0x85: {  	_ =	shalt  }
0x86: {  	_ =	shalt  }
0x87: {  	_ =	shalt  }
.Lfunc_end0:
.L_simem_size_0:
called_computation.1_lowered:
.L_overlay_start_0:
0x88: {  	s2 =	sld [smem:$0x3FD9]  }
0x89: {  	s3 =	sld [smem:$0x3FFE];
	_ =	sdelay $0x1  }
0x8a: {  	s1 =	srdreg.scid  }
0x8b: {  	s0 =	sand.u32 $0x1, s1  }
0x8c: {  	s17 =	sshll.u32 s0, $0xA;
	s2 =	sadd.s32 s3, s2  }
0x8d: {  	s2 =	sadd.s32 s2, s17  }
0x8e: {  	[smem:$0x3FC2] =	sst s2  }
0x8f: {  	_ = 	snop  }
0x90: {  	s2 =	sld [smem:$0x3FD0];
	(tm) =	ssettm $0x1  }
0x91: {  	s18 =	sld [smem:$0x3FFB];
	_ =	sdelay $0x3  }
0x92: {  	_ =	strace s18  }
0x93: {  	s3 =	sld [smem:$0x3FFC];
	_ =	sdelay $0x3  }
0x94: {  	_ =	strace s3  }
0x95: {  	s3 =	sld [smem:$0x3FFD];
	_ =	sdelay $0x3  }
0x96: {  	_ =	strace s3  }
0x97: {  	_ =	strace $0x8FFFFFFF  }
0x98: {  	s19 =	sld [smem:$0x3FDB];
	_ =	sdelay $0x1  }
0x99: {  	s4 =	simm.s32 $_scs_section_size  }
0x9a: {  	s5 =	simm.s32 $_size__tile_overlayer_lowered;
	s6 =	simm.s32 $_tile_overlayer_lowered  }
0x9b: {  	s22 =	simm.s32 $0x1BFF;
	s21 =	sshll.u32 s6, $0x1;
	s3 =	sadd.s32 s4, s19  }
0x9c: {  	s7 =	simm.s32 $0x0;
	s20 =	sshll.u32 s5, $0x1;
	s5 =	sadd.s32 s21, s3  }
0x9d: {  	[timem:s7], [sflag:s22] =	dma.local [hbm:s5], s20  }
0x9e: {  	_ =	swait.ge [sflag:s22], s20  }
0x9f: {  	s4 =	ssub.s32 $0x0, s20;
	[sflag:s22] =	ssyncset.done $0x0  }
0xa0: {  	[sflag:s22] =	ssyncadd.s32 s4;
	_ =	sdelay $0x1  }
0xa1: {  	s23 =	simm.s32 $0x1B8B  }
0xa2: {  	_ =	swait.ge [sflag:s23], $0x1  }
0xa3: {  	[sflag:s23] =	ssyncset.done $0x0  }
0xa4: {  	s25 =	simm.s32 $0x1B8E;
	s24 =	sld [smem:$0x3FFE];
	[sflag:s23] =	ssyncadd.s32 $0xFFFFFFFF  }
0xa5: {  	s26 =	simm.s32 $execute0_lowered;
	[smem:$0x3FD2] =	sst s25  }
0xa6: {  	s5 =	sshll.u32 s26, $0x1;
	_ =	strace $0x80000049;
	[dreg:$0x1] =	wrdreg $0xFFFFFFFF  }
0xa7: {  	s28 =	simm.s32 $_size_execute0_lowered;
	s3 =	sadd.s32 s3, s5;
	[dreg:$0x0] =	wrdreg $0x0  }
0xa8: {  	s5 =	sshll.u32 s28, $0x1;
	[dreg:$0x2] =	wrdreg s3  }
0xa9: {  	[dreg:$0x3] =	wrdreg s5  }
0xaa: {  	[dreg:$0x4] =	wrdreg $0xC0  }
0xab: {  	_ =	task [dreg:s7], $0x5FFFF  }
0xac: {  	[dreg:$0x1] =	wrdreg $0xFFFFFFFF  }
0xad: {  	[dreg:$0x0] =	wrdreg $0x60  }
0xae: {  	[dreg:$0x2] =	wrdreg s2  }
0xaf: {  	[dreg:$0x3] =	wrdreg s24  }
0xb0: {  	[dreg:$0x4] =	wrdreg $0xBC000  }
0xb1: {  	[dreg:$0x5] =	wrdreg $0x9  }
0xb2: {  	_ =	task.clear_ibuf [dreg:s7], $0x6FFFF;
	_ =	strace $0x90000049  }
0xb3: {  	s29 =	simm.s32 $0x9;
	_ =	strace $0x8000004B  }
0xb4: {  	_ =	swait.ge [sflag:s29], $0x1  }
0xb5: {  	[sflag:s29] =	ssyncadd.s32 $0xFFFFFFFF  }
0xb6: {  	_ =	strace $0x9000004B  }
0xb7: {  	_ =	sfence  }
0xb8: {  	s30 =	sld [smem:$0x0];
	_ =	sdelay $0x2  }
0xb9: {  	s31 =	sshll.u32 s1, $0xD;
	s1 =	sshrl.u32 s1, $0x2  }
0xba: {  	s3 =	sand.u32 $0x4000, s31;
	s1 =	sadd.s32 s1, s30  }
0xbb: {  	s0 =	sor.u32 s3, s0;
	s1 =	sshll.u32 s1, $0x11  }
0xbc: {  	s0 =	sor.u32 s1, s0  }
0xbd: {  	s0 =	sadd.s32 $0x8F2B, s0  }
0xbe: {  	[sflag:s0] =	ssyncadd.remote.s32 $0x1  }
0xbf: {  	_ =	sfence.sel $0xFFFF  }
0xc0: {  	[dreg:$0x0] =	wrdreg $0xFFFFFFFF;
	(pc) =	sbr.abs _section_cstart, $3  }
0xc1: {  	[dreg:$0x1] =	wrdreg $0xFFFFFFFF  }
0xc2: {  	_ =	task.clear_ibuf [dreg:s7], $0x2FFFF;
	_ =	strace $0x9FFFFFFF  }
0xc3: {  	(tm) =	ssettm $0x7FFFFFFF  }
tec
execute0_lowered:
.L_overlay_start_1:
0x0: {  	(tag) =	ssettag $0x1  }
0x1: {  	s0 =	rddreg [dreg:$0x0]  }
0x2: {  	s1 =	srdreg.scid;
	s13 =	rddreg [dreg:$0x1]  }
0x3: {  	s2 =	rddreg [dreg:$0x2];
	s14 =	stileid.u32  }
0x4: {  	s3 =	simm.s32 $0x0;
	s24 =	simm.s32 $0x80;
	s25 =	simm.s32 $0x7C00  }
0x5: {  	s28 =	simm.s32 $0x3;
	s30 =	simm.s32 $0x2;
	s29 =	simm.s32 $0x0  }
0x6: {  	s1 =	sand.u32 $0x1, s1;
	[smem:$0x7FF] =	sst s3;
	s31 =	smul.u32 $0x4E000, s14  }
0x7: {  	s12 =	sadd.s32 $0xBC00, s13;
	s15 =	smul.u32 $0x13800, s14;
	s19 =	sadd.s32 $0x15A00, s13  }
0x8: {  	s9 =	sadd.s32 $0x138000, s2;
	p0 =	sne.s32 s14, $0x0;
	s4 =	sshll.u32 s1, $0x4  }
0x9: {  	_ =	strace $0x8000004A;
	s5 =	ssub.s32 $0x2, s1;
	s1 =	smul.u32 $0x138800, s1  }
0xa: {  	s23 =	sor.u32 s14, s4;
	s6 =	sshrl.u32 s5, $0x1;
	s4 =	sshrl.u32 s31, $0x2  }
0xb: {  	s16 =	sadd.s32 $0x4000, s15;
	s17 =	sadd.s32 $0x8000, s15;
	s18 =	sadd.s32 $0xC000, s15  }
0xc: {  	s20 =	sadd.s32 $0x10000, s15;
	s11 =	smul.u32 $0x500, s23;
	s21 =	ssub.s32 s5, s6  }
0xd: {  	s4 =	sadd.s32 s4, s2;
	s5 =	sadd.s32 s16, s2;
	s22 =	smul.u32 $0x2800, s23  }
0xe: {  	s6 =	sadd.s32 s17, s2;
	s7 =	sadd.s32 s18, s2;
	s8 =	sadd.s32 s20, s2  }
0xf: {  	s15 =	sadd.s32 s15, s1;
	s16 =	sadd.s32 s1, s16;
	s17 =	sadd.s32 s1, s17  }
0x10: {  	s18 =	sadd.s32 s1, s18;
	s20 =	sadd.s32 s1, s20;
	s1 =	sshrl.u32 s1, $0x3  }
0x11: {  	p1 =	seq.s32 s23, $0x1F;
	s23 =	simm.s32 $0x1;
	s15 =	sshrl.u32 s15, $0x3  }
0x12: {  	s16 =	sshrl.u32 s16, $0x3;
	s17 =	sshrl.u32 s17, $0x3;
	s18 =	sshrl.u32 s18, $0x3  }
0x13: {  	s20 =	sshrl.u32 s20, $0x3;
	s1 =	sadd.s32 s19, s1;
	s21 =	smax.u32 s21, $0x1  }
0x14: {  	s10 =	sadd.s32 s11, s13;
	s22 =	sshrl.u32 s22, $0x3;
	s11 =	sadd.s32 s12, s11  }
.Ltmp0:
0x15: {  	s15 =	sadd.s32 s19, s15;
	s16 =	sadd.s32 s19, s16;
	(pc) =	sbr.rel .LBB2_1-.Ltmp0, $4  }
0x16: {  	s17 =	sadd.s32 s19, s17;
	s18 =	sadd.s32 s19, s18;
	s19 =	sadd.s32 s19, s20  }
0x17: {  	s20 =	sadd.s32 $0x27000, s1;
	s1 =	simm.s32 $0x4;
	s22 =	sadd.s32 s12, s22  }
0x18: {  	s10 =	sadd.s32 $0x1E00, s10;
	s12 =	sadd.s32 $0xB900, s13;
	s22 =	sadd.s32 $0x280, s22  }
0x19: {  	v0 =	vimm.f32 $0.0e+00;
	s13 =	sadd.s32 $0x15700, s13;
	[dreg:$0x4] =	wrdreg s22;
	s22 =	simm.s32 $0x3C00  }
.LBB2_9:
0x1a: {  	_ =	swait.ge [sflag:s28], $0x4000  }
0x1b: {  	[sflag:s28] =	ssyncset.done $0x0  }
0x1c: {  	s14 =	simm.s32 $0x100;
	[sflag:s28] =	ssyncadd.s32 $0xFFFFC000  }
0x1d: {  	[tilespmem:s22], [sflag:$0x1] =	stream.indirect.gather [hbm4b:s0+s24], $0x80, s14, s24, $0xb8;
	[tilespmem:$0x1F480] =	vst v63  }
0x1e: {  	_ =	swait.ge [sflag:s30], $0x4000  }
0x1f: {  	[sflag:s30] =	ssyncset.done $0x0  }
0x20: {  	s31 =	simm.s32 $0x1480;
	[sflag:s30] =	ssyncadd.s32 $0xFFFFC000  }
0x21: {  	[spmem:s2] =	stream.indirect.scatter.add.f32 [tilespmem:s25], [sflag:$0x4], $0x80, s31, s24, $0xb8;
	[tilespmem:$0x1F480] =	vst v63  }
0x22: {  	_ =	swait.ge [sflag:s1], $0x4000  }
0x23: {  	[sflag:s1] =	ssyncset.done $0x0  }
0x24: {  	s26 =	simm.s32 $0x180;
	[sflag:s1] =	ssyncadd.s32 $0xFFFFC000  }
0x25: {  	[tilespmem:s25], [sflag:$0x2] =	stream.indirect.gather [hbm4b:s0+s24], $0x80, s26, s24, $0xb8;
	[tilespmem:$0x1F480] =	vst v63  }
0x26: {  	_ =	swait.ge [sflag:s23], $0x4000  }
0x27: {  	[sflag:s23] =	ssyncset.done $0x0  }
0x28: {  	s31 =	simm.s32 $0x1500;
	[sflag:s23] =	ssyncadd.s32 $0xFFFFC000  }
0x29: {  	[spmem:s2] =	stream.indirect.scatter.add.f32 [tilespmem:s22], [sflag:$0x3], $0x80, s31, s24, $0xb8;
	[tilespmem:$0x1F480] =	vst v63  }
0x2a: {  	_ =	swait.ge [sflag:s28], $0x4000  }
0x2b: {  	[sflag:s28] =	ssyncset.done $0x0  }
0x2c: {  	s26 =	simm.s32 $0x200;
	[sflag:s28] =	ssyncadd.s32 $0xFFFFC000  }
0x2d: {  	[tilespmem:s22], [sflag:$0x1] =	stream.indirect.gather [hbm4b:s0+s24], $0x80, s26, s24, $0xb8;
	[tilespmem:$0x1F480] =	vst v63  }
0x2e: {  	_ =	swait.ge [sflag:s30], $0x4000  }
0x2f: {  	[sflag:s30] =	ssyncset.done $0x0  }
0x30: {  	s31 =	simm.s32 $0x1580;
	[sflag:s30] =	ssyncadd.s32 $0xFFFFC000  }
0x31: {  	[spmem:s2] =	stream.indirect.scatter.add.f32 [tilespmem:s25], [sflag:$0x4], $0x80, s31, s24, $0xb8;
	[tilespmem:$0x1F480] =	vst v63  }
0x32: {  	_ =	swait.ge [sflag:s1], $0x4000  }
0x33: {  	[sflag:s1] =	ssyncset.done $0x0  }
0x34: {  	s26 =	simm.s32 $0x280;
	[sflag:s1] =	ssyncadd.s32 $0xFFFFC000  }
0x35: {  	[tilespmem:s25], [sflag:$0x2] =	stream.indirect.gather [hbm4b:s0+s24], $0x80, s26, s24, $0xb8;
	[tilespmem:$0x1F480] =	vst v63  }
0x36: {  	_ =	swait.ge [sflag:s23], $0x4000  }
0x37: {  	[sflag:s23] =	ssyncset.done $0x0  }
0x38: {  	s31 =	simm.s32 $0x1600;
	[sflag:s23] =	ssyncadd.s32 $0xFFFFC000  }
0x39: {  	[spmem:s2] =	stream.indirect.scatter.add.f32 [tilespmem:s22], [sflag:$0x3], $0x80, s31, s24, $0xb8;
	[tilespmem:$0x1F480] =	vst v63  }
0x3a: {  	_ =	swait.ge [sflag:s28], $0x4000  }
0x3b: {  	[sflag:s28] =	ssyncset.done $0x0  }
0x3c: {  	s26 =	simm.s32 $0x300;
	[sflag:s28] =	ssyncadd.s32 $0xFFFFC000  }
0x3d: {  	[tilespmem:s22], [sflag:$0x1] =	stream.indirect.gather [hbm4b:s0+s24], $0x80, s26, s24, $0xb8;
	[tilespmem:$0x1F480] =	vst v63  }
0x3e: {  	_ =	swait.ge [sflag:s30], $0x4000  }
0x3f: {  	[sflag:s30] =	ssyncset.done $0x0  }
0x40: {  	s31 =	simm.s32 $0x1680;
	[sflag:s30] =	ssyncadd.s32 $0xFFFFC000  }
0x41: {  	[spmem:s2] =	stream.indirect.scatter.add.f32 [tilespmem:s25], [sflag:$0x4], $0x80, s31, s24, $0xb8;
	[tilespmem:$0x1F480] =	vst v63  }
0x42: {  	_ =	swait.ge [sflag:s1], $0x4000  }
0x43: {  	[sflag:s1] =	ssyncset.done $0x0  }
0x44: {  	s26 =	simm.s32 $0x380;
	[sflag:s1] =	ssyncadd.s32 $0xFFFFC000  }
0x45: {  	[tilespmem:s25], [sflag:$0x2] =	stream.indirect.gather [hbm4b:s0+s24], $0x80, s26, s24, $0xb8;
	[tilespmem:$0x1F480] =	vst v63  }
0x46: {  	_ =	swait.ge [sflag:s23], $0x4000  }
0x47: {  	[sflag:s23] =	ssyncset.done $0x0  }
0x48: {  	s31 =	simm.s32 $0x1700;
	[sflag:s23] =	ssyncadd.s32 $0xFFFFC000  }
0x49: {  	[spmem:s2] =	stream.indirect.scatter.add.f32 [tilespmem:s22], [sflag:$0x3], $0x80, s31, s24, $0xb8;
	[tilespmem:$0x1F480] =	vst v63  }
0x4a: {  	_ =	swait.ge [sflag:s28], $0x4000  }
0x4b: {  	[sflag:s28] =	ssyncset.done $0x0  }
0x4c: {  	s26 =	simm.s32 $0x400;
	[sflag:s28] =	ssyncadd.s32 $0xFFFFC000  }
0x4d: {  	[tilespmem:s22], [sflag:$0x1] =	stream.indirect.gather [hbm4b:s0+s24], $0x80, s26, s24, $0xb8;
	[tilespmem:$0x1F480] =	vst v63  }
0x4e: {  	_ =	swait.ge [sflag:s30], $0x4000  }
0x4f: {  	[sflag:s30] =	ssyncset.done $0x0  }
0x50: {  	s31 =	simm.s32 $0x1780;
	[sflag:s30] =	ssyncadd.s32 $0xFFFFC000  }
0x51: {  	[spmem:s2] =	stream.indirect.scatter.add.f32 [tilespmem:s25], [sflag:$0x4], $0x80, s31, s24, $0xb8;
	[tilespmem:$0x1F480] =	vst v63  }
0x52: {  	_ =	swait.ge [sflag:s1], $0x4000  }
0x53: {  	[sflag:s1] =	ssyncset.done $0x0  }
0x54: {  	s26 =	simm.s32 $0x480;
	[sflag:s1] =	ssyncadd.s32 $0xFFFFC000  }
0x55: {  	[tilespmem:s25], [sflag:$0x2] =	stream.indirect.gather [hbm4b:s0+s24], $0x80, s26, s24, $0xb8;
	[tilespmem:$0x1F480] =	vst v63  }
0x56: {  	_ =	swait.ge [sflag:s23], $0x4000  }
0x57: {  	[sflag:s23] =	ssyncset.done $0x0  }
0x58: {  	s31 =	simm.s32 $0x1800;
	[sflag:s23] =	ssyncadd.s32 $0xFFFFC000  }
0x59: {  	[spmem:s2] =	stream.indirect.scatter.add.f32 [tilespmem:s22], [sflag:$0x3], $0x80, s31, s24, $0xb8;
	[tilespmem:$0x1F480] =	vst v63  }
0x5a: {  	_ =	swait.ge [sflag:s28], $0x4000  }
0x5b: {  	[sflag:s28] =	ssyncset.done $0x0  }
0x5c: {  	s26 =	simm.s32 $0x500;
	[sflag:s28] =	ssyncadd.s32 $0xFFFFC000  }
0x5d: {  	[tilespmem:s22], [sflag:$0x1] =	stream.indirect.gather [hbm4b:s0+s24], $0x80, s26, s24, $0xb8;
	[tilespmem:$0x1F480] =	vst v63  }
0x5e: {  	_ =	swait.ge [sflag:s30], $0x4000  }
0x5f: {  	[sflag:s30] =	ssyncset.done $0x0  }
0x60: {  	s31 =	simm.s32 $0x1880;
	[sflag:s30] =	ssyncadd.s32 $0xFFFFC000  }
0x61: {  	[spmem:s2] =	stream.indirect.scatter.add.f32 [tilespmem:s25], [sflag:$0x4], $0x80, s31, s24, $0xb8;
	[tilespmem:$0x1F480] =	vst v63  }
0x62: {  	_ =	swait.ge [sflag:s1], $0x4000  }
0x63: {  	[sflag:s1] =	ssyncset.done $0x0  }
0x64: {  	s26 =	simm.s32 $0x580;
	[sflag:s1] =	ssyncadd.s32 $0xFFFFC000  }
0x65: {  	[tilespmem:s25], [sflag:$0x2] =	stream.indirect.gather [hbm4b:s0+s24], $0x80, s26, s24, $0xb8;
	[tilespmem:$0x1F480] =	vst v63  }
0x66: {  	_ =	swait.ge [sflag:s23], $0x4000  }
0x67: {  	[sflag:s23] =	ssyncset.done $0x0  }
0x68: {  	s31 =	simm.s32 $0x1900;
	[sflag:s23] =	ssyncadd.s32 $0xFFFFC000  }
0x69: {  	[spmem:s2] =	stream.indirect.scatter.add.f32 [tilespmem:s22], [sflag:$0x3], $0x80, s31, s24, $0xb8;
	[tilespmem:$0x1F480] =	vst v63  }
0x6a: {  	_ =	swait.ge [sflag:s28], $0x4000  }
0x6b: {  	[sflag:s28] =	ssyncset.done $0x0  }
0x6c: {  	s26 =	simm.s32 $0x600;
	[sflag:s28] =	ssyncadd.s32 $0xFFFFC000  }
0x6d: {  	[tilespmem:s22], [sflag:$0x1] =	stream.indirect.gather [hbm4b:s0+s24], $0x80, s26, s24, $0xb8;
	[tilespmem:$0x1F480] =	vst v63  }
0x6e: {  	_ =	swait.ge [sflag:s30], $0x4000  }
0x6f: {  	[sflag:s30] =	ssyncset.done $0x0  }
0x70: {  	s31 =	simm.s32 $0x1980;
	[sflag:s30] =	ssyncadd.s32 $0xFFFFC000  }
0x71: {  	[spmem:s2] =	stream.indirect.scatter.add.f32 [tilespmem:s25], [sflag:$0x4], $0x80, s31, s24, $0xb8;
	[tilespmem:$0x1F480] =	vst v63  }
0x72: {  	_ =	swait.ge [sflag:s1], $0x4000  }
0x73: {  	[sflag:s1] =	ssyncset.done $0x0  }
0x74: {  	s26 =	simm.s32 $0x680;
	[sflag:s1] =	ssyncadd.s32 $0xFFFFC000  }
0x75: {  	[tilespmem:s25], [sflag:$0x2] =	stream.indirect.gather [hbm4b:s0+s24], $0x80, s26, s24, $0xb8;
	[tilespmem:$0x1F480] =	vst v63  }
0x76: {  	_ =	swait.ge [sflag:s23], $0x4000  }
0x77: {  	[sflag:s23] =	ssyncset.done $0x0  }
0x78: {  	s31 =	simm.s32 $0x1A00;
	[sflag:s23] =	ssyncadd.s32 $0xFFFFC000  }
0x79: {  	[spmem:s2] =	stream.indirect.scatter.add.f32 [tilespmem:s22], [sflag:$0x3], $0x80, s31, s24, $0xb8;
	[tilespmem:$0x1F480] =	vst v63  }
0x7a: {  	_ =	swait.ge [sflag:s28], $0x4000  }
0x7b: {  	[sflag:s28] =	ssyncset.done $0x0  }
0x7c: {  	s26 =	simm.s32 $0x700;
	[sflag:s28] =	ssyncadd.s32 $0xFFFFC000  }
0x7d: {  	[tilespmem:s22], [sflag:$0x1] =	stream.indirect.gather [hbm4b:s0+s24], $0x80, s26, s24, $0xb8;
	[tilespmem:$0x1F480] =	vst v63  }
0x7e: {  	_ =	swait.ge [sflag:s30], $0x4000  }
0x7f: {  	[sflag:s30] =	ssyncset.done $0x0  }
0x80: {  	s31 =	simm.s32 $0x1A80;
	[sflag:s30] =	ssyncadd.s32 $0xFFFFC000  }
0x81: {  	[spmem:s2] =	stream.indirect.scatter.add.f32 [tilespmem:s25], [sflag:$0x4], $0x80, s31, s24, $0xb8;
	[tilespmem:$0x1F480] =	vst v63  }
0x82: {  	_ =	swait.ge [sflag:s1], $0x4000  }
0x83: {  	[sflag:s1] =	ssyncset.done $0x0  }
0x84: {  	s26 =	simm.s32 $0x780;
	[sflag:s1] =	ssyncadd.s32 $0xFFFFC000  }
0x85: {  	[tilespmem:s25], [sflag:$0x2] =	stream.indirect.gather [hbm4b:s0+s24], $0x80, s26, s24, $0xb8;
	[tilespmem:$0x1F480] =	vst v63  }
0x86: {  	_ =	swait.ge [sflag:s23], $0x4000  }
0x87: {  	[sflag:s23] =	ssyncset.done $0x0  }
0x88: {  	s31 =	simm.s32 $0x1B00;
	[sflag:s23] =	ssyncadd.s32 $0xFFFFC000  }
0x89: {  	[spmem:s2] =	stream.indirect.scatter.add.f32 [tilespmem:s22], [sflag:$0x3], $0x80, s31, s24, $0xb8;
	[tilespmem:$0x1F480] =	vst v63  }
0x8a: {  	_ =	swait.ge [sflag:s28], $0x4000  }
0x8b: {  	[sflag:s28] =	ssyncset.done $0x0  }
0x8c: {  	s26 =	simm.s32 $0x800;
	[sflag:s28] =	ssyncadd.s32 $0xFFFFC000  }
0x8d: {  	[tilespmem:s22], [sflag:$0x1] =	stream.indirect.gather [hbm4b:s0+s24], $0x80, s26, s24, $0xb8;
	[tilespmem:$0x1F480] =	vst v63  }
0x8e: {  	_ =	swait.ge [sflag:s30], $0x4000  }
0x8f: {  	[sflag:s30] =	ssyncset.done $0x0  }
0x90: {  	s31 =	simm.s32 $0x1B80;
	[sflag:s30] =	ssyncadd.s32 $0xFFFFC000  }
0x91: {  	[spmem:s2] =	stream.indirect.scatter.add.f32 [tilespmem:s25], [sflag:$0x4], $0x80, s31, s24, $0xb8;
	[tilespmem:$0x1F480] =	vst v63  }
0x92: {  	_ =	swait.ge [sflag:s1], $0x4000  }
0x93: {  	[sflag:s1] =	ssyncset.done $0x0  }
0x94: {  	s26 =	simm.s32 $0x880;
	[sflag:s1] =	ssyncadd.s32 $0xFFFFC000  }
0x95: {  	[tilespmem:s25], [sflag:$0x2] =	stream.indirect.gather [hbm4b:s0+s24], $0x80, s26, s24, $0xb8;
	[tilespmem:$0x1F480] =	vst v63  }
0x96: {  	_ =	swait.ge [sflag:s23], $0x4000  }
0x97: {  	[sflag:s23] =	ssyncset.done $0x0  }
0x98: {  	s31 =	simm.s32 $0x1C00;
	[sflag:s23] =	ssyncadd.s32 $0xFFFFC000  }
0x99: {  	[spmem:s2] =	stream.indirect.scatter.add.f32 [tilespmem:s22], [sflag:$0x3], $0x80, s31, s24, $0xb8;
	[tilespmem:$0x1F480] =	vst v63  }
0x9a: {  	_ =	swait.ge [sflag:s28], $0x4000  }
0x9b: {  	[sflag:s28] =	ssyncset.done $0x0  }
0x9c: {  	s26 =	simm.s32 $0x900;
	[sflag:s28] =	ssyncadd.s32 $0xFFFFC000  }
0x9d: {  	[tilespmem:s22], [sflag:$0x1] =	stream.indirect.gather [hbm4b:s0+s24], $0x80, s26, s24, $0xb8;
	[tilespmem:$0x1F480] =	vst v63  }
0x9e: {  	_ =	swait.ge [sflag:s30], $0x4000  }
0x9f: {  	[sflag:s30] =	ssyncset.done $0x0  }
0xa0: {  	s31 =	simm.s32 $0x1C80;
	[sflag:s30] =	ssyncadd.s32 $0xFFFFC000  }
0xa1: {  	[spmem:s2] =	stream.indirect.scatter.add.f32 [tilespmem:s25], [sflag:$0x4], $0x80, s31, s24, $0xb8;
	[tilespmem:$0x1F480] =	vst v63  }
0xa2: {  	_ =	swait.ge [sflag:s1], $0x4000  }
0xa3: {  	[sflag:s1] =	ssyncset.done $0x0  }
0xa4: {  	s26 =	simm.s32 $0x980;
	[sflag:s1] =	ssyncadd.s32 $0xFFFFC000  }
0xa5: {  	[tilespmem:s25], [sflag:$0x2] =	stream.indirect.gather [hbm4b:s0+s24], $0x80, s26, s24, $0xb8;
	[tilespmem:$0x1F480] =	vst v63  }
0xa6: {  	_ =	swait.ge [sflag:s23], $0x4000  }
0xa7: {  	[sflag:s23] =	ssyncset.done $0x0  }
0xa8: {  	s14 =	simm.s32 $0x1D80;
	s31 =	simm.s32 $0x1D00;
	[sflag:s23] =	ssyncadd.s32 $0xFFFFC000  }
0xa9: {  	[spmem:s2] =	stream.indirect.scatter.add.f32 [tilespmem:s22], [sflag:$0x3], $0x80, s31, s24, $0xb8;
	[tilespmem:$0x1F480] =	vst v63  }
.LBB2_10:
0xaa: {  	_ =	swait.ge [sflag:s30], $0x4000  }
0xab: {  	[sflag:s30] =	ssyncset.done $0x0  }
0xac: {  	[sflag:s30] =	ssyncadd.s32 $0xFFFFC000  }
0xad: {  	[spmem:s2] =	stream.indirect.scatter.add.f32 [tilespmem:s25], [sflag:$0x4], $0x80, s14, s24, $0xb8;
	[tilespmem:$0x1F480] =	vst v63  }
0xae: {  	_ =	swait.ge [sflag:s28], $0x4000  }
0xaf: {  	[sflag:s28] =	ssyncset.done $0x0  }
0xb0: {  	[sflag:s28] =	ssyncadd.s32 $0xFFFFC000  }
0xb1: {  	_ =	swait.ge [sflag:s1], $0x4000  }
0xb2: {  	[sflag:s1] =	ssyncset.done $0x0  }
0xb3: {  	[sflag:s1] =	ssyncadd.s32 $0xFFFFC000  }
0xb4: {  	[bflag:$0x0] =	sbarrier.arrive $0xFFFF  }
0xb5: {  	[tilespmem:s22], [sflag:$0x1] =	stream.linear.gather [spmem:s4], $0x4000, $0x38;
	[tilespmem:$0x1F480] =	vst v63  }
0xb6: {  	_ = 	snop  }
0xb7: {  	[tilespmem:s25], [sflag:$0x2] =	stream.linear.gather [spmem:s5], $0x4000, $0x38;
	[tilespmem:$0x1F480] =	vst v63  }
0xb8: {  	_ =	swait.ge [sflag:s23], $0x4000  }
0xb9: {  	[sflag:s23] =	ssyncset.done $0x0  }
0xba: {  	[sflag:s23] =	ssyncadd.s32 $0xFFFFC000  }
0xbb: {  	[hbm4b:s15+s3] =	stream.linear.scatter [tilespmem:s22], [sflag:$0x3], $0x4000, $0x38;
	[tilespmem:$0x1F480] =	vst v63  }
0xbc: {  	_ =	swait.ge [sflag:s28], $0x4000  }
0xbd: {  	[sflag:s28] =	ssyncset.done $0x0  }
0xbe: {  	[sflag:s28] =	ssyncadd.s32 $0xFFFFC000  }
0xbf: {  	[tilespmem:s22], [sflag:$0x1] =	stream.linear.gather [spmem:s6], $0x4000, $0x38;
	[tilespmem:$0x1F480] =	vst v63  }
0xc0: {  	_ =	swait.ge [sflag:s30], $0x4000  }
0xc1: {  	[sflag:s30] =	ssyncset.done $0x0  }
0xc2: {  	[sflag:s30] =	ssyncadd.s32 $0xFFFFC000  }
0xc3: {  	[hbm4b:s16+s3] =	stream.linear.scatter [tilespmem:s25], [sflag:$0x4], $0x4000, $0x38;
	[tilespmem:$0x1F480] =	vst v63  }
0xc4: {  	_ =	swait.ge [sflag:s1], $0x4000  }
0xc5: {  	[sflag:s1] =	ssyncset.done $0x0  }
0xc6: {  	[sflag:s1] =	ssyncadd.s32 $0xFFFFC000  }
0xc7: {  	[tilespmem:s25], [sflag:$0x2] =	stream.linear.gather [spmem:s7], $0x4000, $0x38;
	[tilespmem:$0x1F480] =	vst v63  }
0xc8: {  	_ =	swait.ge [sflag:s23], $0x4000  }
0xc9: {  	[sflag:s23] =	ssyncset.done $0x0  }
0xca: {  	[sflag:s23] =	ssyncadd.s32 $0xFFFFC000  }
0xcb: {  	[hbm4b:s17+s3] =	stream.linear.scatter [tilespmem:s22], [sflag:$0x3], $0x4000, $0x38;
	[tilespmem:$0x1F480] =	vst v63  }
0xcc: {  	_ =	swait.ge [sflag:s28], $0x4000  }
0xcd: {  	[sflag:s28] =	ssyncset.done $0x0  }
0xce: {  	[sflag:s28] =	ssyncadd.s32 $0xFFFFC000  }
0xcf: {  	[tilespmem:s22], [sflag:$0x1] =	stream.linear.gather [spmem:s8], $0x3800, $0x38;
	[tilespmem:$0x1F480] =	vst v63  }
0xd0: {  	_ =	swait.ge [sflag:s30], $0x4000  }
0xd1: {  	[sflag:s30] =	ssyncset.done $0x0  }
0xd2: {  	[sflag:s30] =	ssyncadd.s32 $0xFFFFC000  }
0xd3: {  	[hbm4b:s18+s3] =	stream.linear.scatter [tilespmem:s25], [sflag:$0x4], $0x4000, $0x38;
	[tilespmem:$0x1F480] =	vst v63  }
0xd4: {  	_ =	swait.ge [sflag:s23], $0x3800  }
0xd5: {  	[sflag:s23] =	ssyncset.done $0x0  }
0xd6: {  	[sflag:s23] =	ssyncadd.s32 $0xFFFFC800  }
0xd7: {  	[hbm4b:s19+s3] =	stream.linear.scatter [tilespmem:s22], [sflag:$0x3], $0x3800, $0x38;
	[tilespmem:$0x1F480] =	vst v63  }
0xd8: {  	_ =	swait.ge [sflag:s1], $0x4000  }
0xd9: {  	[sflag:s1] =	ssyncset.done $0x0  }
0xda: {  	[sflag:s1] =	ssyncadd.s32 $0xFFFFC000  }
0xdb: {  	_ =	swait.ge [sflag:s28], $0x3800  }
0xdc: {  	[sflag:s28] =	ssyncset.done $0x0  }
0xdd: {  	s26 =	simm.s32 @!p0 $0x5;
	s14 =	simm.s32 @!p0 $0x3C00;
	[sflag:s28] =	ssyncadd.s32 $0xFFFFC800  }
0xde: {  	[tilespmem:s14], [sflag:$0x5] =	stream.linear.gather @!p0 [spmem:s9], $0x800, $0x38;
	[tilespmem:$0x1F480] =	vst v63  }
0xdf: {  	s29 =	sadd.s32 $0x1, s29;
	_ =	swait.ge @!p0 [sflag:s26], $0x800  }
0xe0: {  	p2 =	sne.s32 s29, s21;
	[sflag:s26] =	ssyncset.done @!p0 $0x0  }
.Ltmp1:
0xe1: {  	s31 =	simm.s32 @!p0 $0x0;
	[sflag:s26] =	ssyncadd.s32 @!p0 $0xFFFFF800;
	(pc) =	sbr.rel @!p2 .LBB2_11-.Ltmp1, $4  }
0xe2: {  	[hbm4b:s20+s31] =	stream.linear.scatter @!p0 [tilespmem:s14], [sflag:$0x5], $0x800, $0x38;
	[tilespmem:$0x1F480] =	vst v63  }
0xe3: {  	_ =	swait.ge @!p0 [sflag:s26], $0x800  }
0xe4: {  	[sflag:s26] =	ssyncset.done @!p0 $0x0  }
0xe5: {  	[sflag:s26] =	ssyncadd.s32 @!p0 $0xFFFFF800  }
.LBB2_1:
0xe6: {  	s14 =	simm.s32 $0x0;
	s26 =	simm.s32 $0x200  }
.LBB2_2:
0xe7: {  	p2 =	sne.s32 s26, $0xFE00;
	[tilespmem:s14+$0x3C70] =	vst v0  }
0xe8: {  	[tilespmem:s14+$0x3C00] =	vst v0  }
0xe9: {  	[tilespmem:s14+$0x3C10] =	vst v0  }
.Ltmp2:
0xea: {  	[tilespmem:s14+$0x3C20] =	vst v0;
	(pc) =	sbr.rel @p2 .LBB2_2-.Ltmp2, $4  }
0xeb: {  	[tilespmem:s14+$0x3C30] =	vst v0  }
0xec: {  	[tilespmem:s14+$0x3C40] =	vst v0  }
0xed: {  	[tilespmem:s14+$0x3C50] =	vst v0  }
0xee: {  	[tilespmem:s14+$0x3C60] =	vst v0;
	s14 =	sshra.s32 s26, $0x2;
	s26 =	sadd.s32 $0x200, s26  }
0xef: {  	[tilespmem:s14+$0x3C70] =	vst v0  }
0xf0: {  	[tilespmem:s14+$0x3C00] =	vst v0  }
0xf1: {  	[tilespmem:s14+$0x3C10] =	vst v0  }
0xf2: {  	[tilespmem:s14+$0x3C20] =	vst v0  }
0xf3: {  	[tilespmem:s14+$0x3C30] =	vst v0  }
0xf4: {  	[tilespmem:s14+$0x3C40] =	vst v0  }
0xf5: {  	[tilespmem:s14+$0x3C50] =	vst v0  }
0xf6: {  	[tilespmem:s14+$0x3C60] =	vst v0  }
0xf7: {  	[spmem:s4] =	stream.linear.scatter [tilespmem:s22], [sflag:$0x1], $0x4000, $0x38;
	[tilespmem:$0x1F480] =	vst v63  }
0xf8: {  	_ = 	snop  }
0xf9: {  	[spmem:s5] =	stream.linear.scatter [tilespmem:s22], [sflag:$0x1], $0x4000, $0x38;
	[tilespmem:$0x1F480] =	vst v63  }
0xfa: {  	_ = 	snop  }
0xfb: {  	[spmem:s6] =	stream.linear.scatter [tilespmem:s22], [sflag:$0x1], $0x4000, $0x38;
	[tilespmem:$0x1F480] =	vst v63  }
0xfc: {  	_ = 	snop  }
0xfd: {  	[spmem:s7] =	stream.linear.scatter [tilespmem:s22], [sflag:$0x1], $0x4000, $0x38;
	[tilespmem:$0x1F480] =	vst v63  }
0xfe: {  	_ = 	snop  }
0xff: {  	[spmem:s8] =	stream.linear.scatter [tilespmem:s22], [sflag:$0x1], $0x3800, $0x38;
	[tilespmem:$0x1F480] =	vst v63  }
0x100: {  	s14 =	simm.s32 @!p0 $0x3C00  }
0x101: {  	[spmem:s9] =	stream.linear.scatter @!p0 [tilespmem:s14], [sflag:$0x2], $0x800, $0x38;
	[tilespmem:$0x1F480] =	vst v63  }
0x102: {  	s14 =	simm.s32 @!p0 $0x2  }
0x103: {  	_ =	swait.ge @!p0 [sflag:s14], $0x800  }
0x104: {  	[sflag:s14] =	ssyncset.done @!p0 $0x0  }
0x105: {  	s26 =	simm.s32 @p1 $0x1400;
	[sflag:s14] =	ssyncadd.s32 @!p0 $0xFFFFF800;
	s14 =	simm.s32 @p1 $0x0  }
0x106: {  	[tilespmem:s26], [sflag:$0x5] =	stream.linear.gather @p1 [hbm4b:s12+s14], $0xA00, $0x38;
	[tilespmem:$0x1F480] =	vst v63  }
0x107: {  	s26 =	simm.s32 @p1 $0x5  }
0x108: {  	_ =	swait.ge @p1 [sflag:s26], $0xA00  }
0x109: {  	[sflag:s26] =	ssyncset.done @p1 $0x0  }
0x10a: {  	[sflag:s26] =	ssyncadd.s32 @p1 $0xFFFFF600  }
0x10b: {  	[tilespmem:s14], [sflag:$0x5] =	stream.linear.gather @p1 [hbm4b:s13+s14], $0xA00, $0x38;
	[tilespmem:$0x1F480] =	vst v63  }
0x10c: {  	_ =	swait.ge @p1 [sflag:s26], $0xA00  }
0x10d: {  	[sflag:s26] =	ssyncset.done @p1 $0x0  }
0x10e: {  	s14 =	simm.s32 @!p1 $0x0;
	[sflag:s26] =	ssyncadd.s32 @p1 $0xFFFFF600;
	s26 =	simm.s32 @!p1 $0x1400  }
0x10f: {  	[tilespmem:s26], [sflag:$0x5] =	stream.linear.gather @!p1 [hbm4b:s10+s14], $0x2800, $0x38;
	[tilespmem:$0x1F480] =	vst v63  }
0x110: {  	s26 =	simm.s32 @!p1 $0x5  }
0x111: {  	_ =	swait.ge @!p1 [sflag:s26], $0x2800  }
0x112: {  	[sflag:s26] =	ssyncset.done @!p1 $0x0  }
0x113: {  	[sflag:s26] =	ssyncadd.s32 @!p1 $0xFFFFD800  }
0x114: {  	[tilespmem:s14], [sflag:$0x5] =	stream.linear.gather @!p1 [hbm4b:s11+s14], $0x1400, $0x38;
	[tilespmem:$0x1F480] =	vst v63  }
0x115: {  	_ =	swait.ge @!p1 [sflag:s26], $0x1400  }
0x116: {  	[sflag:s26] =	ssyncset.done @!p1 $0x0  }
0x117: {  	[sflag:s26] =	ssyncadd.s32 @!p1 $0xFFFFEC00  }
0x118: {  	_ =	swait.ge [sflag:s23], $0x4000  }
0x119: {  	[sflag:s23] =	ssyncset.done $0x0  }
0x11a: {  	[sflag:s23] =	ssyncadd.s32 $0xFFFFC000  }
0x11b: {  	_ =	swait.ge [sflag:s23], $0x4000  }
0x11c: {  	[sflag:s23] =	ssyncset.done $0x0  }
0x11d: {  	[sflag:s23] =	ssyncadd.s32 $0xFFFFC000  }
0x11e: {  	_ =	swait.ge [sflag:s23], $0x4000  }
0x11f: {  	[sflag:s23] =	ssyncset.done $0x0  }
0x120: {  	[sflag:s23] =	ssyncadd.s32 $0xFFFFC000  }
0x121: {  	_ =	swait.ge [sflag:s23], $0x4000  }
0x122: {  	[sflag:s23] =	ssyncset.done $0x0  }
0x123: {  	[sflag:s23] =	ssyncadd.s32 $0xFFFFC000  }
0x124: {  	_ =	swait.ge [sflag:s23], $0x3800  }
0x125: {  	[sflag:s23] =	ssyncset.done $0x0  }
0x126: {  	[sflag:s23] =	ssyncadd.s32 $0xFFFFC800  }
0x127: {  	[tilespmem:s22], [sflag:$0x1] =	stream.indirect.gather [hbm4b:s0+s24], $0x80, s3, s24, $0xb8;
	[tilespmem:$0x1F480] =	vst v63  }
0x128: {  	_ = 	snop  }
0x129: {  	[tilespmem:s25], [sflag:$0x2] =	stream.indirect.gather [hbm4b:s0+s24], $0x80, s24, s24, $0xb8;
	[tilespmem:$0x1F480] =	vst v63  }
.Ltmp3:
0x12a: {  	[bflag:$0x0] =	sbarrier.arrive $0xFFFF;
	(pc) =	sbr.rel @p1 .LBB2_9-.Ltmp3, $4  }
0x12b: {  	_ =	swait.ge [sflag:s23], $0x4000  }
0x12c: {  	[sflag:s23] =	ssyncset.done $0x0  }
0x12d: {  	s31 =	simm.s32 $0x1400;
	[sflag:s23] =	ssyncadd.s32 $0xFFFFC000  }
0x12e: {  	[spmem:s2] =	stream.indirect.scatter.add.f32 [tilespmem:s22], [sflag:$0x3], $0x80, s31, s24, $0xb8;
	[tilespmem:$0x1F480] =	vst v63  }
0x12f: {  	_ =	swait.ge [sflag:s28], $0x4000  }
0x130: {  	[sflag:s28] =	ssyncset.done $0x0  }
0x131: {  	s14 =	simm.s32 $0x100;
	[sflag:s28] =	ssyncadd.s32 $0xFFFFC000  }
0x132: {  	[tilespmem:s22], [sflag:$0x1] =	stream.indirect.gather [hbm4b:s0+s24], $0x80, s14, s24, $0xb8;
	[tilespmem:$0x1F480] =	vst v63  }
0x133: {  	_ =	swait.ge [sflag:s30], $0x4000  }
0x134: {  	[sflag:s30] =	ssyncset.done $0x0  }
0x135: {  	s26 =	simm.s32 $0x1480;
	[sflag:s30] =	ssyncadd.s32 $0xFFFFC000  }
0x136: {  	[spmem:s2] =	stream.indirect.scatter.add.f32 [tilespmem:s25], [sflag:$0x4], $0x80, s26, s24, $0xb8;
	[tilespmem:$0x1F480] =	vst v63  }
0x137: {  	_ =	swait.ge [sflag:s1], $0x4000  }
0x138: {  	[sflag:s1] =	ssyncset.done $0x0  }
0x139: {  	s31 =	simm.s32 $0x180;
	[sflag:s1] =	ssyncadd.s32 $0xFFFFC000  }
0x13a: {  	[tilespmem:s25], [sflag:$0x2] =	stream.indirect.gather [hbm4b:s0+s24], $0x80, s31, s24, $0xb8;
	[tilespmem:$0x1F480] =	vst v63  }
0x13b: {  	_ =	swait.ge [sflag:s23], $0x4000  }
0x13c: {  	[sflag:s23] =	ssyncset.done $0x0  }
0x13d: {  	s14 =	simm.s32 $0xFFFFB800;
	s26 =	simm.s32 $0x1500;
	[sflag:s23] =	ssyncadd.s32 $0xFFFFC000  }
.LBB2_5:
0x13e: {  	[spmem:s2] =	stream.indirect.scatter.add.f32 [tilespmem:s22], [sflag:$0x3], $0x80, s26, s24, $0xb8;
	[tilespmem:$0x1F480] =	vst v63  }
0x13f: {  	s26 =	smov.u32 s14  }
0x140: {  	p2 =	sne.s32 s14, $0xFFFFFC00;
	s14 =	sadd.s32 $0x400, s14;
	_ =	swait.ge [sflag:s28], $0x4000  }
0x141: {  	s26 =	sshra.s32 s26, $0x2;
	[sflag:s28] =	ssyncset.done $0x0  }
0x142: {  	s31 =	sadd.s32 $0x1400, s26;
	[sflag:s28] =	ssyncadd.s32 $0xFFFFC000  }
0x143: {  	[tilespmem:s22], [sflag:$0x1] =	stream.indirect.gather [hbm4b:s0+s24], $0x80, s31, s24, $0xb8;
	[tilespmem:$0x1F480] =	vst v63  }
0x144: {  	_ =	swait.ge [sflag:s30], $0x4000  }
0x145: {  	[sflag:s30] =	ssyncset.done $0x0  }
0x146: {  	s31 =	sadd.s32 $0x2780, s26;
	[sflag:s30] =	ssyncadd.s32 $0xFFFFC000  }
0x147: {  	[spmem:s2] =	stream.indirect.scatter.add.f32 [tilespmem:s25], [sflag:$0x4], $0x80, s31, s24, $0xb8;
	[tilespmem:$0x1F480] =	vst v63  }
0x148: {  	_ =	swait.ge [sflag:s1], $0x4000  }
0x149: {  	[sflag:s1] =	ssyncset.done $0x0  }
.Ltmp4:
0x14a: {  	s31 =	sadd.s32 $0x1480, s26;
	[sflag:s1] =	ssyncadd.s32 $0xFFFFC000;
	(pc) =	sbr.rel @p2 .LBB2_5-.Ltmp4, $4  }
0x14b: {  	[tilespmem:s25], [sflag:$0x2] =	stream.indirect.gather [hbm4b:s0+s24], $0x80, s31, s24, $0xb8;
	[tilespmem:$0x1F480] =	vst v63  }
0x14c: {  	_ =	swait.ge [sflag:s23], $0x4000  }
0x14d: {  	[sflag:s23] =	ssyncset.done $0x0  }
0x14e: {  	s26 =	sadd.s32 $0x2800, s26;
	[sflag:s23] =	ssyncadd.s32 $0xFFFFC000  }
0x14f: {  	[spmem:s2] =	stream.indirect.scatter.add.f32 [tilespmem:s22], [sflag:$0x3], $0x80, s26, s24, $0xb8;
	[tilespmem:$0x1F480] =	vst v63  }
0x150: {  	_ =	swait.ge [sflag:s30], $0x4000  }
0x151: {  	[sflag:s30] =	ssyncset.done $0x0  }
0x152: {  	s14 =	simm.s32 $0x2780;
	[sflag:s30] =	ssyncadd.s32 $0xFFFFC000  }
0x153: {  	[spmem:s2] =	stream.indirect.scatter.add.f32 [tilespmem:s25], [sflag:$0x4], $0x80, s14, s24, $0xb8;
	[tilespmem:$0x1F480] =	vst v63  }
0x154: {  	_ =	swait.ge [sflag:s28], $0x4000  }
0x155: {  	[sflag:s28] =	ssyncset.done $0x0  }
0x156: {  	[sflag:s28] =	ssyncadd.s32 $0xFFFFC000  }
0x157: {  	_ =	swait.ge [sflag:s1], $0x4000  }
0x158: {  	[sflag:s1] =	ssyncset.done $0x0  }
0x159: {  	s31 =	simm.s32 $0x5;
	s26 =	rddreg [dreg:$0x4];
	[sflag:s1] =	ssyncadd.s32 $0xFFFFC000  }
0x15a: {  	[tilespmem:s3], [sflag:$0x5] =	stream.linear.gather [hbm4b:s26+s3], $0x1400, $0x38;
	[tilespmem:$0x1F480] =	vst v63  }
0x15b: {  	_ =	swait.ge [sflag:s31], $0x1400  }
0x15c: {  	[sflag:s31] =	ssyncset.done $0x0  }
0x15d: {  	[sflag:s31] =	ssyncadd.s32 $0xFFFFEC00  }
0x15e: {  	[tilespmem:s22], [sflag:$0x1] =	stream.indirect.gather [hbm4b:s0+s24], $0x80, s3, s24, $0xb8;
	[tilespmem:$0x1F480] =	vst v63  }
0x15f: {  	_ = 	snop  }
0x160: {  	[tilespmem:s25], [sflag:$0x2] =	stream.indirect.gather [hbm4b:s0+s24], $0x80, s24, s24, $0xb8;
	[tilespmem:$0x1F480] =	vst v63  }
0x161: {  	_ =	swait.ge [sflag:s23], $0x4000  }
0x162: {  	[sflag:s23] =	ssyncset.done $0x0  }
0x163: {  	s26 =	simm.s32 $0x2800;
	[sflag:s23] =	ssyncadd.s32 $0xFFFFC000  }
0x164: {  	[spmem:s2] =	stream.indirect.scatter.add.f32 [tilespmem:s22], [sflag:$0x3], $0x80, s26, s24, $0xb8;
	[tilespmem:$0x1F480] =	vst v63  }
0x165: {  	_ =	swait.ge [sflag:s28], $0x4000  }
0x166: {  	[sflag:s28] =	ssyncset.done $0x0  }
0x167: {  	s31 =	simm.s32 $0x100;
	[sflag:s28] =	ssyncadd.s32 $0xFFFFC000  }
0x168: {  	[tilespmem:s22], [sflag:$0x1] =	stream.indirect.gather [hbm4b:s0+s24], $0x80, s31, s24, $0xb8;
	[tilespmem:$0x1F480] =	vst v63  }
0x169: {  	_ =	swait.ge [sflag:s30], $0x4000  }
0x16a: {  	[sflag:s30] =	ssyncset.done $0x0  }
0x16b: {  	s26 =	simm.s32 $0x2880;
	[sflag:s30] =	ssyncadd.s32 $0xFFFFC000  }
0x16c: {  	[spmem:s2] =	stream.indirect.scatter.add.f32 [tilespmem:s25], [sflag:$0x4], $0x80, s26, s24, $0xb8;
	[tilespmem:$0x1F480] =	vst v63  }
0x16d: {  	_ =	swait.ge [sflag:s1], $0x4000  }
0x16e: {  	p2 =	por $0x0, $0x0;
	[sflag:s1] =	ssyncset.done $0x0  }
.Ltmp5:
0x16f: {  	s31 =	simm.s32 $0x180;
	[sflag:s1] =	ssyncadd.s32 $0xFFFFC000;
	(pc) =	sbr.rel @p2 .LBB2_8-.Ltmp5, $4  }
0x170: {  	[tilespmem:s25], [sflag:$0x2] =	stream.indirect.gather [hbm4b:s0+s24], $0x80, s31, s24, $0xb8;
	[tilespmem:$0x1F480] =	vst v63  }
0x171: {  	_ =	swait.ge [sflag:s23], $0x4000  }
0x172: {  	[sflag:s23] =	ssyncset.done $0x0  }
0x173: {  	s14 =	simm.s32 $0xFFFFB800;
	s26 =	simm.s32 $0x2900;
	[sflag:s23] =	ssyncadd.s32 $0xFFFFC000  }
.LBB2_7:
0x174: {  	[spmem:s2] =	stream.indirect.scatter.add.f32 [tilespmem:s22], [sflag:$0x3], $0x80, s26, s24, $0xb8;
	[tilespmem:$0x1F480] =	vst v63  }
0x175: {  	s26 =	smov.u32 s14  }
0x176: {  	p2 =	seq.s32 s14, $0xFFFFFC00;
	s14 =	sadd.s32 $0x400, s14;
	_ =	swait.ge [sflag:s28], $0x4000  }
0x177: {  	s26 =	sshra.s32 s26, $0x2;
	[sflag:s28] =	ssyncset.done $0x0  }
0x178: {  	s31 =	sadd.s32 $0x1400, s26;
	[sflag:s28] =	ssyncadd.s32 $0xFFFFC000  }
0x179: {  	[tilespmem:s22], [sflag:$0x1] =	stream.indirect.gather [hbm4b:s0+s24], $0x80, s31, s24, $0xb8;
	[tilespmem:$0x1F480] =	vst v63  }
0x17a: {  	_ =	swait.ge [sflag:s30], $0x4000  }
0x17b: {  	[sflag:s30] =	ssyncset.done $0x0  }
0x17c: {  	s31 =	sadd.s32 $0x3B80, s26;
	[sflag:s30] =	ssyncadd.s32 $0xFFFFC000  }
0x17d: {  	[spmem:s2] =	stream.indirect.scatter.add.f32 [tilespmem:s25], [sflag:$0x4], $0x80, s31, s24, $0xb8;
	[tilespmem:$0x1F480] =	vst v63  }
0x17e: {  	_ =	swait.ge [sflag:s1], $0x4000  }
0x17f: {  	[sflag:s1] =	ssyncset.done $0x0  }
.Ltmp6:
0x180: {  	s31 =	sadd.s32 $0x1480, s26;
	[sflag:s1] =	ssyncadd.s32 $0xFFFFC000;
	(pc) =	sbr.rel @!p2 .LBB2_7-.Ltmp6, $4  }
0x181: {  	[tilespmem:s25], [sflag:$0x2] =	stream.indirect.gather [hbm4b:s0+s24], $0x80, s31, s24, $0xb8;
	[tilespmem:$0x1F480] =	vst v63  }
0x182: {  	_ =	swait.ge [sflag:s23], $0x4000  }
0x183: {  	[sflag:s23] =	ssyncset.done $0x0  }
0x184: {  	s26 =	sadd.s32 $0x3C00, s26;
	[sflag:s23] =	ssyncadd.s32 $0xFFFFC000  }
.LBB2_8:
.Ltmp7:
0x185: {  	(pc) =	sbr.rel .LBB2_10-.Ltmp7, $3  }
0x186: {  	_ =	sdelay $0x1  }
0x187: {  	[spmem:s2] =	stream.indirect.scatter.add.f32 [tilespmem:s22], [sflag:$0x3], $0x80, s26, s24, $0xb8;
	[tilespmem:$0x1F480] =	vst v63  }
0x188: {  	s14 =	simm.s32 $0x3B80  }
.LBB2_11:
0x189: {  	_ =	sfence.sel $0x180000  }
0x18a: {  	[bflag:$0x0] =	sbarrier.arrive $0xFFFF  }
0x18b: {  	_ =	strace $0x9000004A  }
0x18c: {  	[bflag:$0x2] =	sbarrier.arrive $0xFFFF  }
0x18d: {  	s0 =	rddreg [dreg:$0x3]  }
0x18e: {  	s0 =	sadd.s32 @!p0 $0x100000, s0  }
0x18f: {  	[sflag:s0] =	ssyncadd.tile.s32 @!p0 $0x1;
	_ =	shalt  }
.Lfunc_end2:
_tile_overlayer_lowered:
.L_overlay_start_2:
0x190: {  	(tag) =	ssettag $0x2  }
0x191: {  	s0 =	rddreg [dreg:$0x0];
	s2 =	stileid.u32  }
0x192: {  	s1 =	rddreg [dreg:$0x1];
	p0 =	sne.s32 s2, $0x0  }
0x193: {  	s3 =	rddreg [dreg:$0x2];
	[bflag:$0x3] =	sbarrier.arrive $0xFFFF;
	s2 =	simm.s32 @!p0 $0x1C05  }
0x194: {  	[timem:s3], [sflag:s2] =	dma.local @!p0 [hbm:s0], s1  }
0x195: {  	s0 =	simm.s32 @!p0 $0x5  }
0x196: {  	_ =	swait.ge @!p0 [sflag:s0], s1  }
0x197: {  	s1 =	ssub.s32 @!p0 $0x0, s1;
	[sflag:s0] =	ssyncset.done @!p0 $0x0  }
0x198: {  	[sflag:s0] =	ssyncadd.s32 @!p0 s1  }
0x199: {  	[bflag:$0x3] =	sbarrier.arrive $0xFFFF  }
0x19a: {  	_ =	shalt  }

// kernel: kernel.14.cloned.1.call-start
scs
__scs_entry_jumppad:
0x0: {  	(pc) =	sbr.rel $0x88, $3  }
0x1: {  	(tag) =	ssettag $0x0;
	lr =	simm.s32 $0x1  }
0x2: {  	[smem:$0x3F9B] =	sst lr;
	_ =	strace $0xD0000000  }
0x3: {  	_ = 	snop  }
0x4: {  	_ = 	snop  }
0x5: {  	_ = 	snop  }
0x6: {  	_ = 	snop  }
0x7: {  	_ = 	snop  }
__scs_overlays_trampoline_lowered:
0x8: {  	[smem:$0x3FAA] =	sst s0  }
0x9: {  	[smem:$0x3FAB] =	sst s1  }
0xa: {  	[smem:$0x3FAC] =	sst s2  }
0xb: {  	[smem:$0x3FAD] =	sst s3  }
0xc: {  	[smem:$0x3FAE] =	sst s4  }
0xd: {  	[smem:$0x3FAF] =	sst s5  }
0xe: {  	[smem:$0x3FB0] =	sst s6  }
0xf: {  	[smem:$0x3FB1] =	sst s7  }
0x10: {  	[smem:$0x3FB2] =	sst s8  }
0x11: {  	[smem:$0x3FB3] =	sst s9;
	s0 =	simm.s32 @!p0 $0x0  }
0x12: {  	s1 =	sld [smem:$0x3F99];
	s0 =	simm.s32 @p0 $0x1  }
0x13: {  	[smem:$0x3FB4] =	sst s0;
	s0 =	simm.s32 @!p1 $0x0  }
0x14: {  	s2 =	sld [smem:$0x3F98];
	s0 =	simm.s32 @p1 $0x1  }
0x15: {  	[smem:$0x3FB5] =	sst s0;
	s0 =	simm.s32 @!p2 $0x0  }
0x16: {  	s3 =	sld [smem:$0x3FDB];
	s0 =	simm.s32 @p2 $0x1  }
0x17: {  	s4 =	simm.s32 $0x1BF5;
	[smem:$0x3FB7] =	sst s0  }
0x18: {  	s0 =	sld [smem:$0x3F9A];
	_ =	swait.ge [sflag:s4], $0x0  }
0x19: {  	s7 =	sld [smem:$0x3F9B]  }
0x1a: {  	s8 =	sadd.s32 $0xFFFFE003, lr  }
0x1b: {  	s9 =	sadd.s32 $0xFFFFFEF7, lr;
	s5 =	simm.s32 $0xFFFFFFFF;
	p2 =	slt.u32 s8, $0xFFFFF086  }
0x1c: {  	p1 =	slt.u32 s9, $0xF7A;
	s5 =	simm.s32 @!p2 $0x0  }
0x1d: {  	s5 =	simm.s32 @p1 $0x1;
	p0 =	seq.s32 s7, s2  }
0x1e: {  	s7 =	smul.u32 @!p0 $0xF7A, s2;
	p2 =	seq.s32 @!p0 s5, $0x0  }
0x1f: {  	s9 =	smul.u32 $0xF7A, s1;
	s8 =	simm.s32 @!p0 $0x1BF5;
	p2 =	por !p2, p0  }
0x20: {  	[sflag:s8] =	ssyncset.s32 @!p0 $0xFFFFF086;
	s6 =	sadd.s32 @!p0 s3, s7;
	s7 =	simm.s32 @!p0 $0x108  }
0x21: {  	s3 =	sadd.s32 s3, s9;
	s6 =	sadd.s32 @!p0 $0x88, s6;
	s7 =	simm.s32 @p2 $0x1082  }
0x22: {  	[simem:s7], [sflag:s8] =	dma.local @!p0 [hbm:s6], $0xF7A  }
0x23: {  	s9 =	sor.u32 $0xD0000000, s2;
	s6 =	simm.s32 $0x108;
	_ =	swait.ge @!p0 [sflag:s8], $0x0  }
0x24: {  	s3 =	sadd.s32 $0x88, s3;
	s6 =	simm.s32 @!p1 $0x1082;
	[sflag:s4] =	ssyncset.s32 $0xFFFFF086  }
0x25: {  	[simem:s6], [sflag:s4] =	dma.local [hbm:s3], $0xF7A  }
0x26: {  	[smem:$0x3F9B] =	sst s1;
	(tag) =	ssettag s2;
	_ =	strace s9  }
0x27: {  	s1 =	sld [smem:$0x3FAB]  }
0x28: {  	s2 =	sld [smem:$0x3FAC]  }
0x29: {  	s4 =	sld [smem:$0x3FAE]  }
0x2a: {  	p0 =	seq.s32 s5, $0x0;
	s5 =	sld [smem:$0x3FAF]  }
0x2b: {  	s6 =	sld [smem:$0x3FB0]  }
0x2c: {  	s7 =	sld [smem:$0x3FB1]  }
0x2d: {  	s3 =	simm.s32 $0x108;
	s8 =	sld [smem:$0x3FB2]  }
0x2e: {  	s3 =	simm.s32 @!p0 $0x1082;
	s9 =	sld [smem:$0x3FB3]  }
0x2f: {  	lr =	sadd.s32 s0, s3;
	s0 =	sld [smem:$0x3FAA]  }
0x30: {  	s3 =	sld [smem:$0x3FAD]  }
0x31: {  	[smem:$0x3FB6] =	sst s10  }
0x32: {  	s10 =	sld [smem:$0x3FB4];
	_ =	sdelay $0x3  }
0x33: {  	p0 =	seq.s32 s10, $0x1;
	s10 =	sld [smem:$0x3FB6];
	_ =	sdelay $0x3  }
0x34: {  	[smem:$0x3FB6] =	sst s10  }
0x35: {  	s10 =	sld [smem:$0x3FB5];
	_ =	sdelay $0x3  }
0x36: {  	p1 =	seq.s32 s10, $0x1;
	s10 =	sld [smem:$0x3FB6];
	_ =	sdelay $0x3  }
0x37: {  	[smem:$0x3FB6] =	sst s10  }
0x38: {  	s10 =	sld [smem:$0x3FB7]  }
0x39: {  	_ = 	snop;
	(pc) =	sbr.ind lr, $3  }
0x3a: {  	_ = 	snop  }
0x3b: {  	_ = 	snop  }
0x3c: {  	p2 =	seq.s32 s10, $0x1;
	s10 =	sld [smem:$0x3FB6]  }
0x3d: {  	_ =	shalt  }
0x3e: {  	_ =	shalt  }
0x3f: {  	_ =	shalt  }
0x40: {  	_ =	shalt  }
0x41: {  	_ =	shalt  }
0x42: {  	_ =	shalt  }
0x43: {  	_ =	shalt  }
0x44: {  	_ =	shalt  }
0x45: {  	_ =	shalt  }
0x46: {  	_ =	shalt  }
0x47: {  	_ =	shalt  }
0x48: {  	_ =	shalt  }
0x49: {  	_ =	shalt  }
0x4a: {  	_ =	shalt  }
0x4b: {  	_ =	shalt  }
0x4c: {  	_ =	shalt  }
0x4d: {  	_ =	shalt  }
0x4e: {  	_ =	shalt  }
0x4f: {  	_ =	shalt  }
0x50: {  	_ =	shalt  }
0x51: {  	_ =	shalt  }
0x52: {  	_ =	shalt  }
0x53: {  	_ =	shalt  }
0x54: {  	_ =	shalt  }
0x55: {  	_ =	shalt  }
0x56: {  	_ =	shalt  }
0x57: {  	_ =	shalt  }
0x58: {  	_ =	shalt  }
0x59: {  	_ =	shalt  }
0x5a: {  	_ =	shalt  }
0x5b: {  	_ =	shalt  }
0x5c: {  	_ =	shalt  }
0x5d: {  	_ =	shalt  }
0x5e: {  	_ =	shalt  }
0x5f: {  	_ =	shalt  }
0x60: {  	_ =	shalt  }
0x61: {  	_ =	shalt  }
0x62: {  	_ =	shalt  }
0x63: {  	_ =	shalt  }
0x64: {  	_ =	shalt  }
0x65: {  	_ =	shalt  }
0x66: {  	_ =	shalt  }
0x67: {  	_ =	shalt  }
0x68: {  	_ =	shalt  }
0x69: {  	_ =	shalt  }
0x6a: {  	_ =	shalt  }
0x6b: {  	_ =	shalt  }
0x6c: {  	_ =	shalt  }
0x6d: {  	_ =	shalt  }
0x6e: {  	_ =	shalt  }
0x6f: {  	_ =	shalt  }
0x70: {  	_ =	shalt  }
0x71: {  	_ =	shalt  }
0x72: {  	_ =	shalt  }
0x73: {  	_ =	shalt  }
0x74: {  	_ =	shalt  }
0x75: {  	_ =	shalt  }
0x76: {  	_ =	shalt  }
0x77: {  	_ =	shalt  }
0x78: {  	_ =	shalt  }
0x79: {  	_ =	shalt  }
0x7a: {  	_ =	shalt  }
0x7b: {  	_ =	shalt  }
0x7c: {  	_ =	shalt  }
0x7d: {  	_ =	shalt  }
0x7e: {  	_ =	shalt  }
0x7f: {  	_ =	shalt  }
0x80: {  	_ =	shalt  }
0x81: {  	_ =	shalt  }
0x82: {  	_ =	shalt  }
0x83: {  	_ =	shalt  }
0x84: {  	_ =	shalt  }
0x85: {  	_ =	shalt  }
0x86: {  	_ =	shalt  }
0x87: {  	_ =	shalt  }
.Lfunc_end0:
.L_simem_size_0:
called_computation.2_lowered:
.L_overlay_start_0:
0x88: {  	s2 =	sld [smem:$0x3FD9]  }
0x89: {  	s3 =	sld [smem:$0x3FFE];
	_ =	sdelay $0x1  }
0x8a: {  	s1 =	srdreg.scid  }
0x8b: {  	s0 =	sand.u32 $0x1, s1  }
0x8c: {  	s17 =	sshll.u32 s0, $0xA;
	s2 =	sadd.s32 s3, s2  }
0x8d: {  	s2 =	sadd.s32 s2, s17  }
0x8e: {  	[smem:$0x3FC2] =	sst s2  }
0x8f: {  	_ = 	snop  }
0x90: {  	s2 =	sld [smem:$0x3FD0];
	(tm) =	ssettm $0x1  }
0x91: {  	s18 =	sld [smem:$0x3FFB];
	_ =	sdelay $0x3  }
0x92: {  	_ =	strace s18  }
0x93: {  	s3 =	sld [smem:$0x3FFC];
	_ =	sdelay $0x3  }
0x94: {  	_ =	strace s3  }
0x95: {  	s3 =	sld [smem:$0x3FFD];
	_ =	sdelay $0x3  }
0x96: {  	_ =	strace s3  }
0x97: {  	_ =	strace $0x8FFFFFFF  }
0x98: {  	s19 =	sld [smem:$0x3FDB];
	_ =	sdelay $0x1  }
0x99: {  	s4 =	simm.s32 $_scs_section_size  }
0x9a: {  	s5 =	simm.s32 $_size__tile_overlayer_lowered;
	s6 =	simm.s32 $_tile_overlayer_lowered  }
0x9b: {  	s22 =	simm.s32 $0x1BFF;
	s21 =	sshll.u32 s6, $0x1;
	s3 =	sadd.s32 s4, s19  }
0x9c: {  	s7 =	simm.s32 $0x0;
	s20 =	sshll.u32 s5, $0x1;
	s5 =	sadd.s32 s21, s3  }
0x9d: {  	[timem:s7], [sflag:s22] =	dma.local [hbm:s5], s20  }
0x9e: {  	_ =	swait.ge [sflag:s22], s20  }
0x9f: {  	s4 =	ssub.s32 $0x0, s20;
	[sflag:s22] =	ssyncset.done $0x0  }
0xa0: {  	[sflag:s22] =	ssyncadd.s32 s4;
	_ =	sdelay $0x1  }
0xa1: {  	s23 =	simm.s32 $0x1B8B  }
0xa2: {  	_ =	swait.ge [sflag:s23], $0x1  }
0xa3: {  	[sflag:s23] =	ssyncset.done $0x0  }
0xa4: {  	s25 =	simm.s32 $0x1B8E;
	s24 =	sld [smem:$0x3FFE];
	[sflag:s23] =	ssyncadd.s32 $0xFFFFFFFF  }
0xa5: {  	s26 =	simm.s32 $execute0_lowered;
	[smem:$0x3FD2] =	sst s25  }
0xa6: {  	s5 =	sshll.u32 s26, $0x1;
	_ =	strace $0x8000004C;
	[dreg:$0x1] =	wrdreg $0xFFFFFFFF  }
0xa7: {  	s28 =	simm.s32 $_size_execute0_lowered;
	s3 =	sadd.s32 s3, s5;
	[dreg:$0x0] =	wrdreg $0x0  }
0xa8: {  	s5 =	sshll.u32 s28, $0x1;
	[dreg:$0x2] =	wrdreg s3  }
0xa9: {  	[dreg:$0x3] =	wrdreg s5  }
0xaa: {  	[dreg:$0x4] =	wrdreg $0xC0  }
0xab: {  	_ =	task [dreg:s7], $0x5FFFF  }
0xac: {  	[dreg:$0x1] =	wrdreg $0xFFFFFFFF  }
0xad: {  	[dreg:$0x0] =	wrdreg $0x60  }
0xae: {  	[dreg:$0x2] =	wrdreg s2  }
0xaf: {  	[dreg:$0x3] =	wrdreg s24  }
0xb0: {  	[dreg:$0x4] =	wrdreg $0xBC000  }
0xb1: {  	[dreg:$0x5] =	wrdreg $0x9  }
0xb2: {  	_ =	task.clear_ibuf [dreg:s7], $0x6FFFF;
	_ =	strace $0x9000004C  }
0xb3: {  	s29 =	simm.s32 $0x9;
	_ =	strace $0x8000004E  }
0xb4: {  	_ =	swait.ge [sflag:s29], $0x1  }
0xb5: {  	[sflag:s29] =	ssyncadd.s32 $0xFFFFFFFF  }
0xb6: {  	_ =	strace $0x9000004E  }
0xb7: {  	_ =	sfence  }
0xb8: {  	s30 =	sld [smem:$0x0];
	_ =	sdelay $0x2  }
0xb9: {  	s31 =	sshll.u32 s1, $0xD;
	s1 =	sshrl.u32 s1, $0x2  }
0xba: {  	s3 =	sand.u32 $0x4000, s31;
	s1 =	sadd.s32 s1, s30  }
0xbb: {  	s0 =	sor.u32 s3, s0;
	s1 =	sshll.u32 s1, $0x11  }
0xbc: {  	s0 =	sor.u32 s1, s0  }
0xbd: {  	s0 =	sadd.s32 $0x8F2B, s0  }
0xbe: {  	[sflag:s0] =	ssyncadd.remote.s32 $0x1  }
0xbf: {  	_ =	sfence.sel $0xFFFF  }
0xc0: {  	[dreg:$0x0] =	wrdreg $0xFFFFFFFF;
	(pc) =	sbr.abs _section_cstart, $3  }
0xc1: {  	[dreg:$0x1] =	wrdreg $0xFFFFFFFF  }
0xc2: {  	_ =	task.clear_ibuf [dreg:s7], $0x2FFFF;
	_ =	strace $0x9FFFFFFF  }
0xc3: {  	(tm) =	ssettm $0x7FFFFFFF  }
tec
execute0_lowered:
.L_overlay_start_1:
0x0: {  	(tag) =	ssettag $0x1  }
0x1: {  	s0 =	rddreg [dreg:$0x0]  }
0x2: {  	s1 =	srdreg.scid;
	s13 =	rddreg [dreg:$0x1]  }
0x3: {  	s2 =	rddreg [dreg:$0x2];
	s14 =	stileid.u32  }
0x4: {  	s3 =	simm.s32 $0x0;
	s24 =	simm.s32 $0x80;
	s25 =	simm.s32 $0x7C00  }
0x5: {  	s28 =	simm.s32 $0x3;
	s30 =	simm.s32 $0x2;
	s29 =	simm.s32 $0x0  }
0x6: {  	s1 =	sand.u32 $0x1, s1;
	[smem:$0x7FF] =	sst s3;
	s31 =	smul.u32 $0x4E000, s14  }
0x7: {  	s12 =	sadd.s32 $0xBC00, s13;
	s15 =	smul.u32 $0x13800, s14;
	s19 =	sadd.s32 $0x15A00, s13  }
0x8: {  	s9 =	sadd.s32 $0x138000, s2;
	p0 =	sne.s32 s14, $0x0;
	s4 =	sshll.u32 s1, $0x4  }
0x9: {  	_ =	strace $0x8000004D;
	s5 =	ssub.s32 $0x2, s1;
	s1 =	smul.u32 $0x138800, s1  }
0xa: {  	s23 =	sor.u32 s14, s4;
	s6 =	sshrl.u32 s5, $0x1;
	s4 =	sshrl.u32 s31, $0x2  }
0xb: {  	s16 =	sadd.s32 $0x4000, s15;
	s17 =	sadd.s32 $0x8000, s15;
	s18 =	sadd.s32 $0xC000, s15  }
0xc: {  	s20 =	sadd.s32 $0x10000, s15;
	s11 =	smul.u32 $0x500, s23;
	s21 =	ssub.s32 s5, s6  }
0xd: {  	s4 =	sadd.s32 s4, s2;
	s5 =	sadd.s32 s16, s2;
	s22 =	smul.u32 $0x2800, s23  }
0xe: {  	s6 =	sadd.s32 s17, s2;
	s7 =	sadd.s32 s18, s2;
	s8 =	sadd.s32 s20, s2  }
0xf: {  	s15 =	sadd.s32 s15, s1;
	s16 =	sadd.s32 s1, s16;
	s17 =	sadd.s32 s1, s17  }
0x10: {  	s18 =	sadd.s32 s1, s18;
	s20 =	sadd.s32 s1, s20;
	s1 =	sshrl.u32 s1, $0x3  }
0x11: {  	p1 =	seq.s32 s23, $0x1F;
	s23 =	simm.s32 $0x1;
	s15 =	sshrl.u32 s15, $0x3  }
0x12: {  	s16 =	sshrl.u32 s16, $0x3;
	s17 =	sshrl.u32 s17, $0x3;
	s18 =	sshrl.u32 s18, $0x3  }
0x13: {  	s20 =	sshrl.u32 s20, $0x3;
	s1 =	sadd.s32 s19, s1;
	s21 =	smax.u32 s21, $0x1  }
0x14: {  	s10 =	sadd.s32 s11, s13;
	s22 =	sshrl.u32 s22, $0x3;
	s11 =	sadd.s32 s12, s11  }
.Ltmp0:
0x15: {  	s15 =	sadd.s32 s19, s15;
	s16 =	sadd.s32 s19, s16;
	(pc) =	sbr.rel .LBB2_1-.Ltmp0, $4  }
0x16: {  	s17 =	sadd.s32 s19, s17;
	s18 =	sadd.s32 s19, s18;
	s19 =	sadd.s32 s19, s20  }
0x17: {  	s20 =	sadd.s32 $0x27000, s1;
	s1 =	simm.s32 $0x4;
	s22 =	sadd.s32 s12, s22  }
0x18: {  	s10 =	sadd.s32 $0x1E00, s10;
	s12 =	sadd.s32 $0xB900, s13;
	s22 =	sadd.s32 $0x280, s22  }
0x19: {  	v0 =	vimm.f32 $0.0e+00;
	s13 =	sadd.s32 $0x15700, s13;
	[dreg:$0x4] =	wrdreg s22;
	s22 =	simm.s32 $0x3C00  }
.LBB2_9:
0x1a: {  	_ =	swait.ge [sflag:s28], $0x4000  }
0x1b: {  	[sflag:s28] =	ssyncset.done $0x0  }
0x1c: {  	s14 =	simm.s32 $0x100;
	[sflag:s28] =	ssyncadd.s32 $0xFFFFC000  }
0x1d: {  	[tilespmem:s22], [sflag:$0x1] =	stream.indirect.gather [hbm4b:s0+s24], $0x80, s14, s24, $0xb8;
	[tilespmem:$0x1F480] =	vst v63  }
0x1e: {  	_ =	swait.ge [sflag:s30], $0x4000  }
0x1f: {  	[sflag:s30] =	ssyncset.done $0x0  }
0x20: {  	s31 =	simm.s32 $0x1480;
	[sflag:s30] =	ssyncadd.s32 $0xFFFFC000  }
0x21: {  	[spmem:s2] =	stream.indirect.scatter.add.f32 [tilespmem:s25], [sflag:$0x4], $0x80, s31, s24, $0xb8;
	[tilespmem:$0x1F480] =	vst v63  }
0x22: {  	_ =	swait.ge [sflag:s1], $0x4000  }
0x23: {  	[sflag:s1] =	ssyncset.done $0x0  }
0x24: {  	s26 =	simm.s32 $0x180;
	[sflag:s1] =	ssyncadd.s32 $0xFFFFC000  }
0x25: {  	[tilespmem:s25], [sflag:$0x2] =	stream.indirect.gather [hbm4b:s0+s24], $0x80, s26, s24, $0xb8;
	[tilespmem:$0x1F480] =	vst v63  }
0x26: {  	_ =	swait.ge [sflag:s23], $0x4000  }
0x27: {  	[sflag:s23] =	ssyncset.done $0x0  }
0x28: {  	s31 =	simm.s32 $0x1500;
	[sflag:s23] =	ssyncadd.s32 $0xFFFFC000  }
0x29: {  	[spmem:s2] =	stream.indirect.scatter.add.f32 [tilespmem:s22], [sflag:$0x3], $0x80, s31, s24, $0xb8;
	[tilespmem:$0x1F480] =	vst v63  }
0x2a: {  	_ =	swait.ge [sflag:s28], $0x4000  }
0x2b: {  	[sflag:s28] =	ssyncset.done $0x0  }
0x2c: {  	s26 =	simm.s32 $0x200;
	[sflag:s28] =	ssyncadd.s32 $0xFFFFC000  }
0x2d: {  	[tilespmem:s22], [sflag:$0x1] =	stream.indirect.gather [hbm4b:s0+s24], $0x80, s26, s24, $0xb8;
	[tilespmem:$0x1F480] =	vst v63  }
0x2e: {  	_ =	swait.ge [sflag:s30], $0x4000  }
0x2f: {  	[sflag:s30] =	ssyncset.done $0x0  }
0x30: {  	s31 =	simm.s32 $0x1580;
	[sflag:s30] =	ssyncadd.s32 $0xFFFFC000  }
0x31: {  	[spmem:s2] =	stream.indirect.scatter.add.f32 [tilespmem:s25], [sflag:$0x4], $0x80, s31, s24, $0xb8;
	[tilespmem:$0x1F480] =	vst v63  }
0x32: {  	_ =	swait.ge [sflag:s1], $0x4000  }
0x33: {  	[sflag:s1] =	ssyncset.done $0x0  }
0x34: {  	s26 =	simm.s32 $0x280;
	[sflag:s1] =	ssyncadd.s32 $0xFFFFC000  }
0x35: {  	[tilespmem:s25], [sflag:$0x2] =	stream.indirect.gather [hbm4b:s0+s24], $0x80, s26, s24, $0xb8;
	[tilespmem:$0x1F480] =	vst v63  }
0x36: {  	_ =	swait.ge [sflag:s23], $0x4000  }
0x37: {  	[sflag:s23] =	ssyncset.done $0x0  }
0x38: {  	s31 =	simm.s32 $0x1600;
	[sflag:s23] =	ssyncadd.s32 $0xFFFFC000  }
0x39: {  	[spmem:s2] =	stream.indirect.scatter.add.f32 [tilespmem:s22], [sflag:$0x3], $0x80, s31, s24, $0xb8;
	[tilespmem:$0x1F480] =	vst v63  }
0x3a: {  	_ =	swait.ge [sflag:s28], $0x4000  }
0x3b: {  	[sflag:s28] =	ssyncset.done $0x0  }
0x3c: {  	s26 =	simm.s32 $0x300;
	[sflag:s28] =	ssyncadd.s32 $0xFFFFC000  }
0x3d: {  	[tilespmem:s22], [sflag:$0x1] =	stream.indirect.gather [hbm4b:s0+s24], $0x80, s26, s24, $0xb8;
	[tilespmem:$0x1F480] =	vst v63  }
0x3e: {  	_ =	swait.ge [sflag:s30], $0x4000  }
0x3f: {  	[sflag:s30] =	ssyncset.done $0x0  }
0x40: {  	s31 =	simm.s32 $0x1680;
	[sflag:s30] =	ssyncadd.s32 $0xFFFFC000  }
0x41: {  	[spmem:s2] =	stream.indirect.scatter.add.f32 [tilespmem:s25], [sflag:$0x4], $0x80, s31, s24, $0xb8;
	[tilespmem:$0x1F480] =	vst v63  }
0x42: {  	_ =	swait.ge [sflag:s1], $0x4000  }
0x43: {  	[sflag:s1] =	ssyncset.done $0x0  }
0x44: {  	s26 =	simm.s32 $0x380;
	[sflag:s1] =	ssyncadd.s32 $0xFFFFC000  }
0x45: {  	[tilespmem:s25], [sflag:$0x2] =	stream.indirect.gather [hbm4b:s0+s24], $0x80, s26, s24, $0xb8;
	[tilespmem:$0x1F480] =	vst v63  }
0x46: {  	_ =	swait.ge [sflag:s23], $0x4000  }
0x47: {  	[sflag:s23] =	ssyncset.done $0x0  }
0x48: {  	s31 =	simm.s32 $0x1700;
	[sflag:s23] =	ssyncadd.s32 $0xFFFFC000  }
0x49: {  	[spmem:s2] =	stream.indirect.scatter.add.f32 [tilespmem:s22], [sflag:$0x3], $0x80, s31, s24, $0xb8;
	[tilespmem:$0x1F480] =	vst v63  }
0x4a: {  	_ =	swait.ge [sflag:s28], $0x4000  }
0x4b: {  	[sflag:s28] =	ssyncset.done $0x0  }
0x4c: {  	s26 =	simm.s32 $0x400;
	[sflag:s28] =	ssyncadd.s32 $0xFFFFC000  }
0x4d: {  	[tilespmem:s22], [sflag:$0x1] =	stream.indirect.gather [hbm4b:s0+s24], $0x80, s26, s24, $0xb8;
	[tilespmem:$0x1F480] =	vst v63  }
0x4e: {  	_ =	swait.ge [sflag:s30], $0x4000  }
0x4f: {  	[sflag:s30] =	ssyncset.done $0x0  }
0x50: {  	s31 =	simm.s32 $0x1780;
	[sflag:s30] =	ssyncadd.s32 $0xFFFFC000  }
0x51: {  	[spmem:s2] =	stream.indirect.scatter.add.f32 [tilespmem:s25], [sflag:$0x4], $0x80, s31, s24, $0xb8;
	[tilespmem:$0x1F480] =	vst v63  }
0x52: {  	_ =	swait.ge [sflag:s1], $0x4000  }
0x53: {  	[sflag:s1] =	ssyncset.done $0x0  }
0x54: {  	s26 =	simm.s32 $0x480;
	[sflag:s1] =	ssyncadd.s32 $0xFFFFC000  }
0x55: {  	[tilespmem:s25], [sflag:$0x2] =	stream.indirect.gather [hbm4b:s0+s24], $0x80, s26, s24, $0xb8;
	[tilespmem:$0x1F480] =	vst v63  }
0x56: {  	_ =	swait.ge [sflag:s23], $0x4000  }
0x57: {  	[sflag:s23] =	ssyncset.done $0x0  }
0x58: {  	s31 =	simm.s32 $0x1800;
	[sflag:s23] =	ssyncadd.s32 $0xFFFFC000  }
0x59: {  	[spmem:s2] =	stream.indirect.scatter.add.f32 [tilespmem:s22], [sflag:$0x3], $0x80, s31, s24, $0xb8;
	[tilespmem:$0x1F480] =	vst v63  }
0x5a: {  	_ =	swait.ge [sflag:s28], $0x4000  }
0x5b: {  	[sflag:s28] =	ssyncset.done $0x0  }
0x5c: {  	s26 =	simm.s32 $0x500;
	[sflag:s28] =	ssyncadd.s32 $0xFFFFC000  }
0x5d: {  	[tilespmem:s22], [sflag:$0x1] =	stream.indirect.gather [hbm4b:s0+s24], $0x80, s26, s24, $0xb8;
	[tilespmem:$0x1F480] =	vst v63  }
0x5e: {  	_ =	swait.ge [sflag:s30], $0x4000  }
0x5f: {  	[sflag:s30] =	ssyncset.done $0x0  }
0x60: {  	s31 =	simm.s32 $0x1880;
	[sflag:s30] =	ssyncadd.s32 $0xFFFFC000  }
0x61: {  	[spmem:s2] =	stream.indirect.scatter.add.f32 [tilespmem:s25], [sflag:$0x4], $0x80, s31, s24, $0xb8;
	[tilespmem:$0x1F480] =	vst v63  }
0x62: {  	_ =	swait.ge [sflag:s1], $0x4000  }
0x63: {  	[sflag:s1] =	ssyncset.done $0x0  }
0x64: {  	s26 =	simm.s32 $0x580;
	[sflag:s1] =	ssyncadd.s32 $0xFFFFC000  }
0x65: {  	[tilespmem:s25], [sflag:$0x2] =	stream.indirect.gather [hbm4b:s0+s24], $0x80, s26, s24, $0xb8;
	[tilespmem:$0x1F480] =	vst v63  }
0x66: {  	_ =	swait.ge [sflag:s23], $0x4000  }
0x67: {  	[sflag:s23] =	ssyncset.done $0x0  }
0x68: {  	s31 =	simm.s32 $0x1900;
	[sflag:s23] =	ssyncadd.s32 $0xFFFFC000  }
0x69: {  	[spmem:s2] =	stream.indirect.scatter.add.f32 [tilespmem:s22], [sflag:$0x3], $0x80, s31, s24, $0xb8;
	[tilespmem:$0x1F480] =	vst v63  }
0x6a: {  	_ =	swait.ge [sflag:s28], $0x4000  }
0x6b: {  	[sflag:s28] =	ssyncset.done $0x0  }
0x6c: {  	s26 =	simm.s32 $0x600;
	[sflag:s28] =	ssyncadd.s32 $0xFFFFC000  }
0x6d: {  	[tilespmem:s22], [sflag:$0x1] =	stream.indirect.gather [hbm4b:s0+s24], $0x80, s26, s24, $0xb8;
	[tilespmem:$0x1F480] =	vst v63  }
0x6e: {  	_ =	swait.ge [sflag:s30], $0x4000  }
0x6f: {  	[sflag:s30] =	ssyncset.done $0x0  }
0x70: {  	s31 =	simm.s32 $0x1980;
	[sflag:s30] =	ssyncadd.s32 $0xFFFFC000  }
0x71: {  	[spmem:s2] =	stream.indirect.scatter.add.f32 [tilespmem:s25], [sflag:$0x4], $0x80, s31, s24, $0xb8;
	[tilespmem:$0x1F480] =	vst v63  }
0x72: {  	_ =	swait.ge [sflag:s1], $0x4000  }
0x73: {  	[sflag:s1] =	ssyncset.done $0x0  }
0x74: {  	s26 =	simm.s32 $0x680;
	[sflag:s1] =	ssyncadd.s32 $0xFFFFC000  }
0x75: {  	[tilespmem:s25], [sflag:$0x2] =	stream.indirect.gather [hbm4b:s0+s24], $0x80, s26, s24, $0xb8;
	[tilespmem:$0x1F480] =	vst v63  }
0x76: {  	_ =	swait.ge [sflag:s23], $0x4000  }
0x77: {  	[sflag:s23] =	ssyncset.done $0x0  }
0x78: {  	s31 =	simm.s32 $0x1A00;
	[sflag:s23] =	ssyncadd.s32 $0xFFFFC000  }
0x79: {  	[spmem:s2] =	stream.indirect.scatter.add.f32 [tilespmem:s22], [sflag:$0x3], $0x80, s31, s24, $0xb8;
	[tilespmem:$0x1F480] =	vst v63  }
0x7a: {  	_ =	swait.ge [sflag:s28], $0x4000  }
0x7b: {  	[sflag:s28] =	ssyncset.done $0x0  }
0x7c: {  	s26 =	simm.s32 $0x700;
	[sflag:s28] =	ssyncadd.s32 $0xFFFFC000  }
0x7d: {  	[tilespmem:s22], [sflag:$0x1] =	stream.indirect.gather [hbm4b:s0+s24], $0x80, s26, s24, $0xb8;
	[tilespmem:$0x1F480] =	vst v63  }
0x7e: {  	_ =	swait.ge [sflag:s30], $0x4000  }
0x7f: {  	[sflag:s30] =	ssyncset.done $0x0  }
0x80: {  	s31 =	simm.s32 $0x1A80;
	[sflag:s30] =	ssyncadd.s32 $0xFFFFC000  }
0x81: {  	[spmem:s2] =	stream.indirect.scatter.add.f32 [tilespmem:s25], [sflag:$0x4], $0x80, s31, s24, $0xb8;
	[tilespmem:$0x1F480] =	vst v63  }
0x82: {  	_ =	swait.ge [sflag:s1], $0x4000  }
0x83: {  	[sflag:s1] =	ssyncset.done $0x0  }
0x84: {  	s26 =	simm.s32 $0x780;
	[sflag:s1] =	ssyncadd.s32 $0xFFFFC000  }
0x85: {  	[tilespmem:s25], [sflag:$0x2] =	stream.indirect.gather [hbm4b:s0+s24], $0x80, s26, s24, $0xb8;
	[tilespmem:$0x1F480] =	vst v63  }
0x86: {  	_ =	swait.ge [sflag:s23], $0x4000  }
0x87: {  	[sflag:s23] =	ssyncset.done $0x0  }
0x88: {  	s31 =	simm.s32 $0x1B00;
	[sflag:s23] =	ssyncadd.s32 $0xFFFFC000  }
0x89: {  	[spmem:s2] =	stream.indirect.scatter.add.f32 [tilespmem:s22], [sflag:$0x3], $0x80, s31, s24, $0xb8;
	[tilespmem:$0x1F480] =	vst v63  }
0x8a: {  	_ =	swait.ge [sflag:s28], $0x4000  }
0x8b: {  	[sflag:s28] =	ssyncset.done $0x0  }
0x8c: {  	s26 =	simm.s32 $0x800;
	[sflag:s28] =	ssyncadd.s32 $0xFFFFC000  }
0x8d: {  	[tilespmem:s22], [sflag:$0x1] =	stream.indirect.gather [hbm4b:s0+s24], $0x80, s26, s24, $0xb8;
	[tilespmem:$0x1F480] =	vst v63  }
0x8e: {  	_ =	swait.ge [sflag:s30], $0x4000  }
0x8f: {  	[sflag:s30] =	ssyncset.done $0x0  }
0x90: {  	s31 =	simm.s32 $0x1B80;
	[sflag:s30] =	ssyncadd.s32 $0xFFFFC000  }
0x91: {  	[spmem:s2] =	stream.indirect.scatter.add.f32 [tilespmem:s25], [sflag:$0x4], $0x80, s31, s24, $0xb8;
	[tilespmem:$0x1F480] =	vst v63  }
0x92: {  	_ =	swait.ge [sflag:s1], $0x4000  }
0x93: {  	[sflag:s1] =	ssyncset.done $0x0  }
0x94: {  	s26 =	simm.s32 $0x880;
	[sflag:s1] =	ssyncadd.s32 $0xFFFFC000  }
0x95: {  	[tilespmem:s25], [sflag:$0x2] =	stream.indirect.gather [hbm4b:s0+s24], $0x80, s26, s24, $0xb8;
	[tilespmem:$0x1F480] =	vst v63  }
0x96: {  	_ =	swait.ge [sflag:s23], $0x4000  }
0x97: {  	[sflag:s23] =	ssyncset.done $0x0  }
0x98: {  	s31 =	simm.s32 $0x1C00;
	[sflag:s23] =	ssyncadd.s32 $0xFFFFC000  }
0x99: {  	[spmem:s2] =	stream.indirect.scatter.add.f32 [tilespmem:s22], [sflag:$0x3], $0x80, s31, s24, $0xb8;
	[tilespmem:$0x1F480] =	vst v63  }
0x9a: {  	_ =	swait.ge [sflag:s28], $0x4000  }
0x9b: {  	[sflag:s28] =	ssyncset.done $0x0  }
0x9c: {  	s26 =	simm.s32 $0x900;
	[sflag:s28] =	ssyncadd.s32 $0xFFFFC000  }
0x9d: {  	[tilespmem:s22], [sflag:$0x1] =	stream.indirect.gather [hbm4b:s0+s24], $0x80, s26, s24, $0xb8;
	[tilespmem:$0x1F480] =	vst v63  }
0x9e: {  	_ =	swait.ge [sflag:s30], $0x4000  }
0x9f: {  	[sflag:s30] =	ssyncset.done $0x0  }
0xa0: {  	s31 =	simm.s32 $0x1C80;
	[sflag:s30] =	ssyncadd.s32 $0xFFFFC000  }
0xa1: {  	[spmem:s2] =	stream.indirect.scatter.add.f32 [tilespmem:s25], [sflag:$0x4], $0x80, s31, s24, $0xb8;
	[tilespmem:$0x1F480] =	vst v63  }
0xa2: {  	_ =	swait.ge [sflag:s1], $0x4000  }
0xa3: {  	[sflag:s1] =	ssyncset.done $0x0  }
0xa4: {  	s26 =	simm.s32 $0x980;
	[sflag:s1] =	ssyncadd.s32 $0xFFFFC000  }
0xa5: {  	[tilespmem:s25], [sflag:$0x2] =	stream.indirect.gather [hbm4b:s0+s24], $0x80, s26, s24, $0xb8;
	[tilespmem:$0x1F480] =	vst v63  }
0xa6: {  	_ =	swait.ge [sflag:s23], $0x4000  }
0xa7: {  	[sflag:s23] =	ssyncset.done $0x0  }
0xa8: {  	s14 =	simm.s32 $0x1D80;
	s31 =	simm.s32 $0x1D00;
	[sflag:s23] =	ssyncadd.s32 $0xFFFFC000  }
0xa9: {  	[spmem:s2] =	stream.indirect.scatter.add.f32 [tilespmem:s22], [sflag:$0x3], $0x80, s31, s24, $0xb8;
	[tilespmem:$0x1F480] =	vst v63  }
.LBB2_10:
0xaa: {  	_ =	swait.ge [sflag:s30], $0x4000  }
0xab: {  	[sflag:s30] =	ssyncset.done $0x0  }
0xac: {  	[sflag:s30] =	ssyncadd.s32 $0xFFFFC000  }
0xad: {  	[spmem:s2] =	stream.indirect.scatter.add.f32 [tilespmem:s25], [sflag:$0x4], $0x80, s14, s24, $0xb8;
	[tilespmem:$0x1F480] =	vst v63  }
0xae: {  	_ =	swait.ge [sflag:s28], $0x4000  }
0xaf: {  	[sflag:s28] =	ssyncset.done $0x0  }
0xb0: {  	[sflag:s28] =	ssyncadd.s32 $0xFFFFC000  }
0xb1: {  	_ =	swait.ge [sflag:s1], $0x4000  }
0xb2: {  	[sflag:s1] =	ssyncset.done $0x0  }
0xb3: {  	[sflag:s1] =	ssyncadd.s32 $0xFFFFC000  }
0xb4: {  	[bflag:$0x0] =	sbarrier.arrive $0xFFFF  }
0xb5: {  	[tilespmem:s22], [sflag:$0x1] =	stream.linear.gather [spmem:s4], $0x4000, $0x38;
	[tilespmem:$0x1F480] =	vst v63  }
0xb6: {  	_ = 	snop  }
0xb7: {  	[tilespmem:s25], [sflag:$0x2] =	stream.linear.gather [spmem:s5], $0x4000, $0x38;
	[tilespmem:$0x1F480] =	vst v63  }
0xb8: {  	_ =	swait.ge [sflag:s23], $0x4000  }
0xb9: {  	[sflag:s23] =	ssyncset.done $0x0  }
0xba: {  	[sflag:s23] =	ssyncadd.s32 $0xFFFFC000  }
0xbb: {  	[hbm4b:s15+s3] =	stream.linear.scatter [tilespmem:s22], [sflag:$0x3], $0x4000, $0x38;
	[tilespmem:$0x1F480] =	vst v63  }
0xbc: {  	_ =	swait.ge [sflag:s28], $0x4000  }
0xbd: {  	[sflag:s28] =	ssyncset.done $0x0  }
0xbe: {  	[sflag:s28] =	ssyncadd.s32 $0xFFFFC000  }
0xbf: {  	[tilespmem:s22], [sflag:$0x1] =	stream.linear.gather [spmem:s6], $0x4000, $0x38;
	[tilespmem:$0x1F480] =	vst v63  }
0xc0: {  	_ =	swait.ge [sflag:s30], $0x4000  }
0xc1: {  	[sflag:s30] =	ssyncset.done $0x0  }
0xc2: {  	[sflag:s30] =	ssyncadd.s32 $0xFFFFC000  }
0xc3: {  	[hbm4b:s16+s3] =	stream.linear.scatter [tilespmem:s25], [sflag:$0x4], $0x4000, $0x38;
	[tilespmem:$0x1F480] =	vst v63  }
0xc4: {  	_ =	swait.ge [sflag:s1], $0x4000  }
0xc5: {  	[sflag:s1] =	ssyncset.done $0x0  }
0xc6: {  	[sflag:s1] =	ssyncadd.s32 $0xFFFFC000  }
0xc7: {  	[tilespmem:s25], [sflag:$0x2] =	stream.linear.gather [spmem:s7], $0x4000, $0x38;
	[tilespmem:$0x1F480] =	vst v63  }
0xc8: {  	_ =	swait.ge [sflag:s23], $0x4000  }
0xc9: {  	[sflag:s23] =	ssyncset.done $0x0  }
0xca: {  	[sflag:s23] =	ssyncadd.s32 $0xFFFFC000  }
0xcb: {  	[hbm4b:s17+s3] =	stream.linear.scatter [tilespmem:s22], [sflag:$0x3], $0x4000, $0x38;
	[tilespmem:$0x1F480] =	vst v63  }
0xcc: {  	_ =	swait.ge [sflag:s28], $0x4000  }
0xcd: {  	[sflag:s28] =	ssyncset.done $0x0  }
0xce: {  	[sflag:s28] =	ssyncadd.s32 $0xFFFFC000  }
0xcf: {  	[tilespmem:s22], [sflag:$0x1] =	stream.linear.gather [spmem:s8], $0x3800, $0x38;
	[tilespmem:$0x1F480] =	vst v63  }
0xd0: {  	_ =	swait.ge [sflag:s30], $0x4000  }
0xd1: {  	[sflag:s30] =	ssyncset.done $0x0  }
0xd2: {  	[sflag:s30] =	ssyncadd.s32 $0xFFFFC000  }
0xd3: {  	[hbm4b:s18+s3] =	stream.linear.scatter [tilespmem:s25], [sflag:$0x4], $0x4000, $0x38;
	[tilespmem:$0x1F480] =	vst v63  }
0xd4: {  	_ =	swait.ge [sflag:s23], $0x3800  }
0xd5: {  	[sflag:s23] =	ssyncset.done $0x0  }
0xd6: {  	[sflag:s23] =	ssyncadd.s32 $0xFFFFC800  }
0xd7: {  	[hbm4b:s19+s3] =	stream.linear.scatter [tilespmem:s22], [sflag:$0x3], $0x3800, $0x38;
	[tilespmem:$0x1F480] =	vst v63  }
0xd8: {  	_ =	swait.ge [sflag:s1], $0x4000  }
0xd9: {  	[sflag:s1] =	ssyncset.done $0x0  }
0xda: {  	[sflag:s1] =	ssyncadd.s32 $0xFFFFC000  }
0xdb: {  	_ =	swait.ge [sflag:s28], $0x3800  }
0xdc: {  	[sflag:s28] =	ssyncset.done $0x0  }
0xdd: {  	s26 =	simm.s32 @!p0 $0x5;
	s14 =	simm.s32 @!p0 $0x3C00;
	[sflag:s28] =	ssyncadd.s32 $0xFFFFC800  }
0xde: {  	[tilespmem:s14], [sflag:$0x5] =	stream.linear.gather @!p0 [spmem:s9], $0x800, $0x38;
	[tilespmem:$0x1F480] =	vst v63  }
0xdf: {  	s29 =	sadd.s32 $0x1, s29;
	_ =	swait.ge @!p0 [sflag:s26], $0x800  }
0xe0: {  	p2 =	sne.s32 s29, s21;
	[sflag:s26] =	ssyncset.done @!p0 $0x0  }
.Ltmp1:
0xe1: {  	s31 =	simm.s32 @!p0 $0x0;
	[sflag:s26] =	ssyncadd.s32 @!p0 $0xFFFFF800;
	(pc) =	sbr.rel @!p2 .LBB2_11-.Ltmp1, $4  }
0xe2: {  	[hbm4b:s20+s31] =	stream.linear.scatter @!p0 [tilespmem:s14], [sflag:$0x5], $0x800, $0x38;
	[tilespmem:$0x1F480] =	vst v63  }
0xe3: {  	_ =	swait.ge @!p0 [sflag:s26], $0x800  }
0xe4: {  	[sflag:s26] =	ssyncset.done @!p0 $0x0  }
0xe5: {  	[sflag:s26] =	ssyncadd.s32 @!p0 $0xFFFFF800  }
.LBB2_1:
0xe6: {  	s14 =	simm.s32 $0x0;
	s26 =	simm.s32 $0x200  }
.LBB2_2:
0xe7: {  	p2 =	sne.s32 s26, $0xFE00;
	[tilespmem:s14+$0x3C70] =	vst v0  }
0xe8: {  	[tilespmem:s14+$0x3C00] =	vst v0  }
0xe9: {  	[tilespmem:s14+$0x3C10] =	vst v0  }
.Ltmp2:
0xea: {  	[tilespmem:s14+$0x3C20] =	vst v0;
	(pc) =	sbr.rel @p2 .LBB2_2-.Ltmp2, $4  }
0xeb: {  	[tilespmem:s14+$0x3C30] =	vst v0  }
0xec: {  	[tilespmem:s14+$0x3C40] =	vst v0  }
0xed: {  	[tilespmem:s14+$0x3C50] =	vst v0  }
0xee: {  	[tilespmem:s14+$0x3C60] =	vst v0;
	s14 =	sshra.s32 s26, $0x2;
	s26 =	sadd.s32 $0x200, s26  }
0xef: {  	[tilespmem:s14+$0x3C70] =	vst v0  }
0xf0: {  	[tilespmem:s14+$0x3C00] =	vst v0  }
0xf1: {  	[tilespmem:s14+$0x3C10] =	vst v0  }
0xf2: {  	[tilespmem:s14+$0x3C20] =	vst v0  }
0xf3: {  	[tilespmem:s14+$0x3C30] =	vst v0  }
0xf4: {  	[tilespmem:s14+$0x3C40] =	vst v0  }
0xf5: {  	[tilespmem:s14+$0x3C50] =	vst v0  }
0xf6: {  	[tilespmem:s14+$0x3C60] =	vst v0  }
0xf7: {  	[spmem:s4] =	stream.linear.scatter [tilespmem:s22], [sflag:$0x1], $0x4000, $0x38;
	[tilespmem:$0x1F480] =	vst v63  }
0xf8: {  	_ = 	snop  }
0xf9: {  	[spmem:s5] =	stream.linear.scatter [tilespmem:s22], [sflag:$0x1], $0x4000, $0x38;
	[tilespmem:$0x1F480] =	vst v63  }
0xfa: {  	_ = 	snop  }
0xfb: {  	[spmem:s6] =	stream.linear.scatter [tilespmem:s22], [sflag:$0x1], $0x4000, $0x38;
	[tilespmem:$0x1F480] =	vst v63  }
0xfc: {  	_ = 	snop  }
0xfd: {  	[spmem:s7] =	stream.linear.scatter [tilespmem:s22], [sflag:$0x1], $0x4000, $0x38;
	[tilespmem:$0x1F480] =	vst v63  }
0xfe: {  	_ = 	snop  }
0xff: {  	[spmem:s8] =	stream.linear.scatter [tilespmem:s22], [sflag:$0x1], $0x3800, $0x38;
	[tilespmem:$0x1F480] =	vst v63  }
0x100: {  	s14 =	simm.s32 @!p0 $0x3C00  }
0x101: {  	[spmem:s9] =	stream.linear.scatter @!p0 [tilespmem:s14], [sflag:$0x2], $0x800, $0x38;
	[tilespmem:$0x1F480] =	vst v63  }
0x102: {  	s14 =	simm.s32 @!p0 $0x2  }
0x103: {  	_ =	swait.ge @!p0 [sflag:s14], $0x800  }
0x104: {  	[sflag:s14] =	ssyncset.done @!p0 $0x0  }
0x105: {  	s26 =	simm.s32 @p1 $0x1400;
	[sflag:s14] =	ssyncadd.s32 @!p0 $0xFFFFF800;
	s14 =	simm.s32 @p1 $0x0  }
0x106: {  	[tilespmem:s26], [sflag:$0x5] =	stream.linear.gather @p1 [hbm4b:s12+s14], $0xA00, $0x38;
	[tilespmem:$0x1F480] =	vst v63  }
0x107: {  	s26 =	simm.s32 @p1 $0x5  }
0x108: {  	_ =	swait.ge @p1 [sflag:s26], $0xA00  }
0x109: {  	[sflag:s26] =	ssyncset.done @p1 $0x0  }
0x10a: {  	[sflag:s26] =	ssyncadd.s32 @p1 $0xFFFFF600  }
0x10b: {  	[tilespmem:s14], [sflag:$0x5] =	stream.linear.gather @p1 [hbm4b:s13+s14], $0xA00, $0x38;
	[tilespmem:$0x1F480] =	vst v63  }
0x10c: {  	_ =	swait.ge @p1 [sflag:s26], $0xA00  }
0x10d: {  	[sflag:s26] =	ssyncset.done @p1 $0x0  }
0x10e: {  	s14 =	simm.s32 @!p1 $0x0;
	[sflag:s26] =	ssyncadd.s32 @p1 $0xFFFFF600;
	s26 =	simm.s32 @!p1 $0x1400  }
0x10f: {  	[tilespmem:s26], [sflag:$0x5] =	stream.linear.gather @!p1 [hbm4b:s10+s14], $0x2800, $0x38;
	[tilespmem:$0x1F480] =	vst v63  }
0x110: {  	s26 =	simm.s32 @!p1 $0x5  }
0x111: {  	_ =	swait.ge @!p1 [sflag:s26], $0x2800  }
0x112: {  	[sflag:s26] =	ssyncset.done @!p1 $0x0  }
0x113: {  	[sflag:s26] =	ssyncadd.s32 @!p1 $0xFFFFD800  }
0x114: {  	[tilespmem:s14], [sflag:$0x5] =	stream.linear.gather @!p1 [hbm4b:s11+s14], $0x1400, $0x38;
	[tilespmem:$0x1F480] =	vst v63  }
0x115: {  	_ =	swait.ge @!p1 [sflag:s26], $0x1400  }
0x116: {  	[sflag:s26] =	ssyncset.done @!p1 $0x0  }
0x117: {  	[sflag:s26] =	ssyncadd.s32 @!p1 $0xFFFFEC00  }
0x118: {  	_ =	swait.ge [sflag:s23], $0x4000  }
0x119: {  	[sflag:s23] =	ssyncset.done $0x0  }
0x11a: {  	[sflag:s23] =	ssyncadd.s32 $0xFFFFC000  }
0x11b: {  	_ =	swait.ge [sflag:s23], $0x4000  }
0x11c: {  	[sflag:s23] =	ssyncset.done $0x0  }
0x11d: {  	[sflag:s23] =	ssyncadd.s32 $0xFFFFC000  }
0x11e: {  	_ =	swait.ge [sflag:s23], $0x4000  }
0x11f: {  	[sflag:s23] =	ssyncset.done $0x0  }
0x120: {  	[sflag:s23] =	ssyncadd.s32 $0xFFFFC000  }
0x121: {  	_ =	swait.ge [sflag:s23], $0x4000  }
0x122: {  	[sflag:s23] =	ssyncset.done $0x0  }
0x123: {  	[sflag:s23] =	ssyncadd.s32 $0xFFFFC000  }
0x124: {  	_ =	swait.ge [sflag:s23], $0x3800  }
0x125: {  	[sflag:s23] =	ssyncset.done $0x0  }
0x126: {  	[sflag:s23] =	ssyncadd.s32 $0xFFFFC800  }
0x127: {  	[tilespmem:s22], [sflag:$0x1] =	stream.indirect.gather [hbm4b:s0+s24], $0x80, s3, s24, $0xb8;
	[tilespmem:$0x1F480] =	vst v63  }
0x128: {  	_ = 	snop  }
0x129: {  	[tilespmem:s25], [sflag:$0x2] =	stream.indirect.gather [hbm4b:s0+s24], $0x80, s24, s24, $0xb8;
	[tilespmem:$0x1F480] =	vst v63  }
.Ltmp3:
0x12a: {  	[bflag:$0x0] =	sbarrier.arrive $0xFFFF;
	(pc) =	sbr.rel @p1 .LBB2_9-.Ltmp3, $4  }
0x12b: {  	_ =	swait.ge [sflag:s23], $0x4000  }
0x12c: {  	[sflag:s23] =	ssyncset.done $0x0  }
0x12d: {  	s31 =	simm.s32 $0x1400;
	[sflag:s23] =	ssyncadd.s32 $0xFFFFC000  }
0x12e: {  	[spmem:s2] =	stream.indirect.scatter.add.f32 [tilespmem:s22], [sflag:$0x3], $0x80, s31, s24, $0xb8;
	[tilespmem:$0x1F480] =	vst v63  }
0x12f: {  	_ =	swait.ge [sflag:s28], $0x4000  }
0x130: {  	[sflag:s28] =	ssyncset.done $0x0  }
0x131: {  	s14 =	simm.s32 $0x100;
	[sflag:s28] =	ssyncadd.s32 $0xFFFFC000  }
0x132: {  	[tilespmem:s22], [sflag:$0x1] =	stream.indirect.gather [hbm4b:s0+s24], $0x80, s14, s24, $0xb8;
	[tilespmem:$0x1F480] =	vst v63  }
0x133: {  	_ =	swait.ge [sflag:s30], $0x4000  }
0x134: {  	[sflag:s30] =	ssyncset.done $0x0  }
0x135: {  	s26 =	simm.s32 $0x1480;
	[sflag:s30] =	ssyncadd.s32 $0xFFFFC000  }
0x136: {  	[spmem:s2] =	stream.indirect.scatter.add.f32 [tilespmem:s25], [sflag:$0x4], $0x80, s26, s24, $0xb8;
	[tilespmem:$0x1F480] =	vst v63  }
0x137: {  	_ =	swait.ge [sflag:s1], $0x4000  }
0x138: {  	[sflag:s1] =	ssyncset.done $0x0  }
0x139: {  	s31 =	simm.s32 $0x180;
	[sflag:s1] =	ssyncadd.s32 $0xFFFFC000  }
0x13a: {  	[tilespmem:s25], [sflag:$0x2] =	stream.indirect.gather [hbm4b:s0+s24], $0x80, s31, s24, $0xb8;
	[tilespmem:$0x1F480] =	vst v63  }
0x13b: {  	_ =	swait.ge [sflag:s23], $0x4000  }
0x13c: {  	[sflag:s23] =	ssyncset.done $0x0  }
0x13d: {  	s14 =	simm.s32 $0xFFFFB800;
	s26 =	simm.s32 $0x1500;
	[sflag:s23] =	ssyncadd.s32 $0xFFFFC000  }
.LBB2_5:
0x13e: {  	[spmem:s2] =	stream.indirect.scatter.add.f32 [tilespmem:s22], [sflag:$0x3], $0x80, s26, s24, $0xb8;
	[tilespmem:$0x1F480] =	vst v63  }
0x13f: {  	s26 =	smov.u32 s14  }
0x140: {  	p2 =	sne.s32 s14, $0xFFFFFC00;
	s14 =	sadd.s32 $0x400, s14;
	_ =	swait.ge [sflag:s28], $0x4000  }
0x141: {  	s26 =	sshra.s32 s26, $0x2;
	[sflag:s28] =	ssyncset.done $0x0  }
0x142: {  	s31 =	sadd.s32 $0x1400, s26;
	[sflag:s28] =	ssyncadd.s32 $0xFFFFC000  }
0x143: {  	[tilespmem:s22], [sflag:$0x1] =	stream.indirect.gather [hbm4b:s0+s24], $0x80, s31, s24, $0xb8;
	[tilespmem:$0x1F480] =	vst v63  }
0x144: {  	_ =	swait.ge [sflag:s30], $0x4000  }
0x145: {  	[sflag:s30] =	ssyncset.done $0x0  }
0x146: {  	s31 =	sadd.s32 $0x2780, s26;
	[sflag:s30] =	ssyncadd.s32 $0xFFFFC000  }
0x147: {  	[spmem:s2] =	stream.indirect.scatter.add.f32 [tilespmem:s25], [sflag:$0x4], $0x80, s31, s24, $0xb8;
	[tilespmem:$0x1F480] =	vst v63  }
0x148: {  	_ =	swait.ge [sflag:s1], $0x4000  }
0x149: {  	[sflag:s1] =	ssyncset.done $0x0  }
.Ltmp4:
0x14a: {  	s31 =	sadd.s32 $0x1480, s26;
	[sflag:s1] =	ssyncadd.s32 $0xFFFFC000;
	(pc) =	sbr.rel @p2 .LBB2_5-.Ltmp4, $4  }
0x14b: {  	[tilespmem:s25], [sflag:$0x2] =	stream.indirect.gather [hbm4b:s0+s24], $0x80, s31, s24, $0xb8;
	[tilespmem:$0x1F480] =	vst v63  }
0x14c: {  	_ =	swait.ge [sflag:s23], $0x4000  }
0x14d: {  	[sflag:s23] =	ssyncset.done $0x0  }
0x14e: {  	s26 =	sadd.s32 $0x2800, s26;
	[sflag:s23] =	ssyncadd.s32 $0xFFFFC000  }
0x14f: {  	[spmem:s2] =	stream.indirect.scatter.add.f32 [tilespmem:s22], [sflag:$0x3], $0x80, s26, s24, $0xb8;
	[tilespmem:$0x1F480] =	vst v63  }
0x150: {  	_ =	swait.ge [sflag:s30], $0x4000  }
0x151: {  	[sflag:s30] =	ssyncset.done $0x0  }
0x152: {  	s14 =	simm.s32 $0x2780;
	[sflag:s30] =	ssyncadd.s32 $0xFFFFC000  }
0x153: {  	[spmem:s2] =	stream.indirect.scatter.add.f32 [tilespmem:s25], [sflag:$0x4], $0x80, s14, s24, $0xb8;
	[tilespmem:$0x1F480] =	vst v63  }
0x154: {  	_ =	swait.ge [sflag:s28], $0x4000  }
0x155: {  	[sflag:s28] =	ssyncset.done $0x0  }
0x156: {  	[sflag:s28] =	ssyncadd.s32 $0xFFFFC000  }
0x157: {  	_ =	swait.ge [sflag:s1], $0x4000  }
0x158: {  	[sflag:s1] =	ssyncset.done $0x0  }
0x159: {  	s31 =	simm.s32 $0x5;
	s26 =	rddreg [dreg:$0x4];
	[sflag:s1] =	ssyncadd.s32 $0xFFFFC000  }
0x15a: {  	[tilespmem:s3], [sflag:$0x5] =	stream.linear.gather [hbm4b:s26+s3], $0x1400, $0x38;
	[tilespmem:$0x1F480] =	vst v63  }
0x15b: {  	_ =	swait.ge [sflag:s31], $0x1400  }
0x15c: {  	[sflag:s31] =	ssyncset.done $0x0  }
0x15d: {  	[sflag:s31] =	ssyncadd.s32 $0xFFFFEC00  }
0x15e: {  	[tilespmem:s22], [sflag:$0x1] =	stream.indirect.gather [hbm4b:s0+s24], $0x80, s3, s24, $0xb8;
	[tilespmem:$0x1F480] =	vst v63  }
0x15f: {  	_ = 	snop  }
0x160: {  	[tilespmem:s25], [sflag:$0x2] =	stream.indirect.gather [hbm4b:s0+s24], $0x80, s24, s24, $0xb8;
	[tilespmem:$0x1F480] =	vst v63  }
0x161: {  	_ =	swait.ge [sflag:s23], $0x4000  }
0x162: {  	[sflag:s23] =	ssyncset.done $0x0  }
0x163: {  	s26 =	simm.s32 $0x2800;
	[sflag:s23] =	ssyncadd.s32 $0xFFFFC000  }
0x164: {  	[spmem:s2] =	stream.indirect.scatter.add.f32 [tilespmem:s22], [sflag:$0x3], $0x80, s26, s24, $0xb8;
	[tilespmem:$0x1F480] =	vst v63  }
0x165: {  	_ =	swait.ge [sflag:s28], $0x4000  }
0x166: {  	[sflag:s28] =	ssyncset.done $0x0  }
0x167: {  	s31 =	simm.s32 $0x100;
	[sflag:s28] =	ssyncadd.s32 $0xFFFFC000  }
0x168: {  	[tilespmem:s22], [sflag:$0x1] =	stream.indirect.gather [hbm4b:s0+s24], $0x80, s31, s24, $0xb8;
	[tilespmem:$0x1F480] =	vst v63  }
0x169: {  	_ =	swait.ge [sflag:s30], $0x4000  }
0x16a: {  	[sflag:s30] =	ssyncset.done $0x0  }
0x16b: {  	s26 =	simm.s32 $0x2880;
	[sflag:s30] =	ssyncadd.s32 $0xFFFFC000  }
0x16c: {  	[spmem:s2] =	stream.indirect.scatter.add.f32 [tilespmem:s25], [sflag:$0x4], $0x80, s26, s24, $0xb8;
	[tilespmem:$0x1F480] =	vst v63  }
0x16d: {  	_ =	swait.ge [sflag:s1], $0x4000  }
0x16e: {  	p2 =	por $0x0, $0x0;
	[sflag:s1] =	ssyncset.done $0x0  }
.Ltmp5:
0x16f: {  	s31 =	simm.s32 $0x180;
	[sflag:s1] =	ssyncadd.s32 $0xFFFFC000;
	(pc) =	sbr.rel @p2 .LBB2_8-.Ltmp5, $4  }
0x170: {  	[tilespmem:s25], [sflag:$0x2] =	stream.indirect.gather [hbm4b:s0+s24], $0x80, s31, s24, $0xb8;
	[tilespmem:$0x1F480] =	vst v63  }
0x171: {  	_ =	swait.ge [sflag:s23], $0x4000  }
0x172: {  	[sflag:s23] =	ssyncset.done $0x0  }
0x173: {  	s14 =	simm.s32 $0xFFFFB800;
	s26 =	simm.s32 $0x2900;
	[sflag:s23] =	ssyncadd.s32 $0xFFFFC000  }
.LBB2_7:
0x174: {  	[spmem:s2] =	stream.indirect.scatter.add.f32 [tilespmem:s22], [sflag:$0x3], $0x80, s26, s24, $0xb8;
	[tilespmem:$0x1F480] =	vst v63  }
0x175: {  	s26 =	smov.u32 s14  }
0x176: {  	p2 =	seq.s32 s14, $0xFFFFFC00;
	s14 =	sadd.s32 $0x400, s14;
	_ =	swait.ge [sflag:s28], $0x4000  }
0x177: {  	s26 =	sshra.s32 s26, $0x2;
	[sflag:s28] =	ssyncset.done $0x0  }
0x178: {  	s31 =	sadd.s32 $0x1400, s26;
	[sflag:s28] =	ssyncadd.s32 $0xFFFFC000  }
0x179: {  	[tilespmem:s22], [sflag:$0x1] =	stream.indirect.gather [hbm4b:s0+s24], $0x80, s31, s24, $0xb8;
	[tilespmem:$0x1F480] =	vst v63  }
0x17a: {  	_ =	swait.ge [sflag:s30], $0x4000  }
0x17b: {  	[sflag:s30] =	ssyncset.done $0x0  }
0x17c: {  	s31 =	sadd.s32 $0x3B80, s26;
	[sflag:s30] =	ssyncadd.s32 $0xFFFFC000  }
0x17d: {  	[spmem:s2] =	stream.indirect.scatter.add.f32 [tilespmem:s25], [sflag:$0x4], $0x80, s31, s24, $0xb8;
	[tilespmem:$0x1F480] =	vst v63  }
0x17e: {  	_ =	swait.ge [sflag:s1], $0x4000  }
0x17f: {  	[sflag:s1] =	ssyncset.done $0x0  }
.Ltmp6:
0x180: {  	s31 =	sadd.s32 $0x1480, s26;
	[sflag:s1] =	ssyncadd.s32 $0xFFFFC000;
	(pc) =	sbr.rel @!p2 .LBB2_7-.Ltmp6, $4  }
0x181: {  	[tilespmem:s25], [sflag:$0x2] =	stream.indirect.gather [hbm4b:s0+s24], $0x80, s31, s24, $0xb8;
	[tilespmem:$0x1F480] =	vst v63  }
0x182: {  	_ =	swait.ge [sflag:s23], $0x4000  }
0x183: {  	[sflag:s23] =	ssyncset.done $0x0  }
0x184: {  	s26 =	sadd.s32 $0x3C00, s26;
	[sflag:s23] =	ssyncadd.s32 $0xFFFFC000  }
.LBB2_8:
.Ltmp7:
0x185: {  	(pc) =	sbr.rel .LBB2_10-.Ltmp7, $3  }
0x186: {  	_ =	sdelay $0x1  }
0x187: {  	[spmem:s2] =	stream.indirect.scatter.add.f32 [tilespmem:s22], [sflag:$0x3], $0x80, s26, s24, $0xb8;
	[tilespmem:$0x1F480] =	vst v63  }
0x188: {  	s14 =	simm.s32 $0x3B80  }
.LBB2_11:
0x189: {  	_ =	sfence.sel $0x180000  }
0x18a: {  	[bflag:$0x0] =	sbarrier.arrive $0xFFFF  }
0x18b: {  	_ =	strace $0x9000004D  }
0x18c: {  	[bflag:$0x2] =	sbarrier.arrive $0xFFFF  }
0x18d: {  	s0 =	rddreg [dreg:$0x3]  }
0x18e: {  	s0 =	sadd.s32 @!p0 $0x100000, s0  }
0x18f: {  	[sflag:s0] =	ssyncadd.tile.s32 @!p0 $0x1;
	_ =	shalt  }
.Lfunc_end2:
_tile_overlayer_lowered:
.L_overlay_start_2:
0x190: {  	(tag) =	ssettag $0x2  }
0x191: {  	s0 =	rddreg [dreg:$0x0];
	s2 =	stileid.u32  }
0x192: {  	s1 =	rddreg [dreg:$0x1];
	p0 =	sne.s32 s2, $0x0  }
0x193: {  	s3 =	rddreg [dreg:$0x2];
	[bflag:$0x3] =	sbarrier.arrive $0xFFFF;
	s2 =	simm.s32 @!p0 $0x1C05  }
0x194: {  	[timem:s3], [sflag:s2] =	dma.local @!p0 [hbm:s0], s1  }
0x195: {  	s0 =	simm.s32 @!p0 $0x5  }
0x196: {  	_ =	swait.ge @!p0 [sflag:s0], s1  }
0x197: {  	s1 =	ssub.s32 @!p0 $0x0, s1;
	[sflag:s0] =	ssyncset.done @!p0 $0x0  }
0x198: {  	[sflag:s0] =	ssyncadd.s32 @!p0 s1  }
0x199: {  	[bflag:$0x3] =	sbarrier.arrive $0xFFFF  }
0x19a: {  	_ =	shalt  }

// kernel: kernel.8.cloned.1.call-start
scs
__scs_entry_jumppad:
0x0: {  	(pc) =	sbr.rel $0x88, $3  }
0x1: {  	(tag) =	ssettag $0x0;
	lr =	simm.s32 $0x1  }
0x2: {  	[smem:$0x3F9B] =	sst lr;
	_ =	strace $0xD0000000  }
0x3: {  	_ = 	snop  }
0x4: {  	_ = 	snop  }
0x5: {  	_ = 	snop  }
0x6: {  	_ = 	snop  }
0x7: {  	_ = 	snop  }
__scs_overlays_trampoline_lowered:
0x8: {  	[smem:$0x3FAA] =	sst s0  }
0x9: {  	[smem:$0x3FAB] =	sst s1  }
0xa: {  	[smem:$0x3FAC] =	sst s2  }
0xb: {  	[smem:$0x3FAD] =	sst s3  }
0xc: {  	[smem:$0x3FAE] =	sst s4  }
0xd: {  	[smem:$0x3FAF] =	sst s5  }
0xe: {  	[smem:$0x3FB0] =	sst s6  }
0xf: {  	[smem:$0x3FB1] =	sst s7  }
0x10: {  	[smem:$0x3FB2] =	sst s8  }
0x11: {  	[smem:$0x3FB3] =	sst s9;
	s0 =	simm.s32 @!p0 $0x0  }
0x12: {  	s1 =	sld [smem:$0x3F99];
	s0 =	simm.s32 @p0 $0x1  }
0x13: {  	[smem:$0x3FB4] =	sst s0;
	s0 =	simm.s32 @!p1 $0x0  }
0x14: {  	s2 =	sld [smem:$0x3F98];
	s0 =	simm.s32 @p1 $0x1  }
0x15: {  	[smem:$0x3FB5] =	sst s0;
	s0 =	simm.s32 @!p2 $0x0  }
0x16: {  	s3 =	sld [smem:$0x3FDB];
	s0 =	simm.s32 @p2 $0x1  }
0x17: {  	s4 =	simm.s32 $0x1BF5;
	[smem:$0x3FB7] =	sst s0  }
0x18: {  	s0 =	sld [smem:$0x3F9A];
	_ =	swait.ge [sflag:s4], $0x0  }
0x19: {  	s7 =	sld [smem:$0x3F9B]  }
0x1a: {  	s8 =	sadd.s32 $0xFFFFE003, lr  }
0x1b: {  	s9 =	sadd.s32 $0xFFFFFEF7, lr;
	s5 =	simm.s32 $0xFFFFFFFF;
	p2 =	slt.u32 s8, $0xFFFFF086  }
0x1c: {  	p1 =	slt.u32 s9, $0xF7A;
	s5 =	simm.s32 @!p2 $0x0  }
0x1d: {  	s5 =	simm.s32 @p1 $0x1;
	p0 =	seq.s32 s7, s2  }
0x1e: {  	s7 =	smul.u32 @!p0 $0xF7A, s2;
	p2 =	seq.s32 @!p0 s5, $0x0  }
0x1f: {  	s9 =	smul.u32 $0xF7A, s1;
	s8 =	simm.s32 @!p0 $0x1BF5;
	p2 =	por !p2, p0  }
0x20: {  	[sflag:s8] =	ssyncset.s32 @!p0 $0xFFFFF086;
	s6 =	sadd.s32 @!p0 s3, s7;
	s7 =	simm.s32 @!p0 $0x108  }
0x21: {  	s3 =	sadd.s32 s3, s9;
	s6 =	sadd.s32 @!p0 $0x88, s6;
	s7 =	simm.s32 @p2 $0x1082  }
0x22: {  	[simem:s7], [sflag:s8] =	dma.local @!p0 [hbm:s6], $0xF7A  }
0x23: {  	s9 =	sor.u32 $0xD0000000, s2;
	s6 =	simm.s32 $0x108;
	_ =	swait.ge @!p0 [sflag:s8], $0x0  }
0x24: {  	s3 =	sadd.s32 $0x88, s3;
	s6 =	simm.s32 @!p1 $0x1082;
	[sflag:s4] =	ssyncset.s32 $0xFFFFF086  }
0x25: {  	[simem:s6], [sflag:s4] =	dma.local [hbm:s3], $0xF7A  }
0x26: {  	[smem:$0x3F9B] =	sst s1;
	(tag) =	ssettag s2;
	_ =	strace s9  }
0x27: {  	s1 =	sld [smem:$0x3FAB]  }
0x28: {  	s2 =	sld [smem:$0x3FAC]  }
0x29: {  	s4 =	sld [smem:$0x3FAE]  }
0x2a: {  	p0 =	seq.s32 s5, $0x0;
	s5 =	sld [smem:$0x3FAF]  }
0x2b: {  	s6 =	sld [smem:$0x3FB0]  }
0x2c: {  	s7 =	sld [smem:$0x3FB1]  }
0x2d: {  	s3 =	simm.s32 $0x108;
	s8 =	sld [smem:$0x3FB2]  }
0x2e: {  	s3 =	simm.s32 @!p0 $0x1082;
	s9 =	sld [smem:$0x3FB3]  }
0x2f: {  	lr =	sadd.s32 s0, s3;
	s0 =	sld [smem:$0x3FAA]  }
0x30: {  	s3 =	sld [smem:$0x3FAD]  }
0x31: {  	[smem:$0x3FB6] =	sst s10  }
0x32: {  	s10 =	sld [smem:$0x3FB4];
	_ =	sdelay $0x3  }
0x33: {  	p0 =	seq.s32 s10, $0x1;
	s10 =	sld [smem:$0x3FB6];
	_ =	sdelay $0x3  }
0x34: {  	[smem:$0x3FB6] =	sst s10  }
0x35: {  	s10 =	sld [smem:$0x3FB5];
	_ =	sdelay $0x3  }
0x36: {  	p1 =	seq.s32 s10, $0x1;
	s10 =	sld [smem:$0x3FB6];
	_ =	sdelay $0x3  }
0x37: {  	[smem:$0x3FB6] =	sst s10  }
0x38: {  	s10 =	sld [smem:$0x3FB7]  }
0x39: {  	_ = 	snop;
	(pc) =	sbr.ind lr, $3  }
0x3a: {  	_ = 	snop  }
0x3b: {  	_ = 	snop  }
0x3c: {  	p2 =	seq.s32 s10, $0x1;
	s10 =	sld [smem:$0x3FB6]  }
0x3d: {  	_ =	shalt  }
0x3e: {  	_ =	shalt  }
0x3f: {  	_ =	shalt  }
0x40: {  	_ =	shalt  }
0x41: {  	_ =	shalt  }
0x42: {  	_ =	shalt  }
0x43: {  	_ =	shalt  }
0x44: {  	_ =	shalt  }
0x45: {  	_ =	shalt  }
0x46: {  	_ =	shalt  }
0x47: {  	_ =	shalt  }
0x48: {  	_ =	shalt  }
0x49: {  	_ =	shalt  }
0x4a: {  	_ =	shalt  }
0x4b: {  	_ =	shalt  }
0x4c: {  	_ =	shalt  }
0x4d: {  	_ =	shalt  }
0x4e: {  	_ =	shalt  }
0x4f: {  	_ =	shalt  }
0x50: {  	_ =	shalt  }
0x51: {  	_ =	shalt  }
0x52: {  	_ =	shalt  }
0x53: {  	_ =	shalt  }
0x54: {  	_ =	shalt  }
0x55: {  	_ =	shalt  }
0x56: {  	_ =	shalt  }
0x57: {  	_ =	shalt  }
0x58: {  	_ =	shalt  }
0x59: {  	_ =	shalt  }
0x5a: {  	_ =	shalt  }
0x5b: {  	_ =	shalt  }
0x5c: {  	_ =	shalt  }
0x5d: {  	_ =	shalt  }
0x5e: {  	_ =	shalt  }
0x5f: {  	_ =	shalt  }
0x60: {  	_ =	shalt  }
0x61: {  	_ =	shalt  }
0x62: {  	_ =	shalt  }
0x63: {  	_ =	shalt  }
0x64: {  	_ =	shalt  }
0x65: {  	_ =	shalt  }
0x66: {  	_ =	shalt  }
0x67: {  	_ =	shalt  }
0x68: {  	_ =	shalt  }
0x69: {  	_ =	shalt  }
0x6a: {  	_ =	shalt  }
0x6b: {  	_ =	shalt  }
0x6c: {  	_ =	shalt  }
0x6d: {  	_ =	shalt  }
0x6e: {  	_ =	shalt  }
0x6f: {  	_ =	shalt  }
0x70: {  	_ =	shalt  }
0x71: {  	_ =	shalt  }
0x72: {  	_ =	shalt  }
0x73: {  	_ =	shalt  }
0x74: {  	_ =	shalt  }
0x75: {  	_ =	shalt  }
0x76: {  	_ =	shalt  }
0x77: {  	_ =	shalt  }
0x78: {  	_ =	shalt  }
0x79: {  	_ =	shalt  }
0x7a: {  	_ =	shalt  }
0x7b: {  	_ =	shalt  }
0x7c: {  	_ =	shalt  }
0x7d: {  	_ =	shalt  }
0x7e: {  	_ =	shalt  }
0x7f: {  	_ =	shalt  }
0x80: {  	_ =	shalt  }
0x81: {  	_ =	shalt  }
0x82: {  	_ =	shalt  }
0x83: {  	_ =	shalt  }
0x84: {  	_ =	shalt  }
0x85: {  	_ =	shalt  }
0x86: {  	_ =	shalt  }
0x87: {  	_ =	shalt  }
.Lfunc_end0:
.L_simem_size_0:
called_computation_lowered:
.L_overlay_start_0:
0x88: {  	s2 =	sld [smem:$0x3FD9]  }
0x89: {  	s3 =	sld [smem:$0x3FFE];
	_ =	sdelay $0x1  }
0x8a: {  	s1 =	srdreg.scid  }
0x8b: {  	s0 =	sand.u32 $0x1, s1  }
0x8c: {  	s17 =	sshll.u32 s0, $0xA;
	s2 =	sadd.s32 s3, s2  }
0x8d: {  	s2 =	sadd.s32 s2, s17  }
0x8e: {  	[smem:$0x3FC2] =	sst s2  }
0x8f: {  	_ = 	snop  }
0x90: {  	s2 =	sld [smem:$0x3FD0];
	(tm) =	ssettm $0x1  }
0x91: {  	s18 =	sld [smem:$0x3FFB];
	_ =	sdelay $0x3  }
0x92: {  	_ =	strace s18  }
0x93: {  	s3 =	sld [smem:$0x3FFC];
	_ =	sdelay $0x3  }
0x94: {  	_ =	strace s3  }
0x95: {  	s3 =	sld [smem:$0x3FFD];
	_ =	sdelay $0x3  }
0x96: {  	_ =	strace s3  }
0x97: {  	_ =	strace $0x8FFFFFFF  }
0x98: {  	s19 =	sld [smem:$0x3FDB];
	_ =	sdelay $0x1  }
0x99: {  	s4 =	simm.s32 $_scs_section_size  }
0x9a: {  	s5 =	simm.s32 $_size__tile_overlayer_lowered;
	s6 =	simm.s32 $_tile_overlayer_lowered  }
0x9b: {  	s22 =	simm.s32 $0x1BFF;
	s21 =	sshll.u32 s6, $0x1;
	s3 =	sadd.s32 s4, s19  }
0x9c: {  	s7 =	simm.s32 $0x0;
	s20 =	sshll.u32 s5, $0x1;
	s5 =	sadd.s32 s21, s3  }
0x9d: {  	[timem:s7], [sflag:s22] =	dma.local [hbm:s5], s20  }
0x9e: {  	_ =	swait.ge [sflag:s22], s20  }
0x9f: {  	s4 =	ssub.s32 $0x0, s20;
	[sflag:s22] =	ssyncset.done $0x0  }
0xa0: {  	[sflag:s22] =	ssyncadd.s32 s4;
	_ =	sdelay $0x1  }
0xa1: {  	s23 =	simm.s32 $0x1B8B  }
0xa2: {  	_ =	swait.ge [sflag:s23], $0x1  }
0xa3: {  	[sflag:s23] =	ssyncset.done $0x0  }
0xa4: {  	s25 =	simm.s32 $0x1B8E;
	s24 =	sld [smem:$0x3FFE];
	[sflag:s23] =	ssyncadd.s32 $0xFFFFFFFF  }
0xa5: {  	s26 =	simm.s32 $execute0_lowered;
	[smem:$0x3FD2] =	sst s25  }
0xa6: {  	s5 =	sshll.u32 s26, $0x1;
	_ =	strace $0x80000046;
	[dreg:$0x1] =	wrdreg $0xFFFFFFFF  }
0xa7: {  	s28 =	simm.s32 $_size_execute0_lowered;
	s3 =	sadd.s32 s3, s5;
	[dreg:$0x0] =	wrdreg $0x0  }
0xa8: {  	s5 =	sshll.u32 s28, $0x1;
	[dreg:$0x2] =	wrdreg s3  }
0xa9: {  	[dreg:$0x3] =	wrdreg s5  }
0xaa: {  	[dreg:$0x4] =	wrdreg $0xC0  }
0xab: {  	_ =	task [dreg:s7], $0x5FFFF  }
0xac: {  	[dreg:$0x1] =	wrdreg $0xFFFFFFFF  }
0xad: {  	[dreg:$0x0] =	wrdreg $0x60  }
0xae: {  	[dreg:$0x2] =	wrdreg s24  }
0xaf: {  	[dreg:$0x3] =	wrdreg s2  }
0xb0: {  	[dreg:$0x4] =	wrdreg $0x53000  }
0xb1: {  	[dreg:$0x5] =	wrdreg $0x55780  }
0xb2: {  	[dreg:$0x6] =	wrdreg $0x9  }
0xb3: {  	_ =	task.clear_ibuf [dreg:s7], $0x7FFFF;
	_ =	strace $0x90000046  }
0xb4: {  	s29 =	simm.s32 $0x9;
	_ =	strace $0x80000048  }
0xb5: {  	_ =	swait.ge [sflag:s29], $0x1  }
0xb6: {  	[sflag:s29] =	ssyncadd.s32 $0xFFFFFFFF  }
0xb7: {  	_ =	strace $0x90000048  }
0xb8: {  	_ =	sfence  }
0xb9: {  	s30 =	sld [smem:$0x0];
	_ =	sdelay $0x2  }
0xba: {  	s31 =	sshll.u32 s1, $0xD;
	s1 =	sshrl.u32 s1, $0x2  }
0xbb: {  	s3 =	sand.u32 $0x4000, s31;
	s1 =	sadd.s32 s1, s30  }
0xbc: {  	s0 =	sor.u32 s3, s0;
	s1 =	sshll.u32 s1, $0x11  }
0xbd: {  	s0 =	sor.u32 s1, s0  }
0xbe: {  	s0 =	sadd.s32 $0x8F2B, s0  }
0xbf: {  	[sflag:s0] =	ssyncadd.remote.s32 $0x1  }
0xc0: {  	_ =	sfence.sel $0xFFFF  }
0xc1: {  	[dreg:$0x0] =	wrdreg $0xFFFFFFFF;
	(pc) =	sbr.abs _section_cstart, $3  }
0xc2: {  	[dreg:$0x1] =	wrdreg $0xFFFFFFFF  }
0xc3: {  	_ =	task.clear_ibuf [dreg:s7], $0x2FFFF;
	_ =	strace $0x9FFFFFFF  }
0xc4: {  	(tm) =	ssettm $0x7FFFFFFF  }
0xc5: {  	_ =	shalt  }
tec
execute0_lowered:
.L_overlay_start_1:
0x0: {  	(tag) =	ssettag $0x1  }
0x1: {  	s0 =	rddreg [dreg:$0x0]  }
0x2: {  	s1 =	srdreg.scid;
	s14 =	rddreg [dreg:$0x1]  }
0x3: {  	s18 =	stileid.u32;
	s2 =	rddreg [dreg:$0x3];
	s19 =	simm.s32 $0x3  }
0x4: {  	s20 =	simm.s32 $0x80;
	s21 =	simm.s32 $0x5000;
	s23 =	simm.s32 $0x2880  }
0x5: {  	s24 =	simm.s32 $0x1;
	s25 =	simm.s32 $0x2;
	s26 =	simm.s32 $0x0  }
0x6: {  	s6 =	sand.u32 $0x1, s1;
	s1 =	rddreg [dreg:$0x2];
	s11 =	smul.u32 $0x270, s18  }
0x7: {  	p1 =	sne.s32 s18, $0x0;
	s3 =	sshll.u32 s6, $0x4;
	s7 =	ssub.s32 $0x2, s6  }
0x8: {  	s12 =	smul.u32 $0x4E20, s6;
	s6 =	sadd.s32 $0x15700, s0;
	s10 =	sadd.s32 $0x2700, s1  }
0x9: {  	s4 =	sor.u32 s18, s3;
	s3 =	simm.s32 $0x0;
	s8 =	sshrl.u32 s7, $0x1  }
0xa: {  	s9 =	sadd.s32 s11, s2;
	s18 =	simm.s32 $0x5080;
	s5 =	smul.u32 $0x500, s4  }
0xb: {  	[smem:$0x7FF] =	sst s3;
	s17 =	ssub.s32 s7, s8;
	p0 =	seq.s32 s4, $0x1F  }
0xc: {  	s7 =	sadd.s32 $0xB900, s0;
	s8 =	sadd.s32 s11, s1;
	s30 =	sadd.s32 s11, s12  }
0xd: {  	s11 =	sadd.s32 $0x2700, s2;
	s15 =	sshrl.u32 s12, $0x3;
	s12 =	simm.s32 $0x9  }
0xe: {  	_ =	strace $0x80000047;
	s31 =	sadd.s32 s14, s15;
	s12 =	simm.s32 @!p0 $0x27  }
0xf: {  	s17 =	smax.u32 s17, $0x1;
	s5 =	sadd.s32 s5, s0;
	s0 =	sshrl.u32 s30, $0x3  }
0x10: {  	s15 =	sadd.s32 $0x4E0, s31;
	s16 =	sadd.s32 $0x9C2, s31;
	s13 =	sadd.s32 s14, s0  }
0x11: {  	v0 =	vimm.f32 $1.000000000e+00;
	v1 =	vimm.f32 $0.0e+00;
	s4 =	sadd.s32 $0xBC00, s5;
	s5 =	sadd.s32 $0x1E00, s5;
	s14 =	sadd.s32 $0x4E2, s13  }
.LBB2_1:
0x12: {  	[tilespmem:$0x5000] =	vst v0  }
0x13: {  	[tilespmem:$0x5010] =	vst v0  }
0x14: {  	[tilespmem:$0x5020] =	vst v0  }
0x15: {  	[tilespmem:$0x5030] =	vst v0  }
0x16: {  	[tilespmem:$0x5040] =	vst v0  }
0x17: {  	[tilespmem:$0x5050] =	vst v0  }
0x18: {  	[tilespmem:$0x5060] =	vst v0  }
0x19: {  	[tilespmem:$0x5070] =	vst v0  }
0x1a: {  	[tilespmem:$0x5080] =	vst v1  }
0x1b: {  	[tilespmem:$0x5090] =	vst v1  }
0x1c: {  	[tilespmem:$0x50A0] =	vst v1  }
0x1d: {  	[tilespmem:$0x50B0] =	vst v1  }
0x1e: {  	[tilespmem:$0x50C0] =	vst v1  }
0x1f: {  	[tilespmem:$0x50D0] =	vst v1  }
0x20: {  	[tilespmem:$0x50E0] =	vst v1  }
0x21: {  	[tilespmem:$0x50F0] =	vst v1  }
0x22: {  	[tilespmem:$0x5100] =	vst v1  }
0x23: {  	[tilespmem:$0x5110] =	vst v1  }
0x24: {  	[tilespmem:$0x5120] =	vst v1  }
0x25: {  	[tilespmem:$0x5130] =	vst v1  }
0x26: {  	[tilespmem:$0x5140] =	vst v1  }
0x27: {  	[tilespmem:$0x5150] =	vst v1  }
0x28: {  	[tilespmem:$0x5160] =	vst v1  }
0x29: {  	[tilespmem:$0x5170] =	vst v1  }
0x2a: {  	[tilespmem:$0x5180] =	vst v1  }
0x2b: {  	[tilespmem:$0x5190] =	vst v1  }
0x2c: {  	[tilespmem:$0x51A0] =	vst v1  }
0x2d: {  	[tilespmem:$0x51B0] =	vst v1  }
0x2e: {  	[tilespmem:$0x51C0] =	vst v1  }
0x2f: {  	[tilespmem:$0x51D0] =	vst v1  }
0x30: {  	[tilespmem:$0x51E0] =	vst v1  }
0x31: {  	[tilespmem:$0x51F0] =	vst v1  }
0x32: {  	[tilespmem:$0x5200] =	vst v1  }
0x33: {  	[tilespmem:$0x5210] =	vst v1  }
0x34: {  	[tilespmem:$0x5220] =	vst v1  }
0x35: {  	[tilespmem:$0x5230] =	vst v1  }
0x36: {  	[tilespmem:$0x5240] =	vst v1  }
0x37: {  	[tilespmem:$0x5250] =	vst v1  }
0x38: {  	[tilespmem:$0x5260] =	vst v1  }
0x39: {  	[tilespmem:$0x5270] =	vst v1  }
0x3a: {  	[tilespmem:$0x5280] =	vst v1  }
0x3b: {  	[tilespmem:$0x5290] =	vst v1  }
0x3c: {  	[tilespmem:$0x52A0] =	vst v1  }
0x3d: {  	[tilespmem:$0x52B0] =	vst v1  }
0x3e: {  	[tilespmem:$0x52C0] =	vst v1  }
0x3f: {  	[tilespmem:$0x52D0] =	vst v1  }
0x40: {  	[tilespmem:$0x52E0] =	vst v1;
	s0 =	simm.s32 @p0 $0x0;
	s22 =	simm.s32 @p0 $0x3  }
0x41: {  	[tilespmem:s0], [sflag:$0x3] =	stream.linear.gather @p0 [hbm4b:s6+s0], $0xA00, $0x38;
	[tilespmem:$0x57F0] =	vst v63  }
0x42: {  	_ =	swait.ge @p0 [sflag:s22], $0xA00  }
0x43: {  	[sflag:s22] =	ssyncset.done @p0 $0x0  }
0x44: {  	s28 =	simm.s32 @p0 $0x2800;
	[sflag:s22] =	ssyncadd.s32 @p0 $0xFFFFF600  }
0x45: {  	[tilespmem:s28], [sflag:$0x3] =	stream.linear.gather @p0 [hbm4b:s7+s0], $0xA00, $0x38;
	[tilespmem:$0x57F0] =	vst v63  }
0x46: {  	_ =	swait.ge @p0 [sflag:s22], $0xA00  }
0x47: {  	[sflag:s22] =	ssyncset.done @p0 $0x0  }
0x48: {  	s0 =	simm.s32 @!p0 $0x0;
	[sflag:s22] =	ssyncadd.s32 @p0 $0xFFFFF600;
	s22 =	simm.s32 @!p0 $0x3  }
0x49: {  	[tilespmem:s0], [sflag:$0x3] =	stream.linear.gather @!p0 [hbm4b:s4+s0], $0x2800, $0x38;
	[tilespmem:$0x57F0] =	vst v63  }
0x4a: {  	_ =	swait.ge @!p0 [sflag:s22], $0x2800  }
0x4b: {  	[sflag:s22] =	ssyncset.done @!p0 $0x0  }
0x4c: {  	s28 =	simm.s32 @!p0 $0x2800;
	[sflag:s22] =	ssyncadd.s32 @!p0 $0xFFFFD800  }
0x4d: {  	[tilespmem:s28], [sflag:$0x3] =	stream.linear.gather @!p0 [hbm4b:s5+s0], $0x2800, $0x38;
	[tilespmem:$0x57F0] =	vst v63  }
0x4e: {  	_ =	swait.ge @!p0 [sflag:s22], $0x2800  }
0x4f: {  	[sflag:s22] =	ssyncset.done @!p0 $0x0  }
0x50: {  	[sflag:s22] =	ssyncadd.s32 @!p0 $0xFFFFD800  }
0x51: {  	[spmem:s8] =	stream.linear.scatter [tilespmem:s18], [sflag:$0x3], $0x270, $0x38;
	[tilespmem:$0x57F0] =	vst v63  }
0x52: {  	_ =	swait.ge [sflag:s19], $0x270  }
0x53: {  	[sflag:s19] =	ssyncset.done $0x0  }
0x54: {  	[sflag:s19] =	ssyncadd.s32 $0xFFFFFD90  }
0x55: {  	[spmem:s9] =	stream.linear.scatter [tilespmem:s18], [sflag:$0x3], $0x270, $0x38;
	[tilespmem:$0x57F0] =	vst v63  }
0x56: {  	_ =	swait.ge [sflag:s19], $0x270  }
0x57: {  	[sflag:s19] =	ssyncset.done $0x0  }
0x58: {  	s29 =	simm.s32 @!p1 $0x5080;
	s28 =	simm.s32 @!p1 $0x3;
	[sflag:s19] =	ssyncadd.s32 $0xFFFFFD90  }
0x59: {  	[spmem:s10] =	stream.linear.scatter @!p1 [tilespmem:s29], [sflag:$0x3], $0x10, $0x38;
	[tilespmem:$0x57F0] =	vst v63  }
0x5a: {  	_ =	swait.ge @!p1 [sflag:s28], $0x10  }
0x5b: {  	[sflag:s28] =	ssyncset.done @!p1 $0x0  }
0x5c: {  	[sflag:s28] =	ssyncadd.s32 @!p1 $0xFFFFFFF0  }
0x5d: {  	[spmem:s11] =	stream.linear.scatter @!p1 [tilespmem:s29], [sflag:$0x3], $0x10, $0x38;
	[tilespmem:$0x57F0] =	vst v63  }
0x5e: {  	_ =	swait.ge @!p1 [sflag:s28], $0x10  }
0x5f: {  	[sflag:s28] =	ssyncset.done @!p1 $0x0  }
0x60: {  	[sflag:s28] =	ssyncadd.s32 @!p1 $0xFFFFFFF0  }
0x61: {  	[bflag:$0x0] =	sbarrier.arrive $0xFFFF  }
0x62: {  	[spmem:s1] =	stream.indirect.scatter.add.f32 [tilespmem:s21], [sflag:$0x1], $0x1, s3, s20, $0xb8;
	[tilespmem:$0x57F0] =	vst v63  }
0x63: {  	s22 =	simm.s32 $0x2800  }
0x64: {  	[spmem:s2] =	stream.indirect.scatter.add.f32 [tilespmem:s21], [sflag:$0x1], $0x1, s22, s20, $0xb8;
	[tilespmem:$0x57F0] =	vst v63  }
0x65: {  	_ = 	snop  }
0x66: {  	[spmem:s1] =	stream.indirect.scatter.add.f32 [tilespmem:s21], [sflag:$0x2], $0x1, s20, s20, $0xb8;
	[tilespmem:$0x57F0] =	vst v63  }
0x67: {  	_ = 	snop  }
0x68: {  	[spmem:s2] =	stream.indirect.scatter.add.f32 [tilespmem:s21], [sflag:$0x2], $0x1, s23, s20, $0xb8;
	[tilespmem:$0x57F0] =	vst v63  }
0x69: {  	_ =	swait.ge [sflag:s24], $0x80  }
0x6a: {  	[sflag:s24] =	ssyncset.done $0x0  }
0x6b: {  	[sflag:s24] =	ssyncadd.s32 $0xFFFFFF80  }
0x6c: {  	_ =	swait.ge [sflag:s24], $0x80  }
0x6d: {  	[sflag:s24] =	ssyncset.done $0x0  }
0x6e: {  	s22 =	simm.s32 $0x100;
	[sflag:s24] =	ssyncadd.s32 $0xFFFFFF80  }
0x6f: {  	[spmem:s1] =	stream.indirect.scatter.add.f32 [tilespmem:s21], [sflag:$0x1], $0x1, s22, s20, $0xb8;
	[tilespmem:$0x57F0] =	vst v63  }
0x70: {  	s22 =	simm.s32 $0x2900  }
0x71: {  	[spmem:s2] =	stream.indirect.scatter.add.f32 [tilespmem:s21], [sflag:$0x1], $0x1, s22, s20, $0xb8;
	[tilespmem:$0x57F0] =	vst v63  }
0x72: {  	_ =	swait.ge [sflag:s25], $0x80  }
0x73: {  	[sflag:s25] =	ssyncset.done $0x0  }
0x74: {  	p2 =	sne.s32 s12, $0x1;
	[sflag:s25] =	ssyncadd.s32 $0xFFFFFF80  }
.Ltmp0:
0x75: {  	_ =	swait.ge [sflag:s25], $0x80;
	(pc) =	sbr.rel @!p2 .LBB2_3-.Ltmp0, $4  }
0x76: {  	[sflag:s25] =	ssyncset.done $0x0  }
0x77: {  	s30 =	sadd.s32 $0xFFFFFFFF, s12;
	s22 =	simm.s32 $0x180;
	[sflag:s25] =	ssyncadd.s32 $0xFFFFFF80  }
0x78: {  	[spmem:s1] =	stream.indirect.scatter.add.f32 [tilespmem:s21], [sflag:$0x2], $0x1, s22, s20, $0xb8;
	[tilespmem:$0x57F0] =	vst v63  }
0x79: {  	s31 =	simm.s32 $0x2A00;
	s0 =	simm.s32 $0x200;
	s22 =	simm.s32 $0x2980  }
.LBB2_2:
0x7a: {  	[spmem:s2] =	stream.indirect.scatter.add.f32 [tilespmem:s21], [sflag:$0x2], $0x1, s22, s20, $0xb8;
	[tilespmem:$0x57F0] =	vst v63  }
0x7b: {  	p2 =	sne.s32 s30, $0x1;
	s30 =	sadd.s32 $0xFFFFFFFF, s30;
	_ =	swait.ge [sflag:s24], $0x80  }
0x7c: {  	[sflag:s24] =	ssyncset.done $0x0  }
0x7d: {  	[sflag:s24] =	ssyncadd.s32 $0xFFFFFF80  }
0x7e: {  	_ =	swait.ge [sflag:s24], $0x80  }
0x7f: {  	[sflag:s24] =	ssyncset.done $0x0  }
0x80: {  	[sflag:s24] =	ssyncadd.s32 $0xFFFFFF80  }
0x81: {  	[spmem:s1] =	stream.indirect.scatter.add.f32 [tilespmem:s21], [sflag:$0x1], $0x1, s0, s20, $0xb8;
	[tilespmem:$0x57F0] =	vst v63  }
0x82: {  	_ = 	snop  }
0x83: {  	[spmem:s2] =	stream.indirect.scatter.add.f32 [tilespmem:s21], [sflag:$0x1], $0x1, s31, s20, $0xb8;
	[tilespmem:$0x57F0] =	vst v63  }
0x84: {  	_ =	swait.ge [sflag:s25], $0x80  }
0x85: {  	[sflag:s25] =	ssyncset.done $0x0  }
0x86: {  	[sflag:s25] =	ssyncadd.s32 $0xFFFFFF80  }
.Ltmp1:
0x87: {  	_ =	swait.ge [sflag:s25], $0x80;
	(pc) =	sbr.rel @p2 .LBB2_2-.Ltmp1, $4  }
0x88: {  	[sflag:s25] =	ssyncset.done $0x0  }
0x89: {  	s22 =	sadd.s32 $0x80, s0;
	[sflag:s25] =	ssyncadd.s32 $0xFFFFFF80  }
0x8a: {  	[spmem:s1] =	stream.indirect.scatter.add.f32 [tilespmem:s21], [sflag:$0x2], $0x1, s22, s20, $0xb8;
	[tilespmem:$0x57F0] =	vst v63  }
0x8b: {  	s0 =	sadd.s32 $0x100, s0;
	s22 =	sadd.s32 $0x80, s31;
	s31 =	sadd.s32 $0x100, s31  }
.LBB2_3:
0x8c: {  	[spmem:s2] =	stream.indirect.scatter.add.f32 [tilespmem:s21], [sflag:$0x2], $0x1, s22, s20, $0xb8;
	[tilespmem:$0x57F0] =	vst v63  }
0x8d: {  	_ =	swait.ge [sflag:s24], $0x80  }
0x8e: {  	[sflag:s24] =	ssyncset.done $0x0  }
0x8f: {  	[sflag:s24] =	ssyncadd.s32 $0xFFFFFF80  }
0x90: {  	_ =	swait.ge [sflag:s24], $0x80  }
0x91: {  	[sflag:s24] =	ssyncset.done $0x0  }
0x92: {  	[sflag:s24] =	ssyncadd.s32 $0xFFFFFF80  }
0x93: {  	_ =	swait.ge [sflag:s25], $0x80  }
0x94: {  	[sflag:s25] =	ssyncset.done $0x0  }
0x95: {  	[sflag:s25] =	ssyncadd.s32 $0xFFFFFF80  }
0x96: {  	_ =	swait.ge [sflag:s25], $0x80  }
0x97: {  	[sflag:s25] =	ssyncset.done $0x0  }
0x98: {  	[sflag:s25] =	ssyncadd.s32 $0xFFFFFF80  }
0x99: {  	[bflag:$0x0] =	sbarrier.arrive $0xFFFF  }
0x9a: {  	[tilespmem:s18], [sflag:$0x3] =	stream.linear.gather [spmem:s8], $0x270, $0x38;
	[tilespmem:$0x57F0] =	vst v63  }
0x9b: {  	_ =	swait.ge [sflag:s19], $0x270  }
0x9c: {  	[sflag:s19] =	ssyncset.done $0x0  }
0x9d: {  	[sflag:s19] =	ssyncadd.s32 $0xFFFFFD90  }
0x9e: {  	[hbm4b:s13+s3] =	stream.linear.scatter [tilespmem:s18], [sflag:$0x3], $0x270, $0x38;
	[tilespmem:$0x57F0] =	vst v63  }
0x9f: {  	_ =	swait.ge [sflag:s19], $0x270  }
0xa0: {  	[sflag:s19] =	ssyncset.done $0x0  }
0xa1: {  	[sflag:s19] =	ssyncadd.s32 $0xFFFFFD90  }
0xa2: {  	[tilespmem:s18], [sflag:$0x3] =	stream.linear.gather [spmem:s9], $0x270, $0x38;
	[tilespmem:$0x57F0] =	vst v63  }
0xa3: {  	_ =	swait.ge [sflag:s19], $0x270  }
0xa4: {  	[sflag:s19] =	ssyncset.done $0x0  }
0xa5: {  	[sflag:s19] =	ssyncadd.s32 $0xFFFFFD90  }
0xa6: {  	[hbm4b:s14+s3] =	stream.linear.scatter [tilespmem:s18], [sflag:$0x3], $0x270, $0x38;
	[tilespmem:$0x57F0] =	vst v63  }
0xa7: {  	_ =	swait.ge [sflag:s19], $0x270  }
0xa8: {  	[sflag:s19] =	ssyncset.done $0x0  }
0xa9: {  	[sflag:s19] =	ssyncadd.s32 $0xFFFFFD90  }
0xaa: {  	[tilespmem:s29], [sflag:$0x3] =	stream.linear.gather @!p1 [spmem:s10], $0x10, $0x38;
	[tilespmem:$0x57F0] =	vst v63  }
0xab: {  	_ =	swait.ge @!p1 [sflag:s28], $0x10  }
0xac: {  	[sflag:s28] =	ssyncset.done @!p1 $0x0  }
0xad: {  	s0 =	simm.s32 @!p1 $0x0;
	[sflag:s28] =	ssyncadd.s32 @!p1 $0xFFFFFFF0  }
0xae: {  	[hbm4b:s15+s0] =	stream.linear.scatter @!p1 [tilespmem:s29], [sflag:$0x3], $0x10, $0x38;
	[tilespmem:$0x57F0] =	vst v63  }
0xaf: {  	_ =	swait.ge @!p1 [sflag:s28], $0x10  }
0xb0: {  	[sflag:s28] =	ssyncset.done @!p1 $0x0  }
0xb1: {  	[sflag:s28] =	ssyncadd.s32 @!p1 $0xFFFFFFF0  }
0xb2: {  	[tilespmem:s29], [sflag:$0x3] =	stream.linear.gather @!p1 [spmem:s11], $0x10, $0x38;
	[tilespmem:$0x57F0] =	vst v63  }
0xb3: {  	s26 =	sadd.s32 $0x1, s26;
	_ =	swait.ge @!p1 [sflag:s28], $0x10  }
0xb4: {  	p2 =	sne.s32 s26, s17;
	[sflag:s28] =	ssyncset.done @!p1 $0x0  }
.Ltmp2:
0xb5: {  	[sflag:s28] =	ssyncadd.s32 @!p1 $0xFFFFFFF0;
	(pc) =	sbr.rel @p2 .LBB2_1-.Ltmp2, $4  }
0xb6: {  	[hbm4b:s16+s0] =	stream.linear.scatter @!p1 [tilespmem:s29], [sflag:$0x3], $0x10, $0x38;
	[tilespmem:$0x57F0] =	vst v63  }
0xb7: {  	_ =	swait.ge @!p1 [sflag:s28], $0x10  }
0xb8: {  	[sflag:s28] =	ssyncset.done @!p1 $0x0  }
0xb9: {  	[sflag:s28] =	ssyncadd.s32 @!p1 $0xFFFFFFF0  }
0xba: {  	_ =	sfence.sel $0x180000  }
0xbb: {  	[bflag:$0x0] =	sbarrier.arrive $0xFFFF  }
0xbc: {  	_ =	strace $0x90000047  }
0xbd: {  	[bflag:$0x2] =	sbarrier.arrive $0xFFFF  }
0xbe: {  	s0 =	rddreg [dreg:$0x4]  }
0xbf: {  	s0 =	sadd.s32 @!p1 $0x100000, s0  }
0xc0: {  	[sflag:s0] =	ssyncadd.tile.s32 @!p1 $0x1;
	_ =	shalt  }
.Lfunc_end2:
_tile_overlayer_lowered:
.L_overlay_start_2:
0xc1: {  	(tag) =	ssettag $0x2  }
0xc2: {  	s0 =	rddreg [dreg:$0x0];
	s2 =	stileid.u32  }
0xc3: {  	s1 =	rddreg [dreg:$0x1];
	p0 =	sne.s32 s2, $0x0  }
0xc4: {  	s3 =	rddreg [dreg:$0x2];
	[bflag:$0x3] =	sbarrier.arrive $0xFFFF;
	s2 =	simm.s32 @!p0 $0x1C03  }
0xc5: {  	[timem:s3], [sflag:s2] =	dma.local @!p0 [hbm:s0], s1  }
0xc6: {  	s0 =	simm.s32 @!p0 $0x3  }
0xc7: {  	_ =	swait.ge @!p0 [sflag:s0], s1  }
0xc8: {  	s1 =	ssub.s32 @!p0 $0x0, s1;
	[sflag:s0] =	ssyncset.done @!p0 $0x0  }
0xc9: {  	[sflag:s0] =	ssyncadd.s32 @!p0 s1  }
0xca: {  	[bflag:$0x3] =	sbarrier.arrive $0xFFFF  }
0xcb: {  	_ =	shalt  }

</sc_bundles>
